<compile_context>
chip_gen: v7x
topology: tpu7x:2x2x1
jax: 0.10.2.dev20260603
libtpu: 0.0.44.dev20260713+nightly
codegen_flags: <defaults>
</compile_context>

<pallas_src>
import functools

import jax
import jax.numpy as jnp
from jax import lax
from jax.experimental import pallas as pl
from jax.experimental.pallas import tpu as pltpu
from jax.experimental.pallas import tpu_sc as plsc

N = 10000
E = 160000
D = 256
H = D // 2

NTILES = 16
CHUNK = 128
EPAD = 163840
NCHUNKS = EPAD // (NTILES * CHUNK)
DUMMY_DST = N

HALF0 = 5120
NACC = 5248
ACC_DUMMY = HALF0
INIT_ROWS = NACC // NTILES

NPADH = 10240
HIST_INIT_ROWS = NPADH // NTILES

BR = 1000
GRID = N // BR

_sc_mesh = plsc.VectorSubcoreMesh(core_axis_name="c", subcore_axis_name="s")


@functools.partial(
    pl.kernel,
    out_type=jax.ShapeDtypeStruct((NPADH, 16), jnp.float32),
    mesh=_sc_mesh,
    scratch_types=[
        pltpu.VMEM((NCHUNKS, CHUNK), jnp.int32),
        pltpu.VMEM((CHUNK, 16), jnp.float32),
        pltpu.VMEM((CHUNK, 16), jnp.float32),
        pltpu.VMEM_SHARED((NPADH, 16), jnp.float32),
    ],
)
def _deg_kernel(dst_hbm, deg_out, dst_v, ones_v, junk_v, acc_sh):
    c = lax.axis_index("c")
    s = lax.axis_index("s")

    pltpu.sync_copy(dst_hbm.at[s], dst_v)

    one_col = jnp.where(lax.iota(jnp.int32, 16) == 0, 1.0, 0.0)

    def fill(i, _):
        ones_v[i, :] = one_col
        return 0
    lax.fori_loop(0, CHUNK, fill, 0)

    base = s * HIST_INIT_ROWS
    for k in range(HIST_INIT_ROWS // CHUNK):
        pltpu.sync_copy(ones_v, acc_sh.at[pl.ds(base + k * CHUNK, CHUNK)])
    for k in range(HIST_INIT_ROWS // CHUNK):
        pltpu.sync_copy(acc_sh.at[pl.ds(base + k * CHUNK, CHUNK)], junk_v)
    plsc.subcore_barrier()

    def body(j, _):
        pltpu.sync_copy(ones_v, acc_sh.at[dst_v.at[j]], add=True)
        return 0
    lax.fori_loop(0, NCHUNKS, body, 0)
    plsc.subcore_barrier()

    half = NPADH // 2
    rows_per_tile = half // NTILES
    obase = c * half + s * rows_per_tile
    pltpu.sync_copy(acc_sh.at[pl.ds(obase, rows_per_tile)],
                    deg_out.at[pl.ds(obase, rows_per_tile)])


@functools.partial(
    pl.kernel,
    out_type=jax.ShapeDtypeStruct((2 * N, H), jnp.float32),
    mesh=_sc_mesh,
    scratch_types=[
        pltpu.VMEM((NCHUNKS, CHUNK), jnp.int32),
        pltpu.VMEM((NCHUNKS, CHUNK), jnp.int32),
        pltpu.VMEM((NCHUNKS, CHUNK), jnp.int32),
        pltpu.VMEM((3, CHUNK, H), jnp.float32),
        pltpu.VMEM_SHARED((NACC, H), jnp.float32),
        pltpu.SemaphoreType.DMA((3,)),
    ],
)
def _segsum_kernel(u_hbm, src_hbm, dst_hbm, s_out,
                   gidx_v, dst_v, dstl_v, rows_v, acc_sh, sem_g):
    c = lax.axis_index("c")
    s = lax.axis_index("s")

    pltpu.sync_copy(src_hbm.at[s], gidx_v)
    pltpu.sync_copy(dst_hbm.at[s], dst_v)

    shift = (c * N).astype(jnp.int32)

    def shift_row(j, _):
        def shift_vec(v, _):
            sl = pl.ds(v * 16, 16)
            gidx_v[j, sl] = gidx_v[j, sl] + shift
            return 0
        lax.fori_loop(0, CHUNK // 16, shift_vec, 0)
        return 0
    lax.fori_loop(0, NCHUNKS, shift_row, 0)

    def localize_dst(lo, hi):
        def loc_row(j, _):
            def loc_vec(v, _):
                sl = pl.ds(v * 16, 16)
                d = dst_v[j, sl]
                t = d - lo
                ok = jnp.logical_and(d >= lo, d < hi)
                dstl_v[j, sl] = jnp.where(ok, t, ACC_DUMMY)
                return 0
            lax.fori_loop(0, CHUNK // 16, loc_vec, 0)
            return 0
        lax.fori_loop(0, NCHUNKS, loc_row, 0)

    def zero_acc():
        def zrow(i, _):
            def zvec(v, _):
                rows_v[0, i, pl.ds(v * 16, 16)] = jnp.zeros((16,), jnp.float32)
                return 0
            lax.fori_loop(0, H // 16, zvec, 0)
            return 0
        lax.fori_loop(0, CHUNK, zrow, 0)
        base = s * INIT_ROWS
        nfull = INIT_ROWS // CHUNK
        rem = INIT_ROWS - nfull * CHUNK
        for k in range(nfull):
            pltpu.sync_copy(rows_v.at[0],
                            acc_sh.at[pl.ds(base + k * CHUNK, CHUNK)])
        pltpu.sync_copy(rows_v.at[0].at[pl.ds(0, rem)],
                        acc_sh.at[pl.ds(base + nfull * CHUNK, rem)])
        for k in range(nfull):
            pltpu.sync_copy(acc_sh.at[pl.ds(base + k * CHUNK, CHUNK)],
                            rows_v.at[1])
        pltpu.sync_copy(acc_sh.at[pl.ds(base + nfull * CHUNK, rem)],
                        rows_v.at[1].at[pl.ds(0, rem)])

    def pass_body(p, _):
        plsc.subcore_barrier()
        zero_acc()
        lo = (p * HALF0).astype(jnp.int32)
        hi = jnp.int32(HALF0) + p * jnp.int32(N - HALF0)
        localize_dst(lo, hi)
        plsc.subcore_barrier()

        def body(j, _):
            slot = j % 3
            pltpu.async_copy(u_hbm.at[gidx_v.at[j]], rows_v.at[slot],
                             sem_g.at[slot])
            pltpu.make_async_copy(u_hbm.at[gidx_v.at[j]], rows_v.at[slot],
                                  sem_g.at[slot]).wait()
            pltpu.sync_copy(rows_v.at[slot], acc_sh.at[dstl_v.at[j]],
                            add=True)
            return 0
        lax.fori_loop(0, NCHUNKS, body, 0)
        plsc.subcore_barrier()

        is_last_p1 = jnp.logical_and(s == NTILES - 1, p == 1)
        obase = c * N + p * HALF0 + s * 320

        @pl.when(jnp.logical_not(is_last_p1))
        def _():
            pltpu.sync_copy(acc_sh.at[pl.ds(s * 320, 320)],
                            s_out.at[pl.ds(obase, 320)])

        @pl.when(is_last_p1)
        def _():
            pltpu.sync_copy(acc_sh.at[pl.ds(15 * 320, 80)],
                            s_out.at[pl.ds(c * N + HALF0 + 15 * 320, 80)])
        return 0

    lax.fori_loop(0, 2, pass_body, 0)


def _matmul_scale_body(x_ref, w_ref, deg_ref, u_ref):
    dinv = lax.rsqrt(deg_ref[:, 0:1])
    h = jnp.dot(x_ref[...], w_ref[...], preferred_element_type=jnp.float32)
    u = h * dinv
    u_ref[0, :, :] = u[:, :H]
    u_ref[1, :, :] = u[:, H:]


def _tc_matmul_scale(x, w, deg):
    return pl.pallas_call(
        _matmul_scale_body,
        grid=(GRID,),
        in_specs=[
            pl.BlockSpec((BR, D), lambda i: (i, 0)),
            pl.BlockSpec((D, D), lambda i: (0, 0)),
            pl.BlockSpec((BR, 16), lambda i: (i, 0)),
        ],
        out_specs=pl.BlockSpec((2, BR, H), lambda i: (0, i, 0)),
        out_shape=jax.ShapeDtypeStruct((2, N, H), jnp.float32),
    )(x, w, deg)


def _combine_stats_body(s_ref, u_ref, deg_ref, b_ref, y_ref, st_ref, acc):
    i = pl.program_id(0)
    dinv = lax.rsqrt(deg_ref[:, 0:1])
    t = jnp.concatenate([s_ref[0] + u_ref[0], s_ref[1] + u_ref[1]], axis=1)
    y = dinv * t + b_ref[...]
    y_ref[...] = y

    @pl.when(i == 0)
    def _():
        acc[...] = jnp.zeros_like(acc)

    acc[0:1, :] += jnp.sum(y, axis=0, keepdims=True)
    acc[1:2, :] += jnp.sum(y * y, axis=0, keepdims=True)

    @pl.when(i == GRID - 1)
    def _():
        st_ref[...] = acc[...]


def _tc_combine_stats(s_flat, u, deg, b):
    return pl.pallas_call(
        _combine_stats_body,
        grid=(GRID,),
        in_specs=[
            pl.BlockSpec((2, BR, H), lambda i: (0, i, 0)),
            pl.BlockSpec((2, BR, H), lambda i: (0, i, 0)),
            pl.BlockSpec((BR, 16), lambda i: (i, 0)),
            pl.BlockSpec((1, D), lambda i: (0, 0)),
        ],
        out_specs=[
            pl.BlockSpec((BR, D), lambda i: (i, 0)),
            pl.BlockSpec((2, D), lambda i: (0, 0)),
        ],
        out_shape=[
            jax.ShapeDtypeStruct((N, D), jnp.float32),
            jax.ShapeDtypeStruct((2, D), jnp.float32),
        ],
        scratch_shapes=[pltpu.VMEM((2, D), jnp.float32)],
    )(s_flat.reshape(2, N, H), u, deg, b)


def _bn_relu_matmul_body(y_ref, st_ref, g_ref, be_ref, w_ref, deg_ref, u_ref):
    mu = st_ref[0:1, :] * (1.0 / N)
    var = st_ref[1:2, :] * (1.0 / N) - mu * mu
    alpha = g_ref[...] * lax.rsqrt(var + 1e-5)
    z = (y_ref[...] - mu) * alpha + be_ref[...]
    h = jnp.maximum(z, 0.0)
    dinv = lax.rsqrt(deg_ref[:, 0:1])
    u = jnp.dot(h, w_ref[...], preferred_element_type=jnp.float32) * dinv
    u_ref[0, :, :] = u[:, :H]
    u_ref[1, :, :] = u[:, H:]


def _tc_bn_relu_matmul(y, st, g, be, w, deg):
    return pl.pallas_call(
        _bn_relu_matmul_body,
        grid=(GRID,),
        in_specs=[
            pl.BlockSpec((BR, D), lambda i: (i, 0)),
            pl.BlockSpec((2, D), lambda i: (0, 0)),
            pl.BlockSpec((1, D), lambda i: (0, 0)),
            pl.BlockSpec((1, D), lambda i: (0, 0)),
            pl.BlockSpec((D, D), lambda i: (0, 0)),
            pl.BlockSpec((BR, 16), lambda i: (i, 0)),
        ],
        out_specs=pl.BlockSpec((2, BR, H), lambda i: (0, i, 0)),
        out_shape=jax.ShapeDtypeStruct((2, N, H), jnp.float32),
    )(y, st, g, be, w, deg)


def _final_combine_body(s_ref, u_ref, deg_ref, b_ref, y_ref):
    dinv = lax.rsqrt(deg_ref[:, 0:1])
    t = jnp.concatenate([s_ref[0] + u_ref[0], s_ref[1] + u_ref[1]], axis=1)
    y_ref[...] = dinv * t + b_ref[...]


def _tc_final_combine(s_flat, u, deg, b):
    return pl.pallas_call(
        _final_combine_body,
        grid=(GRID,),
        in_specs=[
            pl.BlockSpec((2, BR, H), lambda i: (0, i, 0)),
            pl.BlockSpec((2, BR, H), lambda i: (0, i, 0)),
            pl.BlockSpec((BR, 16), lambda i: (i, 0)),
            pl.BlockSpec((1, D), lambda i: (0, 0)),
        ],
        out_specs=pl.BlockSpec((BR, D), lambda i: (i, 0)),
        out_shape=jax.ShapeDtypeStruct((N, D), jnp.float32),
    )(s_flat.reshape(2, N, H), u, deg, b)


@jax.jit
def kernel(x, edge_index, W0, b0, g0, be0, W1, b1, g1, be1, W2, b2):
    src = edge_index[0]
    dst = edge_index[1]
    pad = EPAD - E
    src_p = jnp.concatenate(
        [src, jnp.zeros((pad,), jnp.int32)]).reshape(NTILES, NCHUNKS, CHUNK)
    dst_p = jnp.concatenate(
        [dst, jnp.full((pad,), DUMMY_DST, jnp.int32)]
    ).reshape(NTILES, NCHUNKS, CHUNK)

    deg = _deg_kernel(dst_p)
    deg = deg[:N]

    b0r = b0.reshape(1, D)
    b1r = b1.reshape(1, D)
    b2r = b2.reshape(1, D)
    g0r = g0.reshape(1, D)
    g1r = g1.reshape(1, D)
    be0r = be0.reshape(1, D)
    be1r = be1.reshape(1, D)

    u0 = _tc_matmul_scale(x, W0, deg)
    s0 = _segsum_kernel(u0.reshape(2 * N, H), src_p, dst_p)
    y0, st0 = _tc_combine_stats(s0, u0, deg, b0r)

    u1 = _tc_bn_relu_matmul(y0, st0, g0r, be0r, W1, deg)
    s1 = _segsum_kernel(u1.reshape(2 * N, H), src_p, dst_p)
    y1, st1 = _tc_combine_stats(s1, u1, deg, b1r)

    u2 = _tc_bn_relu_matmul(y1, st1, g1r, be1r, W2, deg)
    s2 = _segsum_kernel(u2.reshape(2 * N, H), src_p, dst_p)
    out = _tc_final_combine(s2, u2, deg, b2r)
    return out

# --- scband reference (transcript-rebuilt; emitter-appended) ---
"""Pipeline reference for scband-base-gnn-86663850099166 (READ-ONLY COPY).

The authoritative reference and input builder live on the scoring server;
editing this copy changes nothing except your own understanding.
"""

import jax, jax.numpy as jnp
import numpy as np

N = 10000
E = 160000
D = 256

def gcn_conv(x, src, dst, W, b):
    h = x @ W
    loop = jnp.arange(N, dtype=src.dtype)
    src2 = jnp.concatenate([src, loop])
    dst2 = jnp.concatenate([dst, loop])
    deg = jax.ops.segment_sum(jnp.ones_like(dst2, dtype=h.dtype), dst2, num_segments=N)
    dinv = jnp.where(deg > 0, 1.0 / jnp.sqrt(deg), 0.0)
    norm = dinv[src2] * dinv[dst2]
    msgs = h[src2] * norm[:, None]
    agg = jax.ops.segment_sum(msgs, dst2, num_segments=N)
    return agg + b

def batch_norm(h, gamma, beta, eps=1e-5):
    mu = jnp.mean(h, axis=0, keepdims=True)
    var = jnp.var(h, axis=0, keepdims=True)
    return (h - mu) / jnp.sqrt(var + eps) * gamma + beta

def setup_inputs(seed: int = 0) -> dict:
    key = jax.random.key(seed)
    ks = jax.random.split(key, 12)
    x = jax.random.normal(ks[0], (N, D), dtype=jnp.float32)
    edge_index = jax.random.randint(ks[1], (2, E), 0, N, dtype=jnp.int32)
    s = 1.0 / np.sqrt(D)
    W0 = jax.random.normal(ks[2], (D, D), dtype=jnp.float32) * s
    b0 = jnp.zeros((D,), dtype=jnp.float32)
    g0 = jnp.ones((D,), dtype=jnp.float32)
    be0 = jnp.zeros((D,), dtype=jnp.float32)
    W1 = jax.random.normal(ks[3], (D, D), dtype=jnp.float32) * s
    b1 = jnp.zeros((D,), dtype=jnp.float32)
    g1 = jnp.ones((D,), dtype=jnp.float32)
    be1 = jnp.zeros((D,), dtype=jnp.float32)
    W2 = jax.random.normal(ks[4], (D, D), dtype=jnp.float32) * s
    b2 = jnp.zeros((D,), dtype=jnp.float32)
    return {"x": x, "edge_index": edge_index, "W0": W0, "b0": b0, "g0": g0, "be0": be0,
            "W1": W1, "b1": b1, "g1": g1, "be1": be1, "W2": W2, "b2": b2}

def reference(x, edge_index, W0, b0, g0, be0, W1, b1, g1, be1, W2, b2):
    src = edge_index[0]
    dst = edge_index[1]
    # layer 0: conv -> bn -> relu -> dropout(p=0.0, eval) ; skip_proj is None
    h = gcn_conv(x, src, dst, W0, b0)
    h = batch_norm(h, g0, be0)
    h = jax.nn.relu(h)
    # layer 1
    h = gcn_conv(h, src, dst, W1, b1)
    h = batch_norm(h, g1, be1)
    h = jax.nn.relu(h)
    # final conv (no bn/act)
    out = gcn_conv(h, src, dst, W2, b2)
    return out

if __name__ == "__main__":
    import jax
    _d = setup_inputs()
    print(jax.jit(kernel)(*tuple(_d.values())))

</pallas_src>

<mosaic_0001>
#map = affine_map<(d0, d1) -> (0, 0)>
#map1 = affine_map<(d0, d1) -> (0, 0, 0)>
module attributes {stable_mosaic.version = 14 : i64} {
  func.func @_segsum_kernel(%arg0: i32, %arg1: i32, %arg2: memref<20000x128xf32, #tpu.memory_space<hbm>>, %arg3: memref<16x80x128xi32, #tpu.memory_space<hbm>>, %arg4: memref<16x80x128xi32, #tpu.memory_space<hbm>>, %arg5: memref<20000x128xf32, #tpu.memory_space<hbm>>, %arg6: memref<80x128xi32, #tpu.memory_space<vmem>>, %arg7: memref<80x128xi32, #tpu.memory_space<vmem>>, %arg8: memref<80x128xi32, #tpu.memory_space<vmem>>, %arg9: memref<3x128x128xf32, #tpu.memory_space<vmem>>, %arg10: memref<5248x128xf32, #tpu.memory_space<vmem_shared>>, %arg11: memref<3x!tpu.dma_semaphore, #tpu.memory_space<semaphore_mem>>) attributes {dimension_semantics = [#tpu.dimension_semantics<core_parallel>, #tpu.dimension_semantics<subcore_parallel>], iteration_bounds = array<i64: 2, 16>, scalar_prefetch = 0 : i64, scratch_operands = 6 : i64, tpu.core_type = #tpu.core_type<sc_vector_subcore>, window_params = [{transform_indices = #map}, {transform_indices = #map1}, {transform_indices = #map1}, {transform_indices = #map}]} {
    "tpu.region"() ({
      %run_scoped3A = tpu.sem_alloc : memref<!tpu.dma_semaphore, #tpu.memory_space<semaphore_mem>>
      %dma_start3A = arith.constant 0 : i32
      %dma_start3A_14 = arith.constant 0 : i32
      %dma_start3A_15 = tpu.memref_slice %arg3[%arg1, %dma_start3A, %dma_start3A_14] : memref<16x80x128xi32, #tpu.memory_space<hbm>> -> memref<1x80x128xi32, #tpu.memory_space<hbm>>
      %dma_start3A_16 = tpu.memref_squeeze %dma_start3A_15 : memref<1x80x128xi32, #tpu.memory_space<hbm>> -> memref<80x128xi32, #tpu.memory_space<hbm>>
      %dma_start3A_17 = arith.constant 0 : i32
      %dma_start3A_18 = arith.constant 0 : i32
      %dma_start3A_19 = tpu.memref_slice %arg3[%arg1, %dma_start3A_17, %dma_start3A_18] : memref<16x80x128xi32, #tpu.memory_space<hbm>> -> memref<1x80x128xi32, #tpu.memory_space<hbm>>
      %dma_start3A_20 = tpu.memref_squeeze %dma_start3A_19 : memref<1x80x128xi32, #tpu.memory_space<hbm>> -> memref<80x128xi32, #tpu.memory_space<hbm>>
      tpu.enqueue_dma source(%dma_start3A_20 : memref<80x128xi32, #tpu.memory_space<hbm>>) target(%arg6 : memref<80x128xi32, #tpu.memory_space<vmem>>) target_semaphore(%run_scoped3A : memref<!tpu.dma_semaphore, #tpu.memory_space<semaphore_mem>>)
      %dma_wait3A = arith.constant 0 : i32
      %dma_wait3A_21 = arith.constant 0 : i32
      %dma_wait3A_22 = tpu.memref_slice %arg3[%arg1, %dma_wait3A, %dma_wait3A_21] : memref<16x80x128xi32, #tpu.memory_space<hbm>> -> memref<1x80x128xi32, #tpu.memory_space<hbm>>
      %dma_wait3A_23 = tpu.memref_squeeze %dma_wait3A_22 : memref<1x80x128xi32, #tpu.memory_space<hbm>> -> memref<80x128xi32, #tpu.memory_space<hbm>>
      %dma_wait3A_24 = arith.constant 0 : i32
      %dma_wait3A_25 = arith.constant 0 : i32
      %dma_wait3A_26 = tpu.memref_slice %arg3[%arg1, %dma_wait3A_24, %dma_wait3A_25] : memref<16x80x128xi32, #tpu.memory_space<hbm>> -> memref<1x80x128xi32, #tpu.memory_space<hbm>>
      %dma_wait3A_27 = tpu.memref_squeeze %dma_wait3A_26 : memref<1x80x128xi32, #tpu.memory_space<hbm>> -> memref<80x128xi32, #tpu.memory_space<hbm>>
      tpu.wait_dma2 semaphore(%run_scoped3A : memref<!tpu.dma_semaphore, #tpu.memory_space<semaphore_mem>>) src(%dma_wait3A_27 : memref<80x128xi32, #tpu.memory_space<hbm>>) dst(%arg6 : memref<80x128xi32, #tpu.memory_space<vmem>>)
      tpu.yield
    }) : () -> ()
    "tpu.region"() ({
      %run_scoped3A = tpu.sem_alloc : memref<!tpu.dma_semaphore, #tpu.memory_space<semaphore_mem>>
      %dma_start3A = arith.constant 0 : i32
      %dma_start3A_14 = arith.constant 0 : i32
      %dma_start3A_15 = tpu.memref_slice %arg4[%arg1, %dma_start3A, %dma_start3A_14] : memref<16x80x128xi32, #tpu.memory_space<hbm>> -> memref<1x80x128xi32, #tpu.memory_space<hbm>>
      %dma_start3A_16 = tpu.memref_squeeze %dma_start3A_15 : memref<1x80x128xi32, #tpu.memory_space<hbm>> -> memref<80x128xi32, #tpu.memory_space<hbm>>
      %dma_start3A_17 = arith.constant 0 : i32
      %dma_start3A_18 = arith.constant 0 : i32
      %dma_start3A_19 = tpu.memref_slice %arg4[%arg1, %dma_start3A_17, %dma_start3A_18] : memref<16x80x128xi32, #tpu.memory_space<hbm>> -> memref<1x80x128xi32, #tpu.memory_space<hbm>>
      %dma_start3A_20 = tpu.memref_squeeze %dma_start3A_19 : memref<1x80x128xi32, #tpu.memory_space<hbm>> -> memref<80x128xi32, #tpu.memory_space<hbm>>
      tpu.enqueue_dma source(%dma_start3A_20 : memref<80x128xi32, #tpu.memory_space<hbm>>) target(%arg7 : memref<80x128xi32, #tpu.memory_space<vmem>>) target_semaphore(%run_scoped3A : memref<!tpu.dma_semaphore, #tpu.memory_space<semaphore_mem>>)
      %dma_wait3A = arith.constant 0 : i32
      %dma_wait3A_21 = arith.constant 0 : i32
      %dma_wait3A_22 = tpu.memref_slice %arg4[%arg1, %dma_wait3A, %dma_wait3A_21] : memref<16x80x128xi32, #tpu.memory_space<hbm>> -> memref<1x80x128xi32, #tpu.memory_space<hbm>>
      %dma_wait3A_23 = tpu.memref_squeeze %dma_wait3A_22 : memref<1x80x128xi32, #tpu.memory_space<hbm>> -> memref<80x128xi32, #tpu.memory_space<hbm>>
      %dma_wait3A_24 = arith.constant 0 : i32
      %dma_wait3A_25 = arith.constant 0 : i32
      %dma_wait3A_26 = tpu.memref_slice %arg4[%arg1, %dma_wait3A_24, %dma_wait3A_25] : memref<16x80x128xi32, #tpu.memory_space<hbm>> -> memref<1x80x128xi32, #tpu.memory_space<hbm>>
      %dma_wait3A_27 = tpu.memref_squeeze %dma_wait3A_26 : memref<1x80x128xi32, #tpu.memory_space<hbm>> -> memref<80x128xi32, #tpu.memory_space<hbm>>
      tpu.wait_dma2 semaphore(%run_scoped3A : memref<!tpu.dma_semaphore, #tpu.memory_space<semaphore_mem>>) src(%dma_wait3A_27 : memref<80x128xi32, #tpu.memory_space<hbm>>) dst(%arg7 : memref<80x128xi32, #tpu.memory_space<vmem>>)
      tpu.yield
    }) : () -> ()
    %mul3A = arith.constant 10000 : i32
    %mul3A_0 = arith.muli %arg0, %mul3A : i32
    %scan3A = arith.constant 0 : i32
    %scan3A_1 = arith.constant 0 : i32
    %scan3A_2 = arith.constant 80 : i32
    %scan3A_3 = arith.addi %scan3A_1, %scan3A_2 : i32
    %scan3A_4 = arith.constant 1 : i32
    %scan3A_5 = scf.for %scan3A_14 = %scan3A_1 to %scan3A_3 step %scan3A_4 iter_args(%scan3A_15 = %scan3A) -> (i32)  : i32 {
      %scan3A_16 = arith.constant 0 : i32
      %scan3A_17 = arith.constant 0 : i32
      %scan3A_18 = arith.constant 8 : i32
      %scan3A_19 = arith.addi %scan3A_17, %scan3A_18 : i32
      %scan3A_20 = arith.constant 1 : i32
      %scan3A_21 = scf.for %scan3A_24 = %scan3A_17 to %scan3A_19 step %scan3A_20 iter_args(%scan3A_25 = %scan3A_16) -> (i32)  : i32 {
        %mul3A_26 = arith.constant 16 : i32
        %mul3A_27 = arith.muli %scan3A_24, %mul3A_26 : i32
        %get3A = arith.index_cast %scan3A_14 : i32 to index
        %get3A_28 = arith.index_cast %mul3A_27 : i32 to index
        %get3A_29 = tpu.vector_load %arg6[%get3A, %get3A_28] {strides = array<i32>} : memref<80x128xi32, #tpu.memory_space<vmem>>, vector<1x16xi32>,
        %get3A_30 = vector.shape_cast %get3A_29 : vector<1x16xi32> to vector<16xi32>
        %add3A = vector.broadcast %mul3A_0 : i32 to vector<16xi32>
        %add3A_31 = arith.addi %get3A_30, %add3A : vector<16xi32>
        %swap3A = arith.index_cast %scan3A_14 : i32 to index
        %swap3A_32 = arith.index_cast %mul3A_27 : i32 to index
        %swap3A_33 = tpu.vector_load %arg6[%swap3A, %swap3A_32] {strides = array<i32>} : memref<80x128xi32, #tpu.memory_space<vmem>>, vector<1x16xi32>,
        %swap3A_34 = vector.shape_cast %swap3A_33 : vector<1x16xi32> to vector<16xi32>
        %swap3A_35 = vector.shape_cast %add3A_31 : vector<16xi32> to vector<1x16xi32>
        tpu.vector_store %arg6[%swap3A, %swap3A_32], %swap3A_35 {strides = array<i32>} : memref<80x128xi32, #tpu.memory_space<vmem>>, vector<1x16xi32>,
        %scan3A_36 = arith.constant 0 : i32
        scf.yield %scan3A_36 : i32
      }
      %scan3A_22 = arith.constant 8 : i32
      %scan3A_23 = arith.constant 0 : i32
      scf.yield %scan3A_23 : i32
    }
    %scan3A_6 = arith.constant 80 : i32
    %scan3A_7 = arith.constant 0 : i32
    %scan3A_8 = arith.constant 0 : i32
    %scan3A_9 = arith.constant 2 : i32
    %scan3A_10 = arith.addi %scan3A_8, %scan3A_9 : i32
    %scan3A_11 = arith.constant 1 : i32
    %scan3A_12 = scf.for %scan3A_14 = %scan3A_8 to %scan3A_10 step %scan3A_11 iter_args(%scan3A_15 = %scan3A_7) -> (i32)  : i32 {
      %barrier3A = arith.constant 0 : index
      tpu.barrier barrier_id(%barrier3A)
      %scan3A_16 = arith.constant 0 : i32
      %scan3A_17 = arith.constant 0 : i32
      %scan3A_18 = arith.constant 128 : i32
      %scan3A_19 = arith.addi %scan3A_17, %scan3A_18 : i32
      %scan3A_20 = arith.constant 1 : i32
      %scan3A_21 = scf.for %scan3A_80 = %scan3A_17 to %scan3A_19 step %scan3A_20 iter_args(%scan3A_81 = %scan3A_16) -> (i32)  : i32 {
        %scan3A_82 = arith.constant 0 : i32
        %scan3A_83 = arith.constant 0 : i32
        %scan3A_84 = arith.constant 8 : i32
        %scan3A_85 = arith.addi %scan3A_83, %scan3A_84 : i32
        %scan3A_86 = arith.constant 1 : i32
        %scan3A_87 = scf.for %scan3A_90 = %scan3A_83 to %scan3A_85 step %scan3A_86 iter_args(%scan3A_91 = %scan3A_82) -> (i32)  : i32 {
          %broadcast_in_dim3A = arith.constant 0.000000e+00 : f32
          %broadcast_in_dim3A_92 = vector.broadcast %broadcast_in_dim3A : f32 to vector<16xf32>
          %mul3A_93 = arith.constant 16 : i32
          %mul3A_94 = arith.muli %scan3A_90, %mul3A_93 : i32
          %swap3A = arith.constant 0 : i32
          %swap3A_95 = arith.index_cast %swap3A : i32 to index
          %swap3A_96 = arith.index_cast %scan3A_80 : i32 to index
          %swap3A_97 = arith.index_cast %mul3A_94 : i32 to index
          %swap3A_98 = tpu.vector_load %arg9[%swap3A_95, %swap3A_96, %swap3A_97] {strides = array<i32>} : memref<3x128x128xf32, #tpu.memory_space<vmem>>, vector<1x1x16xf32>,
          %swap3A_99 = vector.shape_cast %swap3A_98 : vector<1x1x16xf32> to vector<16xf32>
          %swap3A_100 = vector.shape_cast %broadcast_in_dim3A_92 : vector<16xf32> to vector<1x1x16xf32>
          tpu.vector_store %arg9[%swap3A_95, %swap3A_96, %swap3A_97], %swap3A_100 {strides = array<i32>} : memref<3x128x128xf32, #tpu.memory_space<vmem>>, vector<1x1x16xf32>,
          %scan3A_101 = arith.constant 0 : i32
          scf.yield %scan3A_101 : i32
        }
        %scan3A_88 = arith.constant 8 : i32
        %scan3A_89 = arith.constant 0 : i32
        scf.yield %scan3A_89 : i32
      }
      %scan3A_22 = arith.constant 128 : i32
      %mul3A_23 = arith.constant 328 : i32
      %mul3A_24 = arith.muli %arg1, %mul3A_23 : i32
      %add3A = arith.constant 0 : i32
      %add3A_25 = arith.addi %mul3A_24, %add3A : i32
      %run_scoped3A = arith.constant 0 : i32
      "tpu.region"() ({
        %run_scoped3A_80 = tpu.sem_alloc : memref<!tpu.dma_semaphore, #tpu.memory_space<semaphore_mem>>
        %dma_start3A = arith.constant 0 : i32
        %dma_start3A_81 = arith.constant 0 : i32
        %dma_start3A_82 = tpu.memref_slice %arg9[%run_scoped3A, %dma_start3A, %dma_start3A_81] : memref<3x128x128xf32, #tpu.memory_space<vmem>> -> memref<1x128x128xf32, #tpu.memory_space<vmem>>
        %dma_start3A_83 = tpu.memref_squeeze %dma_start3A_82 : memref<1x128x128xf32, #tpu.memory_space<vmem>> -> memref<128x128xf32, #tpu.memory_space<vmem>>
        %dma_start3A_84 = arith.constant 0 : i32
        %dma_start3A_85 = tpu.memref_slice %arg10[%add3A_25, %dma_start3A_84] : memref<5248x128xf32, #tpu.memory_space<vmem_shared>> -> memref<128x128xf32, #tpu.memory_space<vmem_shared>>
        %dma_start3A_86 = arith.constant 0 : i32
        %dma_start3A_87 = tpu.memref_slice %arg10[%add3A_25, %dma_start3A_86] : memref<5248x128xf32, #tpu.memory_space<vmem_shared>> -> memref<128x128xf32, #tpu.memory_space<vmem_shared>>
        %dma_start3A_88 = arith.constant 0 : i32
        %dma_start3A_89 = arith.constant 0 : i32
        %dma_start3A_90 = tpu.memref_slice %arg9[%run_scoped3A, %dma_start3A_88, %dma_start3A_89] : memref<3x128x128xf32, #tpu.memory_space<vmem>> -> memref<1x128x128xf32, #tpu.memory_space<vmem>>
        %dma_start3A_91 = tpu.memref_squeeze %dma_start3A_90 : memref<1x128x128xf32, #tpu.memory_space<vmem>> -> memref<128x128xf32, #tpu.memory_space<vmem>>
        tpu.enqueue_dma source(%dma_start3A_91 : memref<128x128xf32, #tpu.memory_space<vmem>>) target(%dma_start3A_87 : memref<128x128xf32, #tpu.memory_space<vmem_shared>>) target_semaphore(%run_scoped3A_80 : memref<!tpu.dma_semaphore, #tpu.memory_space<semaphore_mem>>)
        %dma_wait3A = arith.constant 0 : i32
        %dma_wait3A_92 = arith.constant 0 : i32
        %dma_wait3A_93 = tpu.memref_slice %arg9[%run_scoped3A, %dma_wait3A, %dma_wait3A_92] : memref<3x128x128xf32, #tpu.memory_space<vmem>> -> memref<1x128x128xf32, #tpu.memory_space<vmem>>
        %dma_wait3A_94 = tpu.memref_squeeze %dma_wait3A_93 : memref<1x128x128xf32, #tpu.memory_space<vmem>> -> memref<128x128xf32, #tpu.memory_space<vmem>>
        %dma_wait3A_95 = arith.constant 0 : i32
        %dma_wait3A_96 = tpu.memref_slice %arg10[%add3A_25, %dma_wait3A_95] : memref<5248x128xf32, #tpu.memory_space<vmem_shared>> -> memref<128x128xf32, #tpu.memory_space<vmem_shared>>
        %dma_wait3A_97 = arith.constant 0 : i32
        %dma_wait3A_98 = tpu.memref_slice %arg10[%add3A_25, %dma_wait3A_97] : memref<5248x128xf32, #tpu.memory_space<vmem_shared>> -> memref<128x128xf32, #tpu.memory_space<vmem_shared>>
        %dma_wait3A_99 = arith.constant 0 : i32
        %dma_wait3A_100 = arith.constant 0 : i32
        %dma_wait3A_101 = tpu.memref_slice %arg9[%run_scoped3A, %dma_wait3A_99, %dma_wait3A_100] : memref<3x128x128xf32, #tpu.memory_space<vmem>> -> memref<1x128x128xf32, #tpu.memory_space<vmem>>
        %dma_wait3A_102 = tpu.memref_squeeze %dma_wait3A_101 : memref<1x128x128xf32, #tpu.memory_space<vmem>> -> memref<128x128xf32, #tpu.memory_space<vmem>>
        tpu.wait_dma2 semaphore(%run_scoped3A_80 : memref<!tpu.dma_semaphore, #tpu.memory_space<semaphore_mem>>) src(%dma_wait3A_102 : memref<128x128xf32, #tpu.memory_space<vmem>>) dst(%dma_wait3A_98 : memref<128x128xf32, #tpu.memory_space<vmem_shared>>)
        tpu.yield
      }) : () -> ()
      %add3A_26 = arith.constant 128 : i32
      %add3A_27 = arith.addi %mul3A_24, %add3A_26 : i32
      %run_scoped3A_28 = arith.constant 0 : i32
      "tpu.region"() ({
        %run_scoped3A_80 = tpu.sem_alloc : memref<!tpu.dma_semaphore, #tpu.memory_space<semaphore_mem>>
        %dma_start3A = arith.constant 0 : i32
        %dma_start3A_81 = arith.constant 0 : i32
        %dma_start3A_82 = tpu.memref_slice %arg9[%run_scoped3A_28, %dma_start3A, %dma_start3A_81] : memref<3x128x128xf32, #tpu.memory_space<vmem>> -> memref<1x128x128xf32, #tpu.memory_space<vmem>>
        %dma_start3A_83 = tpu.memref_squeeze %dma_start3A_82 : memref<1x128x128xf32, #tpu.memory_space<vmem>> -> memref<128x128xf32, #tpu.memory_space<vmem>>
        %dma_start3A_84 = arith.constant 0 : i32
        %dma_start3A_85 = tpu.memref_slice %arg10[%add3A_27, %dma_start3A_84] : memref<5248x128xf32, #tpu.memory_space<vmem_shared>> -> memref<128x128xf32, #tpu.memory_space<vmem_shared>>
        %dma_start3A_86 = arith.constant 0 : i32
        %dma_start3A_87 = tpu.memref_slice %arg10[%add3A_27, %dma_start3A_86] : memref<5248x128xf32, #tpu.memory_space<vmem_shared>> -> memref<128x128xf32, #tpu.memory_space<vmem_shared>>
        %dma_start3A_88 = arith.constant 0 : i32
        %dma_start3A_89 = arith.constant 0 : i32
        %dma_start3A_90 = tpu.memref_slice %arg9[%run_scoped3A_28, %dma_start3A_88, %dma_start3A_89] : memref<3x128x128xf32, #tpu.memory_space<vmem>> -> memref<1x128x128xf32, #tpu.memory_space<vmem>>
        %dma_start3A_91 = tpu.memref_squeeze %dma_start3A_90 : memref<1x128x128xf32, #tpu.memory_space<vmem>> -> memref<128x128xf32, #tpu.memory_space<vmem>>
        tpu.enqueue_dma source(%dma_start3A_91 : memref<128x128xf32, #tpu.memory_space<vmem>>) target(%dma_start3A_87 : memref<128x128xf32, #tpu.memory_space<vmem_shared>>) target_semaphore(%run_scoped3A_80 : memref<!tpu.dma_semaphore, #tpu.memory_space<semaphore_mem>>)
        %dma_wait3A = arith.constant 0 : i32
        %dma_wait3A_92 = arith.constant 0 : i32
        %dma_wait3A_93 = tpu.memref_slice %arg9[%run_scoped3A_28, %dma_wait3A, %dma_wait3A_92] : memref<3x128x128xf32, #tpu.memory_space<vmem>> -> memref<1x128x128xf32, #tpu.memory_space<vmem>>
        %dma_wait3A_94 = tpu.memref_squeeze %dma_wait3A_93 : memref<1x128x128xf32, #tpu.memory_space<vmem>> -> memref<128x128xf32, #tpu.memory_space<vmem>>
        %dma_wait3A_95 = arith.constant 0 : i32
        %dma_wait3A_96 = tpu.memref_slice %arg10[%add3A_27, %dma_wait3A_95] : memref<5248x128xf32, #tpu.memory_space<vmem_shared>> -> memref<128x128xf32, #tpu.memory_space<vmem_shared>>
        %dma_wait3A_97 = arith.constant 0 : i32
        %dma_wait3A_98 = tpu.memref_slice %arg10[%add3A_27, %dma_wait3A_97] : memref<5248x128xf32, #tpu.memory_space<vmem_shared>> -> memref<128x128xf32, #tpu.memory_space<vmem_shared>>
        %dma_wait3A_99 = arith.constant 0 : i32
        %dma_wait3A_100 = arith.constant 0 : i32
        %dma_wait3A_101 = tpu.memref_slice %arg9[%run_scoped3A_28, %dma_wait3A_99, %dma_wait3A_100] : memref<3x128x128xf32, #tpu.memory_space<vmem>> -> memref<1x128x128xf32, #tpu.memory_space<vmem>>
        %dma_wait3A_102 = tpu.memref_squeeze %dma_wait3A_101 : memref<1x128x128xf32, #tpu.memory_space<vmem>> -> memref<128x128xf32, #tpu.memory_space<vmem>>
        tpu.wait_dma2 semaphore(%run_scoped3A_80 : memref<!tpu.dma_semaphore, #tpu.memory_space<semaphore_mem>>) src(%dma_wait3A_102 : memref<128x128xf32, #tpu.memory_space<vmem>>) dst(%dma_wait3A_98 : memref<128x128xf32, #tpu.memory_space<vmem_shared>>)
        tpu.yield
      }) : () -> ()
      %add3A_29 = arith.constant 256 : i32
      %add3A_30 = arith.addi %mul3A_24, %add3A_29 : i32
      %run_scoped3A_31 = arith.constant 0 : i32
      "tpu.region"() ({
        %run_scoped3A_80 = tpu.sem_alloc : memref<!tpu.dma_semaphore, #tpu.memory_space<semaphore_mem>>
        %dma_start3A = arith.constant 0 : i32
        %dma_start3A_81 = arith.constant 0 : i32
        %dma_start3A_82 = tpu.memref_slice %arg9[%run_scoped3A_31, %dma_start3A, %dma_start3A_81] : memref<3x128x128xf32, #tpu.memory_space<vmem>> -> memref<1x128x128xf32, #tpu.memory_space<vmem>>
        %dma_start3A_83 = tpu.memref_squeeze %dma_start3A_82 : memref<1x128x128xf32, #tpu.memory_space<vmem>> -> memref<128x128xf32, #tpu.memory_space<vmem>>
        %dma_start3A_84 = arith.constant 0 : i32
        %dma_start3A_85 = arith.constant 0 : i32
        %dma_start3A_86 = tpu.memref_slice %dma_start3A_83[%dma_start3A_84, %dma_start3A_85] : memref<128x128xf32, #tpu.memory_space<vmem>> -> memref<72x128xf32, #tpu.memory_space<vmem>>
        %dma_start3A_87 = arith.constant 0 : i32
        %dma_start3A_88 = tpu.memref_slice %arg10[%add3A_30, %dma_start3A_87] : memref<5248x128xf32, #tpu.memory_space<vmem_shared>> -> memref<72x128xf32, #tpu.memory_space<vmem_shared>>
        %dma_start3A_89 = arith.constant 0 : i32
        %dma_start3A_90 = tpu.memref_slice %arg10[%add3A_30, %dma_start3A_89] : memref<5248x128xf32, #tpu.memory_space<vmem_shared>> -> memref<72x128xf32, #tpu.memory_space<vmem_shared>>
        %dma_start3A_91 = arith.constant 0 : i32
        %dma_start3A_92 = arith.constant 0 : i32
        %dma_start3A_93 = tpu.memref_slice %arg9[%run_scoped3A_31, %dma_start3A_91, %dma_start3A_92] : memref<3x128x128xf32, #tpu.memory_space<vmem>> -> memref<1x128x128xf32, #tpu.memory_space<vmem>>
        %dma_start3A_94 = tpu.memref_squeeze %dma_start3A_93 : memref<1x128x128xf32, #tpu.memory_space<vmem>> -> memref<128x128xf32, #tpu.memory_space<vmem>>
        %dma_start3A_95 = arith.constant 0 : i32
        %dma_start3A_96 = arith.constant 0 : i32
        %dma_start3A_97 = tpu.memref_slice %dma_start3A_94[%dma_start3A_95, %dma_start3A_96] : memref<128x128xf32, #tpu.memory_space<vmem>> -> memref<72x128xf32, #tpu.memory_space<vmem>>
        tpu.enqueue_dma source(%dma_start3A_97 : memref<72x128xf32, #tpu.memory_space<vmem>>) target(%dma_start3A_90 : memref<72x128xf32, #tpu.memory_space<vmem_shared>>) target_semaphore(%run_scoped3A_80 : memref<!tpu.dma_semaphore, #tpu.memory_space<semaphore_mem>>)
        %dma_wait3A = arith.constant 0 : i32
        %dma_wait3A_98 = arith.constant 0 : i32
        %dma_wait3A_99 = tpu.memref_slice %arg9[%run_scoped3A_31, %dma_wait3A, %dma_wait3A_98] : memref<3x128x128xf32, #tpu.memory_space<vmem>> -> memref<1x128x128xf32, #tpu.memory_space<vmem>>
        %dma_wait3A_100 = tpu.memref_squeeze %dma_wait3A_99 : memref<1x128x128xf32, #tpu.memory_space<vmem>> -> memref<128x128xf32, #tpu.memory_space<vmem>>
        %dma_wait3A_101 = arith.constant 0 : i32
        %dma_wait3A_102 = arith.constant 0 : i32
        %dma_wait3A_103 = tpu.memref_slice %dma_wait3A_100[%dma_wait3A_101, %dma_wait3A_102] : memref<128x128xf32, #tpu.memory_space<vmem>> -> memref<72x128xf32, #tpu.memory_space<vmem>>
        %dma_wait3A_104 = arith.constant 0 : i32
        %dma_wait3A_105 = tpu.memref_slice %arg10[%add3A_30, %dma_wait3A_104] : memref<5248x128xf32, #tpu.memory_space<vmem_shared>> -> memref<72x128xf32, #tpu.memory_space<vmem_shared>>
        %dma_wait3A_106 = arith.constant 0 : i32
        %dma_wait3A_107 = tpu.memref_slice %arg10[%add3A_30, %dma_wait3A_106] : memref<5248x128xf32, #tpu.memory_space<vmem_shared>> -> memref<72x128xf32, #tpu.memory_space<vmem_shared>>
        %dma_wait3A_108 = arith.constant 0 : i32
        %dma_wait3A_109 = arith.constant 0 : i32
        %dma_wait3A_110 = tpu.memref_slice %arg9[%run_scoped3A_31, %dma_wait3A_108, %dma_wait3A_109] : memref<3x128x128xf32, #tpu.memory_space<vmem>> -> memref<1x128x128xf32, #tpu.memory_space<vmem>>
        %dma_wait3A_111 = tpu.memref_squeeze %dma_wait3A_110 : memref<1x128x128xf32, #tpu.memory_space<vmem>> -> memref<128x128xf32, #tpu.memory_space<vmem>>
        %dma_wait3A_112 = arith.constant 0 : i32
        %dma_wait3A_113 = arith.constant 0 : i32
        %dma_wait3A_114 = tpu.memref_slice %dma_wait3A_111[%dma_wait3A_112, %dma_wait3A_113] : memref<128x128xf32, #tpu.memory_space<vmem>> -> memref<72x128xf32, #tpu.memory_space<vmem>>
        tpu.wait_dma2 semaphore(%run_scoped3A_80 : memref<!tpu.dma_semaphore, #tpu.memory_space<semaphore_mem>>) src(%dma_wait3A_114 : memref<72x128xf32, #tpu.memory_space<vmem>>) dst(%dma_wait3A_107 : memref<72x128xf32, #tpu.memory_space<vmem_shared>>)
        tpu.yield
      }) : () -> ()
      %add3A_32 = arith.constant 0 : i32
      %add3A_33 = arith.addi %mul3A_24, %add3A_32 : i32
      %run_scoped3A_34 = arith.constant 1 : i32
      "tpu.region"() ({
        %run_scoped3A_80 = tpu.sem_alloc : memref<!tpu.dma_semaphore, #tpu.memory_space<semaphore_mem>>
        %dma_start3A = arith.constant 0 : i32
        %dma_start3A_81 = arith.constant 0 : i32
        %dma_start3A_82 = tpu.memref_slice %arg9[%run_scoped3A_34, %dma_start3A, %dma_start3A_81] : memref<3x128x128xf32, #tpu.memory_space<vmem>> -> memref<1x128x128xf32, #tpu.memory_space<vmem>>
        %dma_start3A_83 = tpu.memref_squeeze %dma_start3A_82 : memref<1x128x128xf32, #tpu.memory_space<vmem>> -> memref<128x128xf32, #tpu.memory_space<vmem>>
        %dma_start3A_84 = arith.constant 0 : i32
        %dma_start3A_85 = tpu.memref_slice %arg10[%add3A_33, %dma_start3A_84] : memref<5248x128xf32, #tpu.memory_space<vmem_shared>> -> memref<128x128xf32, #tpu.memory_space<vmem_shared>>
        %dma_start3A_86 = arith.constant 0 : i32
        %dma_start3A_87 = arith.constant 0 : i32
        %dma_start3A_88 = tpu.memref_slice %arg9[%run_scoped3A_34, %dma_start3A_86, %dma_start3A_87] : memref<3x128x128xf32, #tpu.memory_space<vmem>> -> memref<1x128x128xf32, #tpu.memory_space<vmem>>
        %dma_start3A_89 = tpu.memref_squeeze %dma_start3A_88 : memref<1x128x128xf32, #tpu.memory_space<vmem>> -> memref<128x128xf32, #tpu.memory_space<vmem>>
        %dma_start3A_90 = arith.constant 0 : i32
        %dma_start3A_91 = tpu.memref_slice %arg10[%add3A_33, %dma_start3A_90] : memref<5248x128xf32, #tpu.memory_space<vmem_shared>> -> memref<128x128xf32, #tpu.memory_space<vmem_shared>>
        tpu.enqueue_dma source(%dma_start3A_91 : memref<128x128xf32, #tpu.memory_space<vmem_shared>>) target(%dma_start3A_89 : memref<128x128xf32, #tpu.memory_space<vmem>>) target_semaphore(%run_scoped3A_80 : memref<!tpu.dma_semaphore, #tpu.memory_space<semaphore_mem>>)
        %dma_wait3A = arith.constant 0 : i32
        %dma_wait3A_92 = arith.constant 0 : i32
        %dma_wait3A_93 = tpu.memref_slice %arg9[%run_scoped3A_34, %dma_wait3A, %dma_wait3A_92] : memref<3x128x128xf32, #tpu.memory_space<vmem>> -> memref<1x128x128xf32, #tpu.memory_space<vmem>>
        %dma_wait3A_94 = tpu.memref_squeeze %dma_wait3A_93 : memref<1x128x128xf32, #tpu.memory_space<vmem>> -> memref<128x128xf32, #tpu.memory_space<vmem>>
        %dma_wait3A_95 = arith.constant 0 : i32
        %dma_wait3A_96 = tpu.memref_slice %arg10[%add3A_33, %dma_wait3A_95] : memref<5248x128xf32, #tpu.memory_space<vmem_shared>> -> memref<128x128xf32, #tpu.memory_space<vmem_shared>>
        %dma_wait3A_97 = arith.constant 0 : i32
        %dma_wait3A_98 = arith.constant 0 : i32
        %dma_wait3A_99 = tpu.memref_slice %arg9[%run_scoped3A_34, %dma_wait3A_97, %dma_wait3A_98] : memref<3x128x128xf32, #tpu.memory_space<vmem>> -> memref<1x128x128xf32, #tpu.memory_space<vmem>>
        %dma_wait3A_100 = tpu.memref_squeeze %dma_wait3A_99 : memref<1x128x128xf32, #tpu.memory_space<vmem>> -> memref<128x128xf32, #tpu.memory_space<vmem>>
        %dma_wait3A_101 = arith.constant 0 : i32
        %dma_wait3A_102 = tpu.memref_slice %arg10[%add3A_33, %dma_wait3A_101] : memref<5248x128xf32, #tpu.memory_space<vmem_shared>> -> memref<128x128xf32, #tpu.memory_space<vmem_shared>>
        tpu.wait_dma2 semaphore(%run_scoped3A_80 : memref<!tpu.dma_semaphore, #tpu.memory_space<semaphore_mem>>) src(%dma_wait3A_102 : memref<128x128xf32, #tpu.memory_space<vmem_shared>>) dst(%dma_wait3A_100 : memref<128x128xf32, #tpu.memory_space<vmem>>)
        tpu.yield
      }) : () -> ()
      %add3A_35 = arith.constant 128 : i32
      %add3A_36 = arith.addi %mul3A_24, %add3A_35 : i32
      %run_scoped3A_37 = arith.constant 1 : i32
      "tpu.region"() ({
        %run_scoped3A_80 = tpu.sem_alloc : memref<!tpu.dma_semaphore, #tpu.memory_space<semaphore_mem>>
        %dma_start3A = arith.constant 0 : i32
        %dma_start3A_81 = arith.constant 0 : i32
        %dma_start3A_82 = tpu.memref_slice %arg9[%run_scoped3A_37, %dma_start3A, %dma_start3A_81] : memref<3x128x128xf32, #tpu.memory_space<vmem>> -> memref<1x128x128xf32, #tpu.memory_space<vmem>>
        %dma_start3A_83 = tpu.memref_squeeze %dma_start3A_82 : memref<1x128x128xf32, #tpu.memory_space<vmem>> -> memref<128x128xf32, #tpu.memory_space<vmem>>
        %dma_start3A_84 = arith.constant 0 : i32
        %dma_start3A_85 = tpu.memref_slice %arg10[%add3A_36, %dma_start3A_84] : memref<5248x128xf32, #tpu.memory_space<vmem_shared>> -> memref<128x128xf32, #tpu.memory_space<vmem_shared>>
        %dma_start3A_86 = arith.constant 0 : i32
        %dma_start3A_87 = arith.constant 0 : i32
        %dma_start3A_88 = tpu.memref_slice %arg9[%run_scoped3A_37, %dma_start3A_86, %dma_start3A_87] : memref<3x128x128xf32, #tpu.memory_space<vmem>> -> memref<1x128x128xf32, #tpu.memory_space<vmem>>
        %dma_start3A_89 = tpu.memref_squeeze %dma_start3A_88 : memref<1x128x128xf32, #tpu.memory_space<vmem>> -> memref<128x128xf32, #tpu.memory_space<vmem>>
        %dma_start3A_90 = arith.constant 0 : i32
        %dma_start3A_91 = tpu.memref_slice %arg10[%add3A_36, %dma_start3A_90] : memref<5248x128xf32, #tpu.memory_space<vmem_shared>> -> memref<128x128xf32, #tpu.memory_space<vmem_shared>>
        tpu.enqueue_dma source(%dma_start3A_91 : memref<128x128xf32, #tpu.memory_space<vmem_shared>>) target(%dma_start3A_89 : memref<128x128xf32, #tpu.memory_space<vmem>>) target_semaphore(%run_scoped3A_80 : memref<!tpu.dma_semaphore, #tpu.memory_space<semaphore_mem>>)
        %dma_wait3A = arith.constant 0 : i32
        %dma_wait3A_92 = arith.constant 0 : i32
        %dma_wait3A_93 = tpu.memref_slice %arg9[%run_scoped3A_37, %dma_wait3A, %dma_wait3A_92] : memref<3x128x128xf32, #tpu.memory_space<vmem>> -> memref<1x128x128xf32, #tpu.memory_space<vmem>>
        %dma_wait3A_94 = tpu.memref_squeeze %dma_wait3A_93 : memref<1x128x128xf32, #tpu.memory_space<vmem>> -> memref<128x128xf32, #tpu.memory_space<vmem>>
        %dma_wait3A_95 = arith.constant 0 : i32
        %dma_wait3A_96 = tpu.memref_slice %arg10[%add3A_36, %dma_wait3A_95] : memref<5248x128xf32, #tpu.memory_space<vmem_shared>> -> memref<128x128xf32, #tpu.memory_space<vmem_shared>>
        %dma_wait3A_97 = arith.constant 0 : i32
        %dma_wait3A_98 = arith.constant 0 : i32
        %dma_wait3A_99 = tpu.memref_slice %arg9[%run_scoped3A_37, %dma_wait3A_97, %dma_wait3A_98] : memref<3x128x128xf32, #tpu.memory_space<vmem>> -> memref<1x128x128xf32, #tpu.memory_space<vmem>>
        %dma_wait3A_100 = tpu.memref_squeeze %dma_wait3A_99 : memref<1x128x128xf32, #tpu.memory_space<vmem>> -> memref<128x128xf32, #tpu.memory_space<vmem>>
        %dma_wait3A_101 = arith.constant 0 : i32
        %dma_wait3A_102 = tpu.memref_slice %arg10[%add3A_36, %dma_wait3A_101] : memref<5248x128xf32, #tpu.memory_space<vmem_shared>> -> memref<128x128xf32, #tpu.memory_space<vmem_shared>>
        tpu.wait_dma2 semaphore(%run_scoped3A_80 : memref<!tpu.dma_semaphore, #tpu.memory_space<semaphore_mem>>) src(%dma_wait3A_102 : memref<128x128xf32, #tpu.memory_space<vmem_shared>>) dst(%dma_wait3A_100 : memref<128x128xf32, #tpu.memory_space<vmem>>)
        tpu.yield
      }) : () -> ()
      %add3A_38 = arith.constant 256 : i32
      %add3A_39 = arith.addi %mul3A_24, %add3A_38 : i32
      %run_scoped3A_40 = arith.constant 1 : i32
      "tpu.region"() ({
        %run_scoped3A_80 = tpu.sem_alloc : memref<!tpu.dma_semaphore, #tpu.memory_space<semaphore_mem>>
        %dma_start3A = arith.constant 0 : i32
        %dma_start3A_81 = arith.constant 0 : i32
        %dma_start3A_82 = tpu.memref_slice %arg9[%run_scoped3A_40, %dma_start3A, %dma_start3A_81] : memref<3x128x128xf32, #tpu.memory_space<vmem>> -> memref<1x128x128xf32, #tpu.memory_space<vmem>>
        %dma_start3A_83 = tpu.memref_squeeze %dma_start3A_82 : memref<1x128x128xf32, #tpu.memory_space<vmem>> -> memref<128x128xf32, #tpu.memory_space<vmem>>
        %dma_start3A_84 = arith.constant 0 : i32
        %dma_start3A_85 = arith.constant 0 : i32
        %dma_start3A_86 = tpu.memref_slice %dma_start3A_83[%dma_start3A_84, %dma_start3A_85] : memref<128x128xf32, #tpu.memory_space<vmem>> -> memref<72x128xf32, #tpu.memory_space<vmem>>
        %dma_start3A_87 = arith.constant 0 : i32
        %dma_start3A_88 = tpu.memref_slice %arg10[%add3A_39, %dma_start3A_87] : memref<5248x128xf32, #tpu.memory_space<vmem_shared>> -> memref<72x128xf32, #tpu.memory_space<vmem_shared>>
        %dma_start3A_89 = arith.constant 0 : i32
        %dma_start3A_90 = arith.constant 0 : i32
        %dma_start3A_91 = tpu.memref_slice %arg9[%run_scoped3A_40, %dma_start3A_89, %dma_start3A_90] : memref<3x128x128xf32, #tpu.memory_space<vmem>> -> memref<1x128x128xf32, #tpu.memory_space<vmem>>
        %dma_start3A_92 = tpu.memref_squeeze %dma_start3A_91 : memref<1x128x128xf32, #tpu.memory_space<vmem>> -> memref<128x128xf32, #tpu.memory_space<vmem>>
        %dma_start3A_93 = arith.constant 0 : i32
        %dma_start3A_94 = arith.constant 0 : i32
        %dma_start3A_95 = tpu.memref_slice %dma_start3A_92[%dma_start3A_93, %dma_start3A_94] : memref<128x128xf32, #tpu.memory_space<vmem>> -> memref<72x128xf32, #tpu.memory_space<vmem>>
        %dma_start3A_96 = arith.constant 0 : i32
        %dma_start3A_97 = tpu.memref_slice %arg10[%add3A_39, %dma_start3A_96] : memref<5248x128xf32, #tpu.memory_space<vmem_shared>> -> memref<72x128xf32, #tpu.memory_space<vmem_shared>>
        tpu.enqueue_dma source(%dma_start3A_97 : memref<72x128xf32, #tpu.memory_space<vmem_shared>>) target(%dma_start3A_95 : memref<72x128xf32, #tpu.memory_space<vmem>>) target_semaphore(%run_scoped3A_80 : memref<!tpu.dma_semaphore, #tpu.memory_space<semaphore_mem>>)
        %dma_wait3A = arith.constant 0 : i32
        %dma_wait3A_98 = arith.constant 0 : i32
        %dma_wait3A_99 = tpu.memref_slice %arg9[%run_scoped3A_40, %dma_wait3A, %dma_wait3A_98] : memref<3x128x128xf32, #tpu.memory_space<vmem>> -> memref<1x128x128xf32, #tpu.memory_space<vmem>>
        %dma_wait3A_100 = tpu.memref_squeeze %dma_wait3A_99 : memref<1x128x128xf32, #tpu.memory_space<vmem>> -> memref<128x128xf32, #tpu.memory_space<vmem>>
        %dma_wait3A_101 = arith.constant 0 : i32
        %dma_wait3A_102 = arith.constant 0 : i32
        %dma_wait3A_103 = tpu.memref_slice %dma_wait3A_100[%dma_wait3A_101, %dma_wait3A_102] : memref<128x128xf32, #tpu.memory_space<vmem>> -> memref<72x128xf32, #tpu.memory_space<vmem>>
        %dma_wait3A_104 = arith.constant 0 : i32
        %dma_wait3A_105 = tpu.memref_slice %arg10[%add3A_39, %dma_wait3A_104] : memref<5248x128xf32, #tpu.memory_space<vmem_shared>> -> memref<72x128xf32, #tpu.memory_space<vmem_shared>>
        %dma_wait3A_106 = arith.constant 0 : i32
        %dma_wait3A_107 = arith.constant 0 : i32
        %dma_wait3A_108 = tpu.memref_slice %arg9[%run_scoped3A_40, %dma_wait3A_106, %dma_wait3A_107] : memref<3x128x128xf32, #tpu.memory_space<vmem>> -> memref<1x128x128xf32, #tpu.memory_space<vmem>>
        %dma_wait3A_109 = tpu.memref_squeeze %dma_wait3A_108 : memref<1x128x128xf32, #tpu.memory_space<vmem>> -> memref<128x128xf32, #tpu.memory_space<vmem>>
        %dma_wait3A_110 = arith.constant 0 : i32
        %dma_wait3A_111 = arith.constant 0 : i32
        %dma_wait3A_112 = tpu.memref_slice %dma_wait3A_109[%dma_wait3A_110, %dma_wait3A_111] : memref<128x128xf32, #tpu.memory_space<vmem>> -> memref<72x128xf32, #tpu.memory_space<vmem>>
        %dma_wait3A_113 = arith.constant 0 : i32
        %dma_wait3A_114 = tpu.memref_slice %arg10[%add3A_39, %dma_wait3A_113] : memref<5248x128xf32, #tpu.memory_space<vmem_shared>> -> memref<72x128xf32, #tpu.memory_space<vmem_shared>>
        tpu.wait_dma2 semaphore(%run_scoped3A_80 : memref<!tpu.dma_semaphore, #tpu.memory_space<semaphore_mem>>) src(%dma_wait3A_114 : memref<72x128xf32, #tpu.memory_space<vmem_shared>>) dst(%dma_wait3A_112 : memref<72x128xf32, #tpu.memory_space<vmem>>)
        tpu.yield
      }) : () -> ()
      %mul3A_41 = arith.constant 5120 : i32
      %mul3A_42 = arith.muli %scan3A_14, %mul3A_41 : i32
      %mul3A_43 = arith.constant 4880 : i32
      %mul3A_44 = arith.muli %scan3A_14, %mul3A_43 : i32
      %add3A_45 = arith.constant 5120 : i32
      %add3A_46 = arith.addi %add3A_45, %mul3A_44 : i32
      %scan3A_47 = arith.constant 0 : i32
      %scan3A_48 = arith.constant 0 : i32
      %scan3A_49 = arith.constant 80 : i32
      %scan3A_50 = arith.addi %scan3A_48, %scan3A_49 : i32
      %scan3A_51 = arith.constant 1 : i32
      %scan3A_52 = scf.for %scan3A_80 = %scan3A_48 to %scan3A_50 step %scan3A_51 iter_args(%scan3A_81 = %scan3A_47) -> (i32)  : i32 {
        %scan3A_82 = arith.constant 0 : i32
        %scan3A_83 = arith.constant 0 : i32
        %scan3A_84 = arith.constant 8 : i32
        %scan3A_85 = arith.addi %scan3A_83, %scan3A_84 : i32
        %scan3A_86 = arith.constant 1 : i32
        %scan3A_87 = scf.for %scan3A_90 = %scan3A_83 to %scan3A_85 step %scan3A_86 iter_args(%scan3A_91 = %scan3A_82) -> (i32)  : i32 {
          %mul3A_92 = arith.constant 16 : i32
          %mul3A_93 = arith.muli %scan3A_90, %mul3A_92 : i32
          %get3A = arith.index_cast %scan3A_80 : i32 to index
          %get3A_94 = arith.index_cast %mul3A_93 : i32 to index
          %get3A_95 = tpu.vector_load %arg7[%get3A, %get3A_94] {strides = array<i32>} : memref<80x128xi32, #tpu.memory_space<vmem>>, vector<1x16xi32>,
          %get3A_96 = vector.shape_cast %get3A_95 : vector<1x16xi32> to vector<16xi32>
          %sub3A = vector.broadcast %mul3A_42 : i32 to vector<16xi32>
          %sub3A_97 = arith.subi %get3A_96, %sub3A : vector<16xi32>
          %ge3A = vector.broadcast %mul3A_42 : i32 to vector<16xi32>
          %ge3A_98 = arith.cmpi sge, %get3A_96, %ge3A : vector<16xi32>
          %lt3A = vector.broadcast %add3A_46 : i32 to vector<16xi32>
          %lt3A_99 = arith.cmpi slt, %get3A_96, %lt3A : vector<16xi32>
          %and3A_100 = arith.andi %ge3A_98, %lt3A_99 : vector<16xi1>
          %jit3A = arith.constant 5120 : i32
          %broadcast_in_dim3A = vector.broadcast %jit3A : i32 to vector<16xi32>
          %select_n3A = arith.select %and3A_100, %sub3A_97, %broadcast_in_dim3A : vector<16xi1>, vector<16xi32>
          %swap3A = arith.index_cast %scan3A_80 : i32 to index
          %swap3A_101 = arith.index_cast %mul3A_93 : i32 to index
          %swap3A_102 = tpu.vector_load %arg8[%swap3A, %swap3A_101] {strides = array<i32>} : memref<80x128xi32, #tpu.memory_space<vmem>>, vector<1x16xi32>,
          %swap3A_103 = vector.shape_cast %swap3A_102 : vector<1x16xi32> to vector<16xi32>
          %swap3A_104 = vector.shape_cast %select_n3A : vector<16xi32> to vector<1x16xi32>
          tpu.vector_store %arg8[%swap3A, %swap3A_101], %swap3A_104 {strides = array<i32>} : memref<80x128xi32, #tpu.memory_space<vmem>>, vector<1x16xi32>,
          %scan3A_105 = arith.constant 0 : i32
          scf.yield %scan3A_105 : i32
        }
        %scan3A_88 = arith.constant 8 : i32
        %scan3A_89 = arith.constant 0 : i32
        scf.yield %scan3A_89 : i32
      }
      %scan3A_53 = arith.constant 80 : i32
      %barrier3A_54 = arith.constant 0 : index
      tpu.barrier barrier_id(%barrier3A_54)
      %scan3A_55 = arith.constant 0 : i32
      %scan3A_56 = arith.constant 0 : i32
      %scan3A_57 = arith.constant 80 : i32
      %scan3A_58 = arith.addi %scan3A_56, %scan3A_57 : i32
      %scan3A_59 = arith.constant 1 : i32
      %scan3A_60 = scf.for %scan3A_80 = %scan3A_56 to %scan3A_58 step %scan3A_59 iter_args(%scan3A_81 = %scan3A_55) -> (i32)  : i32 {
        %jit3A = arith.constant 3 : i32
        %eq3A_82 = arith.constant 0 : i32
        %eq3A_83 = arith.cmpi eq, %jit3A, %eq3A_82 : i32
        %jit3A_84 = arith.constant 1 : i32
        %select_n3A = arith.select %eq3A_83, %jit3A_84, %jit3A : i32
        %rem3A = arith.remsi %scan3A_80, %select_n3A : i32
        %ne3A = arith.constant 0 : i32
        %ne3A_85 = arith.cmpi ne, %rem3A, %ne3A : i32
        %lt3A = arith.constant 0 : i32
        %lt3A_86 = arith.cmpi slt, %rem3A, %lt3A : i32
        %lt3A_87 = arith.constant 0 : i32
        %lt3A_88 = arith.cmpi slt, %select_n3A, %lt3A_87 : i32
        %ne3A_89 = arith.xori %lt3A_86, %lt3A_88 : i1
        %and3A_90 = arith.andi %ne3A_89, %ne3A_85 : i1
        %add3A_91 = arith.addi %rem3A, %select_n3A : i32
        %select_n3A_92 = arith.select %and3A_90, %add3A_91, %rem3A : i32
        %dma_start3A = arith.constant 0 : i32
        %dma_start3A_93 = arith.constant 0 : i32
        %dma_start3A_94 = tpu.memref_slice %arg9[%select_n3A_92, %dma_start3A, %dma_start3A_93] : memref<3x128x128xf32, #tpu.memory_space<vmem>> -> memref<1x128x128xf32, #tpu.memory_space<vmem>>
        %dma_start3A_95 = tpu.memref_squeeze %dma_start3A_94 : memref<1x128x128xf32, #tpu.memory_space<vmem>> -> memref<128x128xf32, #tpu.memory_space<vmem>>
        %dma_start3A_96 = arith.constant 0 : i32
        %dma_start3A_97 = tpu.memref_slice %arg6[%scan3A_80, %dma_start3A_96] : memref<80x128xi32, #tpu.memory_space<vmem>> -> memref<1x128xi32, #tpu.memory_space<vmem>>
        %dma_start3A_98 = tpu.memref_squeeze %dma_start3A_97 : memref<1x128xi32, #tpu.memory_space<vmem>> -> memref<128xi32, #tpu.memory_space<vmem>>
        %dma_start3A_99 = arith.constant 0 : i32
        %dma_start3A_100 = arith.constant 0 : i32
        %dma_start3A_101 = tpu.memref_slice %arg2[%dma_start3A_99, %dma_start3A_100] : memref<20000x128xf32, #tpu.memory_space<hbm>> -> memref<20000x128xf32, #tpu.memory_space<hbm>>
        %dma_start3A_102 = tpu.memref_slice %arg11[%select_n3A_92] : memref<3x!tpu.dma_semaphore, #tpu.memory_space<semaphore_mem>> -> memref<1x!tpu.dma_semaphore, #tpu.memory_space<semaphore_mem>>
        %dma_start3A_103 = tpu.memref_squeeze %dma_start3A_102 : memref<1x!tpu.dma_semaphore, #tpu.memory_space<semaphore_mem>> -> memref<!tpu.dma_semaphore, #tpu.memory_space<semaphore_mem>>
        tpu.enqueue_indirect_dma source(%dma_start3A_101 : memref<20000x128xf32, #tpu.memory_space<hbm>>) target(%dma_start3A_95 : memref<128x128xf32, #tpu.memory_space<vmem>>) offsets(%dma_start3A_98 : memref<128xi32, #tpu.memory_space<vmem>>) semaphore(%dma_start3A_103 : memref<!tpu.dma_semaphore, #tpu.memory_space<semaphore_mem>>)
        %dma_wait3A = arith.constant 0 : i32
        %dma_wait3A_104 = arith.constant 0 : i32
        %dma_wait3A_105 = tpu.memref_slice %arg9[%select_n3A_92, %dma_wait3A, %dma_wait3A_104] : memref<3x128x128xf32, #tpu.memory_space<vmem>> -> memref<1x128x128xf32, #tpu.memory_space<vmem>>
        %dma_wait3A_106 = tpu.memref_squeeze %dma_wait3A_105 : memref<1x128x128xf32, #tpu.memory_space<vmem>> -> memref<128x128xf32, #tpu.memory_space<vmem>>
        %dma_wait3A_107 = arith.constant 0 : i32
        %dma_wait3A_108 = tpu.memref_slice %arg6[%scan3A_80, %dma_wait3A_107] : memref<80x128xi32, #tpu.memory_space<vmem>> -> memref<1x128xi32, #tpu.memory_space<vmem>>
        %dma_wait3A_109 = tpu.memref_squeeze %dma_wait3A_108 : memref<1x128xi32, #tpu.memory_space<vmem>> -> memref<128xi32, #tpu.memory_space<vmem>>
        %dma_wait3A_110 = arith.constant 0 : i32
        %dma_wait3A_111 = arith.constant 0 : i32
        %dma_wait3A_112 = tpu.memref_slice %arg2[%dma_wait3A_110, %dma_wait3A_111] : memref<20000x128xf32, #tpu.memory_space<hbm>> -> memref<20000x128xf32, #tpu.memory_space<hbm>>
        %dma_wait3A_113 = tpu.memref_slice %arg11[%select_n3A_92] : memref<3x!tpu.dma_semaphore, #tpu.memory_space<semaphore_mem>> -> memref<1x!tpu.dma_semaphore, #tpu.memory_space<semaphore_mem>>
        %dma_wait3A_114 = tpu.memref_squeeze %dma_wait3A_113 : memref<1x!tpu.dma_semaphore, #tpu.memory_space<semaphore_mem>> -> memref<!tpu.dma_semaphore, #tpu.memory_space<semaphore_mem>>
        tpu.wait_indirect_dma semaphore(%dma_wait3A_114 : memref<!tpu.dma_semaphore, #tpu.memory_space<semaphore_mem>>) src(%dma_wait3A_112 : memref<20000x128xf32, #tpu.memory_space<hbm>>) dst(%dma_wait3A_106 : memref<128x128xf32, #tpu.memory_space<vmem>>)
        "tpu.region"() ({
          %run_scoped3A_116 = tpu.sem_alloc : memref<!tpu.dma_semaphore, #tpu.memory_space<semaphore_mem>>
          %dma_start3A_117 = arith.constant 0 : i32
          %dma_start3A_118 = arith.constant 0 : i32
          %dma_start3A_119 = tpu.memref_slice %arg9[%select_n3A_92, %dma_start3A_117, %dma_start3A_118] : memref<3x128x128xf32, #tpu.memory_space<vmem>> -> memref<1x128x128xf32, #tpu.memory_space<vmem>>
          %dma_start3A_120 = tpu.memref_squeeze %dma_start3A_119 : memref<1x128x128xf32, #tpu.memory_space<vmem>> -> memref<128x128xf32, #tpu.memory_space<vmem>>
          %dma_start3A_121 = arith.constant 0 : i32
          %dma_start3A_122 = tpu.memref_slice %arg8[%scan3A_80, %dma_start3A_121] : memref<80x128xi32, #tpu.memory_space<vmem>> -> memref<1x128xi32, #tpu.memory_space<vmem>>
          %dma_start3A_123 = tpu.memref_squeeze %dma_start3A_122 : memref<1x128xi32, #tpu.memory_space<vmem>> -> memref<128xi32, #tpu.memory_space<vmem>>
          %dma_start3A_124 = arith.constant 0 : i32
          %dma_start3A_125 = arith.constant 0 : i32
          %dma_start3A_126 = tpu.memref_slice %arg10[%dma_start3A_124, %dma_start3A_125] : memref<5248x128xf32, #tpu.memory_space<vmem_shared>> -> memref<5248x128xf32, #tpu.memory_space<vmem_shared>>
          tpu.enqueue_indirect_dma source(%dma_start3A_120 : memref<128x128xf32, #tpu.memory_space<vmem>>) target(%dma_start3A_126 : memref<5248x128xf32, #tpu.memory_space<vmem_shared>>) offsets(%dma_start3A_123 : memref<128xi32, #tpu.memory_space<vmem>>) semaphore(%run_scoped3A_116 : memref<!tpu.dma_semaphore, #tpu.memory_space<semaphore_mem>>) {add = true}
          %dma_wait3A_127 = arith.constant 0 : i32
          %dma_wait3A_128 = arith.constant 0 : i32
          %dma_wait3A_129 = tpu.memref_slice %arg9[%select_n3A_92, %dma_wait3A_127, %dma_wait3A_128] : memref<3x128x128xf32, #tpu.memory_space<vmem>> -> memref<1x128x128xf32, #tpu.memory_space<vmem>>
          %dma_wait3A_130 = tpu.memref_squeeze %dma_wait3A_129 : memref<1x128x128xf32, #tpu.memory_space<vmem>> -> memref<128x128xf32, #tpu.memory_space<vmem>>
          %dma_wait3A_131 = arith.constant 0 : i32
          %dma_wait3A_132 = tpu.memref_slice %arg8[%scan3A_80, %dma_wait3A_131] : memref<80x128xi32, #tpu.memory_space<vmem>> -> memref<1x128xi32, #tpu.memory_space<vmem>>
          %dma_wait3A_133 = tpu.memref_squeeze %dma_wait3A_132 : memref<1x128xi32, #tpu.memory_space<vmem>> -> memref<128xi32, #tpu.memory_space<vmem>>
          %dma_wait3A_134 = arith.constant 0 : i32
          %dma_wait3A_135 = arith.constant 0 : i32
          %dma_wait3A_136 = tpu.memref_slice %arg10[%dma_wait3A_134, %dma_wait3A_135] : memref<5248x128xf32, #tpu.memory_space<vmem_shared>> -> memref<5248x128xf32, #tpu.memory_space<vmem_shared>>
          tpu.wait_indirect_dma semaphore(%run_scoped3A_116 : memref<!tpu.dma_semaphore, #tpu.memory_space<semaphore_mem>>) src(%dma_wait3A_130 : memref<128x128xf32, #tpu.memory_space<vmem>>) dst(%dma_wait3A_136 : memref<5248x128xf32, #tpu.memory_space<vmem_shared>>)
          tpu.yield
        }) : () -> ()
        %scan3A_115 = arith.constant 0 : i32
        scf.yield %scan3A_115 : i32
      }
      %scan3A_61 = arith.constant 80 : i32
      %barrier3A_62 = arith.constant 0 : index
      tpu.barrier barrier_id(%barrier3A_62)
      %eq3A = arith.constant 15 : i32
      %eq3A_63 = arith.cmpi eq, %arg1, %eq3A : i32
      %eq3A_64 = arith.constant 1 : i32
      %eq3A_65 = arith.cmpi eq, %scan3A_14, %eq3A_64 : i32
      %and3A = arith.andi %eq3A_63, %eq3A_65 : i1
      %mul3A_66 = arith.constant 10000 : i32
      %mul3A_67 = arith.muli %arg0, %mul3A_66 : i32
      %mul3A_68 = arith.constant 5120 : i32
      %mul3A_69 = arith.muli %scan3A_14, %mul3A_68 : i32
      %add3A_70 = arith.addi %mul3A_67, %mul3A_69 : i32
      %mul3A_71 = arith.constant 320 : i32
      %mul3A_72 = arith.muli %arg1, %mul3A_71 : i32
      %add3A_73 = arith.addi %add3A_70, %mul3A_72 : i32
      %not3A = arith.constant true
      %not3A_74 = arith.xori %and3A, %not3A : i1
      %convert_element_type3A = arith.extui %not3A_74 : i1 to i32
      %cond3A = arith.constant 0 : i32
      %cond3A_75 = arith.cmpi ne, %convert_element_type3A, %cond3A : i32
      scf.if %cond3A_75 {
        %mul3A_80 = arith.constant 320 : i32
        %mul3A_81 = arith.muli %arg1, %mul3A_80 : i32
        "tpu.region"() ({
          %run_scoped3A_82 = tpu.sem_alloc : memref<!tpu.dma_semaphore, #tpu.memory_space<semaphore_mem>>
          %dma_start3A = arith.constant 0 : i32
          %dma_start3A_83 = tpu.memref_slice %arg5[%add3A_73, %dma_start3A] : memref<20000x128xf32, #tpu.memory_space<hbm>> -> memref<320x128xf32, #tpu.memory_space<hbm>>
          %dma_start3A_84 = arith.constant 0 : i32
          %dma_start3A_85 = tpu.memref_slice %arg10[%mul3A_81, %dma_start3A_84] : memref<5248x128xf32, #tpu.memory_space<vmem_shared>> -> memref<320x128xf32, #tpu.memory_space<vmem_shared>>
          tpu.enqueue_dma source(%dma_start3A_85 : memref<320x128xf32, #tpu.memory_space<vmem_shared>>) target(%dma_start3A_83 : memref<320x128xf32, #tpu.memory_space<hbm>>) target_semaphore(%run_scoped3A_82 : memref<!tpu.dma_semaphore, #tpu.memory_space<semaphore_mem>>)
          %dma_wait3A = arith.constant 0 : i32
          %dma_wait3A_86 = tpu.memref_slice %arg5[%add3A_73, %dma_wait3A] : memref<20000x128xf32, #tpu.memory_space<hbm>> -> memref<320x128xf32, #tpu.memory_space<hbm>>
          %dma_wait3A_87 = arith.constant 0 : i32
          %dma_wait3A_88 = tpu.memref_slice %arg10[%mul3A_81, %dma_wait3A_87] : memref<5248x128xf32, #tpu.memory_space<vmem_shared>> -> memref<320x128xf32, #tpu.memory_space<vmem_shared>>
          tpu.wait_dma2 semaphore(%run_scoped3A_82 : memref<!tpu.dma_semaphore, #tpu.memory_space<semaphore_mem>>) src(%dma_wait3A_88 : memref<320x128xf32, #tpu.memory_space<vmem_shared>>) dst(%dma_wait3A_86 : memref<320x128xf32, #tpu.memory_space<hbm>>)
          tpu.yield
        }) : () -> ()
      } else {
      }
      %convert_element_type3A_76 = arith.extui %and3A : i1 to i32
      %cond3A_77 = arith.constant 0 : i32
      %cond3A_78 = arith.cmpi ne, %convert_element_type3A_76, %cond3A_77 : i32
      scf.if %cond3A_78 {
        %mul3A_80 = arith.constant 10000 : i32
        %mul3A_81 = arith.muli %arg0, %mul3A_80 : i32
        %add3A_82 = arith.constant 5120 : i32
        %add3A_83 = arith.addi %mul3A_81, %add3A_82 : i32
        %add3A_84 = arith.constant 4800 : i32
        %add3A_85 = arith.addi %add3A_83, %add3A_84 : i32
        "tpu.region"() ({
          %run_scoped3A_86 = tpu.sem_alloc : memref<!tpu.dma_semaphore, #tpu.memory_space<semaphore_mem>>
          %dma_start3A = arith.constant 0 : i32
          %dma_start3A_87 = tpu.memref_slice %arg5[%add3A_85, %dma_start3A] : memref<20000x128xf32, #tpu.memory_space<hbm>> -> memref<80x128xf32, #tpu.memory_space<hbm>>
          %dma_start3A_88 = arith.constant 4800 : i32
          %dma_start3A_89 = arith.constant 0 : i32
          %dma_start3A_90 = tpu.memref_slice %arg10[%dma_start3A_88, %dma_start3A_89] : memref<5248x128xf32, #tpu.memory_space<vmem_shared>> -> memref<80x128xf32, #tpu.memory_space<vmem_shared>>
          tpu.enqueue_dma source(%dma_start3A_90 : memref<80x128xf32, #tpu.memory_space<vmem_shared>>) target(%dma_start3A_87 : memref<80x128xf32, #tpu.memory_space<hbm>>) target_semaphore(%run_scoped3A_86 : memref<!tpu.dma_semaphore, #tpu.memory_space<semaphore_mem>>)
          %dma_wait3A = arith.constant 0 : i32
          %dma_wait3A_91 = tpu.memref_slice %arg5[%add3A_85, %dma_wait3A] : memref<20000x128xf32, #tpu.memory_space<hbm>> -> memref<80x128xf32, #tpu.memory_space<hbm>>
          %dma_wait3A_92 = arith.constant 4800 : i32
          %dma_wait3A_93 = arith.constant 0 : i32
          %dma_wait3A_94 = tpu.memref_slice %arg10[%dma_wait3A_92, %dma_wait3A_93] : memref<5248x128xf32, #tpu.memory_space<vmem_shared>> -> memref<80x128xf32, #tpu.memory_space<vmem_shared>>
          tpu.wait_dma2 semaphore(%run_scoped3A_86 : memref<!tpu.dma_semaphore, #tpu.memory_space<semaphore_mem>>) src(%dma_wait3A_94 : memref<80x128xf32, #tpu.memory_space<vmem_shared>>) dst(%dma_wait3A_91 : memref<80x128xf32, #tpu.memory_space<hbm>>)
          tpu.yield
        }) : () -> ()
      } else {
      }
      %scan3A_79 = arith.constant 0 : i32
      scf.yield %scan3A_79 : i32
    }
    %scan3A_13 = arith.constant 2 : i32
    return
  }
}

#map = affine_map<(d0, d1) -> (0, 0, 0)>
#map1 = affine_map<(d0, d1) -> (0, 0)>
module attributes {stable_mosaic.version = 14 : i64} {
  func.func @_deg_kernel(%arg0: i32, %arg1: i32, %arg2: memref<16x80x128xi32, #tpu.memory_space<hbm>>, %arg3: memref<10240x16xf32, #tpu.memory_space<hbm>>, %arg4: memref<80x128xi32, #tpu.memory_space<vmem>>, %arg5: memref<128x16xf32, #tpu.memory_space<vmem>>, %arg6: memref<128x16xf32, #tpu.memory_space<vmem>>, %arg7: memref<10240x16xf32, #tpu.memory_space<vmem_shared>>) attributes {dimension_semantics = [#tpu.dimension_semantics<core_parallel>, #tpu.dimension_semantics<subcore_parallel>], iteration_bounds = array<i64: 2, 16>, scalar_prefetch = 0 : i64, scratch_operands = 4 : i64, tpu.core_type = #tpu.core_type<sc_vector_subcore>, window_params = [{transform_indices = #map}, {transform_indices = #map1}]} {
    "tpu.region"() ({
      %run_scoped3A = tpu.sem_alloc : memref<!tpu.dma_semaphore, #tpu.memory_space<semaphore_mem>>
      %dma_start3A = arith.constant 0 : i32
      %dma_start3A_43 = arith.constant 0 : i32
      %dma_start3A_44 = tpu.memref_slice %arg2[%arg1, %dma_start3A, %dma_start3A_43] : memref<16x80x128xi32, #tpu.memory_space<hbm>> -> memref<1x80x128xi32, #tpu.memory_space<hbm>>
      %dma_start3A_45 = tpu.memref_squeeze %dma_start3A_44 : memref<1x80x128xi32, #tpu.memory_space<hbm>> -> memref<80x128xi32, #tpu.memory_space<hbm>>
      %dma_start3A_46 = arith.constant 0 : i32
      %dma_start3A_47 = arith.constant 0 : i32
      %dma_start3A_48 = tpu.memref_slice %arg2[%arg1, %dma_start3A_46, %dma_start3A_47] : memref<16x80x128xi32, #tpu.memory_space<hbm>> -> memref<1x80x128xi32, #tpu.memory_space<hbm>>
      %dma_start3A_49 = tpu.memref_squeeze %dma_start3A_48 : memref<1x80x128xi32, #tpu.memory_space<hbm>> -> memref<80x128xi32, #tpu.memory_space<hbm>>
      tpu.enqueue_dma source(%dma_start3A_49 : memref<80x128xi32, #tpu.memory_space<hbm>>) target(%arg4 : memref<80x128xi32, #tpu.memory_space<vmem>>) target_semaphore(%run_scoped3A : memref<!tpu.dma_semaphore, #tpu.memory_space<semaphore_mem>>)
      %dma_wait3A = arith.constant 0 : i32
      %dma_wait3A_50 = arith.constant 0 : i32
      %dma_wait3A_51 = tpu.memref_slice %arg2[%arg1, %dma_wait3A, %dma_wait3A_50] : memref<16x80x128xi32, #tpu.memory_space<hbm>> -> memref<1x80x128xi32, #tpu.memory_space<hbm>>
      %dma_wait3A_52 = tpu.memref_squeeze %dma_wait3A_51 : memref<1x80x128xi32, #tpu.memory_space<hbm>> -> memref<80x128xi32, #tpu.memory_space<hbm>>
      %dma_wait3A_53 = arith.constant 0 : i32
      %dma_wait3A_54 = arith.constant 0 : i32
      %dma_wait3A_55 = tpu.memref_slice %arg2[%arg1, %dma_wait3A_53, %dma_wait3A_54] : memref<16x80x128xi32, #tpu.memory_space<hbm>> -> memref<1x80x128xi32, #tpu.memory_space<hbm>>
      %dma_wait3A_56 = tpu.memref_squeeze %dma_wait3A_55 : memref<1x80x128xi32, #tpu.memory_space<hbm>> -> memref<80x128xi32, #tpu.memory_space<hbm>>
      tpu.wait_dma2 semaphore(%run_scoped3A : memref<!tpu.dma_semaphore, #tpu.memory_space<semaphore_mem>>) src(%dma_wait3A_56 : memref<80x128xi32, #tpu.memory_space<hbm>>) dst(%arg4 : memref<80x128xi32, #tpu.memory_space<vmem>>)
      tpu.yield
    }) : () -> ()
    %iota3A = tpu.iota {dimensions = array<i32: 0>} : vector<16xi32>
    %eq3A = arith.constant 0 : i32
    %eq3A_0 = vector.broadcast %eq3A : i32 to vector<16xi32>
    %eq3A_1 = arith.cmpi eq, %iota3A, %eq3A_0 : vector<16xi32>
    %jit3A = arith.constant 1.000000e+00 : f32
    %jit3A_2 = arith.constant 0.000000e+00 : f32
    %broadcast_in_dim3A = vector.broadcast %jit3A : f32 to vector<16xf32>
    %broadcast_in_dim3A_3 = vector.broadcast %jit3A_2 : f32 to vector<16xf32>
    %select_n3A = arith.select %eq3A_1, %broadcast_in_dim3A, %broadcast_in_dim3A_3 : vector<16xi1>, vector<16xf32>
    %scan3A = arith.constant 0 : i32
    %scan3A_4 = arith.constant 0 : i32
    %scan3A_5 = arith.constant 128 : i32
    %scan3A_6 = arith.addi %scan3A_4, %scan3A_5 : i32
    %scan3A_7 = arith.constant 1 : i32
    %scan3A_8 = scf.for %scan3A_43 = %scan3A_4 to %scan3A_6 step %scan3A_7 iter_args(%scan3A_44 = %scan3A) -> (i32)  : i32 {
      %swap3A = arith.index_cast %scan3A_43 : i32 to index
      %swap3A_45 = arith.constant 0 : index
      %swap3A_46 = tpu.vector_load %arg5[%swap3A, %swap3A_45] {strides = array<i32>} : memref<128x16xf32, #tpu.memory_space<vmem>>, vector<1x16xf32>,
      %swap3A_47 = vector.shape_cast %swap3A_46 : vector<1x16xf32> to vector<16xf32>
      %swap3A_48 = vector.shape_cast %select_n3A : vector<16xf32> to vector<1x16xf32>
      tpu.vector_store %arg5[%swap3A, %swap3A_45], %swap3A_48 {strides = array<i32>} : memref<128x16xf32, #tpu.memory_space<vmem>>, vector<1x16xf32>,
      %scan3A_49 = arith.constant 0 : i32
      scf.yield %scan3A_49 : i32
    }
    %scan3A_9 = arith.constant 128 : i32
    %mul3A = arith.constant 640 : i32
    %mul3A_10 = arith.muli %arg1, %mul3A : i32
    %add3A = arith.constant 0 : i32
    %add3A_11 = arith.addi %mul3A_10, %add3A : i32
    "tpu.region"() ({
      %run_scoped3A = tpu.sem_alloc : memref<!tpu.dma_semaphore, #tpu.memory_space<semaphore_mem>>
      %dma_start3A = arith.constant 0 : i32
      %dma_start3A_43 = tpu.memref_slice %arg7[%add3A_11, %dma_start3A] : memref<10240x16xf32, #tpu.memory_space<vmem_shared>> -> memref<128x16xf32, #tpu.memory_space<vmem_shared>>
      %dma_start3A_44 = arith.constant 0 : i32
      %dma_start3A_45 = tpu.memref_slice %arg7[%add3A_11, %dma_start3A_44] : memref<10240x16xf32, #tpu.memory_space<vmem_shared>> -> memref<128x16xf32, #tpu.memory_space<vmem_shared>>
      tpu.enqueue_dma source(%arg5 : memref<128x16xf32, #tpu.memory_space<vmem>>) target(%dma_start3A_45 : memref<128x16xf32, #tpu.memory_space<vmem_shared>>) target_semaphore(%run_scoped3A : memref<!tpu.dma_semaphore, #tpu.memory_space<semaphore_mem>>)
      %dma_wait3A = arith.constant 0 : i32
      %dma_wait3A_46 = tpu.memref_slice %arg7[%add3A_11, %dma_wait3A] : memref<10240x16xf32, #tpu.memory_space<vmem_shared>> -> memref<128x16xf32, #tpu.memory_space<vmem_shared>>
      %dma_wait3A_47 = arith.constant 0 : i32
      %dma_wait3A_48 = tpu.memref_slice %arg7[%add3A_11, %dma_wait3A_47] : memref<10240x16xf32, #tpu.memory_space<vmem_shared>> -> memref<128x16xf32, #tpu.memory_space<vmem_shared>>
      tpu.wait_dma2 semaphore(%run_scoped3A : memref<!tpu.dma_semaphore, #tpu.memory_space<semaphore_mem>>) src(%arg5 : memref<128x16xf32, #tpu.memory_space<vmem>>) dst(%dma_wait3A_48 : memref<128x16xf32, #tpu.memory_space<vmem_shared>>)
      tpu.yield
    }) : () -> ()
    %add3A_12 = arith.constant 128 : i32
    %add3A_13 = arith.addi %mul3A_10, %add3A_12 : i32
    "tpu.region"() ({
      %run_scoped3A = tpu.sem_alloc : memref<!tpu.dma_semaphore, #tpu.memory_space<semaphore_mem>>
      %dma_start3A = arith.constant 0 : i32
      %dma_start3A_43 = tpu.memref_slice %arg7[%add3A_13, %dma_start3A] : memref<10240x16xf32, #tpu.memory_space<vmem_shared>> -> memref<128x16xf32, #tpu.memory_space<vmem_shared>>
      %dma_start3A_44 = arith.constant 0 : i32
      %dma_start3A_45 = tpu.memref_slice %arg7[%add3A_13, %dma_start3A_44] : memref<10240x16xf32, #tpu.memory_space<vmem_shared>> -> memref<128x16xf32, #tpu.memory_space<vmem_shared>>
      tpu.enqueue_dma source(%arg5 : memref<128x16xf32, #tpu.memory_space<vmem>>) target(%dma_start3A_45 : memref<128x16xf32, #tpu.memory_space<vmem_shared>>) target_semaphore(%run_scoped3A : memref<!tpu.dma_semaphore, #tpu.memory_space<semaphore_mem>>)
      %dma_wait3A = arith.constant 0 : i32
      %dma_wait3A_46 = tpu.memref_slice %arg7[%add3A_13, %dma_wait3A] : memref<10240x16xf32, #tpu.memory_space<vmem_shared>> -> memref<128x16xf32, #tpu.memory_space<vmem_shared>>
      %dma_wait3A_47 = arith.constant 0 : i32
      %dma_wait3A_48 = tpu.memref_slice %arg7[%add3A_13, %dma_wait3A_47] : memref<10240x16xf32, #tpu.memory_space<vmem_shared>> -> memref<128x16xf32, #tpu.memory_space<vmem_shared>>
      tpu.wait_dma2 semaphore(%run_scoped3A : memref<!tpu.dma_semaphore, #tpu.memory_space<semaphore_mem>>) src(%arg5 : memref<128x16xf32, #tpu.memory_space<vmem>>) dst(%dma_wait3A_48 : memref<128x16xf32, #tpu.memory_space<vmem_shared>>)
      tpu.yield
    }) : () -> ()
    %add3A_14 = arith.constant 256 : i32
    %add3A_15 = arith.addi %mul3A_10, %add3A_14 : i32
    "tpu.region"() ({
      %run_scoped3A = tpu.sem_alloc : memref<!tpu.dma_semaphore, #tpu.memory_space<semaphore_mem>>
      %dma_start3A = arith.constant 0 : i32
      %dma_start3A_43 = tpu.memref_slice %arg7[%add3A_15, %dma_start3A] : memref<10240x16xf32, #tpu.memory_space<vmem_shared>> -> memref<128x16xf32, #tpu.memory_space<vmem_shared>>
      %dma_start3A_44 = arith.constant 0 : i32
      %dma_start3A_45 = tpu.memref_slice %arg7[%add3A_15, %dma_start3A_44] : memref<10240x16xf32, #tpu.memory_space<vmem_shared>> -> memref<128x16xf32, #tpu.memory_space<vmem_shared>>
      tpu.enqueue_dma source(%arg5 : memref<128x16xf32, #tpu.memory_space<vmem>>) target(%dma_start3A_45 : memref<128x16xf32, #tpu.memory_space<vmem_shared>>) target_semaphore(%run_scoped3A : memref<!tpu.dma_semaphore, #tpu.memory_space<semaphore_mem>>)
      %dma_wait3A = arith.constant 0 : i32
      %dma_wait3A_46 = tpu.memref_slice %arg7[%add3A_15, %dma_wait3A] : memref<10240x16xf32, #tpu.memory_space<vmem_shared>> -> memref<128x16xf32, #tpu.memory_space<vmem_shared>>
      %dma_wait3A_47 = arith.constant 0 : i32
      %dma_wait3A_48 = tpu.memref_slice %arg7[%add3A_15, %dma_wait3A_47] : memref<10240x16xf32, #tpu.memory_space<vmem_shared>> -> memref<128x16xf32, #tpu.memory_space<vmem_shared>>
      tpu.wait_dma2 semaphore(%run_scoped3A : memref<!tpu.dma_semaphore, #tpu.memory_space<semaphore_mem>>) src(%arg5 : memref<128x16xf32, #tpu.memory_space<vmem>>) dst(%dma_wait3A_48 : memref<128x16xf32, #tpu.memory_space<vmem_shared>>)
      tpu.yield
    }) : () -> ()
    %add3A_16 = arith.constant 384 : i32
    %add3A_17 = arith.addi %mul3A_10, %add3A_16 : i32
    "tpu.region"() ({
      %run_scoped3A = tpu.sem_alloc : memref<!tpu.dma_semaphore, #tpu.memory_space<semaphore_mem>>
      %dma_start3A = arith.constant 0 : i32
      %dma_start3A_43 = tpu.memref_slice %arg7[%add3A_17, %dma_start3A] : memref<10240x16xf32, #tpu.memory_space<vmem_shared>> -> memref<128x16xf32, #tpu.memory_space<vmem_shared>>
      %dma_start3A_44 = arith.constant 0 : i32
      %dma_start3A_45 = tpu.memref_slice %arg7[%add3A_17, %dma_start3A_44] : memref<10240x16xf32, #tpu.memory_space<vmem_shared>> -> memref<128x16xf32, #tpu.memory_space<vmem_shared>>
      tpu.enqueue_dma source(%arg5 : memref<128x16xf32, #tpu.memory_space<vmem>>) target(%dma_start3A_45 : memref<128x16xf32, #tpu.memory_space<vmem_shared>>) target_semaphore(%run_scoped3A : memref<!tpu.dma_semaphore, #tpu.memory_space<semaphore_mem>>)
      %dma_wait3A = arith.constant 0 : i32
      %dma_wait3A_46 = tpu.memref_slice %arg7[%add3A_17, %dma_wait3A] : memref<10240x16xf32, #tpu.memory_space<vmem_shared>> -> memref<128x16xf32, #tpu.memory_space<vmem_shared>>
      %dma_wait3A_47 = arith.constant 0 : i32
      %dma_wait3A_48 = tpu.memref_slice %arg7[%add3A_17, %dma_wait3A_47] : memref<10240x16xf32, #tpu.memory_space<vmem_shared>> -> memref<128x16xf32, #tpu.memory_space<vmem_shared>>
      tpu.wait_dma2 semaphore(%run_scoped3A : memref<!tpu.dma_semaphore, #tpu.memory_space<semaphore_mem>>) src(%arg5 : memref<128x16xf32, #tpu.memory_space<vmem>>) dst(%dma_wait3A_48 : memref<128x16xf32, #tpu.memory_space<vmem_shared>>)
      tpu.yield
    }) : () -> ()
    %add3A_18 = arith.constant 512 : i32
    %add3A_19 = arith.addi %mul3A_10, %add3A_18 : i32
    "tpu.region"() ({
      %run_scoped3A = tpu.sem_alloc : memref<!tpu.dma_semaphore, #tpu.memory_space<semaphore_mem>>
      %dma_start3A = arith.constant 0 : i32
      %dma_start3A_43 = tpu.memref_slice %arg7[%add3A_19, %dma_start3A] : memref<10240x16xf32, #tpu.memory_space<vmem_shared>> -> memref<128x16xf32, #tpu.memory_space<vmem_shared>>
      %dma_start3A_44 = arith.constant 0 : i32
      %dma_start3A_45 = tpu.memref_slice %arg7[%add3A_19, %dma_start3A_44] : memref<10240x16xf32, #tpu.memory_space<vmem_shared>> -> memref<128x16xf32, #tpu.memory_space<vmem_shared>>
      tpu.enqueue_dma source(%arg5 : memref<128x16xf32, #tpu.memory_space<vmem>>) target(%dma_start3A_45 : memref<128x16xf32, #tpu.memory_space<vmem_shared>>) target_semaphore(%run_scoped3A : memref<!tpu.dma_semaphore, #tpu.memory_space<semaphore_mem>>)
      %dma_wait3A = arith.constant 0 : i32
      %dma_wait3A_46 = tpu.memref_slice %arg7[%add3A_19, %dma_wait3A] : memref<10240x16xf32, #tpu.memory_space<vmem_shared>> -> memref<128x16xf32, #tpu.memory_space<vmem_shared>>
      %dma_wait3A_47 = arith.constant 0 : i32
      %dma_wait3A_48 = tpu.memref_slice %arg7[%add3A_19, %dma_wait3A_47] : memref<10240x16xf32, #tpu.memory_space<vmem_shared>> -> memref<128x16xf32, #tpu.memory_space<vmem_shared>>
      tpu.wait_dma2 semaphore(%run_scoped3A : memref<!tpu.dma_semaphore, #tpu.memory_space<semaphore_mem>>) src(%arg5 : memref<128x16xf32, #tpu.memory_space<vmem>>) dst(%dma_wait3A_48 : memref<128x16xf32, #tpu.memory_space<vmem_shared>>)
      tpu.yield
    }) : () -> ()
    %add3A_20 = arith.constant 0 : i32
    %add3A_21 = arith.addi %mul3A_10, %add3A_20 : i32
    "tpu.region"() ({
      %run_scoped3A = tpu.sem_alloc : memref<!tpu.dma_semaphore, #tpu.memory_space<semaphore_mem>>
      %dma_start3A = arith.constant 0 : i32
      %dma_start3A_43 = tpu.memref_slice %arg7[%add3A_21, %dma_start3A] : memref<10240x16xf32, #tpu.memory_space<vmem_shared>> -> memref<128x16xf32, #tpu.memory_space<vmem_shared>>
      %dma_start3A_44 = arith.constant 0 : i32
      %dma_start3A_45 = tpu.memref_slice %arg7[%add3A_21, %dma_start3A_44] : memref<10240x16xf32, #tpu.memory_space<vmem_shared>> -> memref<128x16xf32, #tpu.memory_space<vmem_shared>>
      tpu.enqueue_dma source(%dma_start3A_45 : memref<128x16xf32, #tpu.memory_space<vmem_shared>>) target(%arg6 : memref<128x16xf32, #tpu.memory_space<vmem>>) target_semaphore(%run_scoped3A : memref<!tpu.dma_semaphore, #tpu.memory_space<semaphore_mem>>)
      %dma_wait3A = arith.constant 0 : i32
      %dma_wait3A_46 = tpu.memref_slice %arg7[%add3A_21, %dma_wait3A] : memref<10240x16xf32, #tpu.memory_space<vmem_shared>> -> memref<128x16xf32, #tpu.memory_space<vmem_shared>>
      %dma_wait3A_47 = arith.constant 0 : i32
      %dma_wait3A_48 = tpu.memref_slice %arg7[%add3A_21, %dma_wait3A_47] : memref<10240x16xf32, #tpu.memory_space<vmem_shared>> -> memref<128x16xf32, #tpu.memory_space<vmem_shared>>
      tpu.wait_dma2 semaphore(%run_scoped3A : memref<!tpu.dma_semaphore, #tpu.memory_space<semaphore_mem>>) src(%dma_wait3A_48 : memref<128x16xf32, #tpu.memory_space<vmem_shared>>) dst(%arg6 : memref<128x16xf32, #tpu.memory_space<vmem>>)
      tpu.yield
    }) : () -> ()
    %add3A_22 = arith.constant 128 : i32
    %add3A_23 = arith.addi %mul3A_10, %add3A_22 : i32
    "tpu.region"() ({
      %run_scoped3A = tpu.sem_alloc : memref<!tpu.dma_semaphore, #tpu.memory_space<semaphore_mem>>
      %dma_start3A = arith.constant 0 : i32
      %dma_start3A_43 = tpu.memref_slice %arg7[%add3A_23, %dma_start3A] : memref<10240x16xf32, #tpu.memory_space<vmem_shared>> -> memref<128x16xf32, #tpu.memory_space<vmem_shared>>
      %dma_start3A_44 = arith.constant 0 : i32
      %dma_start3A_45 = tpu.memref_slice %arg7[%add3A_23, %dma_start3A_44] : memref<10240x16xf32, #tpu.memory_space<vmem_shared>> -> memref<128x16xf32, #tpu.memory_space<vmem_shared>>
      tpu.enqueue_dma source(%dma_start3A_45 : memref<128x16xf32, #tpu.memory_space<vmem_shared>>) target(%arg6 : memref<128x16xf32, #tpu.memory_space<vmem>>) target_semaphore(%run_scoped3A : memref<!tpu.dma_semaphore, #tpu.memory_space<semaphore_mem>>)
      %dma_wait3A = arith.constant 0 : i32
      %dma_wait3A_46 = tpu.memref_slice %arg7[%add3A_23, %dma_wait3A] : memref<10240x16xf32, #tpu.memory_space<vmem_shared>> -> memref<128x16xf32, #tpu.memory_space<vmem_shared>>
      %dma_wait3A_47 = arith.constant 0 : i32
      %dma_wait3A_48 = tpu.memref_slice %arg7[%add3A_23, %dma_wait3A_47] : memref<10240x16xf32, #tpu.memory_space<vmem_shared>> -> memref<128x16xf32, #tpu.memory_space<vmem_shared>>
      tpu.wait_dma2 semaphore(%run_scoped3A : memref<!tpu.dma_semaphore, #tpu.memory_space<semaphore_mem>>) src(%dma_wait3A_48 : memref<128x16xf32, #tpu.memory_space<vmem_shared>>) dst(%arg6 : memref<128x16xf32, #tpu.memory_space<vmem>>)
      tpu.yield
    }) : () -> ()
    %add3A_24 = arith.constant 256 : i32
    %add3A_25 = arith.addi %mul3A_10, %add3A_24 : i32
    "tpu.region"() ({
      %run_scoped3A = tpu.sem_alloc : memref<!tpu.dma_semaphore, #tpu.memory_space<semaphore_mem>>
      %dma_start3A = arith.constant 0 : i32
      %dma_start3A_43 = tpu.memref_slice %arg7[%add3A_25, %dma_start3A] : memref<10240x16xf32, #tpu.memory_space<vmem_shared>> -> memref<128x16xf32, #tpu.memory_space<vmem_shared>>
      %dma_start3A_44 = arith.constant 0 : i32
      %dma_start3A_45 = tpu.memref_slice %arg7[%add3A_25, %dma_start3A_44] : memref<10240x16xf32, #tpu.memory_space<vmem_shared>> -> memref<128x16xf32, #tpu.memory_space<vmem_shared>>
      tpu.enqueue_dma source(%dma_start3A_45 : memref<128x16xf32, #tpu.memory_space<vmem_shared>>) target(%arg6 : memref<128x16xf32, #tpu.memory_space<vmem>>) target_semaphore(%run_scoped3A : memref<!tpu.dma_semaphore, #tpu.memory_space<semaphore_mem>>)
      %dma_wait3A = arith.constant 0 : i32
      %dma_wait3A_46 = tpu.memref_slice %arg7[%add3A_25, %dma_wait3A] : memref<10240x16xf32, #tpu.memory_space<vmem_shared>> -> memref<128x16xf32, #tpu.memory_space<vmem_shared>>
      %dma_wait3A_47 = arith.constant 0 : i32
      %dma_wait3A_48 = tpu.memref_slice %arg7[%add3A_25, %dma_wait3A_47] : memref<10240x16xf32, #tpu.memory_space<vmem_shared>> -> memref<128x16xf32, #tpu.memory_space<vmem_shared>>
      tpu.wait_dma2 semaphore(%run_scoped3A : memref<!tpu.dma_semaphore, #tpu.memory_space<semaphore_mem>>) src(%dma_wait3A_48 : memref<128x16xf32, #tpu.memory_space<vmem_shared>>) dst(%arg6 : memref<128x16xf32, #tpu.memory_space<vmem>>)
      tpu.yield
    }) : () -> ()
    %add3A_26 = arith.constant 384 : i32
    %add3A_27 = arith.addi %mul3A_10, %add3A_26 : i32
    "tpu.region"() ({
      %run_scoped3A = tpu.sem_alloc : memref<!tpu.dma_semaphore, #tpu.memory_space<semaphore_mem>>
      %dma_start3A = arith.constant 0 : i32
      %dma_start3A_43 = tpu.memref_slice %arg7[%add3A_27, %dma_start3A] : memref<10240x16xf32, #tpu.memory_space<vmem_shared>> -> memref<128x16xf32, #tpu.memory_space<vmem_shared>>
      %dma_start3A_44 = arith.constant 0 : i32
      %dma_start3A_45 = tpu.memref_slice %arg7[%add3A_27, %dma_start3A_44] : memref<10240x16xf32, #tpu.memory_space<vmem_shared>> -> memref<128x16xf32, #tpu.memory_space<vmem_shared>>
      tpu.enqueue_dma source(%dma_start3A_45 : memref<128x16xf32, #tpu.memory_space<vmem_shared>>) target(%arg6 : memref<128x16xf32, #tpu.memory_space<vmem>>) target_semaphore(%run_scoped3A : memref<!tpu.dma_semaphore, #tpu.memory_space<semaphore_mem>>)
      %dma_wait3A = arith.constant 0 : i32
      %dma_wait3A_46 = tpu.memref_slice %arg7[%add3A_27, %dma_wait3A] : memref<10240x16xf32, #tpu.memory_space<vmem_shared>> -> memref<128x16xf32, #tpu.memory_space<vmem_shared>>
      %dma_wait3A_47 = arith.constant 0 : i32
      %dma_wait3A_48 = tpu.memref_slice %arg7[%add3A_27, %dma_wait3A_47] : memref<10240x16xf32, #tpu.memory_space<vmem_shared>> -> memref<128x16xf32, #tpu.memory_space<vmem_shared>>
      tpu.wait_dma2 semaphore(%run_scoped3A : memref<!tpu.dma_semaphore, #tpu.memory_space<semaphore_mem>>) src(%dma_wait3A_48 : memref<128x16xf32, #tpu.memory_space<vmem_shared>>) dst(%arg6 : memref<128x16xf32, #tpu.memory_space<vmem>>)
      tpu.yield
    }) : () -> ()
    %add3A_28 = arith.constant 512 : i32
    %add3A_29 = arith.addi %mul3A_10, %add3A_28 : i32
    "tpu.region"() ({
      %run_scoped3A = tpu.sem_alloc : memref<!tpu.dma_semaphore, #tpu.memory_space<semaphore_mem>>
      %dma_start3A = arith.constant 0 : i32
      %dma_start3A_43 = tpu.memref_slice %arg7[%add3A_29, %dma_start3A] : memref<10240x16xf32, #tpu.memory_space<vmem_shared>> -> memref<128x16xf32, #tpu.memory_space<vmem_shared>>
      %dma_start3A_44 = arith.constant 0 : i32
      %dma_start3A_45 = tpu.memref_slice %arg7[%add3A_29, %dma_start3A_44] : memref<10240x16xf32, #tpu.memory_space<vmem_shared>> -> memref<128x16xf32, #tpu.memory_space<vmem_shared>>
      tpu.enqueue_dma source(%dma_start3A_45 : memref<128x16xf32, #tpu.memory_space<vmem_shared>>) target(%arg6 : memref<128x16xf32, #tpu.memory_space<vmem>>) target_semaphore(%run_scoped3A : memref<!tpu.dma_semaphore, #tpu.memory_space<semaphore_mem>>)
      %dma_wait3A = arith.constant 0 : i32
      %dma_wait3A_46 = tpu.memref_slice %arg7[%add3A_29, %dma_wait3A] : memref<10240x16xf32, #tpu.memory_space<vmem_shared>> -> memref<128x16xf32, #tpu.memory_space<vmem_shared>>
      %dma_wait3A_47 = arith.constant 0 : i32
      %dma_wait3A_48 = tpu.memref_slice %arg7[%add3A_29, %dma_wait3A_47] : memref<10240x16xf32, #tpu.memory_space<vmem_shared>> -> memref<128x16xf32, #tpu.memory_space<vmem_shared>>
      tpu.wait_dma2 semaphore(%run_scoped3A : memref<!tpu.dma_semaphore, #tpu.memory_space<semaphore_mem>>) src(%dma_wait3A_48 : memref<128x16xf32, #tpu.memory_space<vmem_shared>>) dst(%arg6 : memref<128x16xf32, #tpu.memory_space<vmem>>)
      tpu.yield
    }) : () -> ()
    %barrier3A = arith.constant 0 : index
    tpu.barrier barrier_id(%barrier3A)
    %scan3A_30 = arith.constant 0 : i32
    %scan3A_31 = arith.constant 0 : i32
    %scan3A_32 = arith.constant 80 : i32
    %scan3A_33 = arith.addi %scan3A_31, %scan3A_32 : i32
    %scan3A_34 = arith.constant 1 : i32
    %scan3A_35 = scf.for %scan3A_43 = %scan3A_31 to %scan3A_33 step %scan3A_34 iter_args(%scan3A_44 = %scan3A_30) -> (i32)  : i32 {
      "tpu.region"() ({
        %run_scoped3A = tpu.sem_alloc : memref<!tpu.dma_semaphore, #tpu.memory_space<semaphore_mem>>
        %dma_start3A = arith.constant 0 : i32
        %dma_start3A_46 = tpu.memref_slice %arg4[%scan3A_43, %dma_start3A] : memref<80x128xi32, #tpu.memory_space<vmem>> -> memref<1x128xi32, #tpu.memory_space<vmem>>
        %dma_start3A_47 = tpu.memref_squeeze %dma_start3A_46 : memref<1x128xi32, #tpu.memory_space<vmem>> -> memref<128xi32, #tpu.memory_space<vmem>>
        %dma_start3A_48 = arith.constant 0 : i32
        %dma_start3A_49 = arith.constant 0 : i32
        %dma_start3A_50 = tpu.memref_slice %arg7[%dma_start3A_48, %dma_start3A_49] : memref<10240x16xf32, #tpu.memory_space<vmem_shared>> -> memref<10240x16xf32, #tpu.memory_space<vmem_shared>>
        tpu.enqueue_indirect_dma source(%arg5 : memref<128x16xf32, #tpu.memory_space<vmem>>) target(%dma_start3A_50 : memref<10240x16xf32, #tpu.memory_space<vmem_shared>>) offsets(%dma_start3A_47 : memref<128xi32, #tpu.memory_space<vmem>>) semaphore(%run_scoped3A : memref<!tpu.dma_semaphore, #tpu.memory_space<semaphore_mem>>) {add = true}
        %dma_wait3A = arith.constant 0 : i32
        %dma_wait3A_51 = tpu.memref_slice %arg4[%scan3A_43, %dma_wait3A] : memref<80x128xi32, #tpu.memory_space<vmem>> -> memref<1x128xi32, #tpu.memory_space<vmem>>
        %dma_wait3A_52 = tpu.memref_squeeze %dma_wait3A_51 : memref<1x128xi32, #tpu.memory_space<vmem>> -> memref<128xi32, #tpu.memory_space<vmem>>
        %dma_wait3A_53 = arith.constant 0 : i32
        %dma_wait3A_54 = arith.constant 0 : i32
        %dma_wait3A_55 = tpu.memref_slice %arg7[%dma_wait3A_53, %dma_wait3A_54] : memref<10240x16xf32, #tpu.memory_space<vmem_shared>> -> memref<10240x16xf32, #tpu.memory_space<vmem_shared>>
        tpu.wait_indirect_dma semaphore(%run_scoped3A : memref<!tpu.dma_semaphore, #tpu.memory_space<semaphore_mem>>) src(%arg5 : memref<128x16xf32, #tpu.memory_space<vmem>>) dst(%dma_wait3A_55 : memref<10240x16xf32, #tpu.memory_space<vmem_shared>>)
        tpu.yield
      }) : () -> ()
      %scan3A_45 = arith.constant 0 : i32
      scf.yield %scan3A_45 : i32
    }
    %scan3A_36 = arith.constant 80 : i32
    %barrier3A_37 = arith.constant 0 : index
    tpu.barrier barrier_id(%barrier3A_37)
    %mul3A_38 = arith.constant 5120 : i32
    %mul3A_39 = arith.muli %arg0, %mul3A_38 : i32
    %mul3A_40 = arith.constant 320 : i32
    %mul3A_41 = arith.muli %arg1, %mul3A_40 : i32
    %add3A_42 = arith.addi %mul3A_39, %mul3A_41 : i32
    "tpu.region"() ({
      %run_scoped3A = tpu.sem_alloc : memref<!tpu.dma_semaphore, #tpu.memory_space<semaphore_mem>>
      %dma_start3A = arith.constant 0 : i32
      %dma_start3A_43 = tpu.memref_slice %arg3[%add3A_42, %dma_start3A] : memref<10240x16xf32, #tpu.memory_space<hbm>> -> memref<320x16xf32, #tpu.memory_space<hbm>>
      %dma_start3A_44 = arith.constant 0 : i32
      %dma_start3A_45 = tpu.memref_slice %arg7[%add3A_42, %dma_start3A_44] : memref<10240x16xf32, #tpu.memory_space<vmem_shared>> -> memref<320x16xf32, #tpu.memory_space<vmem_shared>>
      tpu.enqueue_dma source(%dma_start3A_45 : memref<320x16xf32, #tpu.memory_space<vmem_shared>>) target(%dma_start3A_43 : memref<320x16xf32, #tpu.memory_space<hbm>>) target_semaphore(%run_scoped3A : memref<!tpu.dma_semaphore, #tpu.memory_space<semaphore_mem>>)
      %dma_wait3A = arith.constant 0 : i32
      %dma_wait3A_46 = tpu.memref_slice %arg3[%add3A_42, %dma_wait3A] : memref<10240x16xf32, #tpu.memory_space<hbm>> -> memref<320x16xf32, #tpu.memory_space<hbm>>
      %dma_wait3A_47 = arith.constant 0 : i32
      %dma_wait3A_48 = tpu.memref_slice %arg7[%add3A_42, %dma_wait3A_47] : memref<10240x16xf32, #tpu.memory_space<vmem_shared>> -> memref<320x16xf32, #tpu.memory_space<vmem_shared>>
      tpu.wait_dma2 semaphore(%run_scoped3A : memref<!tpu.dma_semaphore, #tpu.memory_space<semaphore_mem>>) src(%dma_wait3A_48 : memref<320x16xf32, #tpu.memory_space<vmem_shared>>) dst(%dma_wait3A_46 : memref<320x16xf32, #tpu.memory_space<hbm>>)
      tpu.yield
    }) : () -> ()
    return
  }
}

#map = affine_map<(d0, d1) -> (0, 0)>
#map1 = affine_map<(d0, d1) -> (0, 0, 0)>
module attributes {stable_mosaic.version = 14 : i64} {
  func.func @_segsum_kernel(%arg0: i32, %arg1: i32, %arg2: memref<20000x128xf32, #tpu.memory_space<hbm>>, %arg3: memref<16x80x128xi32, #tpu.memory_space<hbm>>, %arg4: memref<16x80x128xi32, #tpu.memory_space<hbm>>, %arg5: memref<20000x128xf32, #tpu.memory_space<hbm>>, %arg6: memref<80x128xi32, #tpu.memory_space<vmem>>, %arg7: memref<80x128xi32, #tpu.memory_space<vmem>>, %arg8: memref<80x128xi32, #tpu.memory_space<vmem>>, %arg9: memref<3x128x128xf32, #tpu.memory_space<vmem>>, %arg10: memref<5248x128xf32, #tpu.memory_space<vmem_shared>>, %arg11: memref<3x!tpu.dma_semaphore, #tpu.memory_space<semaphore_mem>>) attributes {dimension_semantics = [#tpu.dimension_semantics<core_parallel>, #tpu.dimension_semantics<subcore_parallel>], iteration_bounds = array<i64: 2, 16>, scalar_prefetch = 0 : i64, scratch_operands = 6 : i64, tpu.core_type = #tpu.core_type<sc_vector_subcore>, window_params = [{transform_indices = #map}, {transform_indices = #map1}, {transform_indices = #map1}, {transform_indices = #map}]} {
    "tpu.region"() ({
      %run_scoped3A = tpu.sem_alloc : memref<!tpu.dma_semaphore, #tpu.memory_space<semaphore_mem>>
      %dma_start3A = arith.constant 0 : i32
      %dma_start3A_14 = arith.constant 0 : i32
      %dma_start3A_15 = tpu.memref_slice %arg3[%arg1, %dma_start3A, %dma_start3A_14] : memref<16x80x128xi32, #tpu.memory_space<hbm>> -> memref<1x80x128xi32, #tpu.memory_space<hbm>>
      %dma_start3A_16 = tpu.memref_squeeze %dma_start3A_15 : memref<1x80x128xi32, #tpu.memory_space<hbm>> -> memref<80x128xi32, #tpu.memory_space<hbm>>
      %dma_start3A_17 = arith.constant 0 : i32
      %dma_start3A_18 = arith.constant 0 : i32
      %dma_start3A_19 = tpu.memref_slice %arg3[%arg1, %dma_start3A_17, %dma_start3A_18] : memref<16x80x128xi32, #tpu.memory_space<hbm>> -> memref<1x80x128xi32, #tpu.memory_space<hbm>>
      %dma_start3A_20 = tpu.memref_squeeze %dma_start3A_19 : memref<1x80x128xi32, #tpu.memory_space<hbm>> -> memref<80x128xi32, #tpu.memory_space<hbm>>
      tpu.enqueue_dma source(%dma_start3A_20 : memref<80x128xi32, #tpu.memory_space<hbm>>) target(%arg6 : memref<80x128xi32, #tpu.memory_space<vmem>>) target_semaphore(%run_scoped3A : memref<!tpu.dma_semaphore, #tpu.memory_space<semaphore_mem>>)
      %dma_wait3A = arith.constant 0 : i32
      %dma_wait3A_21 = arith.constant 0 : i32
      %dma_wait3A_22 = tpu.memref_slice %arg3[%arg1, %dma_wait3A, %dma_wait3A_21] : memref<16x80x128xi32, #tpu.memory_space<hbm>> -> memref<1x80x128xi32, #tpu.memory_space<hbm>>
      %dma_wait3A_23 = tpu.memref_squeeze %dma_wait3A_22 : memref<1x80x128xi32, #tpu.memory_space<hbm>> -> memref<80x128xi32, #tpu.memory_space<hbm>>
      %dma_wait3A_24 = arith.constant 0 : i32
      %dma_wait3A_25 = arith.constant 0 : i32
      %dma_wait3A_26 = tpu.memref_slice %arg3[%arg1, %dma_wait3A_24, %dma_wait3A_25] : memref<16x80x128xi32, #tpu.memory_space<hbm>> -> memref<1x80x128xi32, #tpu.memory_space<hbm>>
      %dma_wait3A_27 = tpu.memref_squeeze %dma_wait3A_26 : memref<1x80x128xi32, #tpu.memory_space<hbm>> -> memref<80x128xi32, #tpu.memory_space<hbm>>
      tpu.wait_dma2 semaphore(%run_scoped3A : memref<!tpu.dma_semaphore, #tpu.memory_space<semaphore_mem>>) src(%dma_wait3A_27 : memref<80x128xi32, #tpu.memory_space<hbm>>) dst(%arg6 : memref<80x128xi32, #tpu.memory_space<vmem>>)
      tpu.yield
    }) : () -> ()
    "tpu.region"() ({
      %run_scoped3A = tpu.sem_alloc : memref<!tpu.dma_semaphore, #tpu.memory_space<semaphore_mem>>
      %dma_start3A = arith.constant 0 : i32
      %dma_start3A_14 = arith.constant 0 : i32
      %dma_start3A_15 = tpu.memref_slice %arg4[%arg1, %dma_start3A, %dma_start3A_14] : memref<16x80x128xi32, #tpu.memory_space<hbm>> -> memref<1x80x128xi32, #tpu.memory_space<hbm>>
      %dma_start3A_16 = tpu.memref_squeeze %dma_start3A_15 : memref<1x80x128xi32, #tpu.memory_space<hbm>> -> memref<80x128xi32, #tpu.memory_space<hbm>>
      %dma_start3A_17 = arith.constant 0 : i32
      %dma_start3A_18 = arith.constant 0 : i32
      %dma_start3A_19 = tpu.memref_slice %arg4[%arg1, %dma_start3A_17, %dma_start3A_18] : memref<16x80x128xi32, #tpu.memory_space<hbm>> -> memref<1x80x128xi32, #tpu.memory_space<hbm>>
      %dma_start3A_20 = tpu.memref_squeeze %dma_start3A_19 : memref<1x80x128xi32, #tpu.memory_space<hbm>> -> memref<80x128xi32, #tpu.memory_space<hbm>>
      tpu.enqueue_dma source(%dma_start3A_20 : memref<80x128xi32, #tpu.memory_space<hbm>>) target(%arg7 : memref<80x128xi32, #tpu.memory_space<vmem>>) target_semaphore(%run_scoped3A : memref<!tpu.dma_semaphore, #tpu.memory_space<semaphore_mem>>)
      %dma_wait3A = arith.constant 0 : i32
      %dma_wait3A_21 = arith.constant 0 : i32
      %dma_wait3A_22 = tpu.memref_slice %arg4[%arg1, %dma_wait3A, %dma_wait3A_21] : memref<16x80x128xi32, #tpu.memory_space<hbm>> -> memref<1x80x128xi32, #tpu.memory_space<hbm>>
      %dma_wait3A_23 = tpu.memref_squeeze %dma_wait3A_22 : memref<1x80x128xi32, #tpu.memory_space<hbm>> -> memref<80x128xi32, #tpu.memory_space<hbm>>
      %dma_wait3A_24 = arith.constant 0 : i32
      %dma_wait3A_25 = arith.constant 0 : i32
      %dma_wait3A_26 = tpu.memref_slice %arg4[%arg1, %dma_wait3A_24, %dma_wait3A_25] : memref<16x80x128xi32, #tpu.memory_space<hbm>> -> memref<1x80x128xi32, #tpu.memory_space<hbm>>
      %dma_wait3A_27 = tpu.memref_squeeze %dma_wait3A_26 : memref<1x80x128xi32, #tpu.memory_space<hbm>> -> memref<80x128xi32, #tpu.memory_space<hbm>>
      tpu.wait_dma2 semaphore(%run_scoped3A : memref<!tpu.dma_semaphore, #tpu.memory_space<semaphore_mem>>) src(%dma_wait3A_27 : memref<80x128xi32, #tpu.memory_space<hbm>>) dst(%arg7 : memref<80x128xi32, #tpu.memory_space<vmem>>)
      tpu.yield
    }) : () -> ()
    %mul3A = arith.constant 10000 : i32
    %mul3A_0 = arith.muli %arg0, %mul3A : i32
    %scan3A = arith.constant 0 : i32
    %scan3A_1 = arith.constant 0 : i32
    %scan3A_2 = arith.constant 80 : i32
    %scan3A_3 = arith.addi %scan3A_1, %scan3A_2 : i32
    %scan3A_4 = arith.constant 1 : i32
    %scan3A_5 = scf.for %scan3A_14 = %scan3A_1 to %scan3A_3 step %scan3A_4 iter_args(%scan3A_15 = %scan3A) -> (i32)  : i32 {
      %scan3A_16 = arith.constant 0 : i32
      %scan3A_17 = arith.constant 0 : i32
      %scan3A_18 = arith.constant 8 : i32
      %scan3A_19 = arith.addi %scan3A_17, %scan3A_18 : i32
      %scan3A_20 = arith.constant 1 : i32
      %scan3A_21 = scf.for %scan3A_24 = %scan3A_17 to %scan3A_19 step %scan3A_20 iter_args(%scan3A_25 = %scan3A_16) -> (i32)  : i32 {
        %mul3A_26 = arith.constant 16 : i32
        %mul3A_27 = arith.muli %scan3A_24, %mul3A_26 : i32
        %get3A = arith.index_cast %scan3A_14 : i32 to index
        %get3A_28 = arith.index_cast %mul3A_27 : i32 to index
        %get3A_29 = tpu.vector_load %arg6[%get3A, %get3A_28] {strides = array<i32>} : memref<80x128xi32, #tpu.memory_space<vmem>>, vector<1x16xi32>,
        %get3A_30 = vector.shape_cast %get3A_29 : vector<1x16xi32> to vector<16xi32>
        %add3A = vector.broadcast %mul3A_0 : i32 to vector<16xi32>
        %add3A_31 = arith.addi %get3A_30, %add3A : vector<16xi32>
        %swap3A = arith.index_cast %scan3A_14 : i32 to index
        %swap3A_32 = arith.index_cast %mul3A_27 : i32 to index
        %swap3A_33 = tpu.vector_load %arg6[%swap3A, %swap3A_32] {strides = array<i32>} : memref<80x128xi32, #tpu.memory_space<vmem>>, vector<1x16xi32>,
        %swap3A_34 = vector.shape_cast %swap3A_33 : vector<1x16xi32> to vector<16xi32>
        %swap3A_35 = vector.shape_cast %add3A_31 : vector<16xi32> to vector<1x16xi32>
        tpu.vector_store %arg6[%swap3A, %swap3A_32], %swap3A_35 {strides = array<i32>} : memref<80x128xi32, #tpu.memory_space<vmem>>, vector<1x16xi32>,
        %scan3A_36 = arith.constant 0 : i32
        scf.yield %scan3A_36 : i32
      }
      %scan3A_22 = arith.constant 8 : i32
      %scan3A_23 = arith.constant 0 : i32
      scf.yield %scan3A_23 : i32
    }
    %scan3A_6 = arith.constant 80 : i32
    %scan3A_7 = arith.constant 0 : i32
    %scan3A_8 = arith.constant 0 : i32
    %scan3A_9 = arith.constant 2 : i32
    %scan3A_10 = arith.addi %scan3A_8, %scan3A_9 : i32
    %scan3A_11 = arith.constant 1 : i32
    %scan3A_12 = scf.for %scan3A_14 = %scan3A_8 to %scan3A_10 step %scan3A_11 iter_args(%scan3A_15 = %scan3A_7) -> (i32)  : i32 {
      %barrier3A = arith.constant 0 : index
      tpu.barrier barrier_id(%barrier3A)
      %scan3A_16 = arith.constant 0 : i32
      %scan3A_17 = arith.constant 0 : i32
      %scan3A_18 = arith.constant 128 : i32
      %scan3A_19 = arith.addi %scan3A_17, %scan3A_18 : i32
      %scan3A_20 = arith.constant 1 : i32
      %scan3A_21 = scf.for %scan3A_80 = %scan3A_17 to %scan3A_19 step %scan3A_20 iter_args(%scan3A_81 = %scan3A_16) -> (i32)  : i32 {
        %scan3A_82 = arith.constant 0 : i32
        %scan3A_83 = arith.constant 0 : i32
        %scan3A_84 = arith.constant 8 : i32
        %scan3A_85 = arith.addi %scan3A_83, %scan3A_84 : i32
        %scan3A_86 = arith.constant 1 : i32
        %scan3A_87 = scf.for %scan3A_90 = %scan3A_83 to %scan3A_85 step %scan3A_86 iter_args(%scan3A_91 = %scan3A_82) -> (i32)  : i32 {
          %broadcast_in_dim3A = arith.constant 0.000000e+00 : f32
          %broadcast_in_dim3A_92 = vector.broadcast %broadcast_in_dim3A : f32 to vector<16xf32>
          %mul3A_93 = arith.constant 16 : i32
          %mul3A_94 = arith.muli %scan3A_90, %mul3A_93 : i32
          %swap3A = arith.constant 0 : i32
          %swap3A_95 = arith.index_cast %swap3A : i32 to index
          %swap3A_96 = arith.index_cast %scan3A_80 : i32 to index
          %swap3A_97 = arith.index_cast %mul3A_94 : i32 to index
          %swap3A_98 = tpu.vector_load %arg9[%swap3A_95, %swap3A_96, %swap3A_97] {strides = array<i32>} : memref<3x128x128xf32, #tpu.memory_space<vmem>>, vector<1x1x16xf32>,
          %swap3A_99 = vector.shape_cast %swap3A_98 : vector<1x1x16xf32> to vector<16xf32>
          %swap3A_100 = vector.shape_cast %broadcast_in_dim3A_92 : vector<16xf32> to vector<1x1x16xf32>
          tpu.vector_store %arg9[%swap3A_95, %swap3A_96, %swap3A_97], %swap3A_100 {strides = array<i32>} : memref<3x128x128xf32, #tpu.memory_space<vmem>>, vector<1x1x16xf32>,
          %scan3A_101 = arith.constant 0 : i32
          scf.yield %scan3A_101 : i32
        }
        %scan3A_88 = arith.constant 8 : i32
        %scan3A_89 = arith.constant 0 : i32
        scf.yield %scan3A_89 : i32
      }
      %scan3A_22 = arith.constant 128 : i32
      %mul3A_23 = arith.constant 328 : i32
      %mul3A_24 = arith.muli %arg1, %mul3A_23 : i32
      %add3A = arith.constant 0 : i32
      %add3A_25 = arith.addi %mul3A_24, %add3A : i32
      %run_scoped3A = arith.constant 0 : i32
      "tpu.region"() ({
        %run_scoped3A_80 = tpu.sem_alloc : memref<!tpu.dma_semaphore, #tpu.memory_space<semaphore_mem>>
        %dma_start3A = arith.constant 0 : i32
        %dma_start3A_81 = arith.constant 0 : i32
        %dma_start3A_82 = tpu.memref_slice %arg9[%run_scoped3A, %dma_start3A, %dma_start3A_81] : memref<3x128x128xf32, #tpu.memory_space<vmem>> -> memref<1x128x128xf32, #tpu.memory_space<vmem>>
        %dma_start3A_83 = tpu.memref_squeeze %dma_start3A_82 : memref<1x128x128xf32, #tpu.memory_space<vmem>> -> memref<128x128xf32, #tpu.memory_space<vmem>>
        %dma_start3A_84 = arith.constant 0 : i32
        %dma_start3A_85 = tpu.memref_slice %arg10[%add3A_25, %dma_start3A_84] : memref<5248x128xf32, #tpu.memory_space<vmem_shared>> -> memref<128x128xf32, #tpu.memory_space<vmem_shared>>
        %dma_start3A_86 = arith.constant 0 : i32
        %dma_start3A_87 = tpu.memref_slice %arg10[%add3A_25, %dma_start3A_86] : memref<5248x128xf32, #tpu.memory_space<vmem_shared>> -> memref<128x128xf32, #tpu.memory_space<vmem_shared>>
        %dma_start3A_88 = arith.constant 0 : i32
        %dma_start3A_89 = arith.constant 0 : i32
        %dma_start3A_90 = tpu.memref_slice %arg9[%run_scoped3A, %dma_start3A_88, %dma_start3A_89] : memref<3x128x128xf32, #tpu.memory_space<vmem>> -> memref<1x128x128xf32, #tpu.memory_space<vmem>>
        %dma_start3A_91 = tpu.memref_squeeze %dma_start3A_90 : memref<1x128x128xf32, #tpu.memory_space<vmem>> -> memref<128x128xf32, #tpu.memory_space<vmem>>
        tpu.enqueue_dma source(%dma_start3A_91 : memref<128x128xf32, #tpu.memory_space<vmem>>) target(%dma_start3A_87 : memref<128x128xf32, #tpu.memory_space<vmem_shared>>) target_semaphore(%run_scoped3A_80 : memref<!tpu.dma_semaphore, #tpu.memory_space<semaphore_mem>>)
        %dma_wait3A = arith.constant 0 : i32
        %dma_wait3A_92 = arith.constant 0 : i32
        %dma_wait3A_93 = tpu.memref_slice %arg9[%run_scoped3A, %dma_wait3A, %dma_wait3A_92] : memref<3x128x128xf32, #tpu.memory_space<vmem>> -> memref<1x128x128xf32, #tpu.memory_space<vmem>>
        %dma_wait3A_94 = tpu.memref_squeeze %dma_wait3A_93 : memref<1x128x128xf32, #tpu.memory_space<vmem>> -> memref<128x128xf32, #tpu.memory_space<vmem>>
        %dma_wait3A_95 = arith.constant 0 : i32
        %dma_wait3A_96 = tpu.memref_slice %arg10[%add3A_25, %dma_wait3A_95] : memref<5248x128xf32, #tpu.memory_space<vmem_shared>> -> memref<128x128xf32, #tpu.memory_space<vmem_shared>>
        %dma_wait3A_97 = arith.constant 0 : i32
        %dma_wait3A_98 = tpu.memref_slice %arg10[%add3A_25, %dma_wait3A_97] : memref<5248x128xf32, #tpu.memory_space<vmem_shared>> -> memref<128x128xf32, #tpu.memory_space<vmem_shared>>
        %dma_wait3A_99 = arith.constant 0 : i32
        %dma_wait3A_100 = arith.constant 0 : i32
        %dma_wait3A_101 = tpu.memref_slice %arg9[%run_scoped3A, %dma_wait3A_99, %dma_wait3A_100] : memref<3x128x128xf32, #tpu.memory_space<vmem>> -> memref<1x128x128xf32, #tpu.memory_space<vmem>>
        %dma_wait3A_102 = tpu.memref_squeeze %dma_wait3A_101 : memref<1x128x128xf32, #tpu.memory_space<vmem>> -> memref<128x128xf32, #tpu.memory_space<vmem>>
        tpu.wait_dma2 semaphore(%run_scoped3A_80 : memref<!tpu.dma_semaphore, #tpu.memory_space<semaphore_mem>>) src(%dma_wait3A_102 : memref<128x128xf32, #tpu.memory_space<vmem>>) dst(%dma_wait3A_98 : memref<128x128xf32, #tpu.memory_space<vmem_shared>>)
        tpu.yield
      }) : () -> ()
      %add3A_26 = arith.constant 128 : i32
      %add3A_27 = arith.addi %mul3A_24, %add3A_26 : i32
      %run_scoped3A_28 = arith.constant 0 : i32
      "tpu.region"() ({
        %run_scoped3A_80 = tpu.sem_alloc : memref<!tpu.dma_semaphore, #tpu.memory_space<semaphore_mem>>
        %dma_start3A = arith.constant 0 : i32
        %dma_start3A_81 = arith.constant 0 : i32
        %dma_start3A_82 = tpu.memref_slice %arg9[%run_scoped3A_28, %dma_start3A, %dma_start3A_81] : memref<3x128x128xf32, #tpu.memory_space<vmem>> -> memref<1x128x128xf32, #tpu.memory_space<vmem>>
        %dma_start3A_83 = tpu.memref_squeeze %dma_start3A_82 : memref<1x128x128xf32, #tpu.memory_space<vmem>> -> memref<128x128xf32, #tpu.memory_space<vmem>>
        %dma_start3A_84 = arith.constant 0 : i32
        %dma_start3A_85 = tpu.memref_slice %arg10[%add3A_27, %dma_start3A_84] : memref<5248x128xf32, #tpu.memory_space<vmem_shared>> -> memref<128x128xf32, #tpu.memory_space<vmem_shared>>
        %dma_start3A_86 = arith.constant 0 : i32
        %dma_start3A_87 = tpu.memref_slice %arg10[%add3A_27, %dma_start3A_86] : memref<5248x128xf32, #tpu.memory_space<vmem_shared>> -> memref<128x128xf32, #tpu.memory_space<vmem_shared>>
        %dma_start3A_88 = arith.constant 0 : i32
        %dma_start3A_89 = arith.constant 0 : i32
        %dma_start3A_90 = tpu.memref_slice %arg9[%run_scoped3A_28, %dma_start3A_88, %dma_start3A_89] : memref<3x128x128xf32, #tpu.memory_space<vmem>> -> memref<1x128x128xf32, #tpu.memory_space<vmem>>
        %dma_start3A_91 = tpu.memref_squeeze %dma_start3A_90 : memref<1x128x128xf32, #tpu.memory_space<vmem>> -> memref<128x128xf32, #tpu.memory_space<vmem>>
        tpu.enqueue_dma source(%dma_start3A_91 : memref<128x128xf32, #tpu.memory_space<vmem>>) target(%dma_start3A_87 : memref<128x128xf32, #tpu.memory_space<vmem_shared>>) target_semaphore(%run_scoped3A_80 : memref<!tpu.dma_semaphore, #tpu.memory_space<semaphore_mem>>)
        %dma_wait3A = arith.constant 0 : i32
        %dma_wait3A_92 = arith.constant 0 : i32
        %dma_wait3A_93 = tpu.memref_slice %arg9[%run_scoped3A_28, %dma_wait3A, %dma_wait3A_92] : memref<3x128x128xf32, #tpu.memory_space<vmem>> -> memref<1x128x128xf32, #tpu.memory_space<vmem>>
        %dma_wait3A_94 = tpu.memref_squeeze %dma_wait3A_93 : memref<1x128x128xf32, #tpu.memory_space<vmem>> -> memref<128x128xf32, #tpu.memory_space<vmem>>
        %dma_wait3A_95 = arith.constant 0 : i32
        %dma_wait3A_96 = tpu.memref_slice %arg10[%add3A_27, %dma_wait3A_95] : memref<5248x128xf32, #tpu.memory_space<vmem_shared>> -> memref<128x128xf32, #tpu.memory_space<vmem_shared>>
        %dma_wait3A_97 = arith.constant 0 : i32
        %dma_wait3A_98 = tpu.memref_slice %arg10[%add3A_27, %dma_wait3A_97] : memref<5248x128xf32, #tpu.memory_space<vmem_shared>> -> memref<128x128xf32, #tpu.memory_space<vmem_shared>>
        %dma_wait3A_99 = arith.constant 0 : i32
        %dma_wait3A_100 = arith.constant 0 : i32
        %dma_wait3A_101 = tpu.memref_slice %arg9[%run_scoped3A_28, %dma_wait3A_99, %dma_wait3A_100] : memref<3x128x128xf32, #tpu.memory_space<vmem>> -> memref<1x128x128xf32, #tpu.memory_space<vmem>>
        %dma_wait3A_102 = tpu.memref_squeeze %dma_wait3A_101 : memref<1x128x128xf32, #tpu.memory_space<vmem>> -> memref<128x128xf32, #tpu.memory_space<vmem>>
        tpu.wait_dma2 semaphore(%run_scoped3A_80 : memref<!tpu.dma_semaphore, #tpu.memory_space<semaphore_mem>>) src(%dma_wait3A_102 : memref<128x128xf32, #tpu.memory_space<vmem>>) dst(%dma_wait3A_98 : memref<128x128xf32, #tpu.memory_space<vmem_shared>>)
        tpu.yield
      }) : () -> ()
      %add3A_29 = arith.constant 256 : i32
      %add3A_30 = arith.addi %mul3A_24, %add3A_29 : i32
      %run_scoped3A_31 = arith.constant 0 : i32
      "tpu.region"() ({
        %run_scoped3A_80 = tpu.sem_alloc : memref<!tpu.dma_semaphore, #tpu.memory_space<semaphore_mem>>
        %dma_start3A = arith.constant 0 : i32
        %dma_start3A_81 = arith.constant 0 : i32
        %dma_start3A_82 = tpu.memref_slice %arg9[%run_scoped3A_31, %dma_start3A, %dma_start3A_81] : memref<3x128x128xf32, #tpu.memory_space<vmem>> -> memref<1x128x128xf32, #tpu.memory_space<vmem>>
        %dma_start3A_83 = tpu.memref_squeeze %dma_start3A_82 : memref<1x128x128xf32, #tpu.memory_space<vmem>> -> memref<128x128xf32, #tpu.memory_space<vmem>>
        %dma_start3A_84 = arith.constant 0 : i32
        %dma_start3A_85 = arith.constant 0 : i32
        %dma_start3A_86 = tpu.memref_slice %dma_start3A_83[%dma_start3A_84, %dma_start3A_85] : memref<128x128xf32, #tpu.memory_space<vmem>> -> memref<72x128xf32, #tpu.memory_space<vmem>>
        %dma_start3A_87 = arith.constant 0 : i32
        %dma_start3A_88 = tpu.memref_slice %arg10[%add3A_30, %dma_start3A_87] : memref<5248x128xf32, #tpu.memory_space<vmem_shared>> -> memref<72x128xf32, #tpu.memory_space<vmem_shared>>
        %dma_start3A_89 = arith.constant 0 : i32
        %dma_start3A_90 = tpu.memref_slice %arg10[%add3A_30, %dma_start3A_89] : memref<5248x128xf32, #tpu.memory_space<vmem_shared>> -> memref<72x128xf32, #tpu.memory_space<vmem_shared>>
        %dma_start3A_91 = arith.constant 0 : i32
        %dma_start3A_92 = arith.constant 0 : i32
        %dma_start3A_93 = tpu.memref_slice %arg9[%run_scoped3A_31, %dma_start3A_91, %dma_start3A_92] : memref<3x128x128xf32, #tpu.memory_space<vmem>> -> memref<1x128x128xf32, #tpu.memory_space<vmem>>
        %dma_start3A_94 = tpu.memref_squeeze %dma_start3A_93 : memref<1x128x128xf32, #tpu.memory_space<vmem>> -> memref<128x128xf32, #tpu.memory_space<vmem>>
        %dma_start3A_95 = arith.constant 0 : i32
        %dma_start3A_96 = arith.constant 0 : i32
        %dma_start3A_97 = tpu.memref_slice %dma_start3A_94[%dma_start3A_95, %dma_start3A_96] : memref<128x128xf32, #tpu.memory_space<vmem>> -> memref<72x128xf32, #tpu.memory_space<vmem>>
        tpu.enqueue_dma source(%dma_start3A_97 : memref<72x128xf32, #tpu.memory_space<vmem>>) target(%dma_start3A_90 : memref<72x128xf32, #tpu.memory_space<vmem_shared>>) target_semaphore(%run_scoped3A_80 : memref<!tpu.dma_semaphore, #tpu.memory_space<semaphore_mem>>)
        %dma_wait3A = arith.constant 0 : i32
        %dma_wait3A_98 = arith.constant 0 : i32
        %dma_wait3A_99 = tpu.memref_slice %arg9[%run_scoped3A_31, %dma_wait3A, %dma_wait3A_98] : memref<3x128x128xf32, #tpu.memory_space<vmem>> -> memref<1x128x128xf32, #tpu.memory_space<vmem>>
        %dma_wait3A_100 = tpu.memref_squeeze %dma_wait3A_99 : memref<1x128x128xf32, #tpu.memory_space<vmem>> -> memref<128x128xf32, #tpu.memory_space<vmem>>
        %dma_wait3A_101 = arith.constant 0 : i32
        %dma_wait3A_102 = arith.constant 0 : i32
        %dma_wait3A_103 = tpu.memref_slice %dma_wait3A_100[%dma_wait3A_101, %dma_wait3A_102] : memref<128x128xf32, #tpu.memory_space<vmem>> -> memref<72x128xf32, #tpu.memory_space<vmem>>
        %dma_wait3A_104 = arith.constant 0 : i32
        %dma_wait3A_105 = tpu.memref_slice %arg10[%add3A_30, %dma_wait3A_104] : memref<5248x128xf32, #tpu.memory_space<vmem_shared>> -> memref<72x128xf32, #tpu.memory_space<vmem_shared>>
        %dma_wait3A_106 = arith.constant 0 : i32
        %dma_wait3A_107 = tpu.memref_slice %arg10[%add3A_30, %dma_wait3A_106] : memref<5248x128xf32, #tpu.memory_space<vmem_shared>> -> memref<72x128xf32, #tpu.memory_space<vmem_shared>>
        %dma_wait3A_108 = arith.constant 0 : i32
        %dma_wait3A_109 = arith.constant 0 : i32
        %dma_wait3A_110 = tpu.memref_slice %arg9[%run_scoped3A_31, %dma_wait3A_108, %dma_wait3A_109] : memref<3x128x128xf32, #tpu.memory_space<vmem>> -> memref<1x128x128xf32, #tpu.memory_space<vmem>>
        %dma_wait3A_111 = tpu.memref_squeeze %dma_wait3A_110 : memref<1x128x128xf32, #tpu.memory_space<vmem>> -> memref<128x128xf32, #tpu.memory_space<vmem>>
        %dma_wait3A_112 = arith.constant 0 : i32
        %dma_wait3A_113 = arith.constant 0 : i32
        %dma_wait3A_114 = tpu.memref_slice %dma_wait3A_111[%dma_wait3A_112, %dma_wait3A_113] : memref<128x128xf32, #tpu.memory_space<vmem>> -> memref<72x128xf32, #tpu.memory_space<vmem>>
        tpu.wait_dma2 semaphore(%run_scoped3A_80 : memref<!tpu.dma_semaphore, #tpu.memory_space<semaphore_mem>>) src(%dma_wait3A_114 : memref<72x128xf32, #tpu.memory_space<vmem>>) dst(%dma_wait3A_107 : memref<72x128xf32, #tpu.memory_space<vmem_shared>>)
        tpu.yield
      }) : () -> ()
      %add3A_32 = arith.constant 0 : i32
      %add3A_33 = arith.addi %mul3A_24, %add3A_32 : i32
      %run_scoped3A_34 = arith.constant 1 : i32
      "tpu.region"() ({
        %run_scoped3A_80 = tpu.sem_alloc : memref<!tpu.dma_semaphore, #tpu.memory_space<semaphore_mem>>
        %dma_start3A = arith.constant 0 : i32
        %dma_start3A_81 = arith.constant 0 : i32
        %dma_start3A_82 = tpu.memref_slice %arg9[%run_scoped3A_34, %dma_start3A, %dma_start3A_81] : memref<3x128x128xf32, #tpu.memory_space<vmem>> -> memref<1x128x128xf32, #tpu.memory_space<vmem>>
        %dma_start3A_83 = tpu.memref_squeeze %dma_start3A_82 : memref<1x128x128xf32, #tpu.memory_space<vmem>> -> memref<128x128xf32, #tpu.memory_space<vmem>>
        %dma_start3A_84 = arith.constant 0 : i32
        %dma_start3A_85 = tpu.memref_slice %arg10[%add3A_33, %dma_start3A_84] : memref<5248x128xf32, #tpu.memory_space<vmem_shared>> -> memref<128x128xf32, #tpu.memory_space<vmem_shared>>
        %dma_start3A_86 = arith.constant 0 : i32
        %dma_start3A_87 = arith.constant 0 : i32
        %dma_start3A_88 = tpu.memref_slice %arg9[%run_scoped3A_34, %dma_start3A_86, %dma_start3A_87] : memref<3x128x128xf32, #tpu.memory_space<vmem>> -> memref<1x128x128xf32, #tpu.memory_space<vmem>>
        %dma_start3A_89 = tpu.memref_squeeze %dma_start3A_88 : memref<1x128x128xf32, #tpu.memory_space<vmem>> -> memref<128x128xf32, #tpu.memory_space<vmem>>
        %dma_start3A_90 = arith.constant 0 : i32
        %dma_start3A_91 = tpu.memref_slice %arg10[%add3A_33, %dma_start3A_90] : memref<5248x128xf32, #tpu.memory_space<vmem_shared>> -> memref<128x128xf32, #tpu.memory_space<vmem_shared>>
        tpu.enqueue_dma source(%dma_start3A_91 : memref<128x128xf32, #tpu.memory_space<vmem_shared>>) target(%dma_start3A_89 : memref<128x128xf32, #tpu.memory_space<vmem>>) target_semaphore(%run_scoped3A_80 : memref<!tpu.dma_semaphore, #tpu.memory_space<semaphore_mem>>)
        %dma_wait3A = arith.constant 0 : i32
        %dma_wait3A_92 = arith.constant 0 : i32
        %dma_wait3A_93 = tpu.memref_slice %arg9[%run_scoped3A_34, %dma_wait3A, %dma_wait3A_92] : memref<3x128x128xf32, #tpu.memory_space<vmem>> -> memref<1x128x128xf32, #tpu.memory_space<vmem>>
        %dma_wait3A_94 = tpu.memref_squeeze %dma_wait3A_93 : memref<1x128x128xf32, #tpu.memory_space<vmem>> -> memref<128x128xf32, #tpu.memory_space<vmem>>
        %dma_wait3A_95 = arith.constant 0 : i32
        %dma_wait3A_96 = tpu.memref_slice %arg10[%add3A_33, %dma_wait3A_95] : memref<5248x128xf32, #tpu.memory_space<vmem_shared>> -> memref<128x128xf32, #tpu.memory_space<vmem_shared>>
        %dma_wait3A_97 = arith.constant 0 : i32
        %dma_wait3A_98 = arith.constant 0 : i32
        %dma_wait3A_99 = tpu.memref_slice %arg9[%run_scoped3A_34, %dma_wait3A_97, %dma_wait3A_98] : memref<3x128x128xf32, #tpu.memory_space<vmem>> -> memref<1x128x128xf32, #tpu.memory_space<vmem>>
        %dma_wait3A_100 = tpu.memref_squeeze %dma_wait3A_99 : memref<1x128x128xf32, #tpu.memory_space<vmem>> -> memref<128x128xf32, #tpu.memory_space<vmem>>
        %dma_wait3A_101 = arith.constant 0 : i32
        %dma_wait3A_102 = tpu.memref_slice %arg10[%add3A_33, %dma_wait3A_101] : memref<5248x128xf32, #tpu.memory_space<vmem_shared>> -> memref<128x128xf32, #tpu.memory_space<vmem_shared>>
        tpu.wait_dma2 semaphore(%run_scoped3A_80 : memref<!tpu.dma_semaphore, #tpu.memory_space<semaphore_mem>>) src(%dma_wait3A_102 : memref<128x128xf32, #tpu.memory_space<vmem_shared>>) dst(%dma_wait3A_100 : memref<128x128xf32, #tpu.memory_space<vmem>>)
        tpu.yield
      }) : () -> ()
      %add3A_35 = arith.constant 128 : i32
      %add3A_36 = arith.addi %mul3A_24, %add3A_35 : i32
      %run_scoped3A_37 = arith.constant 1 : i32
      "tpu.region"() ({
        %run_scoped3A_80 = tpu.sem_alloc : memref<!tpu.dma_semaphore, #tpu.memory_space<semaphore_mem>>
        %dma_start3A = arith.constant 0 : i32
        %dma_start3A_81 = arith.constant 0 : i32
        %dma_start3A_82 = tpu.memref_slice %arg9[%run_scoped3A_37, %dma_start3A, %dma_start3A_81] : memref<3x128x128xf32, #tpu.memory_space<vmem>> -> memref<1x128x128xf32, #tpu.memory_space<vmem>>
        %dma_start3A_83 = tpu.memref_squeeze %dma_start3A_82 : memref<1x128x128xf32, #tpu.memory_space<vmem>> -> memref<128x128xf32, #tpu.memory_space<vmem>>
        %dma_start3A_84 = arith.constant 0 : i32
        %dma_start3A_85 = tpu.memref_slice %arg10[%add3A_36, %dma_start3A_84] : memref<5248x128xf32, #tpu.memory_space<vmem_shared>> -> memref<128x128xf32, #tpu.memory_space<vmem_shared>>
        %dma_start3A_86 = arith.constant 0 : i32
        %dma_start3A_87 = arith.constant 0 : i32
        %dma_start3A_88 = tpu.memref_slice %arg9[%run_scoped3A_37, %dma_start3A_86, %dma_start3A_87] : memref<3x128x128xf32, #tpu.memory_space<vmem>> -> memref<1x128x128xf32, #tpu.memory_space<vmem>>
        %dma_start3A_89 = tpu.memref_squeeze %dma_start3A_88 : memref<1x128x128xf32, #tpu.memory_space<vmem>> -> memref<128x128xf32, #tpu.memory_space<vmem>>
        %dma_start3A_90 = arith.constant 0 : i32
        %dma_start3A_91 = tpu.memref_slice %arg10[%add3A_36, %dma_start3A_90] : memref<5248x128xf32, #tpu.memory_space<vmem_shared>> -> memref<128x128xf32, #tpu.memory_space<vmem_shared>>
        tpu.enqueue_dma source(%dma_start3A_91 : memref<128x128xf32, #tpu.memory_space<vmem_shared>>) target(%dma_start3A_89 : memref<128x128xf32, #tpu.memory_space<vmem>>) target_semaphore(%run_scoped3A_80 : memref<!tpu.dma_semaphore, #tpu.memory_space<semaphore_mem>>)
        %dma_wait3A = arith.constant 0 : i32
        %dma_wait3A_92 = arith.constant 0 : i32
        %dma_wait3A_93 = tpu.memref_slice %arg9[%run_scoped3A_37, %dma_wait3A, %dma_wait3A_92] : memref<3x128x128xf32, #tpu.memory_space<vmem>> -> memref<1x128x128xf32, #tpu.memory_space<vmem>>
        %dma_wait3A_94 = tpu.memref_squeeze %dma_wait3A_93 : memref<1x128x128xf32, #tpu.memory_space<vmem>> -> memref<128x128xf32, #tpu.memory_space<vmem>>
        %dma_wait3A_95 = arith.constant 0 : i32
        %dma_wait3A_96 = tpu.memref_slice %arg10[%add3A_36, %dma_wait3A_95] : memref<5248x128xf32, #tpu.memory_space<vmem_shared>> -> memref<128x128xf32, #tpu.memory_space<vmem_shared>>
        %dma_wait3A_97 = arith.constant 0 : i32
        %dma_wait3A_98 = arith.constant 0 : i32
        %dma_wait3A_99 = tpu.memref_slice %arg9[%run_scoped3A_37, %dma_wait3A_97, %dma_wait3A_98] : memref<3x128x128xf32, #tpu.memory_space<vmem>> -> memref<1x128x128xf32, #tpu.memory_space<vmem>>
        %dma_wait3A_100 = tpu.memref_squeeze %dma_wait3A_99 : memref<1x128x128xf32, #tpu.memory_space<vmem>> -> memref<128x128xf32, #tpu.memory_space<vmem>>
        %dma_wait3A_101 = arith.constant 0 : i32
        %dma_wait3A_102 = tpu.memref_slice %arg10[%add3A_36, %dma_wait3A_101] : memref<5248x128xf32, #tpu.memory_space<vmem_shared>> -> memref<128x128xf32, #tpu.memory_space<vmem_shared>>
        tpu.wait_dma2 semaphore(%run_scoped3A_80 : memref<!tpu.dma_semaphore, #tpu.memory_space<semaphore_mem>>) src(%dma_wait3A_102 : memref<128x128xf32, #tpu.memory_space<vmem_shared>>) dst(%dma_wait3A_100 : memref<128x128xf32, #tpu.memory_space<vmem>>)
        tpu.yield
      }) : () -> ()
      %add3A_38 = arith.constant 256 : i32
      %add3A_39 = arith.addi %mul3A_24, %add3A_38 : i32
      %run_scoped3A_40 = arith.constant 1 : i32
      "tpu.region"() ({
        %run_scoped3A_80 = tpu.sem_alloc : memref<!tpu.dma_semaphore, #tpu.memory_space<semaphore_mem>>
        %dma_start3A = arith.constant 0 : i32
        %dma_start3A_81 = arith.constant 0 : i32
        %dma_start3A_82 = tpu.memref_slice %arg9[%run_scoped3A_40, %dma_start3A, %dma_start3A_81] : memref<3x128x128xf32, #tpu.memory_space<vmem>> -> memref<1x128x128xf32, #tpu.memory_space<vmem>>
        %dma_start3A_83 = tpu.memref_squeeze %dma_start3A_82 : memref<1x128x128xf32, #tpu.memory_space<vmem>> -> memref<128x128xf32, #tpu.memory_space<vmem>>
        %dma_start3A_84 = arith.constant 0 : i32
        %dma_start3A_85 = arith.constant 0 : i32
        %dma_start3A_86 = tpu.memref_slice %dma_start3A_83[%dma_start3A_84, %dma_start3A_85] : memref<128x128xf32, #tpu.memory_space<vmem>> -> memref<72x128xf32, #tpu.memory_space<vmem>>
        %dma_start3A_87 = arith.constant 0 : i32
        %dma_start3A_88 = tpu.memref_slice %arg10[%add3A_39, %dma_start3A_87] : memref<5248x128xf32, #tpu.memory_space<vmem_shared>> -> memref<72x128xf32, #tpu.memory_space<vmem_shared>>
        %dma_start3A_89 = arith.constant 0 : i32
        %dma_start3A_90 = arith.constant 0 : i32
        %dma_start3A_91 = tpu.memref_slice %arg9[%run_scoped3A_40, %dma_start3A_89, %dma_start3A_90] : memref<3x128x128xf32, #tpu.memory_space<vmem>> -> memref<1x128x128xf32, #tpu.memory_space<vmem>>
        %dma_start3A_92 = tpu.memref_squeeze %dma_start3A_91 : memref<1x128x128xf32, #tpu.memory_space<vmem>> -> memref<128x128xf32, #tpu.memory_space<vmem>>
        %dma_start3A_93 = arith.constant 0 : i32
        %dma_start3A_94 = arith.constant 0 : i32
        %dma_start3A_95 = tpu.memref_slice %dma_start3A_92[%dma_start3A_93, %dma_start3A_94] : memref<128x128xf32, #tpu.memory_space<vmem>> -> memref<72x128xf32, #tpu.memory_space<vmem>>
        %dma_start3A_96 = arith.constant 0 : i32
        %dma_start3A_97 = tpu.memref_slice %arg10[%add3A_39, %dma_start3A_96] : memref<5248x128xf32, #tpu.memory_space<vmem_shared>> -> memref<72x128xf32, #tpu.memory_space<vmem_shared>>
        tpu.enqueue_dma source(%dma_start3A_97 : memref<72x128xf32, #tpu.memory_space<vmem_shared>>) target(%dma_start3A_95 : memref<72x128xf32, #tpu.memory_space<vmem>>) target_semaphore(%run_scoped3A_80 : memref<!tpu.dma_semaphore, #tpu.memory_space<semaphore_mem>>)
        %dma_wait3A = arith.constant 0 : i32
        %dma_wait3A_98 = arith.constant 0 : i32
        %dma_wait3A_99 = tpu.memref_slice %arg9[%run_scoped3A_40, %dma_wait3A, %dma_wait3A_98] : memref<3x128x128xf32, #tpu.memory_space<vmem>> -> memref<1x128x128xf32, #tpu.memory_space<vmem>>
        %dma_wait3A_100 = tpu.memref_squeeze %dma_wait3A_99 : memref<1x128x128xf32, #tpu.memory_space<vmem>> -> memref<128x128xf32, #tpu.memory_space<vmem>>
        %dma_wait3A_101 = arith.constant 0 : i32
        %dma_wait3A_102 = arith.constant 0 : i32
        %dma_wait3A_103 = tpu.memref_slice %dma_wait3A_100[%dma_wait3A_101, %dma_wait3A_102] : memref<128x128xf32, #tpu.memory_space<vmem>> -> memref<72x128xf32, #tpu.memory_space<vmem>>
        %dma_wait3A_104 = arith.constant 0 : i32
        %dma_wait3A_105 = tpu.memref_slice %arg10[%add3A_39, %dma_wait3A_104] : memref<5248x128xf32, #tpu.memory_space<vmem_shared>> -> memref<72x128xf32, #tpu.memory_space<vmem_shared>>
        %dma_wait3A_106 = arith.constant 0 : i32
        %dma_wait3A_107 = arith.constant 0 : i32
        %dma_wait3A_108 = tpu.memref_slice %arg9[%run_scoped3A_40, %dma_wait3A_106, %dma_wait3A_107] : memref<3x128x128xf32, #tpu.memory_space<vmem>> -> memref<1x128x128xf32, #tpu.memory_space<vmem>>
        %dma_wait3A_109 = tpu.memref_squeeze %dma_wait3A_108 : memref<1x128x128xf32, #tpu.memory_space<vmem>> -> memref<128x128xf32, #tpu.memory_space<vmem>>
        %dma_wait3A_110 = arith.constant 0 : i32
        %dma_wait3A_111 = arith.constant 0 : i32
        %dma_wait3A_112 = tpu.memref_slice %dma_wait3A_109[%dma_wait3A_110, %dma_wait3A_111] : memref<128x128xf32, #tpu.memory_space<vmem>> -> memref<72x128xf32, #tpu.memory_space<vmem>>
        %dma_wait3A_113 = arith.constant 0 : i32
        %dma_wait3A_114 = tpu.memref_slice %arg10[%add3A_39, %dma_wait3A_113] : memref<5248x128xf32, #tpu.memory_space<vmem_shared>> -> memref<72x128xf32, #tpu.memory_space<vmem_shared>>
        tpu.wait_dma2 semaphore(%run_scoped3A_80 : memref<!tpu.dma_semaphore, #tpu.memory_space<semaphore_mem>>) src(%dma_wait3A_114 : memref<72x128xf32, #tpu.memory_space<vmem_shared>>) dst(%dma_wait3A_112 : memref<72x128xf32, #tpu.memory_space<vmem>>)
        tpu.yield
      }) : () -> ()
      %mul3A_41 = arith.constant 5120 : i32
      %mul3A_42 = arith.muli %scan3A_14, %mul3A_41 : i32
      %mul3A_43 = arith.constant 4880 : i32
      %mul3A_44 = arith.muli %scan3A_14, %mul3A_43 : i32
      %add3A_45 = arith.constant 5120 : i32
      %add3A_46 = arith.addi %add3A_45, %mul3A_44 : i32
      %scan3A_47 = arith.constant 0 : i32
      %scan3A_48 = arith.constant 0 : i32
      %scan3A_49 = arith.constant 80 : i32
      %scan3A_50 = arith.addi %scan3A_48, %scan3A_49 : i32
      %scan3A_51 = arith.constant 1 : i32
      %scan3A_52 = scf.for %scan3A_80 = %scan3A_48 to %scan3A_50 step %scan3A_51 iter_args(%scan3A_81 = %scan3A_47) -> (i32)  : i32 {
        %scan3A_82 = arith.constant 0 : i32
        %scan3A_83 = arith.constant 0 : i32
        %scan3A_84 = arith.constant 8 : i32
        %scan3A_85 = arith.addi %scan3A_83, %scan3A_84 : i32
        %scan3A_86 = arith.constant 1 : i32
        %scan3A_87 = scf.for %scan3A_90 = %scan3A_83 to %scan3A_85 step %scan3A_86 iter_args(%scan3A_91 = %scan3A_82) -> (i32)  : i32 {
          %mul3A_92 = arith.constant 16 : i32
          %mul3A_93 = arith.muli %scan3A_90, %mul3A_92 : i32
          %get3A = arith.index_cast %scan3A_80 : i32 to index
          %get3A_94 = arith.index_cast %mul3A_93 : i32 to index
          %get3A_95 = tpu.vector_load %arg7[%get3A, %get3A_94] {strides = array<i32>} : memref<80x128xi32, #tpu.memory_space<vmem>>, vector<1x16xi32>,
          %get3A_96 = vector.shape_cast %get3A_95 : vector<1x16xi32> to vector<16xi32>
          %sub3A = vector.broadcast %mul3A_42 : i32 to vector<16xi32>
          %sub3A_97 = arith.subi %get3A_96, %sub3A : vector<16xi32>
          %ge3A = vector.broadcast %mul3A_42 : i32 to vector<16xi32>
          %ge3A_98 = arith.cmpi sge, %get3A_96, %ge3A : vector<16xi32>
          %lt3A = vector.broadcast %add3A_46 : i32 to vector<16xi32>
          %lt3A_99 = arith.cmpi slt, %get3A_96, %lt3A : vector<16xi32>
          %and3A_100 = arith.andi %ge3A_98, %lt3A_99 : vector<16xi1>
          %jit3A = arith.constant 5120 : i32
          %broadcast_in_dim3A = vector.broadcast %jit3A : i32 to vector<16xi32>
          %select_n3A = arith.select %and3A_100, %sub3A_97, %broadcast_in_dim3A : vector<16xi1>, vector<16xi32>
          %swap3A = arith.index_cast %scan3A_80 : i32 to index
          %swap3A_101 = arith.index_cast %mul3A_93 : i32 to index
          %swap3A_102 = tpu.vector_load %arg8[%swap3A, %swap3A_101] {strides = array<i32>} : memref<80x128xi32, #tpu.memory_space<vmem>>, vector<1x16xi32>,
          %swap3A_103 = vector.shape_cast %swap3A_102 : vector<1x16xi32> to vector<16xi32>
          %swap3A_104 = vector.shape_cast %select_n3A : vector<16xi32> to vector<1x16xi32>
          tpu.vector_store %arg8[%swap3A, %swap3A_101], %swap3A_104 {strides = array<i32>} : memref<80x128xi32, #tpu.memory_space<vmem>>, vector<1x16xi32>,
          %scan3A_105 = arith.constant 0 : i32
          scf.yield %scan3A_105 : i32
        }
        %scan3A_88 = arith.constant 8 : i32
        %scan3A_89 = arith.constant 0 : i32
        scf.yield %scan3A_89 : i32
      }
      %scan3A_53 = arith.constant 80 : i32
      %barrier3A_54 = arith.constant 0 : index
      tpu.barrier barrier_id(%barrier3A_54)
      %scan3A_55 = arith.constant 0 : i32
      %scan3A_56 = arith.constant 0 : i32
      %scan3A_57 = arith.constant 80 : i32
      %scan3A_58 = arith.addi %scan3A_56, %scan3A_57 : i32
      %scan3A_59 = arith.constant 1 : i32
      %scan3A_60 = scf.for %scan3A_80 = %scan3A_56 to %scan3A_58 step %scan3A_59 iter_args(%scan3A_81 = %scan3A_55) -> (i32)  : i32 {
        %jit3A = arith.constant 3 : i32
        %eq3A_82 = arith.constant 0 : i32
        %eq3A_83 = arith.cmpi eq, %jit3A, %eq3A_82 : i32
        %jit3A_84 = arith.constant 1 : i32
        %select_n3A = arith.select %eq3A_83, %jit3A_84, %jit3A : i32
        %rem3A = arith.remsi %scan3A_80, %select_n3A : i32
        %ne3A = arith.constant 0 : i32
        %ne3A_85 = arith.cmpi ne, %rem3A, %ne3A : i32
        %lt3A = arith.constant 0 : i32
        %lt3A_86 = arith.cmpi slt, %rem3A, %lt3A : i32
        %lt3A_87 = arith.constant 0 : i32
        %lt3A_88 = arith.cmpi slt, %select_n3A, %lt3A_87 : i32
        %ne3A_89 = arith.xori %lt3A_86, %lt3A_88 : i1
        %and3A_90 = arith.andi %ne3A_89, %ne3A_85 : i1
        %add3A_91 = arith.addi %rem3A, %select_n3A : i32
        %select_n3A_92 = arith.select %and3A_90, %add3A_91, %rem3A : i32
        %dma_start3A = arith.constant 0 : i32
        %dma_start3A_93 = arith.constant 0 : i32
        %dma_start3A_94 = tpu.memref_slice %arg9[%select_n3A_92, %dma_start3A, %dma_start3A_93] : memref<3x128x128xf32, #tpu.memory_space<vmem>> -> memref<1x128x128xf32, #tpu.memory_space<vmem>>
        %dma_start3A_95 = tpu.memref_squeeze %dma_start3A_94 : memref<1x128x128xf32, #tpu.memory_space<vmem>> -> memref<128x128xf32, #tpu.memory_space<vmem>>
        %dma_start3A_96 = arith.constant 0 : i32
        %dma_start3A_97 = tpu.memref_slice %arg6[%scan3A_80, %dma_start3A_96] : memref<80x128xi32, #tpu.memory_space<vmem>> -> memref<1x128xi32, #tpu.memory_space<vmem>>
        %dma_start3A_98 = tpu.memref_squeeze %dma_start3A_97 : memref<1x128xi32, #tpu.memory_space<vmem>> -> memref<128xi32, #tpu.memory_space<vmem>>
        %dma_start3A_99 = arith.constant 0 : i32
        %dma_start3A_100 = arith.constant 0 : i32
        %dma_start3A_101 = tpu.memref_slice %arg2[%dma_start3A_99, %dma_start3A_100] : memref<20000x128xf32, #tpu.memory_space<hbm>> -> memref<20000x128xf32, #tpu.memory_space<hbm>>
        %dma_start3A_102 = tpu.memref_slice %arg11[%select_n3A_92] : memref<3x!tpu.dma_semaphore, #tpu.memory_space<semaphore_mem>> -> memref<1x!tpu.dma_semaphore, #tpu.memory_space<semaphore_mem>>
        %dma_start3A_103 = tpu.memref_squeeze %dma_start3A_102 : memref<1x!tpu.dma_semaphore, #tpu.memory_space<semaphore_mem>> -> memref<!tpu.dma_semaphore, #tpu.memory_space<semaphore_mem>>
        tpu.enqueue_indirect_dma source(%dma_start3A_101 : memref<20000x128xf32, #tpu.memory_space<hbm>>) target(%dma_start3A_95 : memref<128x128xf32, #tpu.memory_space<vmem>>) offsets(%dma_start3A_98 : memref<128xi32, #tpu.memory_space<vmem>>) semaphore(%dma_start3A_103 : memref<!tpu.dma_semaphore, #tpu.memory_space<semaphore_mem>>)
        %dma_wait3A = arith.constant 0 : i32
        %dma_wait3A_104 = arith.constant 0 : i32
        %dma_wait3A_105 = tpu.memref_slice %arg9[%select_n3A_92, %dma_wait3A, %dma_wait3A_104] : memref<3x128x128xf32, #tpu.memory_space<vmem>> -> memref<1x128x128xf32, #tpu.memory_space<vmem>>
        %dma_wait3A_106 = tpu.memref_squeeze %dma_wait3A_105 : memref<1x128x128xf32, #tpu.memory_space<vmem>> -> memref<128x128xf32, #tpu.memory_space<vmem>>
        %dma_wait3A_107 = arith.constant 0 : i32
        %dma_wait3A_108 = tpu.memref_slice %arg6[%scan3A_80, %dma_wait3A_107] : memref<80x128xi32, #tpu.memory_space<vmem>> -> memref<1x128xi32, #tpu.memory_space<vmem>>
        %dma_wait3A_109 = tpu.memref_squeeze %dma_wait3A_108 : memref<1x128xi32, #tpu.memory_space<vmem>> -> memref<128xi32, #tpu.memory_space<vmem>>
        %dma_wait3A_110 = arith.constant 0 : i32
        %dma_wait3A_111 = arith.constant 0 : i32
        %dma_wait3A_112 = tpu.memref_slice %arg2[%dma_wait3A_110, %dma_wait3A_111] : memref<20000x128xf32, #tpu.memory_space<hbm>> -> memref<20000x128xf32, #tpu.memory_space<hbm>>
        %dma_wait3A_113 = tpu.memref_slice %arg11[%select_n3A_92] : memref<3x!tpu.dma_semaphore, #tpu.memory_space<semaphore_mem>> -> memref<1x!tpu.dma_semaphore, #tpu.memory_space<semaphore_mem>>
        %dma_wait3A_114 = tpu.memref_squeeze %dma_wait3A_113 : memref<1x!tpu.dma_semaphore, #tpu.memory_space<semaphore_mem>> -> memref<!tpu.dma_semaphore, #tpu.memory_space<semaphore_mem>>
        tpu.wait_indirect_dma semaphore(%dma_wait3A_114 : memref<!tpu.dma_semaphore, #tpu.memory_space<semaphore_mem>>) src(%dma_wait3A_112 : memref<20000x128xf32, #tpu.memory_space<hbm>>) dst(%dma_wait3A_106 : memref<128x128xf32, #tpu.memory_space<vmem>>)
        "tpu.region"() ({
          %run_scoped3A_116 = tpu.sem_alloc : memref<!tpu.dma_semaphore, #tpu.memory_space<semaphore_mem>>
          %dma_start3A_117 = arith.constant 0 : i32
          %dma_start3A_118 = arith.constant 0 : i32
          %dma_start3A_119 = tpu.memref_slice %arg9[%select_n3A_92, %dma_start3A_117, %dma_start3A_118] : memref<3x128x128xf32, #tpu.memory_space<vmem>> -> memref<1x128x128xf32, #tpu.memory_space<vmem>>
          %dma_start3A_120 = tpu.memref_squeeze %dma_start3A_119 : memref<1x128x128xf32, #tpu.memory_space<vmem>> -> memref<128x128xf32, #tpu.memory_space<vmem>>
          %dma_start3A_121 = arith.constant 0 : i32
          %dma_start3A_122 = tpu.memref_slice %arg8[%scan3A_80, %dma_start3A_121] : memref<80x128xi32, #tpu.memory_space<vmem>> -> memref<1x128xi32, #tpu.memory_space<vmem>>
          %dma_start3A_123 = tpu.memref_squeeze %dma_start3A_122 : memref<1x128xi32, #tpu.memory_space<vmem>> -> memref<128xi32, #tpu.memory_space<vmem>>
          %dma_start3A_124 = arith.constant 0 : i32
          %dma_start3A_125 = arith.constant 0 : i32
          %dma_start3A_126 = tpu.memref_slice %arg10[%dma_start3A_124, %dma_start3A_125] : memref<5248x128xf32, #tpu.memory_space<vmem_shared>> -> memref<5248x128xf32, #tpu.memory_space<vmem_shared>>
          tpu.enqueue_indirect_dma source(%dma_start3A_120 : memref<128x128xf32, #tpu.memory_space<vmem>>) target(%dma_start3A_126 : memref<5248x128xf32, #tpu.memory_space<vmem_shared>>) offsets(%dma_start3A_123 : memref<128xi32, #tpu.memory_space<vmem>>) semaphore(%run_scoped3A_116 : memref<!tpu.dma_semaphore, #tpu.memory_space<semaphore_mem>>) {add = true}
          %dma_wait3A_127 = arith.constant 0 : i32
          %dma_wait3A_128 = arith.constant 0 : i32
          %dma_wait3A_129 = tpu.memref_slice %arg9[%select_n3A_92, %dma_wait3A_127, %dma_wait3A_128] : memref<3x128x128xf32, #tpu.memory_space<vmem>> -> memref<1x128x128xf32, #tpu.memory_space<vmem>>
          %dma_wait3A_130 = tpu.memref_squeeze %dma_wait3A_129 : memref<1x128x128xf32, #tpu.memory_space<vmem>> -> memref<128x128xf32, #tpu.memory_space<vmem>>
          %dma_wait3A_131 = arith.constant 0 : i32
          %dma_wait3A_132 = tpu.memref_slice %arg8[%scan3A_80, %dma_wait3A_131] : memref<80x128xi32, #tpu.memory_space<vmem>> -> memref<1x128xi32, #tpu.memory_space<vmem>>
          %dma_wait3A_133 = tpu.memref_squeeze %dma_wait3A_132 : memref<1x128xi32, #tpu.memory_space<vmem>> -> memref<128xi32, #tpu.memory_space<vmem>>
          %dma_wait3A_134 = arith.constant 0 : i32
          %dma_wait3A_135 = arith.constant 0 : i32
          %dma_wait3A_136 = tpu.memref_slice %arg10[%dma_wait3A_134, %dma_wait3A_135] : memref<5248x128xf32, #tpu.memory_space<vmem_shared>> -> memref<5248x128xf32, #tpu.memory_space<vmem_shared>>
          tpu.wait_indirect_dma semaphore(%run_scoped3A_116 : memref<!tpu.dma_semaphore, #tpu.memory_space<semaphore_mem>>) src(%dma_wait3A_130 : memref<128x128xf32, #tpu.memory_space<vmem>>) dst(%dma_wait3A_136 : memref<5248x128xf32, #tpu.memory_space<vmem_shared>>)
          tpu.yield
        }) : () -> ()
        %scan3A_115 = arith.constant 0 : i32
        scf.yield %scan3A_115 : i32
      }
      %scan3A_61 = arith.constant 80 : i32
      %barrier3A_62 = arith.constant 0 : index
      tpu.barrier barrier_id(%barrier3A_62)
      %eq3A = arith.constant 15 : i32
      %eq3A_63 = arith.cmpi eq, %arg1, %eq3A : i32
      %eq3A_64 = arith.constant 1 : i32
      %eq3A_65 = arith.cmpi eq, %scan3A_14, %eq3A_64 : i32
      %and3A = arith.andi %eq3A_63, %eq3A_65 : i1
      %mul3A_66 = arith.constant 10000 : i32
      %mul3A_67 = arith.muli %arg0, %mul3A_66 : i32
      %mul3A_68 = arith.constant 5120 : i32
      %mul3A_69 = arith.muli %scan3A_14, %mul3A_68 : i32
      %add3A_70 = arith.addi %mul3A_67, %mul3A_69 : i32
      %mul3A_71 = arith.constant 320 : i32
      %mul3A_72 = arith.muli %arg1, %mul3A_71 : i32
      %add3A_73 = arith.addi %add3A_70, %mul3A_72 : i32
      %not3A = arith.constant true
      %not3A_74 = arith.xori %and3A, %not3A : i1
      %convert_element_type3A = arith.extui %not3A_74 : i1 to i32
      %cond3A = arith.constant 0 : i32
      %cond3A_75 = arith.cmpi ne, %convert_element_type3A, %cond3A : i32
      scf.if %cond3A_75 {
        %mul3A_80 = arith.constant 320 : i32
        %mul3A_81 = arith.muli %arg1, %mul3A_80 : i32
        "tpu.region"() ({
          %run_scoped3A_82 = tpu.sem_alloc : memref<!tpu.dma_semaphore, #tpu.memory_space<semaphore_mem>>
          %dma_start3A = arith.constant 0 : i32
          %dma_start3A_83 = tpu.memref_slice %arg5[%add3A_73, %dma_start3A] : memref<20000x128xf32, #tpu.memory_space<hbm>> -> memref<320x128xf32, #tpu.memory_space<hbm>>
          %dma_start3A_84 = arith.constant 0 : i32
          %dma_start3A_85 = tpu.memref_slice %arg10[%mul3A_81, %dma_start3A_84] : memref<5248x128xf32, #tpu.memory_space<vmem_shared>> -> memref<320x128xf32, #tpu.memory_space<vmem_shared>>
          tpu.enqueue_dma source(%dma_start3A_85 : memref<320x128xf32, #tpu.memory_space<vmem_shared>>) target(%dma_start3A_83 : memref<320x128xf32, #tpu.memory_space<hbm>>) target_semaphore(%run_scoped3A_82 : memref<!tpu.dma_semaphore, #tpu.memory_space<semaphore_mem>>)
          %dma_wait3A = arith.constant 0 : i32
          %dma_wait3A_86 = tpu.memref_slice %arg5[%add3A_73, %dma_wait3A] : memref<20000x128xf32, #tpu.memory_space<hbm>> -> memref<320x128xf32, #tpu.memory_space<hbm>>
          %dma_wait3A_87 = arith.constant 0 : i32
          %dma_wait3A_88 = tpu.memref_slice %arg10[%mul3A_81, %dma_wait3A_87] : memref<5248x128xf32, #tpu.memory_space<vmem_shared>> -> memref<320x128xf32, #tpu.memory_space<vmem_shared>>
          tpu.wait_dma2 semaphore(%run_scoped3A_82 : memref<!tpu.dma_semaphore, #tpu.memory_space<semaphore_mem>>) src(%dma_wait3A_88 : memref<320x128xf32, #tpu.memory_space<vmem_shared>>) dst(%dma_wait3A_86 : memref<320x128xf32, #tpu.memory_space<hbm>>)
          tpu.yield
        }) : () -> ()
      } else {
      }
      %convert_element_type3A_76 = arith.extui %and3A : i1 to i32
      %cond3A_77 = arith.constant 0 : i32
      %cond3A_78 = arith.cmpi ne, %convert_element_type3A_76, %cond3A_77 : i32
      scf.if %cond3A_78 {
        %mul3A_80 = arith.constant 10000 : i32
        %mul3A_81 = arith.muli %arg0, %mul3A_80 : i32
        %add3A_82 = arith.constant 5120 : i32
        %add3A_83 = arith.addi %mul3A_81, %add3A_82 : i32
        %add3A_84 = arith.constant 4800 : i32
        %add3A_85 = arith.addi %add3A_83, %add3A_84 : i32
        "tpu.region"() ({
          %run_scoped3A_86 = tpu.sem_alloc : memref<!tpu.dma_semaphore, #tpu.memory_space<semaphore_mem>>
          %dma_start3A = arith.constant 0 : i32
          %dma_start3A_87 = tpu.memref_slice %arg5[%add3A_85, %dma_start3A] : memref<20000x128xf32, #tpu.memory_space<hbm>> -> memref<80x128xf32, #tpu.memory_space<hbm>>
          %dma_start3A_88 = arith.constant 4800 : i32
          %dma_start3A_89 = arith.constant 0 : i32
          %dma_start3A_90 = tpu.memref_slice %arg10[%dma_start3A_88, %dma_start3A_89] : memref<5248x128xf32, #tpu.memory_space<vmem_shared>> -> memref<80x128xf32, #tpu.memory_space<vmem_shared>>
          tpu.enqueue_dma source(%dma_start3A_90 : memref<80x128xf32, #tpu.memory_space<vmem_shared>>) target(%dma_start3A_87 : memref<80x128xf32, #tpu.memory_space<hbm>>) target_semaphore(%run_scoped3A_86 : memref<!tpu.dma_semaphore, #tpu.memory_space<semaphore_mem>>)
          %dma_wait3A = arith.constant 0 : i32
          %dma_wait3A_91 = tpu.memref_slice %arg5[%add3A_85, %dma_wait3A] : memref<20000x128xf32, #tpu.memory_space<hbm>> -> memref<80x128xf32, #tpu.memory_space<hbm>>
          %dma_wait3A_92 = arith.constant 4800 : i32
          %dma_wait3A_93 = arith.constant 0 : i32
          %dma_wait3A_94 = tpu.memref_slice %arg10[%dma_wait3A_92, %dma_wait3A_93] : memref<5248x128xf32, #tpu.memory_space<vmem_shared>> -> memref<80x128xf32, #tpu.memory_space<vmem_shared>>
          tpu.wait_dma2 semaphore(%run_scoped3A_86 : memref<!tpu.dma_semaphore, #tpu.memory_space<semaphore_mem>>) src(%dma_wait3A_94 : memref<80x128xf32, #tpu.memory_space<vmem_shared>>) dst(%dma_wait3A_91 : memref<80x128xf32, #tpu.memory_space<hbm>>)
          tpu.yield
        }) : () -> ()
      } else {
      }
      %scan3A_79 = arith.constant 0 : i32
      scf.yield %scan3A_79 : i32
    }
    %scan3A_13 = arith.constant 2 : i32
    return
  }
}

#map = affine_map<(d0, d1) -> (0, 0)>
#map1 = affine_map<(d0, d1) -> (0, 0, 0)>
module attributes {stable_mosaic.version = 14 : i64} {
  func.func @_segsum_kernel(%arg0: i32, %arg1: i32, %arg2: memref<20000x128xf32, #tpu.memory_space<hbm>>, %arg3: memref<16x80x128xi32, #tpu.memory_space<hbm>>, %arg4: memref<16x80x128xi32, #tpu.memory_space<hbm>>, %arg5: memref<20000x128xf32, #tpu.memory_space<hbm>>, %arg6: memref<80x128xi32, #tpu.memory_space<vmem>>, %arg7: memref<80x128xi32, #tpu.memory_space<vmem>>, %arg8: memref<80x128xi32, #tpu.memory_space<vmem>>, %arg9: memref<3x128x128xf32, #tpu.memory_space<vmem>>, %arg10: memref<5248x128xf32, #tpu.memory_space<vmem_shared>>, %arg11: memref<3x!tpu.dma_semaphore, #tpu.memory_space<semaphore_mem>>) attributes {dimension_semantics = [#tpu.dimension_semantics<core_parallel>, #tpu.dimension_semantics<subcore_parallel>], iteration_bounds = array<i64: 2, 16>, scalar_prefetch = 0 : i64, scratch_operands = 6 : i64, tpu.core_type = #tpu.core_type<sc_vector_subcore>, window_params = [{transform_indices = #map}, {transform_indices = #map1}, {transform_indices = #map1}, {transform_indices = #map}]} {
    "tpu.region"() ({
      %run_scoped3A = tpu.sem_alloc : memref<!tpu.dma_semaphore, #tpu.memory_space<semaphore_mem>>
      %dma_start3A = arith.constant 0 : i32
      %dma_start3A_14 = arith.constant 0 : i32
      %dma_start3A_15 = tpu.memref_slice %arg3[%arg1, %dma_start3A, %dma_start3A_14] : memref<16x80x128xi32, #tpu.memory_space<hbm>> -> memref<1x80x128xi32, #tpu.memory_space<hbm>>
      %dma_start3A_16 = tpu.memref_squeeze %dma_start3A_15 : memref<1x80x128xi32, #tpu.memory_space<hbm>> -> memref<80x128xi32, #tpu.memory_space<hbm>>
      %dma_start3A_17 = arith.constant 0 : i32
      %dma_start3A_18 = arith.constant 0 : i32
      %dma_start3A_19 = tpu.memref_slice %arg3[%arg1, %dma_start3A_17, %dma_start3A_18] : memref<16x80x128xi32, #tpu.memory_space<hbm>> -> memref<1x80x128xi32, #tpu.memory_space<hbm>>
      %dma_start3A_20 = tpu.memref_squeeze %dma_start3A_19 : memref<1x80x128xi32, #tpu.memory_space<hbm>> -> memref<80x128xi32, #tpu.memory_space<hbm>>
      tpu.enqueue_dma source(%dma_start3A_20 : memref<80x128xi32, #tpu.memory_space<hbm>>) target(%arg6 : memref<80x128xi32, #tpu.memory_space<vmem>>) target_semaphore(%run_scoped3A : memref<!tpu.dma_semaphore, #tpu.memory_space<semaphore_mem>>)
      %dma_wait3A = arith.constant 0 : i32
      %dma_wait3A_21 = arith.constant 0 : i32
      %dma_wait3A_22 = tpu.memref_slice %arg3[%arg1, %dma_wait3A, %dma_wait3A_21] : memref<16x80x128xi32, #tpu.memory_space<hbm>> -> memref<1x80x128xi32, #tpu.memory_space<hbm>>
      %dma_wait3A_23 = tpu.memref_squeeze %dma_wait3A_22 : memref<1x80x128xi32, #tpu.memory_space<hbm>> -> memref<80x128xi32, #tpu.memory_space<hbm>>
      %dma_wait3A_24 = arith.constant 0 : i32
      %dma_wait3A_25 = arith.constant 0 : i32
      %dma_wait3A_26 = tpu.memref_slice %arg3[%arg1, %dma_wait3A_24, %dma_wait3A_25] : memref<16x80x128xi32, #tpu.memory_space<hbm>> -> memref<1x80x128xi32, #tpu.memory_space<hbm>>
      %dma_wait3A_27 = tpu.memref_squeeze %dma_wait3A_26 : memref<1x80x128xi32, #tpu.memory_space<hbm>> -> memref<80x128xi32, #tpu.memory_space<hbm>>
      tpu.wait_dma2 semaphore(%run_scoped3A : memref<!tpu.dma_semaphore, #tpu.memory_space<semaphore_mem>>) src(%dma_wait3A_27 : memref<80x128xi32, #tpu.memory_space<hbm>>) dst(%arg6 : memref<80x128xi32, #tpu.memory_space<vmem>>)
      tpu.yield
    }) : () -> ()
    "tpu.region"() ({
      %run_scoped3A = tpu.sem_alloc : memref<!tpu.dma_semaphore, #tpu.memory_space<semaphore_mem>>
      %dma_start3A = arith.constant 0 : i32
      %dma_start3A_14 = arith.constant 0 : i32
      %dma_start3A_15 = tpu.memref_slice %arg4[%arg1, %dma_start3A, %dma_start3A_14] : memref<16x80x128xi32, #tpu.memory_space<hbm>> -> memref<1x80x128xi32, #tpu.memory_space<hbm>>
      %dma_start3A_16 = tpu.memref_squeeze %dma_start3A_15 : memref<1x80x128xi32, #tpu.memory_space<hbm>> -> memref<80x128xi32, #tpu.memory_space<hbm>>
      %dma_start3A_17 = arith.constant 0 : i32
      %dma_start3A_18 = arith.constant 0 : i32
      %dma_start3A_19 = tpu.memref_slice %arg4[%arg1, %dma_start3A_17, %dma_start3A_18] : memref<16x80x128xi32, #tpu.memory_space<hbm>> -> memref<1x80x128xi32, #tpu.memory_space<hbm>>
      %dma_start3A_20 = tpu.memref_squeeze %dma_start3A_19 : memref<1x80x128xi32, #tpu.memory_space<hbm>> -> memref<80x128xi32, #tpu.memory_space<hbm>>
      tpu.enqueue_dma source(%dma_start3A_20 : memref<80x128xi32, #tpu.memory_space<hbm>>) target(%arg7 : memref<80x128xi32, #tpu.memory_space<vmem>>) target_semaphore(%run_scoped3A : memref<!tpu.dma_semaphore, #tpu.memory_space<semaphore_mem>>)
      %dma_wait3A = arith.constant 0 : i32
      %dma_wait3A_21 = arith.constant 0 : i32
      %dma_wait3A_22 = tpu.memref_slice %arg4[%arg1, %dma_wait3A, %dma_wait3A_21] : memref<16x80x128xi32, #tpu.memory_space<hbm>> -> memref<1x80x128xi32, #tpu.memory_space<hbm>>
      %dma_wait3A_23 = tpu.memref_squeeze %dma_wait3A_22 : memref<1x80x128xi32, #tpu.memory_space<hbm>> -> memref<80x128xi32, #tpu.memory_space<hbm>>
      %dma_wait3A_24 = arith.constant 0 : i32
      %dma_wait3A_25 = arith.constant 0 : i32
      %dma_wait3A_26 = tpu.memref_slice %arg4[%arg1, %dma_wait3A_24, %dma_wait3A_25] : memref<16x80x128xi32, #tpu.memory_space<hbm>> -> memref<1x80x128xi32, #tpu.memory_space<hbm>>
      %dma_wait3A_27 = tpu.memref_squeeze %dma_wait3A_26 : memref<1x80x128xi32, #tpu.memory_space<hbm>> -> memref<80x128xi32, #tpu.memory_space<hbm>>
      tpu.wait_dma2 semaphore(%run_scoped3A : memref<!tpu.dma_semaphore, #tpu.memory_space<semaphore_mem>>) src(%dma_wait3A_27 : memref<80x128xi32, #tpu.memory_space<hbm>>) dst(%arg7 : memref<80x128xi32, #tpu.memory_space<vmem>>)
      tpu.yield
    }) : () -> ()
    %mul3A = arith.constant 10000 : i32
    %mul3A_0 = arith.muli %arg0, %mul3A : i32
    %scan3A = arith.constant 0 : i32
    %scan3A_1 = arith.constant 0 : i32
    %scan3A_2 = arith.constant 80 : i32
    %scan3A_3 = arith.addi %scan3A_1, %scan3A_2 : i32
    %scan3A_4 = arith.constant 1 : i32
    %scan3A_5 = scf.for %scan3A_14 = %scan3A_1 to %scan3A_3 step %scan3A_4 iter_args(%scan3A_15 = %scan3A) -> (i32)  : i32 {
      %scan3A_16 = arith.constant 0 : i32
      %scan3A_17 = arith.constant 0 : i32
      %scan3A_18 = arith.constant 8 : i32
      %scan3A_19 = arith.addi %scan3A_17, %scan3A_18 : i32
      %scan3A_20 = arith.constant 1 : i32
      %scan3A_21 = scf.for %scan3A_24 = %scan3A_17 to %scan3A_19 step %scan3A_20 iter_args(%scan3A_25 = %scan3A_16) -> (i32)  : i32 {
        %mul3A_26 = arith.constant 16 : i32
        %mul3A_27 = arith.muli %scan3A_24, %mul3A_26 : i32
        %get3A = arith.index_cast %scan3A_14 : i32 to index
        %get3A_28 = arith.index_cast %mul3A_27 : i32 to index
        %get3A_29 = tpu.vector_load %arg6[%get3A, %get3A_28] {strides = array<i32>} : memref<80x128xi32, #tpu.memory_space<vmem>>, vector<1x16xi32>,
        %get3A_30 = vector.shape_cast %get3A_29 : vector<1x16xi32> to vector<16xi32>
        %add3A = vector.broadcast %mul3A_0 : i32 to vector<16xi32>
        %add3A_31 = arith.addi %get3A_30, %add3A : vector<16xi32>
        %swap3A = arith.index_cast %scan3A_14 : i32 to index
        %swap3A_32 = arith.index_cast %mul3A_27 : i32 to index
        %swap3A_33 = tpu.vector_load %arg6[%swap3A, %swap3A_32] {strides = array<i32>} : memref<80x128xi32, #tpu.memory_space<vmem>>, vector<1x16xi32>,
        %swap3A_34 = vector.shape_cast %swap3A_33 : vector<1x16xi32> to vector<16xi32>
        %swap3A_35 = vector.shape_cast %add3A_31 : vector<16xi32> to vector<1x16xi32>
        tpu.vector_store %arg6[%swap3A, %swap3A_32], %swap3A_35 {strides = array<i32>} : memref<80x128xi32, #tpu.memory_space<vmem>>, vector<1x16xi32>,
        %scan3A_36 = arith.constant 0 : i32
        scf.yield %scan3A_36 : i32
      }
      %scan3A_22 = arith.constant 8 : i32
      %scan3A_23 = arith.constant 0 : i32
      scf.yield %scan3A_23 : i32
    }
    %scan3A_6 = arith.constant 80 : i32
    %scan3A_7 = arith.constant 0 : i32
    %scan3A_8 = arith.constant 0 : i32
    %scan3A_9 = arith.constant 2 : i32
    %scan3A_10 = arith.addi %scan3A_8, %scan3A_9 : i32
    %scan3A_11 = arith.constant 1 : i32
    %scan3A_12 = scf.for %scan3A_14 = %scan3A_8 to %scan3A_10 step %scan3A_11 iter_args(%scan3A_15 = %scan3A_7) -> (i32)  : i32 {
      %barrier3A = arith.constant 0 : index
      tpu.barrier barrier_id(%barrier3A)
      %scan3A_16 = arith.constant 0 : i32
      %scan3A_17 = arith.constant 0 : i32
      %scan3A_18 = arith.constant 128 : i32
      %scan3A_19 = arith.addi %scan3A_17, %scan3A_18 : i32
      %scan3A_20 = arith.constant 1 : i32
      %scan3A_21 = scf.for %scan3A_80 = %scan3A_17 to %scan3A_19 step %scan3A_20 iter_args(%scan3A_81 = %scan3A_16) -> (i32)  : i32 {
        %scan3A_82 = arith.constant 0 : i32
        %scan3A_83 = arith.constant 0 : i32
        %scan3A_84 = arith.constant 8 : i32
        %scan3A_85 = arith.addi %scan3A_83, %scan3A_84 : i32
        %scan3A_86 = arith.constant 1 : i32
        %scan3A_87 = scf.for %scan3A_90 = %scan3A_83 to %scan3A_85 step %scan3A_86 iter_args(%scan3A_91 = %scan3A_82) -> (i32)  : i32 {
          %broadcast_in_dim3A = arith.constant 0.000000e+00 : f32
          %broadcast_in_dim3A_92 = vector.broadcast %broadcast_in_dim3A : f32 to vector<16xf32>
          %mul3A_93 = arith.constant 16 : i32
          %mul3A_94 = arith.muli %scan3A_90, %mul3A_93 : i32
          %swap3A = arith.constant 0 : i32
          %swap3A_95 = arith.index_cast %swap3A : i32 to index
          %swap3A_96 = arith.index_cast %scan3A_80 : i32 to index
          %swap3A_97 = arith.index_cast %mul3A_94 : i32 to index
          %swap3A_98 = tpu.vector_load %arg9[%swap3A_95, %swap3A_96, %swap3A_97] {strides = array<i32>} : memref<3x128x128xf32, #tpu.memory_space<vmem>>, vector<1x1x16xf32>,
          %swap3A_99 = vector.shape_cast %swap3A_98 : vector<1x1x16xf32> to vector<16xf32>
          %swap3A_100 = vector.shape_cast %broadcast_in_dim3A_92 : vector<16xf32> to vector<1x1x16xf32>
          tpu.vector_store %arg9[%swap3A_95, %swap3A_96, %swap3A_97], %swap3A_100 {strides = array<i32>} : memref<3x128x128xf32, #tpu.memory_space<vmem>>, vector<1x1x16xf32>,
          %scan3A_101 = arith.constant 0 : i32
          scf.yield %scan3A_101 : i32
        }
        %scan3A_88 = arith.constant 8 : i32
        %scan3A_89 = arith.constant 0 : i32
        scf.yield %scan3A_89 : i32
      }
      %scan3A_22 = arith.constant 128 : i32
      %mul3A_23 = arith.constant 328 : i32
      %mul3A_24 = arith.muli %arg1, %mul3A_23 : i32
      %add3A = arith.constant 0 : i32
      %add3A_25 = arith.addi %mul3A_24, %add3A : i32
      %run_scoped3A = arith.constant 0 : i32
      "tpu.region"() ({
        %run_scoped3A_80 = tpu.sem_alloc : memref<!tpu.dma_semaphore, #tpu.memory_space<semaphore_mem>>
        %dma_start3A = arith.constant 0 : i32
        %dma_start3A_81 = arith.constant 0 : i32
        %dma_start3A_82 = tpu.memref_slice %arg9[%run_scoped3A, %dma_start3A, %dma_start3A_81] : memref<3x128x128xf32, #tpu.memory_space<vmem>> -> memref<1x128x128xf32, #tpu.memory_space<vmem>>
        %dma_start3A_83 = tpu.memref_squeeze %dma_start3A_82 : memref<1x128x128xf32, #tpu.memory_space<vmem>> -> memref<128x128xf32, #tpu.memory_space<vmem>>
        %dma_start3A_84 = arith.constant 0 : i32
        %dma_start3A_85 = tpu.memref_slice %arg10[%add3A_25, %dma_start3A_84] : memref<5248x128xf32, #tpu.memory_space<vmem_shared>> -> memref<128x128xf32, #tpu.memory_space<vmem_shared>>
        %dma_start3A_86 = arith.constant 0 : i32
        %dma_start3A_87 = tpu.memref_slice %arg10[%add3A_25, %dma_start3A_86] : memref<5248x128xf32, #tpu.memory_space<vmem_shared>> -> memref<128x128xf32, #tpu.memory_space<vmem_shared>>
        %dma_start3A_88 = arith.constant 0 : i32
        %dma_start3A_89 = arith.constant 0 : i32
        %dma_start3A_90 = tpu.memref_slice %arg9[%run_scoped3A, %dma_start3A_88, %dma_start3A_89] : memref<3x128x128xf32, #tpu.memory_space<vmem>> -> memref<1x128x128xf32, #tpu.memory_space<vmem>>
        %dma_start3A_91 = tpu.memref_squeeze %dma_start3A_90 : memref<1x128x128xf32, #tpu.memory_space<vmem>> -> memref<128x128xf32, #tpu.memory_space<vmem>>
        tpu.enqueue_dma source(%dma_start3A_91 : memref<128x128xf32, #tpu.memory_space<vmem>>) target(%dma_start3A_87 : memref<128x128xf32, #tpu.memory_space<vmem_shared>>) target_semaphore(%run_scoped3A_80 : memref<!tpu.dma_semaphore, #tpu.memory_space<semaphore_mem>>)
        %dma_wait3A = arith.constant 0 : i32
        %dma_wait3A_92 = arith.constant 0 : i32
        %dma_wait3A_93 = tpu.memref_slice %arg9[%run_scoped3A, %dma_wait3A, %dma_wait3A_92] : memref<3x128x128xf32, #tpu.memory_space<vmem>> -> memref<1x128x128xf32, #tpu.memory_space<vmem>>
        %dma_wait3A_94 = tpu.memref_squeeze %dma_wait3A_93 : memref<1x128x128xf32, #tpu.memory_space<vmem>> -> memref<128x128xf32, #tpu.memory_space<vmem>>
        %dma_wait3A_95 = arith.constant 0 : i32
        %dma_wait3A_96 = tpu.memref_slice %arg10[%add3A_25, %dma_wait3A_95] : memref<5248x128xf32, #tpu.memory_space<vmem_shared>> -> memref<128x128xf32, #tpu.memory_space<vmem_shared>>
        %dma_wait3A_97 = arith.constant 0 : i32
        %dma_wait3A_98 = tpu.memref_slice %arg10[%add3A_25, %dma_wait3A_97] : memref<5248x128xf32, #tpu.memory_space<vmem_shared>> -> memref<128x128xf32, #tpu.memory_space<vmem_shared>>
        %dma_wait3A_99 = arith.constant 0 : i32
        %dma_wait3A_100 = arith.constant 0 : i32
        %dma_wait3A_101 = tpu.memref_slice %arg9[%run_scoped3A, %dma_wait3A_99, %dma_wait3A_100] : memref<3x128x128xf32, #tpu.memory_space<vmem>> -> memref<1x128x128xf32, #tpu.memory_space<vmem>>
        %dma_wait3A_102 = tpu.memref_squeeze %dma_wait3A_101 : memref<1x128x128xf32, #tpu.memory_space<vmem>> -> memref<128x128xf32, #tpu.memory_space<vmem>>
        tpu.wait_dma2 semaphore(%run_scoped3A_80 : memref<!tpu.dma_semaphore, #tpu.memory_space<semaphore_mem>>) src(%dma_wait3A_102 : memref<128x128xf32, #tpu.memory_space<vmem>>) dst(%dma_wait3A_98 : memref<128x128xf32, #tpu.memory_space<vmem_shared>>)
        tpu.yield
      }) : () -> ()
      %add3A_26 = arith.constant 128 : i32
      %add3A_27 = arith.addi %mul3A_24, %add3A_26 : i32
      %run_scoped3A_28 = arith.constant 0 : i32
      "tpu.region"() ({
        %run_scoped3A_80 = tpu.sem_alloc : memref<!tpu.dma_semaphore, #tpu.memory_space<semaphore_mem>>
        %dma_start3A = arith.constant 0 : i32
        %dma_start3A_81 = arith.constant 0 : i32
        %dma_start3A_82 = tpu.memref_slice %arg9[%run_scoped3A_28, %dma_start3A, %dma_start3A_81] : memref<3x128x128xf32, #tpu.memory_space<vmem>> -> memref<1x128x128xf32, #tpu.memory_space<vmem>>
        %dma_start3A_83 = tpu.memref_squeeze %dma_start3A_82 : memref<1x128x128xf32, #tpu.memory_space<vmem>> -> memref<128x128xf32, #tpu.memory_space<vmem>>
        %dma_start3A_84 = arith.constant 0 : i32
        %dma_start3A_85 = tpu.memref_slice %arg10[%add3A_27, %dma_start3A_84] : memref<5248x128xf32, #tpu.memory_space<vmem_shared>> -> memref<128x128xf32, #tpu.memory_space<vmem_shared>>
        %dma_start3A_86 = arith.constant 0 : i32
        %dma_start3A_87 = tpu.memref_slice %arg10[%add3A_27, %dma_start3A_86] : memref<5248x128xf32, #tpu.memory_space<vmem_shared>> -> memref<128x128xf32, #tpu.memory_space<vmem_shared>>
        %dma_start3A_88 = arith.constant 0 : i32
        %dma_start3A_89 = arith.constant 0 : i32
        %dma_start3A_90 = tpu.memref_slice %arg9[%run_scoped3A_28, %dma_start3A_88, %dma_start3A_89] : memref<3x128x128xf32, #tpu.memory_space<vmem>> -> memref<1x128x128xf32, #tpu.memory_space<vmem>>
        %dma_start3A_91 = tpu.memref_squeeze %dma_start3A_90 : memref<1x128x128xf32, #tpu.memory_space<vmem>> -> memref<128x128xf32, #tpu.memory_space<vmem>>
        tpu.enqueue_dma source(%dma_start3A_91 : memref<128x128xf32, #tpu.memory_space<vmem>>) target(%dma_start3A_87 : memref<128x128xf32, #tpu.memory_space<vmem_shared>>) target_semaphore(%run_scoped3A_80 : memref<!tpu.dma_semaphore, #tpu.memory_space<semaphore_mem>>)
        %dma_wait3A = arith.constant 0 : i32
        %dma_wait3A_92 = arith.constant 0 : i32
        %dma_wait3A_93 = tpu.memref_slice %arg9[%run_scoped3A_28, %dma_wait3A, %dma_wait3A_92] : memref<3x128x128xf32, #tpu.memory_space<vmem>> -> memref<1x128x128xf32, #tpu.memory_space<vmem>>
        %dma_wait3A_94 = tpu.memref_squeeze %dma_wait3A_93 : memref<1x128x128xf32, #tpu.memory_space<vmem>> -> memref<128x128xf32, #tpu.memory_space<vmem>>
        %dma_wait3A_95 = arith.constant 0 : i32
        %dma_wait3A_96 = tpu.memref_slice %arg10[%add3A_27, %dma_wait3A_95] : memref<5248x128xf32, #tpu.memory_space<vmem_shared>> -> memref<128x128xf32, #tpu.memory_space<vmem_shared>>
        %dma_wait3A_97 = arith.constant 0 : i32
        %dma_wait3A_98 = tpu.memref_slice %arg10[%add3A_27, %dma_wait3A_97] : memref<5248x128xf32, #tpu.memory_space<vmem_shared>> -> memref<128x128xf32, #tpu.memory_space<vmem_shared>>
        %dma_wait3A_99 = arith.constant 0 : i32
        %dma_wait3A_100 = arith.constant 0 : i32
        %dma_wait3A_101 = tpu.memref_slice %arg9[%run_scoped3A_28, %dma_wait3A_99, %dma_wait3A_100] : memref<3x128x128xf32, #tpu.memory_space<vmem>> -> memref<1x128x128xf32, #tpu.memory_space<vmem>>
        %dma_wait3A_102 = tpu.memref_squeeze %dma_wait3A_101 : memref<1x128x128xf32, #tpu.memory_space<vmem>> -> memref<128x128xf32, #tpu.memory_space<vmem>>
        tpu.wait_dma2 semaphore(%run_scoped3A_80 : memref<!tpu.dma_semaphore, #tpu.memory_space<semaphore_mem>>) src(%dma_wait3A_102 : memref<128x128xf32, #tpu.memory_space<vmem>>) dst(%dma_wait3A_98 : memref<128x128xf32, #tpu.memory_space<vmem_shared>>)
        tpu.yield
      }) : () -> ()
      %add3A_29 = arith.constant 256 : i32
      %add3A_30 = arith.addi %mul3A_24, %add3A_29 : i32
      %run_scoped3A_31 = arith.constant 0 : i32
      "tpu.region"() ({
        %run_scoped3A_80 = tpu.sem_alloc : memref<!tpu.dma_semaphore, #tpu.memory_space<semaphore_mem>>
        %dma_start3A = arith.constant 0 : i32
        %dma_start3A_81 = arith.constant 0 : i32
        %dma_start3A_82 = tpu.memref_slice %arg9[%run_scoped3A_31, %dma_start3A, %dma_start3A_81] : memref<3x128x128xf32, #tpu.memory_space<vmem>> -> memref<1x128x128xf32, #tpu.memory_space<vmem>>
        %dma_start3A_83 = tpu.memref_squeeze %dma_start3A_82 : memref<1x128x128xf32, #tpu.memory_space<vmem>> -> memref<128x128xf32, #tpu.memory_space<vmem>>
        %dma_start3A_84 = arith.constant 0 : i32
        %dma_start3A_85 = arith.constant 0 : i32
        %dma_start3A_86 = tpu.memref_slice %dma_start3A_83[%dma_start3A_84, %dma_start3A_85] : memref<128x128xf32, #tpu.memory_space<vmem>> -> memref<72x128xf32, #tpu.memory_space<vmem>>
        %dma_start3A_87 = arith.constant 0 : i32
        %dma_start3A_88 = tpu.memref_slice %arg10[%add3A_30, %dma_start3A_87] : memref<5248x128xf32, #tpu.memory_space<vmem_shared>> -> memref<72x128xf32, #tpu.memory_space<vmem_shared>>
        %dma_start3A_89 = arith.constant 0 : i32
        %dma_start3A_90 = tpu.memref_slice %arg10[%add3A_30, %dma_start3A_89] : memref<5248x128xf32, #tpu.memory_space<vmem_shared>> -> memref<72x128xf32, #tpu.memory_space<vmem_shared>>
        %dma_start3A_91 = arith.constant 0 : i32
        %dma_start3A_92 = arith.constant 0 : i32
        %dma_start3A_93 = tpu.memref_slice %arg9[%run_scoped3A_31, %dma_start3A_91, %dma_start3A_92] : memref<3x128x128xf32, #tpu.memory_space<vmem>> -> memref<1x128x128xf32, #tpu.memory_space<vmem>>
        %dma_start3A_94 = tpu.memref_squeeze %dma_start3A_93 : memref<1x128x128xf32, #tpu.memory_space<vmem>> -> memref<128x128xf32, #tpu.memory_space<vmem>>
        %dma_start3A_95 = arith.constant 0 : i32
        %dma_start3A_96 = arith.constant 0 : i32
        %dma_start3A_97 = tpu.memref_slice %dma_start3A_94[%dma_start3A_95, %dma_start3A_96] : memref<128x128xf32, #tpu.memory_space<vmem>> -> memref<72x128xf32, #tpu.memory_space<vmem>>
        tpu.enqueue_dma source(%dma_start3A_97 : memref<72x128xf32, #tpu.memory_space<vmem>>) target(%dma_start3A_90 : memref<72x128xf32, #tpu.memory_space<vmem_shared>>) target_semaphore(%run_scoped3A_80 : memref<!tpu.dma_semaphore, #tpu.memory_space<semaphore_mem>>)
        %dma_wait3A = arith.constant 0 : i32
        %dma_wait3A_98 = arith.constant 0 : i32
        %dma_wait3A_99 = tpu.memref_slice %arg9[%run_scoped3A_31, %dma_wait3A, %dma_wait3A_98] : memref<3x128x128xf32, #tpu.memory_space<vmem>> -> memref<1x128x128xf32, #tpu.memory_space<vmem>>
        %dma_wait3A_100 = tpu.memref_squeeze %dma_wait3A_99 : memref<1x128x128xf32, #tpu.memory_space<vmem>> -> memref<128x128xf32, #tpu.memory_space<vmem>>
        %dma_wait3A_101 = arith.constant 0 : i32
        %dma_wait3A_102 = arith.constant 0 : i32
        %dma_wait3A_103 = tpu.memref_slice %dma_wait3A_100[%dma_wait3A_101, %dma_wait3A_102] : memref<128x128xf32, #tpu.memory_space<vmem>> -> memref<72x128xf32, #tpu.memory_space<vmem>>
        %dma_wait3A_104 = arith.constant 0 : i32
        %dma_wait3A_105 = tpu.memref_slice %arg10[%add3A_30, %dma_wait3A_104] : memref<5248x128xf32, #tpu.memory_space<vmem_shared>> -> memref<72x128xf32, #tpu.memory_space<vmem_shared>>
        %dma_wait3A_106 = arith.constant 0 : i32
        %dma_wait3A_107 = tpu.memref_slice %arg10[%add3A_30, %dma_wait3A_106] : memref<5248x128xf32, #tpu.memory_space<vmem_shared>> -> memref<72x128xf32, #tpu.memory_space<vmem_shared>>
        %dma_wait3A_108 = arith.constant 0 : i32
        %dma_wait3A_109 = arith.constant 0 : i32
        %dma_wait3A_110 = tpu.memref_slice %arg9[%run_scoped3A_31, %dma_wait3A_108, %dma_wait3A_109] : memref<3x128x128xf32, #tpu.memory_space<vmem>> -> memref<1x128x128xf32, #tpu.memory_space<vmem>>
        %dma_wait3A_111 = tpu.memref_squeeze %dma_wait3A_110 : memref<1x128x128xf32, #tpu.memory_space<vmem>> -> memref<128x128xf32, #tpu.memory_space<vmem>>
        %dma_wait3A_112 = arith.constant 0 : i32
        %dma_wait3A_113 = arith.constant 0 : i32
        %dma_wait3A_114 = tpu.memref_slice %dma_wait3A_111[%dma_wait3A_112, %dma_wait3A_113] : memref<128x128xf32, #tpu.memory_space<vmem>> -> memref<72x128xf32, #tpu.memory_space<vmem>>
        tpu.wait_dma2 semaphore(%run_scoped3A_80 : memref<!tpu.dma_semaphore, #tpu.memory_space<semaphore_mem>>) src(%dma_wait3A_114 : memref<72x128xf32, #tpu.memory_space<vmem>>) dst(%dma_wait3A_107 : memref<72x128xf32, #tpu.memory_space<vmem_shared>>)
        tpu.yield
      }) : () -> ()
      %add3A_32 = arith.constant 0 : i32
      %add3A_33 = arith.addi %mul3A_24, %add3A_32 : i32
      %run_scoped3A_34 = arith.constant 1 : i32
      "tpu.region"() ({
        %run_scoped3A_80 = tpu.sem_alloc : memref<!tpu.dma_semaphore, #tpu.memory_space<semaphore_mem>>
        %dma_start3A = arith.constant 0 : i32
        %dma_start3A_81 = arith.constant 0 : i32
        %dma_start3A_82 = tpu.memref_slice %arg9[%run_scoped3A_34, %dma_start3A, %dma_start3A_81] : memref<3x128x128xf32, #tpu.memory_space<vmem>> -> memref<1x128x128xf32, #tpu.memory_space<vmem>>
        %dma_start3A_83 = tpu.memref_squeeze %dma_start3A_82 : memref<1x128x128xf32, #tpu.memory_space<vmem>> -> memref<128x128xf32, #tpu.memory_space<vmem>>
        %dma_start3A_84 = arith.constant 0 : i32
        %dma_start3A_85 = tpu.memref_slice %arg10[%add3A_33, %dma_start3A_84] : memref<5248x128xf32, #tpu.memory_space<vmem_shared>> -> memref<128x128xf32, #tpu.memory_space<vmem_shared>>
        %dma_start3A_86 = arith.constant 0 : i32
        %dma_start3A_87 = arith.constant 0 : i32
        %dma_start3A_88 = tpu.memref_slice %arg9[%run_scoped3A_34, %dma_start3A_86, %dma_start3A_87] : memref<3x128x128xf32, #tpu.memory_space<vmem>> -> memref<1x128x128xf32, #tpu.memory_space<vmem>>
        %dma_start3A_89 = tpu.memref_squeeze %dma_start3A_88 : memref<1x128x128xf32, #tpu.memory_space<vmem>> -> memref<128x128xf32, #tpu.memory_space<vmem>>
        %dma_start3A_90 = arith.constant 0 : i32
        %dma_start3A_91 = tpu.memref_slice %arg10[%add3A_33, %dma_start3A_90] : memref<5248x128xf32, #tpu.memory_space<vmem_shared>> -> memref<128x128xf32, #tpu.memory_space<vmem_shared>>
        tpu.enqueue_dma source(%dma_start3A_91 : memref<128x128xf32, #tpu.memory_space<vmem_shared>>) target(%dma_start3A_89 : memref<128x128xf32, #tpu.memory_space<vmem>>) target_semaphore(%run_scoped3A_80 : memref<!tpu.dma_semaphore, #tpu.memory_space<semaphore_mem>>)
        %dma_wait3A = arith.constant 0 : i32
        %dma_wait3A_92 = arith.constant 0 : i32
        %dma_wait3A_93 = tpu.memref_slice %arg9[%run_scoped3A_34, %dma_wait3A, %dma_wait3A_92] : memref<3x128x128xf32, #tpu.memory_space<vmem>> -> memref<1x128x128xf32, #tpu.memory_space<vmem>>
        %dma_wait3A_94 = tpu.memref_squeeze %dma_wait3A_93 : memref<1x128x128xf32, #tpu.memory_space<vmem>> -> memref<128x128xf32, #tpu.memory_space<vmem>>
        %dma_wait3A_95 = arith.constant 0 : i32
        %dma_wait3A_96 = tpu.memref_slice %arg10[%add3A_33, %dma_wait3A_95] : memref<5248x128xf32, #tpu.memory_space<vmem_shared>> -> memref<128x128xf32, #tpu.memory_space<vmem_shared>>
        %dma_wait3A_97 = arith.constant 0 : i32
        %dma_wait3A_98 = arith.constant 0 : i32
        %dma_wait3A_99 = tpu.memref_slice %arg9[%run_scoped3A_34, %dma_wait3A_97, %dma_wait3A_98] : memref<3x128x128xf32, #tpu.memory_space<vmem>> -> memref<1x128x128xf32, #tpu.memory_space<vmem>>
        %dma_wait3A_100 = tpu.memref_squeeze %dma_wait3A_99 : memref<1x128x128xf32, #tpu.memory_space<vmem>> -> memref<128x128xf32, #tpu.memory_space<vmem>>
        %dma_wait3A_101 = arith.constant 0 : i32
        %dma_wait3A_102 = tpu.memref_slice %arg10[%add3A_33, %dma_wait3A_101] : memref<5248x128xf32, #tpu.memory_space<vmem_shared>> -> memref<128x128xf32, #tpu.memory_space<vmem_shared>>
        tpu.wait_dma2 semaphore(%run_scoped3A_80 : memref<!tpu.dma_semaphore, #tpu.memory_space<semaphore_mem>>) src(%dma_wait3A_102 : memref<128x128xf32, #tpu.memory_space<vmem_shared>>) dst(%dma_wait3A_100 : memref<128x128xf32, #tpu.memory_space<vmem>>)
        tpu.yield
      }) : () -> ()
      %add3A_35 = arith.constant 128 : i32
      %add3A_36 = arith.addi %mul3A_24, %add3A_35 : i32
      %run_scoped3A_37 = arith.constant 1 : i32
      "tpu.region"() ({
        %run_scoped3A_80 = tpu.sem_alloc : memref<!tpu.dma_semaphore, #tpu.memory_space<semaphore_mem>>
        %dma_start3A = arith.constant 0 : i32
        %dma_start3A_81 = arith.constant 0 : i32
        %dma_start3A_82 = tpu.memref_slice %arg9[%run_scoped3A_37, %dma_start3A, %dma_start3A_81] : memref<3x128x128xf32, #tpu.memory_space<vmem>> -> memref<1x128x128xf32, #tpu.memory_space<vmem>>
        %dma_start3A_83 = tpu.memref_squeeze %dma_start3A_82 : memref<1x128x128xf32, #tpu.memory_space<vmem>> -> memref<128x128xf32, #tpu.memory_space<vmem>>
        %dma_start3A_84 = arith.constant 0 : i32
        %dma_start3A_85 = tpu.memref_slice %arg10[%add3A_36, %dma_start3A_84] : memref<5248x128xf32, #tpu.memory_space<vmem_shared>> -> memref<128x128xf32, #tpu.memory_space<vmem_shared>>
        %dma_start3A_86 = arith.constant 0 : i32
        %dma_start3A_87 = arith.constant 0 : i32
        %dma_start3A_88 = tpu.memref_slice %arg9[%run_scoped3A_37, %dma_start3A_86, %dma_start3A_87] : memref<3x128x128xf32, #tpu.memory_space<vmem>> -> memref<1x128x128xf32, #tpu.memory_space<vmem>>
        %dma_start3A_89 = tpu.memref_squeeze %dma_start3A_88 : memref<1x128x128xf32, #tpu.memory_space<vmem>> -> memref<128x128xf32, #tpu.memory_space<vmem>>
        %dma_start3A_90 = arith.constant 0 : i32
        %dma_start3A_91 = tpu.memref_slice %arg10[%add3A_36, %dma_start3A_90] : memref<5248x128xf32, #tpu.memory_space<vmem_shared>> -> memref<128x128xf32, #tpu.memory_space<vmem_shared>>
        tpu.enqueue_dma source(%dma_start3A_91 : memref<128x128xf32, #tpu.memory_space<vmem_shared>>) target(%dma_start3A_89 : memref<128x128xf32, #tpu.memory_space<vmem>>) target_semaphore(%run_scoped3A_80 : memref<!tpu.dma_semaphore, #tpu.memory_space<semaphore_mem>>)
        %dma_wait3A = arith.constant 0 : i32
        %dma_wait3A_92 = arith.constant 0 : i32
        %dma_wait3A_93 = tpu.memref_slice %arg9[%run_scoped3A_37, %dma_wait3A, %dma_wait3A_92] : memref<3x128x128xf32, #tpu.memory_space<vmem>> -> memref<1x128x128xf32, #tpu.memory_space<vmem>>
        %dma_wait3A_94 = tpu.memref_squeeze %dma_wait3A_93 : memref<1x128x128xf32, #tpu.memory_space<vmem>> -> memref<128x128xf32, #tpu.memory_space<vmem>>
        %dma_wait3A_95 = arith.constant 0 : i32
        %dma_wait3A_96 = tpu.memref_slice %arg10[%add3A_36, %dma_wait3A_95] : memref<5248x128xf32, #tpu.memory_space<vmem_shared>> -> memref<128x128xf32, #tpu.memory_space<vmem_shared>>
        %dma_wait3A_97 = arith.constant 0 : i32
        %dma_wait3A_98 = arith.constant 0 : i32
        %dma_wait3A_99 = tpu.memref_slice %arg9[%run_scoped3A_37, %dma_wait3A_97, %dma_wait3A_98] : memref<3x128x128xf32, #tpu.memory_space<vmem>> -> memref<1x128x128xf32, #tpu.memory_space<vmem>>
        %dma_wait3A_100 = tpu.memref_squeeze %dma_wait3A_99 : memref<1x128x128xf32, #tpu.memory_space<vmem>> -> memref<128x128xf32, #tpu.memory_space<vmem>>
        %dma_wait3A_101 = arith.constant 0 : i32
        %dma_wait3A_102 = tpu.memref_slice %arg10[%add3A_36, %dma_wait3A_101] : memref<5248x128xf32, #tpu.memory_space<vmem_shared>> -> memref<128x128xf32, #tpu.memory_space<vmem_shared>>
        tpu.wait_dma2 semaphore(%run_scoped3A_80 : memref<!tpu.dma_semaphore, #tpu.memory_space<semaphore_mem>>) src(%dma_wait3A_102 : memref<128x128xf32, #tpu.memory_space<vmem_shared>>) dst(%dma_wait3A_100 : memref<128x128xf32, #tpu.memory_space<vmem>>)
        tpu.yield
      }) : () -> ()
      %add3A_38 = arith.constant 256 : i32
      %add3A_39 = arith.addi %mul3A_24, %add3A_38 : i32
      %run_scoped3A_40 = arith.constant 1 : i32
      "tpu.region"() ({
        %run_scoped3A_80 = tpu.sem_alloc : memref<!tpu.dma_semaphore, #tpu.memory_space<semaphore_mem>>
        %dma_start3A = arith.constant 0 : i32
        %dma_start3A_81 = arith.constant 0 : i32
        %dma_start3A_82 = tpu.memref_slice %arg9[%run_scoped3A_40, %dma_start3A, %dma_start3A_81] : memref<3x128x128xf32, #tpu.memory_space<vmem>> -> memref<1x128x128xf32, #tpu.memory_space<vmem>>
        %dma_start3A_83 = tpu.memref_squeeze %dma_start3A_82 : memref<1x128x128xf32, #tpu.memory_space<vmem>> -> memref<128x128xf32, #tpu.memory_space<vmem>>
        %dma_start3A_84 = arith.constant 0 : i32
        %dma_start3A_85 = arith.constant 0 : i32
        %dma_start3A_86 = tpu.memref_slice %dma_start3A_83[%dma_start3A_84, %dma_start3A_85] : memref<128x128xf32, #tpu.memory_space<vmem>> -> memref<72x128xf32, #tpu.memory_space<vmem>>
        %dma_start3A_87 = arith.constant 0 : i32
        %dma_start3A_88 = tpu.memref_slice %arg10[%add3A_39, %dma_start3A_87] : memref<5248x128xf32, #tpu.memory_space<vmem_shared>> -> memref<72x128xf32, #tpu.memory_space<vmem_shared>>
        %dma_start3A_89 = arith.constant 0 : i32
        %dma_start3A_90 = arith.constant 0 : i32
        %dma_start3A_91 = tpu.memref_slice %arg9[%run_scoped3A_40, %dma_start3A_89, %dma_start3A_90] : memref<3x128x128xf32, #tpu.memory_space<vmem>> -> memref<1x128x128xf32, #tpu.memory_space<vmem>>
        %dma_start3A_92 = tpu.memref_squeeze %dma_start3A_91 : memref<1x128x128xf32, #tpu.memory_space<vmem>> -> memref<128x128xf32, #tpu.memory_space<vmem>>
        %dma_start3A_93 = arith.constant 0 : i32
        %dma_start3A_94 = arith.constant 0 : i32
        %dma_start3A_95 = tpu.memref_slice %dma_start3A_92[%dma_start3A_93, %dma_start3A_94] : memref<128x128xf32, #tpu.memory_space<vmem>> -> memref<72x128xf32, #tpu.memory_space<vmem>>
        %dma_start3A_96 = arith.constant 0 : i32
        %dma_start3A_97 = tpu.memref_slice %arg10[%add3A_39, %dma_start3A_96] : memref<5248x128xf32, #tpu.memory_space<vmem_shared>> -> memref<72x128xf32, #tpu.memory_space<vmem_shared>>
        tpu.enqueue_dma source(%dma_start3A_97 : memref<72x128xf32, #tpu.memory_space<vmem_shared>>) target(%dma_start3A_95 : memref<72x128xf32, #tpu.memory_space<vmem>>) target_semaphore(%run_scoped3A_80 : memref<!tpu.dma_semaphore, #tpu.memory_space<semaphore_mem>>)
        %dma_wait3A = arith.constant 0 : i32
        %dma_wait3A_98 = arith.constant 0 : i32
        %dma_wait3A_99 = tpu.memref_slice %arg9[%run_scoped3A_40, %dma_wait3A, %dma_wait3A_98] : memref<3x128x128xf32, #tpu.memory_space<vmem>> -> memref<1x128x128xf32, #tpu.memory_space<vmem>>
        %dma_wait3A_100 = tpu.memref_squeeze %dma_wait3A_99 : memref<1x128x128xf32, #tpu.memory_space<vmem>> -> memref<128x128xf32, #tpu.memory_space<vmem>>
        %dma_wait3A_101 = arith.constant 0 : i32
        %dma_wait3A_102 = arith.constant 0 : i32
        %dma_wait3A_103 = tpu.memref_slice %dma_wait3A_100[%dma_wait3A_101, %dma_wait3A_102] : memref<128x128xf32, #tpu.memory_space<vmem>> -> memref<72x128xf32, #tpu.memory_space<vmem>>
        %dma_wait3A_104 = arith.constant 0 : i32
        %dma_wait3A_105 = tpu.memref_slice %arg10[%add3A_39, %dma_wait3A_104] : memref<5248x128xf32, #tpu.memory_space<vmem_shared>> -> memref<72x128xf32, #tpu.memory_space<vmem_shared>>
        %dma_wait3A_106 = arith.constant 0 : i32
        %dma_wait3A_107 = arith.constant 0 : i32
        %dma_wait3A_108 = tpu.memref_slice %arg9[%run_scoped3A_40, %dma_wait3A_106, %dma_wait3A_107] : memref<3x128x128xf32, #tpu.memory_space<vmem>> -> memref<1x128x128xf32, #tpu.memory_space<vmem>>
        %dma_wait3A_109 = tpu.memref_squeeze %dma_wait3A_108 : memref<1x128x128xf32, #tpu.memory_space<vmem>> -> memref<128x128xf32, #tpu.memory_space<vmem>>
        %dma_wait3A_110 = arith.constant 0 : i32
        %dma_wait3A_111 = arith.constant 0 : i32
        %dma_wait3A_112 = tpu.memref_slice %dma_wait3A_109[%dma_wait3A_110, %dma_wait3A_111] : memref<128x128xf32, #tpu.memory_space<vmem>> -> memref<72x128xf32, #tpu.memory_space<vmem>>
        %dma_wait3A_113 = arith.constant 0 : i32
        %dma_wait3A_114 = tpu.memref_slice %arg10[%add3A_39, %dma_wait3A_113] : memref<5248x128xf32, #tpu.memory_space<vmem_shared>> -> memref<72x128xf32, #tpu.memory_space<vmem_shared>>
        tpu.wait_dma2 semaphore(%run_scoped3A_80 : memref<!tpu.dma_semaphore, #tpu.memory_space<semaphore_mem>>) src(%dma_wait3A_114 : memref<72x128xf32, #tpu.memory_space<vmem_shared>>) dst(%dma_wait3A_112 : memref<72x128xf32, #tpu.memory_space<vmem>>)
        tpu.yield
      }) : () -> ()
      %mul3A_41 = arith.constant 5120 : i32
      %mul3A_42 = arith.muli %scan3A_14, %mul3A_41 : i32
      %mul3A_43 = arith.constant 4880 : i32
      %mul3A_44 = arith.muli %scan3A_14, %mul3A_43 : i32
      %add3A_45 = arith.constant 5120 : i32
      %add3A_46 = arith.addi %add3A_45, %mul3A_44 : i32
      %scan3A_47 = arith.constant 0 : i32
      %scan3A_48 = arith.constant 0 : i32
      %scan3A_49 = arith.constant 80 : i32
      %scan3A_50 = arith.addi %scan3A_48, %scan3A_49 : i32
      %scan3A_51 = arith.constant 1 : i32
      %scan3A_52 = scf.for %scan3A_80 = %scan3A_48 to %scan3A_50 step %scan3A_51 iter_args(%scan3A_81 = %scan3A_47) -> (i32)  : i32 {
        %scan3A_82 = arith.constant 0 : i32
        %scan3A_83 = arith.constant 0 : i32
        %scan3A_84 = arith.constant 8 : i32
        %scan3A_85 = arith.addi %scan3A_83, %scan3A_84 : i32
        %scan3A_86 = arith.constant 1 : i32
        %scan3A_87 = scf.for %scan3A_90 = %scan3A_83 to %scan3A_85 step %scan3A_86 iter_args(%scan3A_91 = %scan3A_82) -> (i32)  : i32 {
          %mul3A_92 = arith.constant 16 : i32
          %mul3A_93 = arith.muli %scan3A_90, %mul3A_92 : i32
          %get3A = arith.index_cast %scan3A_80 : i32 to index
          %get3A_94 = arith.index_cast %mul3A_93 : i32 to index
          %get3A_95 = tpu.vector_load %arg7[%get3A, %get3A_94] {strides = array<i32>} : memref<80x128xi32, #tpu.memory_space<vmem>>, vector<1x16xi32>,
          %get3A_96 = vector.shape_cast %get3A_95 : vector<1x16xi32> to vector<16xi32>
          %sub3A = vector.broadcast %mul3A_42 : i32 to vector<16xi32>
          %sub3A_97 = arith.subi %get3A_96, %sub3A : vector<16xi32>
          %ge3A = vector.broadcast %mul3A_42 : i32 to vector<16xi32>
          %ge3A_98 = arith.cmpi sge, %get3A_96, %ge3A : vector<16xi32>
          %lt3A = vector.broadcast %add3A_46 : i32 to vector<16xi32>
          %lt3A_99 = arith.cmpi slt, %get3A_96, %lt3A : vector<16xi32>
          %and3A_100 = arith.andi %ge3A_98, %lt3A_99 : vector<16xi1>
          %jit3A = arith.constant 5120 : i32
          %broadcast_in_dim3A = vector.broadcast %jit3A : i32 to vector<16xi32>
          %select_n3A = arith.select %and3A_100, %sub3A_97, %broadcast_in_dim3A : vector<16xi1>, vector<16xi32>
          %swap3A = arith.index_cast %scan3A_80 : i32 to index
          %swap3A_101 = arith.index_cast %mul3A_93 : i32 to index
          %swap3A_102 = tpu.vector_load %arg8[%swap3A, %swap3A_101] {strides = array<i32>} : memref<80x128xi32, #tpu.memory_space<vmem>>, vector<1x16xi32>,
          %swap3A_103 = vector.shape_cast %swap3A_102 : vector<1x16xi32> to vector<16xi32>
          %swap3A_104 = vector.shape_cast %select_n3A : vector<16xi32> to vector<1x16xi32>
          tpu.vector_store %arg8[%swap3A, %swap3A_101], %swap3A_104 {strides = array<i32>} : memref<80x128xi32, #tpu.memory_space<vmem>>, vector<1x16xi32>,
          %scan3A_105 = arith.constant 0 : i32
          scf.yield %scan3A_105 : i32
        }
        %scan3A_88 = arith.constant 8 : i32
        %scan3A_89 = arith.constant 0 : i32
        scf.yield %scan3A_89 : i32
      }
      %scan3A_53 = arith.constant 80 : i32
      %barrier3A_54 = arith.constant 0 : index
      tpu.barrier barrier_id(%barrier3A_54)
      %scan3A_55 = arith.constant 0 : i32
      %scan3A_56 = arith.constant 0 : i32
      %scan3A_57 = arith.constant 80 : i32
      %scan3A_58 = arith.addi %scan3A_56, %scan3A_57 : i32
      %scan3A_59 = arith.constant 1 : i32
      %scan3A_60 = scf.for %scan3A_80 = %scan3A_56 to %scan3A_58 step %scan3A_59 iter_args(%scan3A_81 = %scan3A_55) -> (i32)  : i32 {
        %jit3A = arith.constant 3 : i32
        %eq3A_82 = arith.constant 0 : i32
        %eq3A_83 = arith.cmpi eq, %jit3A, %eq3A_82 : i32
        %jit3A_84 = arith.constant 1 : i32
        %select_n3A = arith.select %eq3A_83, %jit3A_84, %jit3A : i32
        %rem3A = arith.remsi %scan3A_80, %select_n3A : i32
        %ne3A = arith.constant 0 : i32
        %ne3A_85 = arith.cmpi ne, %rem3A, %ne3A : i32
        %lt3A = arith.constant 0 : i32
        %lt3A_86 = arith.cmpi slt, %rem3A, %lt3A : i32
        %lt3A_87 = arith.constant 0 : i32
        %lt3A_88 = arith.cmpi slt, %select_n3A, %lt3A_87 : i32
        %ne3A_89 = arith.xori %lt3A_86, %lt3A_88 : i1
        %and3A_90 = arith.andi %ne3A_89, %ne3A_85 : i1
        %add3A_91 = arith.addi %rem3A, %select_n3A : i32
        %select_n3A_92 = arith.select %and3A_90, %add3A_91, %rem3A : i32
        %dma_start3A = arith.constant 0 : i32
        %dma_start3A_93 = arith.constant 0 : i32
        %dma_start3A_94 = tpu.memref_slice %arg9[%select_n3A_92, %dma_start3A, %dma_start3A_93] : memref<3x128x128xf32, #tpu.memory_space<vmem>> -> memref<1x128x128xf32, #tpu.memory_space<vmem>>
        %dma_start3A_95 = tpu.memref_squeeze %dma_start3A_94 : memref<1x128x128xf32, #tpu.memory_space<vmem>> -> memref<128x128xf32, #tpu.memory_space<vmem>>
        %dma_start3A_96 = arith.constant 0 : i32
        %dma_start3A_97 = tpu.memref_slice %arg6[%scan3A_80, %dma_start3A_96] : memref<80x128xi32, #tpu.memory_space<vmem>> -> memref<1x128xi32, #tpu.memory_space<vmem>>
        %dma_start3A_98 = tpu.memref_squeeze %dma_start3A_97 : memref<1x128xi32, #tpu.memory_space<vmem>> -> memref<128xi32, #tpu.memory_space<vmem>>
        %dma_start3A_99 = arith.constant 0 : i32
        %dma_start3A_100 = arith.constant 0 : i32
        %dma_start3A_101 = tpu.memref_slice %arg2[%dma_start3A_99, %dma_start3A_100] : memref<20000x128xf32, #tpu.memory_space<hbm>> -> memref<20000x128xf32, #tpu.memory_space<hbm>>
        %dma_start3A_102 = tpu.memref_slice %arg11[%select_n3A_92] : memref<3x!tpu.dma_semaphore, #tpu.memory_space<semaphore_mem>> -> memref<1x!tpu.dma_semaphore, #tpu.memory_space<semaphore_mem>>
        %dma_start3A_103 = tpu.memref_squeeze %dma_start3A_102 : memref<1x!tpu.dma_semaphore, #tpu.memory_space<semaphore_mem>> -> memref<!tpu.dma_semaphore, #tpu.memory_space<semaphore_mem>>
        tpu.enqueue_indirect_dma source(%dma_start3A_101 : memref<20000x128xf32, #tpu.memory_space<hbm>>) target(%dma_start3A_95 : memref<128x128xf32, #tpu.memory_space<vmem>>) offsets(%dma_start3A_98 : memref<128xi32, #tpu.memory_space<vmem>>) semaphore(%dma_start3A_103 : memref<!tpu.dma_semaphore, #tpu.memory_space<semaphore_mem>>)
        %dma_wait3A = arith.constant 0 : i32
        %dma_wait3A_104 = arith.constant 0 : i32
        %dma_wait3A_105 = tpu.memref_slice %arg9[%select_n3A_92, %dma_wait3A, %dma_wait3A_104] : memref<3x128x128xf32, #tpu.memory_space<vmem>> -> memref<1x128x128xf32, #tpu.memory_space<vmem>>
        %dma_wait3A_106 = tpu.memref_squeeze %dma_wait3A_105 : memref<1x128x128xf32, #tpu.memory_space<vmem>> -> memref<128x128xf32, #tpu.memory_space<vmem>>
        %dma_wait3A_107 = arith.constant 0 : i32
        %dma_wait3A_108 = tpu.memref_slice %arg6[%scan3A_80, %dma_wait3A_107] : memref<80x128xi32, #tpu.memory_space<vmem>> -> memref<1x128xi32, #tpu.memory_space<vmem>>
        %dma_wait3A_109 = tpu.memref_squeeze %dma_wait3A_108 : memref<1x128xi32, #tpu.memory_space<vmem>> -> memref<128xi32, #tpu.memory_space<vmem>>
        %dma_wait3A_110 = arith.constant 0 : i32
        %dma_wait3A_111 = arith.constant 0 : i32
        %dma_wait3A_112 = tpu.memref_slice %arg2[%dma_wait3A_110, %dma_wait3A_111] : memref<20000x128xf32, #tpu.memory_space<hbm>> -> memref<20000x128xf32, #tpu.memory_space<hbm>>
        %dma_wait3A_113 = tpu.memref_slice %arg11[%select_n3A_92] : memref<3x!tpu.dma_semaphore, #tpu.memory_space<semaphore_mem>> -> memref<1x!tpu.dma_semaphore, #tpu.memory_space<semaphore_mem>>
        %dma_wait3A_114 = tpu.memref_squeeze %dma_wait3A_113 : memref<1x!tpu.dma_semaphore, #tpu.memory_space<semaphore_mem>> -> memref<!tpu.dma_semaphore, #tpu.memory_space<semaphore_mem>>
        tpu.wait_indirect_dma semaphore(%dma_wait3A_114 : memref<!tpu.dma_semaphore, #tpu.memory_space<semaphore_mem>>) src(%dma_wait3A_112 : memref<20000x128xf32, #tpu.memory_space<hbm>>) dst(%dma_wait3A_106 : memref<128x128xf32, #tpu.memory_space<vmem>>)
        "tpu.region"() ({
          %run_scoped3A_116 = tpu.sem_alloc : memref<!tpu.dma_semaphore, #tpu.memory_space<semaphore_mem>>
          %dma_start3A_117 = arith.constant 0 : i32
          %dma_start3A_118 = arith.constant 0 : i32
          %dma_start3A_119 = tpu.memref_slice %arg9[%select_n3A_92, %dma_start3A_117, %dma_start3A_118] : memref<3x128x128xf32, #tpu.memory_space<vmem>> -> memref<1x128x128xf32, #tpu.memory_space<vmem>>
          %dma_start3A_120 = tpu.memref_squeeze %dma_start3A_119 : memref<1x128x128xf32, #tpu.memory_space<vmem>> -> memref<128x128xf32, #tpu.memory_space<vmem>>
          %dma_start3A_121 = arith.constant 0 : i32
          %dma_start3A_122 = tpu.memref_slice %arg8[%scan3A_80, %dma_start3A_121] : memref<80x128xi32, #tpu.memory_space<vmem>> -> memref<1x128xi32, #tpu.memory_space<vmem>>
          %dma_start3A_123 = tpu.memref_squeeze %dma_start3A_122 : memref<1x128xi32, #tpu.memory_space<vmem>> -> memref<128xi32, #tpu.memory_space<vmem>>
          %dma_start3A_124 = arith.constant 0 : i32
          %dma_start3A_125 = arith.constant 0 : i32
          %dma_start3A_126 = tpu.memref_slice %arg10[%dma_start3A_124, %dma_start3A_125] : memref<5248x128xf32, #tpu.memory_space<vmem_shared>> -> memref<5248x128xf32, #tpu.memory_space<vmem_shared>>
          tpu.enqueue_indirect_dma source(%dma_start3A_120 : memref<128x128xf32, #tpu.memory_space<vmem>>) target(%dma_start3A_126 : memref<5248x128xf32, #tpu.memory_space<vmem_shared>>) offsets(%dma_start3A_123 : memref<128xi32, #tpu.memory_space<vmem>>) semaphore(%run_scoped3A_116 : memref<!tpu.dma_semaphore, #tpu.memory_space<semaphore_mem>>) {add = true}
          %dma_wait3A_127 = arith.constant 0 : i32
          %dma_wait3A_128 = arith.constant 0 : i32
          %dma_wait3A_129 = tpu.memref_slice %arg9[%select_n3A_92, %dma_wait3A_127, %dma_wait3A_128] : memref<3x128x128xf32, #tpu.memory_space<vmem>> -> memref<1x128x128xf32, #tpu.memory_space<vmem>>
          %dma_wait3A_130 = tpu.memref_squeeze %dma_wait3A_129 : memref<1x128x128xf32, #tpu.memory_space<vmem>> -> memref<128x128xf32, #tpu.memory_space<vmem>>
          %dma_wait3A_131 = arith.constant 0 : i32
          %dma_wait3A_132 = tpu.memref_slice %arg8[%scan3A_80, %dma_wait3A_131] : memref<80x128xi32, #tpu.memory_space<vmem>> -> memref<1x128xi32, #tpu.memory_space<vmem>>
          %dma_wait3A_133 = tpu.memref_squeeze %dma_wait3A_132 : memref<1x128xi32, #tpu.memory_space<vmem>> -> memref<128xi32, #tpu.memory_space<vmem>>
          %dma_wait3A_134 = arith.constant 0 : i32
          %dma_wait3A_135 = arith.constant 0 : i32
          %dma_wait3A_136 = tpu.memref_slice %arg10[%dma_wait3A_134, %dma_wait3A_135] : memref<5248x128xf32, #tpu.memory_space<vmem_shared>> -> memref<5248x128xf32, #tpu.memory_space<vmem_shared>>
          tpu.wait_indirect_dma semaphore(%run_scoped3A_116 : memref<!tpu.dma_semaphore, #tpu.memory_space<semaphore_mem>>) src(%dma_wait3A_130 : memref<128x128xf32, #tpu.memory_space<vmem>>) dst(%dma_wait3A_136 : memref<5248x128xf32, #tpu.memory_space<vmem_shared>>)
          tpu.yield
        }) : () -> ()
        %scan3A_115 = arith.constant 0 : i32
        scf.yield %scan3A_115 : i32
      }
      %scan3A_61 = arith.constant 80 : i32
      %barrier3A_62 = arith.constant 0 : index
      tpu.barrier barrier_id(%barrier3A_62)
      %eq3A = arith.constant 15 : i32
      %eq3A_63 = arith.cmpi eq, %arg1, %eq3A : i32
      %eq3A_64 = arith.constant 1 : i32
      %eq3A_65 = arith.cmpi eq, %scan3A_14, %eq3A_64 : i32
      %and3A = arith.andi %eq3A_63, %eq3A_65 : i1
      %mul3A_66 = arith.constant 10000 : i32
      %mul3A_67 = arith.muli %arg0, %mul3A_66 : i32
      %mul3A_68 = arith.constant 5120 : i32
      %mul3A_69 = arith.muli %scan3A_14, %mul3A_68 : i32
      %add3A_70 = arith.addi %mul3A_67, %mul3A_69 : i32
      %mul3A_71 = arith.constant 320 : i32
      %mul3A_72 = arith.muli %arg1, %mul3A_71 : i32
      %add3A_73 = arith.addi %add3A_70, %mul3A_72 : i32
      %not3A = arith.constant true
      %not3A_74 = arith.xori %and3A, %not3A : i1
      %convert_element_type3A = arith.extui %not3A_74 : i1 to i32
      %cond3A = arith.constant 0 : i32
      %cond3A_75 = arith.cmpi ne, %convert_element_type3A, %cond3A : i32
      scf.if %cond3A_75 {
        %mul3A_80 = arith.constant 320 : i32
        %mul3A_81 = arith.muli %arg1, %mul3A_80 : i32
        "tpu.region"() ({
          %run_scoped3A_82 = tpu.sem_alloc : memref<!tpu.dma_semaphore, #tpu.memory_space<semaphore_mem>>
          %dma_start3A = arith.constant 0 : i32
          %dma_start3A_83 = tpu.memref_slice %arg5[%add3A_73, %dma_start3A] : memref<20000x128xf32, #tpu.memory_space<hbm>> -> memref<320x128xf32, #tpu.memory_space<hbm>>
          %dma_start3A_84 = arith.constant 0 : i32
          %dma_start3A_85 = tpu.memref_slice %arg10[%mul3A_81, %dma_start3A_84] : memref<5248x128xf32, #tpu.memory_space<vmem_shared>> -> memref<320x128xf32, #tpu.memory_space<vmem_shared>>
          tpu.enqueue_dma source(%dma_start3A_85 : memref<320x128xf32, #tpu.memory_space<vmem_shared>>) target(%dma_start3A_83 : memref<320x128xf32, #tpu.memory_space<hbm>>) target_semaphore(%run_scoped3A_82 : memref<!tpu.dma_semaphore, #tpu.memory_space<semaphore_mem>>)
          %dma_wait3A = arith.constant 0 : i32
          %dma_wait3A_86 = tpu.memref_slice %arg5[%add3A_73, %dma_wait3A] : memref<20000x128xf32, #tpu.memory_space<hbm>> -> memref<320x128xf32, #tpu.memory_space<hbm>>
          %dma_wait3A_87 = arith.constant 0 : i32
          %dma_wait3A_88 = tpu.memref_slice %arg10[%mul3A_81, %dma_wait3A_87] : memref<5248x128xf32, #tpu.memory_space<vmem_shared>> -> memref<320x128xf32, #tpu.memory_space<vmem_shared>>
          tpu.wait_dma2 semaphore(%run_scoped3A_82 : memref<!tpu.dma_semaphore, #tpu.memory_space<semaphore_mem>>) src(%dma_wait3A_88 : memref<320x128xf32, #tpu.memory_space<vmem_shared>>) dst(%dma_wait3A_86 : memref<320x128xf32, #tpu.memory_space<hbm>>)
          tpu.yield
        }) : () -> ()
      } else {
      }
      %convert_element_type3A_76 = arith.extui %and3A : i1 to i32
      %cond3A_77 = arith.constant 0 : i32
      %cond3A_78 = arith.cmpi ne, %convert_element_type3A_76, %cond3A_77 : i32
      scf.if %cond3A_78 {
        %mul3A_80 = arith.constant 10000 : i32
        %mul3A_81 = arith.muli %arg0, %mul3A_80 : i32
        %add3A_82 = arith.constant 5120 : i32
        %add3A_83 = arith.addi %mul3A_81, %add3A_82 : i32
        %add3A_84 = arith.constant 4800 : i32
        %add3A_85 = arith.addi %add3A_83, %add3A_84 : i32
        "tpu.region"() ({
          %run_scoped3A_86 = tpu.sem_alloc : memref<!tpu.dma_semaphore, #tpu.memory_space<semaphore_mem>>
          %dma_start3A = arith.constant 0 : i32
          %dma_start3A_87 = tpu.memref_slice %arg5[%add3A_85, %dma_start3A] : memref<20000x128xf32, #tpu.memory_space<hbm>> -> memref<80x128xf32, #tpu.memory_space<hbm>>
          %dma_start3A_88 = arith.constant 4800 : i32
          %dma_start3A_89 = arith.constant 0 : i32
          %dma_start3A_90 = tpu.memref_slice %arg10[%dma_start3A_88, %dma_start3A_89] : memref<5248x128xf32, #tpu.memory_space<vmem_shared>> -> memref<80x128xf32, #tpu.memory_space<vmem_shared>>
          tpu.enqueue_dma source(%dma_start3A_90 : memref<80x128xf32, #tpu.memory_space<vmem_shared>>) target(%dma_start3A_87 : memref<80x128xf32, #tpu.memory_space<hbm>>) target_semaphore(%run_scoped3A_86 : memref<!tpu.dma_semaphore, #tpu.memory_space<semaphore_mem>>)
          %dma_wait3A = arith.constant 0 : i32
          %dma_wait3A_91 = tpu.memref_slice %arg5[%add3A_85, %dma_wait3A] : memref<20000x128xf32, #tpu.memory_space<hbm>> -> memref<80x128xf32, #tpu.memory_space<hbm>>
          %dma_wait3A_92 = arith.constant 4800 : i32
          %dma_wait3A_93 = arith.constant 0 : i32
          %dma_wait3A_94 = tpu.memref_slice %arg10[%dma_wait3A_92, %dma_wait3A_93] : memref<5248x128xf32, #tpu.memory_space<vmem_shared>> -> memref<80x128xf32, #tpu.memory_space<vmem_shared>>
          tpu.wait_dma2 semaphore(%run_scoped3A_86 : memref<!tpu.dma_semaphore, #tpu.memory_space<semaphore_mem>>) src(%dma_wait3A_94 : memref<80x128xf32, #tpu.memory_space<vmem_shared>>) dst(%dma_wait3A_91 : memref<80x128xf32, #tpu.memory_space<hbm>>)
          tpu.yield
        }) : () -> ()
      } else {
      }
      %scan3A_79 = arith.constant 0 : i32
      scf.yield %scan3A_79 : i32
    }
    %scan3A_13 = arith.constant 2 : i32
    return
  }
}

module attributes {stable_mosaic.version = 14 : i64} {
  func.func @_matmul_scale_body(%arg0: i32, %arg1: memref<1000x256xf32, #tpu.memory_space<vmem>>, %arg2: memref<256x256xf32, #tpu.memory_space<vmem>>, %arg3: memref<1000x16xf32, #tpu.memory_space<vmem>>, %arg4: memref<2x1000x128xf32, #tpu.memory_space<vmem>>) attributes {dimension_semantics = [#tpu.dimension_semantics<arbitrary>], iteration_bounds = array<i64: 10>, scalar_prefetch = 0 : i64, scratch_operands = 0 : i64, tpu.core_type = #tpu.core_type<tc>, window_params = [{transform_indices = @transform_0, window_bounds = array<i64: 1000, 256>}, {pipeline_mode = #tpu.pipeline_mode<synchronous>, transform_indices = @transform_1, window_bounds = array<i64: 256, 256>}, {transform_indices = @transform_2, window_bounds = array<i64: 1000, 16>}, {transform_indices = @transform_3, window_bounds = array<i64: 2, 1000, 128>}]} {
    %get3A = arith.constant 0 : index
    %get3A_0 = arith.constant 0 : index
    %get3A_1 = vector.load %arg3[%get3A, %get3A_0] : memref<1000x16xf32, #tpu.memory_space<vmem>>, vector<1000x1xf32>
    %rsqrt3A = math.rsqrt %get3A_1 : vector<1000x1xf32>
    %get3A_2 = arith.constant 0 : index
    %get3A_3 = arith.constant 0 : index
    %get3A_4 = vector.load %arg1[%get3A_2, %get3A_3] : memref<1000x256xf32, #tpu.memory_space<vmem>>, vector<1000x256xf32>
    %get3A_5 = arith.constant 0 : index
    %get3A_6 = arith.constant 0 : index
    %get3A_7 = vector.load %arg2[%get3A_5, %get3A_6] : memref<256x256xf32, #tpu.memory_space<vmem>>, vector<256x256xf32>
    %dot_general3A = arith.constant dense<0.000000e+00> : vector<1000x256xf32>
    %dot_general3A_8 = tpu.matmul %get3A_4, %get3A_7, %dot_general3A {dimension_numbers = #tpu.dot_dimension_numbers<[1], [0], [0], [1], [0, 0, 1, 1], [], []>, transpose_lhs_hint = false} : vector<1000x256xf32>, vector<256x256xf32>, vector<1000x256xf32> -> vector<1000x256xf32>
    %mul3A = vector.broadcast %rsqrt3A : vector<1000x1xf32> to vector<1000x256xf32>
    %mul3A_9 = arith.mulf %dot_general3A_8, %mul3A : vector<1000x256xf32>
    %slice3A = vector.extract_strided_slice %mul3A_9 {offsets = [0, 0], sizes = [1000, 128], strides = [1, 1]} : vector<1000x256xf32> to vector<1000x128xf32>
    %swap3A = arith.constant 0 : index
    %swap3A_10 = arith.constant 0 : index
    %swap3A_11 = arith.constant 0 : index
    %swap3A_12 = vector.load %arg4[%swap3A, %swap3A_10, %swap3A_11] : memref<2x1000x128xf32, #tpu.memory_space<vmem>>, vector<1x1000x128xf32>
    %swap3A_13 = vector.shape_cast %swap3A_12 : vector<1x1000x128xf32> to vector<1000x128xf32>
    %swap3A_14 = vector.shape_cast %slice3A : vector<1000x128xf32> to vector<1x1000x128xf32>
    tpu.vector_store %arg4[%swap3A, %swap3A_10, %swap3A_11], %swap3A_14 {strides = array<i32>} : memref<2x1000x128xf32, #tpu.memory_space<vmem>>, vector<1x1000x128xf32>,
    %slice3A_15 = vector.extract_strided_slice %mul3A_9 {offsets = [0, 128], sizes = [1000, 128], strides = [1, 1]} : vector<1000x256xf32> to vector<1000x128xf32>
    %swap3A_16 = arith.constant 1 : index
    %swap3A_17 = arith.constant 0 : index
    %swap3A_18 = arith.constant 0 : index
    %swap3A_19 = vector.load %arg4[%swap3A_16, %swap3A_17, %swap3A_18] : memref<2x1000x128xf32, #tpu.memory_space<vmem>>, vector<1x1000x128xf32>
    %swap3A_20 = vector.shape_cast %swap3A_19 : vector<1x1000x128xf32> to vector<1000x128xf32>
    %swap3A_21 = vector.shape_cast %slice3A_15 : vector<1000x128xf32> to vector<1x1000x128xf32>
    tpu.vector_store %arg4[%swap3A_16, %swap3A_17, %swap3A_18], %swap3A_21 {strides = array<i32>} : memref<2x1000x128xf32, #tpu.memory_space<vmem>>, vector<1x1000x128xf32>,
    return
  }
  func.func @transform_0(%arg0: i32) -> (i32, i32) {
    %c0_i32 = arith.constant 0 : i32
    %c0_i32_0 = arith.constant 0 : i32
    return %arg0, %c0_i32 : i32, i32
  }
  func.func @transform_1(%arg0: i32) -> (i32, i32) {
    %c0_i32 = arith.constant 0 : i32
    %c0_i32_0 = arith.constant 0 : i32
    %c0_i32_1 = arith.constant 0 : i32
    return %c0_i32, %c0_i32_0 : i32, i32
  }
  func.func @transform_2(%arg0: i32) -> (i32, i32) {
    %c0_i32 = arith.constant 0 : i32
    %c0_i32_0 = arith.constant 0 : i32
    return %arg0, %c0_i32 : i32, i32
  }
  func.func @transform_3(%arg0: i32) -> (i32, i32, i32) {
    %c0_i32 = arith.constant 0 : i32
    %c0_i32_0 = arith.constant 0 : i32
    %c0_i32_1 = arith.constant 0 : i32
    return %c0_i32, %arg0, %c0_i32_0 : i32, i32, i32
  }
}

module attributes {stable_mosaic.version = 14 : i64} {
  func.func @_combine_stats_body(%arg0: i32, %arg1: memref<2x1000x128xf32, #tpu.memory_space<vmem>>, %arg2: memref<2x1000x128xf32, #tpu.memory_space<vmem>>, %arg3: memref<1000x16xf32, #tpu.memory_space<vmem>>, %arg4: memref<1x256xf32, #tpu.memory_space<vmem>>, %arg5: memref<1000x256xf32, #tpu.memory_space<vmem>>, %arg6: memref<2x256xf32, #tpu.memory_space<vmem>>, %arg7: memref<2x256xf32, #tpu.memory_space<vmem>>) attributes {dimension_semantics = [#tpu.dimension_semantics<arbitrary>], iteration_bounds = array<i64: 10>, scalar_prefetch = 0 : i64, scratch_operands = 1 : i64, tpu.core_type = #tpu.core_type<tc>, window_params = [{transform_indices = @transform_0, window_bounds = array<i64: 2, 1000, 128>}, {transform_indices = @transform_1, window_bounds = array<i64: 2, 1000, 128>}, {transform_indices = @transform_2, window_bounds = array<i64: 1000, 16>}, {pipeline_mode = #tpu.pipeline_mode<synchronous>, transform_indices = @transform_3, window_bounds = array<i64: 1, 256>}, {transform_indices = @transform_4, window_bounds = array<i64: 1000, 256>}, {pipeline_mode = #tpu.pipeline_mode<synchronous>, transform_indices = @transform_5, window_bounds = array<i64: 2, 256>}]} {
    %get3A = arith.constant 0 : index
    %get3A_0 = arith.constant 0 : index
    %get3A_1 = vector.load %arg3[%get3A, %get3A_0] : memref<1000x16xf32, #tpu.memory_space<vmem>>, vector<1000x1xf32>
    %rsqrt3A = math.rsqrt %get3A_1 : vector<1000x1xf32>
    %get3A_2 = arith.constant 0 : index
    %get3A_3 = arith.constant 0 : index
    %get3A_4 = arith.constant 0 : index
    %get3A_5 = vector.load %arg1[%get3A_2, %get3A_3, %get3A_4] : memref<2x1000x128xf32, #tpu.memory_space<vmem>>, vector<1x1000x128xf32>
    %get3A_6 = vector.shape_cast %get3A_5 : vector<1x1000x128xf32> to vector<1000x128xf32>
    %get3A_7 = arith.constant 0 : index
    %get3A_8 = arith.constant 0 : index
    %get3A_9 = arith.constant 0 : index
    %get3A_10 = vector.load %arg2[%get3A_7, %get3A_8, %get3A_9] : memref<2x1000x128xf32, #tpu.memory_space<vmem>>, vector<1x1000x128xf32>
    %get3A_11 = vector.shape_cast %get3A_10 : vector<1x1000x128xf32> to vector<1000x128xf32>
    %add3A = arith.addf %get3A_6, %get3A_11 : vector<1000x128xf32>
    %get3A_12 = arith.constant 1 : index
    %get3A_13 = arith.constant 0 : index
    %get3A_14 = arith.constant 0 : index
    %get3A_15 = vector.load %arg1[%get3A_12, %get3A_13, %get3A_14] : memref<2x1000x128xf32, #tpu.memory_space<vmem>>, vector<1x1000x128xf32>
    %get3A_16 = vector.shape_cast %get3A_15 : vector<1x1000x128xf32> to vector<1000x128xf32>
    %get3A_17 = arith.constant 1 : index
    %get3A_18 = arith.constant 0 : index
    %get3A_19 = arith.constant 0 : index
    %get3A_20 = vector.load %arg2[%get3A_17, %get3A_18, %get3A_19] : memref<2x1000x128xf32, #tpu.memory_space<vmem>>, vector<1x1000x128xf32>
    %get3A_21 = vector.shape_cast %get3A_20 : vector<1x1000x128xf32> to vector<1000x128xf32>
    %add3A_22 = arith.addf %get3A_16, %get3A_21 : vector<1000x128xf32>
    %concatenate3A = tpu.concatenate %add3A, %add3A_22 in 1 : vector<1000x128xf32>, vector<1000x128xf32> -> vector<1000x256xf32>
    %mul3A = vector.broadcast %rsqrt3A : vector<1000x1xf32> to vector<1000x256xf32>
    %mul3A_23 = arith.mulf %mul3A, %concatenate3A : vector<1000x256xf32>
    %get3A_24 = arith.constant 0 : index
    %get3A_25 = arith.constant 0 : index
    %get3A_26 = vector.load %arg4[%get3A_24, %get3A_25] : memref<1x256xf32, #tpu.memory_space<vmem>>, vector<1x256xf32>
    %add3A_27 = vector.broadcast %get3A_26 : vector<1x256xf32> to vector<1000x256xf32>
    %add3A_28 = arith.addf %mul3A_23, %add3A_27 : vector<1000x256xf32>
    %swap3A = arith.constant 0 : index
    %swap3A_29 = arith.constant 0 : index
    %swap3A_30 = vector.load %arg5[%swap3A, %swap3A_29] : memref<1000x256xf32, #tpu.memory_space<vmem>>, vector<1000x256xf32>
    tpu.vector_store %arg5[%swap3A, %swap3A_29], %add3A_28 {strides = array<i32>} : memref<1000x256xf32, #tpu.memory_space<vmem>>, vector<1000x256xf32>,
    %eq3A = arith.constant 0 : i32
    %eq3A_31 = arith.cmpi eq, %arg0, %eq3A : i32
    %convert_element_type3A = arith.extui %eq3A_31 : i1 to i32
    %cond3A = arith.constant 0 : i32
    %cond3A_32 = arith.cmpi ne, %convert_element_type3A, %cond3A : i32
    scf.if %cond3A_32 {
      %broadcast_in_dim3A_57 = arith.constant 0.000000e+00 : f32
      %broadcast_in_dim3A_58 = vector.broadcast %broadcast_in_dim3A_57 : f32 to vector<2x256xf32>
      %swap3A_59 = arith.constant 0 : index
      %swap3A_60 = arith.constant 0 : index
      %swap3A_61 = vector.load %arg7[%swap3A_59, %swap3A_60] : memref<2x256xf32, #tpu.memory_space<vmem>>, vector<2x256xf32>
      tpu.vector_store %arg7[%swap3A_59, %swap3A_60], %broadcast_in_dim3A_58 {strides = array<i32>} : memref<2x256xf32, #tpu.memory_space<vmem>>, vector<2x256xf32>,
    } else {
    }
    %get3A_33 = arith.constant 0 : index
    %get3A_34 = arith.constant 0 : index
    %get3A_35 = vector.load %arg7[%get3A_33, %get3A_34] : memref<2x256xf32, #tpu.memory_space<vmem>>, vector<1x256xf32>
    %reduce_sum3A = arith.constant dense<0.000000e+00> : vector<256xf32>
    %reduce_sum3A_36 = vector.multi_reduction <add>, %add3A_28, %reduce_sum3A [0] : vector<1000x256xf32> to vector<256xf32>
    %broadcast_in_dim3A = vector.shape_cast %reduce_sum3A_36 : vector<256xf32> to vector<1x256xf32>
    %add3A_37 = arith.addf %get3A_35, %broadcast_in_dim3A : vector<1x256xf32>
    %swap3A_38 = arith.constant 0 : index
    %swap3A_39 = arith.constant 0 : index
    %swap3A_40 = vector.load %arg7[%swap3A_38, %swap3A_39] : memref<2x256xf32, #tpu.memory_space<vmem>>, vector<1x256xf32>
    tpu.vector_store %arg7[%swap3A_38, %swap3A_39], %add3A_37 {strides = array<i32>} : memref<2x256xf32, #tpu.memory_space<vmem>>, vector<1x256xf32>,
    %get3A_41 = arith.constant 1 : index
    %get3A_42 = arith.constant 0 : index
    %get3A_43 = vector.load %arg7[%get3A_41, %get3A_42] : memref<2x256xf32, #tpu.memory_space<vmem>>, vector<1x256xf32>
    %mul3A_44 = arith.mulf %add3A_28, %add3A_28 : vector<1000x256xf32>
    %reduce_sum3A_45 = arith.constant dense<0.000000e+00> : vector<256xf32>
    %reduce_sum3A_46 = vector.multi_reduction <add>, %mul3A_44, %reduce_sum3A_45 [0] : vector<1000x256xf32> to vector<256xf32>
    %broadcast_in_dim3A_47 = vector.shape_cast %reduce_sum3A_46 : vector<256xf32> to vector<1x256xf32>
    %add3A_48 = arith.addf %get3A_43, %broadcast_in_dim3A_47 : vector<1x256xf32>
    %swap3A_49 = arith.constant 1 : index
    %swap3A_50 = arith.constant 0 : index
    %swap3A_51 = vector.load %arg7[%swap3A_49, %swap3A_50] : memref<2x256xf32, #tpu.memory_space<vmem>>, vector<1x256xf32>
    tpu.vector_store %arg7[%swap3A_49, %swap3A_50], %add3A_48 {strides = array<i32>} : memref<2x256xf32, #tpu.memory_space<vmem>>, vector<1x256xf32>,
    %eq3A_52 = arith.constant 9 : i32
    %eq3A_53 = arith.cmpi eq, %arg0, %eq3A_52 : i32
    %convert_element_type3A_54 = arith.extui %eq3A_53 : i1 to i32
    %cond3A_55 = arith.constant 0 : i32
    %cond3A_56 = arith.cmpi ne, %convert_element_type3A_54, %cond3A_55 : i32
    scf.if %cond3A_56 {
      %get3A_57 = arith.constant 0 : index
      %get3A_58 = arith.constant 0 : index
      %get3A_59 = vector.load %arg7[%get3A_57, %get3A_58] : memref<2x256xf32, #tpu.memory_space<vmem>>, vector<2x256xf32>
      %swap3A_60 = arith.constant 0 : index
      %swap3A_61 = arith.constant 0 : index
      %swap3A_62 = vector.load %arg6[%swap3A_60, %swap3A_61] : memref<2x256xf32, #tpu.memory_space<vmem>>, vector<2x256xf32>
      tpu.vector_store %arg6[%swap3A_60, %swap3A_61], %get3A_59 {strides = array<i32>} : memref<2x256xf32, #tpu.memory_space<vmem>>, vector<2x256xf32>,
    } else {
    }
    return
  }
  func.func @transform_0(%arg0: i32) -> (i32, i32, i32) {
    %c0_i32 = arith.constant 0 : i32
    %c0_i32_0 = arith.constant 0 : i32
    %c0_i32_1 = arith.constant 0 : i32
    return %c0_i32, %arg0, %c0_i32_0 : i32, i32, i32
  }
  func.func @transform_1(%arg0: i32) -> (i32, i32, i32) {
    %c0_i32 = arith.constant 0 : i32
    %c0_i32_0 = arith.constant 0 : i32
    %c0_i32_1 = arith.constant 0 : i32
    return %c0_i32, %arg0, %c0_i32_0 : i32, i32, i32
  }
  func.func @transform_2(%arg0: i32) -> (i32, i32) {
    %c0_i32 = arith.constant 0 : i32
    %c0_i32_0 = arith.constant 0 : i32
    return %arg0, %c0_i32 : i32, i32
  }
  func.func @transform_3(%arg0: i32) -> (i32, i32) {
    %c0_i32 = arith.constant 0 : i32
    %c0_i32_0 = arith.constant 0 : i32
    %c0_i32_1 = arith.constant 0 : i32
    return %c0_i32, %c0_i32_0 : i32, i32
  }
  func.func @transform_4(%arg0: i32) -> (i32, i32) {
    %c0_i32 = arith.constant 0 : i32
    %c0_i32_0 = arith.constant 0 : i32
    return %arg0, %c0_i32 : i32, i32
  }
  func.func @transform_5(%arg0: i32) -> (i32, i32) {
    %c0_i32 = arith.constant 0 : i32
    %c0_i32_0 = arith.constant 0 : i32
    %c0_i32_1 = arith.constant 0 : i32
    return %c0_i32, %c0_i32_0 : i32, i32
  }
}

module attributes {stable_mosaic.version = 14 : i64} {
  func.func @_bn_relu_matmul_body(%arg0: i32, %arg1: memref<1000x256xf32, #tpu.memory_space<vmem>>, %arg2: memref<2x256xf32, #tpu.memory_space<vmem>>, %arg3: memref<1x256xf32, #tpu.memory_space<vmem>>, %arg4: memref<1x256xf32, #tpu.memory_space<vmem>>, %arg5: memref<256x256xf32, #tpu.memory_space<vmem>>, %arg6: memref<1000x16xf32, #tpu.memory_space<vmem>>, %arg7: memref<2x1000x128xf32, #tpu.memory_space<vmem>>) attributes {dimension_semantics = [#tpu.dimension_semantics<arbitrary>], iteration_bounds = array<i64: 10>, scalar_prefetch = 0 : i64, scratch_operands = 0 : i64, tpu.core_type = #tpu.core_type<tc>, window_params = [{transform_indices = @transform_0, window_bounds = array<i64: 1000, 256>}, {pipeline_mode = #tpu.pipeline_mode<synchronous>, transform_indices = @transform_1, window_bounds = array<i64: 2, 256>}, {pipeline_mode = #tpu.pipeline_mode<synchronous>, transform_indices = @transform_2, window_bounds = array<i64: 1, 256>}, {pipeline_mode = #tpu.pipeline_mode<synchronous>, transform_indices = @transform_3, window_bounds = array<i64: 1, 256>}, {pipeline_mode = #tpu.pipeline_mode<synchronous>, transform_indices = @transform_4, window_bounds = array<i64: 256, 256>}, {transform_indices = @transform_5, window_bounds = array<i64: 1000, 16>}, {transform_indices = @transform_6, window_bounds = array<i64: 2, 1000, 128>}]} {
    %get3A = arith.constant 0 : index
    %get3A_0 = arith.constant 0 : index
    %get3A_1 = vector.load %arg2[%get3A, %get3A_0] : memref<2x256xf32, #tpu.memory_space<vmem>>, vector<1x256xf32>
    %mul3A = arith.constant 9.99999974E-5 : f32
    %mul3A_2 = vector.broadcast %mul3A : f32 to vector<1x256xf32>
    %mul3A_3 = arith.mulf %get3A_1, %mul3A_2 : vector<1x256xf32>
    %get3A_4 = arith.constant 1 : index
    %get3A_5 = arith.constant 0 : index
    %get3A_6 = vector.load %arg2[%get3A_4, %get3A_5] : memref<2x256xf32, #tpu.memory_space<vmem>>, vector<1x256xf32>
    %mul3A_7 = arith.constant 9.99999974E-5 : f32
    %mul3A_8 = vector.broadcast %mul3A_7 : f32 to vector<1x256xf32>
    %mul3A_9 = arith.mulf %get3A_6, %mul3A_8 : vector<1x256xf32>
    %mul3A_10 = arith.mulf %mul3A_3, %mul3A_3 : vector<1x256xf32>
    %sub3A = arith.subf %mul3A_9, %mul3A_10 : vector<1x256xf32>
    %get3A_11 = arith.constant 0 : index
    %get3A_12 = arith.constant 0 : index
    %get3A_13 = vector.load %arg3[%get3A_11, %get3A_12] : memref<1x256xf32, #tpu.memory_space<vmem>>, vector<1x256xf32>
    %add3A = arith.constant 9.99999974E-6 : f32
    %add3A_14 = vector.broadcast %add3A : f32 to vector<1x256xf32>
    %add3A_15 = arith.addf %sub3A, %add3A_14 : vector<1x256xf32>
    %rsqrt3A = math.rsqrt %add3A_15 : vector<1x256xf32>
    %mul3A_16 = arith.mulf %get3A_13, %rsqrt3A : vector<1x256xf32>
    %get3A_17 = arith.constant 0 : index
    %get3A_18 = arith.constant 0 : index
    %get3A_19 = vector.load %arg1[%get3A_17, %get3A_18] : memref<1000x256xf32, #tpu.memory_space<vmem>>, vector<1000x256xf32>
    %sub3A_20 = vector.broadcast %mul3A_3 : vector<1x256xf32> to vector<1000x256xf32>
    %sub3A_21 = arith.subf %get3A_19, %sub3A_20 : vector<1000x256xf32>
    %mul3A_22 = vector.broadcast %mul3A_16 : vector<1x256xf32> to vector<1000x256xf32>
    %mul3A_23 = arith.mulf %sub3A_21, %mul3A_22 : vector<1000x256xf32>
    %get3A_24 = arith.constant 0 : index
    %get3A_25 = arith.constant 0 : index
    %get3A_26 = vector.load %arg4[%get3A_24, %get3A_25] : memref<1x256xf32, #tpu.memory_space<vmem>>, vector<1x256xf32>
    %add3A_27 = vector.broadcast %get3A_26 : vector<1x256xf32> to vector<1000x256xf32>
    %add3A_28 = arith.addf %mul3A_23, %add3A_27 : vector<1000x256xf32>
    %max3A = arith.constant 0.000000e+00 : f32
    %max3A_29 = vector.broadcast %max3A : f32 to vector<1000x256xf32>
    %max3A_30 = arith.maximumf %add3A_28, %max3A_29 : vector<1000x256xf32>
    %get3A_31 = arith.constant 0 : index
    %get3A_32 = arith.constant 0 : index
    %get3A_33 = vector.load %arg6[%get3A_31, %get3A_32] : memref<1000x16xf32, #tpu.memory_space<vmem>>, vector<1000x1xf32>
    %rsqrt3A_34 = math.rsqrt %get3A_33 : vector<1000x1xf32>
    %get3A_35 = arith.constant 0 : index
    %get3A_36 = arith.constant 0 : index
    %get3A_37 = vector.load %arg5[%get3A_35, %get3A_36] : memref<256x256xf32, #tpu.memory_space<vmem>>, vector<256x256xf32>
    %dot_general3A = arith.constant dense<0.000000e+00> : vector<1000x256xf32>
    %dot_general3A_38 = tpu.matmul %max3A_30, %get3A_37, %dot_general3A {dimension_numbers = #tpu.dot_dimension_numbers<[1], [0], [0], [1], [0, 0, 1, 1], [], []>, transpose_lhs_hint = false} : vector<1000x256xf32>, vector<256x256xf32>, vector<1000x256xf32> -> vector<1000x256xf32>
    %mul3A_39 = vector.broadcast %rsqrt3A_34 : vector<1000x1xf32> to vector<1000x256xf32>
    %mul3A_40 = arith.mulf %dot_general3A_38, %mul3A_39 : vector<1000x256xf32>
    %slice3A = vector.extract_strided_slice %mul3A_40 {offsets = [0, 0], sizes = [1000, 128], strides = [1, 1]} : vector<1000x256xf32> to vector<1000x128xf32>
    %swap3A = arith.constant 0 : index
    %swap3A_41 = arith.constant 0 : index
    %swap3A_42 = arith.constant 0 : index
    %swap3A_43 = vector.load %arg7[%swap3A, %swap3A_41, %swap3A_42] : memref<2x1000x128xf32, #tpu.memory_space<vmem>>, vector<1x1000x128xf32>
    %swap3A_44 = vector.shape_cast %swap3A_43 : vector<1x1000x128xf32> to vector<1000x128xf32>
    %swap3A_45 = vector.shape_cast %slice3A : vector<1000x128xf32> to vector<1x1000x128xf32>
    tpu.vector_store %arg7[%swap3A, %swap3A_41, %swap3A_42], %swap3A_45 {strides = array<i32>} : memref<2x1000x128xf32, #tpu.memory_space<vmem>>, vector<1x1000x128xf32>,
    %slice3A_46 = vector.extract_strided_slice %mul3A_40 {offsets = [0, 128], sizes = [1000, 128], strides = [1, 1]} : vector<1000x256xf32> to vector<1000x128xf32>
    %swap3A_47 = arith.constant 1 : index
    %swap3A_48 = arith.constant 0 : index
    %swap3A_49 = arith.constant 0 : index
    %swap3A_50 = vector.load %arg7[%swap3A_47, %swap3A_48, %swap3A_49] : memref<2x1000x128xf32, #tpu.memory_space<vmem>>, vector<1x1000x128xf32>
    %swap3A_51 = vector.shape_cast %swap3A_50 : vector<1x1000x128xf32> to vector<1000x128xf32>
    %swap3A_52 = vector.shape_cast %slice3A_46 : vector<1000x128xf32> to vector<1x1000x128xf32>
    tpu.vector_store %arg7[%swap3A_47, %swap3A_48, %swap3A_49], %swap3A_52 {strides = array<i32>} : memref<2x1000x128xf32, #tpu.memory_space<vmem>>, vector<1x1000x128xf32>,
    return
  }
  func.func @transform_0(%arg0: i32) -> (i32, i32) {
    %c0_i32 = arith.constant 0 : i32
    %c0_i32_0 = arith.constant 0 : i32
    return %arg0, %c0_i32 : i32, i32
  }
  func.func @transform_1(%arg0: i32) -> (i32, i32) {
    %c0_i32 = arith.constant 0 : i32
    %c0_i32_0 = arith.constant 0 : i32
    %c0_i32_1 = arith.constant 0 : i32
    return %c0_i32, %c0_i32_0 : i32, i32
  }
  func.func @transform_2(%arg0: i32) -> (i32, i32) {
    %c0_i32 = arith.constant 0 : i32
    %c0_i32_0 = arith.constant 0 : i32
    %c0_i32_1 = arith.constant 0 : i32
    return %c0_i32, %c0_i32_0 : i32, i32
  }
  func.func @transform_3(%arg0: i32) -> (i32, i32) {
    %c0_i32 = arith.constant 0 : i32
    %c0_i32_0 = arith.constant 0 : i32
    %c0_i32_1 = arith.constant 0 : i32
    return %c0_i32, %c0_i32_0 : i32, i32
  }
  func.func @transform_4(%arg0: i32) -> (i32, i32) {
    %c0_i32 = arith.constant 0 : i32
    %c0_i32_0 = arith.constant 0 : i32
    %c0_i32_1 = arith.constant 0 : i32
    return %c0_i32, %c0_i32_0 : i32, i32
  }
  func.func @transform_5(%arg0: i32) -> (i32, i32) {
    %c0_i32 = arith.constant 0 : i32
    %c0_i32_0 = arith.constant 0 : i32
    return %arg0, %c0_i32 : i32, i32
  }
  func.func @transform_6(%arg0: i32) -> (i32, i32, i32) {
    %c0_i32 = arith.constant 0 : i32
    %c0_i32_0 = arith.constant 0 : i32
    %c0_i32_1 = arith.constant 0 : i32
    return %c0_i32, %arg0, %c0_i32_0 : i32, i32, i32
  }
}

module attributes {stable_mosaic.version = 14 : i64} {
  func.func @_final_combine_body(%arg0: i32, %arg1: memref<2x1000x128xf32, #tpu.memory_space<vmem>>, %arg2: memref<2x1000x128xf32, #tpu.memory_space<vmem>>, %arg3: memref<1000x16xf32, #tpu.memory_space<vmem>>, %arg4: memref<1x256xf32, #tpu.memory_space<vmem>>, %arg5: memref<1000x256xf32, #tpu.memory_space<vmem>>) attributes {dimension_semantics = [#tpu.dimension_semantics<arbitrary>], iteration_bounds = array<i64: 10>, scalar_prefetch = 0 : i64, scratch_operands = 0 : i64, tpu.core_type = #tpu.core_type<tc>, window_params = [{transform_indices = @transform_0, window_bounds = array<i64: 2, 1000, 128>}, {transform_indices = @transform_1, window_bounds = array<i64: 2, 1000, 128>}, {transform_indices = @transform_2, window_bounds = array<i64: 1000, 16>}, {pipeline_mode = #tpu.pipeline_mode<synchronous>, transform_indices = @transform_3, window_bounds = array<i64: 1, 256>}, {transform_indices = @transform_4, window_bounds = array<i64: 1000, 256>}]} {
    %get3A = arith.constant 0 : index
    %get3A_0 = arith.constant 0 : index
    %get3A_1 = vector.load %arg3[%get3A, %get3A_0] : memref<1000x16xf32, #tpu.memory_space<vmem>>, vector<1000x1xf32>
    %rsqrt3A = math.rsqrt %get3A_1 : vector<1000x1xf32>
    %get3A_2 = arith.constant 0 : index
    %get3A_3 = arith.constant 0 : index
    %get3A_4 = arith.constant 0 : index
    %get3A_5 = vector.load %arg1[%get3A_2, %get3A_3, %get3A_4] : memref<2x1000x128xf32, #tpu.memory_space<vmem>>, vector<1x1000x128xf32>
    %get3A_6 = vector.shape_cast %get3A_5 : vector<1x1000x128xf32> to vector<1000x128xf32>
    %get3A_7 = arith.constant 0 : index
    %get3A_8 = arith.constant 0 : index
    %get3A_9 = arith.constant 0 : index
    %get3A_10 = vector.load %arg2[%get3A_7, %get3A_8, %get3A_9] : memref<2x1000x128xf32, #tpu.memory_space<vmem>>, vector<1x1000x128xf32>
    %get3A_11 = vector.shape_cast %get3A_10 : vector<1x1000x128xf32> to vector<1000x128xf32>
    %add3A = arith.addf %get3A_6, %get3A_11 : vector<1000x128xf32>
    %get3A_12 = arith.constant 1 : index
    %get3A_13 = arith.constant 0 : index
    %get3A_14 = arith.constant 0 : index
    %get3A_15 = vector.load %arg1[%get3A_12, %get3A_13, %get3A_14] : memref<2x1000x128xf32, #tpu.memory_space<vmem>>, vector<1x1000x128xf32>
    %get3A_16 = vector.shape_cast %get3A_15 : vector<1x1000x128xf32> to vector<1000x128xf32>
    %get3A_17 = arith.constant 1 : index
    %get3A_18 = arith.constant 0 : index
    %get3A_19 = arith.constant 0 : index
    %get3A_20 = vector.load %arg2[%get3A_17, %get3A_18, %get3A_19] : memref<2x1000x128xf32, #tpu.memory_space<vmem>>, vector<1x1000x128xf32>
    %get3A_21 = vector.shape_cast %get3A_20 : vector<1x1000x128xf32> to vector<1000x128xf32>
    %add3A_22 = arith.addf %get3A_16, %get3A_21 : vector<1000x128xf32>
    %concatenate3A = tpu.concatenate %add3A, %add3A_22 in 1 : vector<1000x128xf32>, vector<1000x128xf32> -> vector<1000x256xf32>
    %mul3A = vector.broadcast %rsqrt3A : vector<1000x1xf32> to vector<1000x256xf32>
    %mul3A_23 = arith.mulf %mul3A, %concatenate3A : vector<1000x256xf32>
    %get3A_24 = arith.constant 0 : index
    %get3A_25 = arith.constant 0 : index
    %get3A_26 = vector.load %arg4[%get3A_24, %get3A_25] : memref<1x256xf32, #tpu.memory_space<vmem>>, vector<1x256xf32>
    %add3A_27 = vector.broadcast %get3A_26 : vector<1x256xf32> to vector<1000x256xf32>
    %add3A_28 = arith.addf %mul3A_23, %add3A_27 : vector<1000x256xf32>
    %swap3A = arith.constant 0 : index
    %swap3A_29 = arith.constant 0 : index
    %swap3A_30 = vector.load %arg5[%swap3A, %swap3A_29] : memref<1000x256xf32, #tpu.memory_space<vmem>>, vector<1000x256xf32>
    tpu.vector_store %arg5[%swap3A, %swap3A_29], %add3A_28 {strides = array<i32>} : memref<1000x256xf32, #tpu.memory_space<vmem>>, vector<1000x256xf32>,
    return
  }
  func.func @transform_0(%arg0: i32) -> (i32, i32, i32) {
    %c0_i32 = arith.constant 0 : i32
    %c0_i32_0 = arith.constant 0 : i32
    %c0_i32_1 = arith.constant 0 : i32
    return %c0_i32, %arg0, %c0_i32_0 : i32, i32, i32
  }
  func.func @transform_1(%arg0: i32) -> (i32, i32, i32) {
    %c0_i32 = arith.constant 0 : i32
    %c0_i32_0 = arith.constant 0 : i32
    %c0_i32_1 = arith.constant 0 : i32
    return %c0_i32, %arg0, %c0_i32_0 : i32, i32, i32
  }
  func.func @transform_2(%arg0: i32) -> (i32, i32) {
    %c0_i32 = arith.constant 0 : i32
    %c0_i32_0 = arith.constant 0 : i32
    return %arg0, %c0_i32 : i32, i32
  }
  func.func @transform_3(%arg0: i32) -> (i32, i32) {
    %c0_i32 = arith.constant 0 : i32
    %c0_i32_0 = arith.constant 0 : i32
    %c0_i32_1 = arith.constant 0 : i32
    return %c0_i32, %c0_i32_0 : i32, i32
  }
  func.func @transform_4(%arg0: i32) -> (i32, i32) {
    %c0_i32 = arith.constant 0 : i32
    %c0_i32_0 = arith.constant 0 : i32
    return %arg0, %c0_i32 : i32, i32
  }
}

</mosaic_0001>

<sc_bundles>
// kernel: kernel.12.cloned.1.call-start
scs
__scs_entry_jumppad:
0x0: {  	(pc) =	sbr.rel $0x88, $3  }
0x1: {  	(tag) =	ssettag $0x0;
	lr =	simm.s32 $0x1  }
0x2: {  	[smem:$0x3F95] =	sst lr;
	_ =	strace $0xD0000000  }
0x3: {  	_ = 	snop  }
0x4: {  	_ = 	snop  }
0x5: {  	_ = 	snop  }
0x6: {  	_ = 	snop  }
0x7: {  	_ = 	snop  }
__scs_overlays_trampoline_lowered:
0x8: {  	[smem:$0x3FA4] =	sst s0  }
0x9: {  	[smem:$0x3FA5] =	sst s1  }
0xa: {  	[smem:$0x3FA6] =	sst s2  }
0xb: {  	[smem:$0x3FA7] =	sst s3  }
0xc: {  	[smem:$0x3FA8] =	sst s4  }
0xd: {  	[smem:$0x3FA9] =	sst s5  }
0xe: {  	[smem:$0x3FAA] =	sst s6  }
0xf: {  	[smem:$0x3FAB] =	sst s7  }
0x10: {  	[smem:$0x3FAC] =	sst s8  }
0x11: {  	[smem:$0x3FAD] =	sst s9;
	s0 =	simm.s32 @!p0 $0x0  }
0x12: {  	s1 =	sld [smem:$0x3F93];
	s0 =	simm.s32 @p0 $0x1  }
0x13: {  	[smem:$0x3FAE] =	sst s0;
	s0 =	simm.s32 @!p1 $0x0  }
0x14: {  	s2 =	sld [smem:$0x3F92];
	s0 =	simm.s32 @p1 $0x1  }
0x15: {  	[smem:$0x3FAF] =	sst s0;
	s0 =	simm.s32 @!p2 $0x0  }
0x16: {  	s3 =	sld [smem:$0x3FDB];
	s0 =	simm.s32 @p2 $0x1  }
0x17: {  	s4 =	simm.s32 $0x1BF5;
	[smem:$0x3FB1] =	sst s0  }
0x18: {  	s0 =	sld [smem:$0x3F94];
	_ =	swait.ge [sflag:s4], $0x0  }
0x19: {  	s7 =	sld [smem:$0x3F95]  }
0x1a: {  	s8 =	sadd.s32 $0xFFFFE003, lr  }
0x1b: {  	s9 =	sadd.s32 $0xFFFFFEF7, lr;
	s5 =	simm.s32 $0xFFFFFFFF;
	p2 =	slt.u32 s8, $0xFFFFF086  }
0x1c: {  	p1 =	slt.u32 s9, $0xF7A;
	s5 =	simm.s32 @!p2 $0x0  }
0x1d: {  	s5 =	simm.s32 @p1 $0x1;
	p0 =	seq.s32 s7, s2  }
0x1e: {  	s7 =	smul.u32 @!p0 $0xF7A, s2;
	p2 =	seq.s32 @!p0 s5, $0x0  }
0x1f: {  	s9 =	smul.u32 $0xF7A, s1;
	s8 =	simm.s32 @!p0 $0x1BF5;
	p2 =	por !p2, p0  }
0x20: {  	[sflag:s8] =	ssyncset.s32 @!p0 $0xFFFFF086;
	s6 =	sadd.s32 @!p0 s3, s7;
	s7 =	simm.s32 @!p0 $0x108  }
0x21: {  	s3 =	sadd.s32 s3, s9;
	s6 =	sadd.s32 @!p0 $0x88, s6;
	s7 =	simm.s32 @p2 $0x1082  }
0x22: {  	[simem:s7], [sflag:s8] =	dma.local @!p0 [hbm:s6], $0xF7A  }
0x23: {  	s9 =	sor.u32 $0xD0000000, s2;
	s6 =	simm.s32 $0x108;
	_ =	swait.ge @!p0 [sflag:s8], $0x0  }
0x24: {  	s3 =	sadd.s32 $0x88, s3;
	s6 =	simm.s32 @!p1 $0x1082;
	[sflag:s4] =	ssyncset.s32 $0xFFFFF086  }
0x25: {  	[simem:s6], [sflag:s4] =	dma.local [hbm:s3], $0xF7A  }
0x26: {  	[smem:$0x3F95] =	sst s1;
	(tag) =	ssettag s2;
	_ =	strace s9  }
0x27: {  	s1 =	sld [smem:$0x3FA5]  }
0x28: {  	s2 =	sld [smem:$0x3FA6]  }
0x29: {  	s4 =	sld [smem:$0x3FA8]  }
0x2a: {  	p0 =	seq.s32 s5, $0x0;
	s5 =	sld [smem:$0x3FA9]  }
0x2b: {  	s6 =	sld [smem:$0x3FAA]  }
0x2c: {  	s7 =	sld [smem:$0x3FAB]  }
0x2d: {  	s3 =	simm.s32 $0x108;
	s8 =	sld [smem:$0x3FAC]  }
0x2e: {  	s3 =	simm.s32 @!p0 $0x1082;
	s9 =	sld [smem:$0x3FAD]  }
0x2f: {  	lr =	sadd.s32 s0, s3;
	s0 =	sld [smem:$0x3FA4]  }
0x30: {  	s3 =	sld [smem:$0x3FA7]  }
0x31: {  	[smem:$0x3FB0] =	sst s10  }
0x32: {  	s10 =	sld [smem:$0x3FAE];
	_ =	sdelay $0x3  }
0x33: {  	p0 =	seq.s32 s10, $0x1;
	s10 =	sld [smem:$0x3FB0];
	_ =	sdelay $0x3  }
0x34: {  	[smem:$0x3FB0] =	sst s10  }
0x35: {  	s10 =	sld [smem:$0x3FAF];
	_ =	sdelay $0x3  }
0x36: {  	p1 =	seq.s32 s10, $0x1;
	s10 =	sld [smem:$0x3FB0];
	_ =	sdelay $0x3  }
0x37: {  	[smem:$0x3FB0] =	sst s10  }
0x38: {  	s10 =	sld [smem:$0x3FB1]  }
0x39: {  	_ = 	snop;
	(pc) =	sbr.ind lr, $3  }
0x3a: {  	_ = 	snop  }
0x3b: {  	_ = 	snop  }
0x3c: {  	p2 =	seq.s32 s10, $0x1;
	s10 =	sld [smem:$0x3FB0]  }
0x3d: {  	_ =	shalt  }
0x3e: {  	_ =	shalt  }
0x3f: {  	_ =	shalt  }
0x40: {  	_ =	shalt  }
0x41: {  	_ =	shalt  }
0x42: {  	_ =	shalt  }
0x43: {  	_ =	shalt  }
0x44: {  	_ =	shalt  }
0x45: {  	_ =	shalt  }
0x46: {  	_ =	shalt  }
0x47: {  	_ =	shalt  }
0x48: {  	_ =	shalt  }
0x49: {  	_ =	shalt  }
0x4a: {  	_ =	shalt  }
0x4b: {  	_ =	shalt  }
0x4c: {  	_ =	shalt  }
0x4d: {  	_ =	shalt  }
0x4e: {  	_ =	shalt  }
0x4f: {  	_ =	shalt  }
0x50: {  	_ =	shalt  }
0x51: {  	_ =	shalt  }
0x52: {  	_ =	shalt  }
0x53: {  	_ =	shalt  }
0x54: {  	_ =	shalt  }
0x55: {  	_ =	shalt  }
0x56: {  	_ =	shalt  }
0x57: {  	_ =	shalt  }
0x58: {  	_ =	shalt  }
0x59: {  	_ =	shalt  }
0x5a: {  	_ =	shalt  }
0x5b: {  	_ =	shalt  }
0x5c: {  	_ =	shalt  }
0x5d: {  	_ =	shalt  }
0x5e: {  	_ =	shalt  }
0x5f: {  	_ =	shalt  }
0x60: {  	_ =	shalt  }
0x61: {  	_ =	shalt  }
0x62: {  	_ =	shalt  }
0x63: {  	_ =	shalt  }
0x64: {  	_ =	shalt  }
0x65: {  	_ =	shalt  }
0x66: {  	_ =	shalt  }
0x67: {  	_ =	shalt  }
0x68: {  	_ =	shalt  }
0x69: {  	_ =	shalt  }
0x6a: {  	_ =	shalt  }
0x6b: {  	_ =	shalt  }
0x6c: {  	_ =	shalt  }
0x6d: {  	_ =	shalt  }
0x6e: {  	_ =	shalt  }
0x6f: {  	_ =	shalt  }
0x70: {  	_ =	shalt  }
0x71: {  	_ =	shalt  }
0x72: {  	_ =	shalt  }
0x73: {  	_ =	shalt  }
0x74: {  	_ =	shalt  }
0x75: {  	_ =	shalt  }
0x76: {  	_ =	shalt  }
0x77: {  	_ =	shalt  }
0x78: {  	_ =	shalt  }
0x79: {  	_ =	shalt  }
0x7a: {  	_ =	shalt  }
0x7b: {  	_ =	shalt  }
0x7c: {  	_ =	shalt  }
0x7d: {  	_ =	shalt  }
0x7e: {  	_ =	shalt  }
0x7f: {  	_ =	shalt  }
0x80: {  	_ =	shalt  }
0x81: {  	_ =	shalt  }
0x82: {  	_ =	shalt  }
0x83: {  	_ =	shalt  }
0x84: {  	_ =	shalt  }
0x85: {  	_ =	shalt  }
0x86: {  	_ =	shalt  }
0x87: {  	_ =	shalt  }
.Lfunc_end0:
.L_simem_size_0:
called_computation_lowered:
.L_overlay_start_0:
0x88: {  	s2 =	sld [smem:$0x3FD9]  }
0x89: {  	s3 =	sld [smem:$0x3FFE];
	_ =	sdelay $0x1  }
0x8a: {  	s1 =	srdreg.scid  }
0x8b: {  	s0 =	sand.u32 $0x1, s1  }
0x8c: {  	s17 =	sshll.u32 s0, $0xA;
	s2 =	sadd.s32 s3, s2  }
0x8d: {  	s2 =	sadd.s32 s2, s17  }
0x8e: {  	[smem:$0x3FBC] =	sst s2  }
0x8f: {  	_ = 	snop  }
0x90: {  	s2 =	sld [smem:$0x3FD0];
	(tm) =	ssettm $0x1  }
0x91: {  	s18 =	sld [smem:$0x3FFB];
	_ =	sdelay $0x3  }
0x92: {  	_ =	strace s18  }
0x93: {  	s3 =	sld [smem:$0x3FFC];
	_ =	sdelay $0x3  }
0x94: {  	_ =	strace s3  }
0x95: {  	s3 =	sld [smem:$0x3FFD];
	_ =	sdelay $0x3  }
0x96: {  	_ =	strace s3  }
0x97: {  	_ =	strace $0x8FFFFFFF  }
0x98: {  	s19 =	sld [smem:$0x3FDB];
	_ =	sdelay $0x1  }
0x99: {  	s4 =	simm.s32 $_scs_section_size  }
0x9a: {  	s5 =	simm.s32 $_size__tile_overlayer_lowered;
	s6 =	simm.s32 $_tile_overlayer_lowered  }
0x9b: {  	s22 =	simm.s32 $0x1BFF;
	s21 =	sshll.u32 s6, $0x1;
	s3 =	sadd.s32 s4, s19  }
0x9c: {  	s7 =	simm.s32 $0x0;
	s20 =	sshll.u32 s5, $0x1;
	s5 =	sadd.s32 s21, s3  }
0x9d: {  	[timem:s7], [sflag:s22] =	dma.local [hbm:s5], s20  }
0x9e: {  	_ =	swait.ge [sflag:s22], s20  }
0x9f: {  	s4 =	ssub.s32 $0x0, s20;
	[sflag:s22] =	ssyncset.done $0x0  }
0xa0: {  	[sflag:s22] =	ssyncadd.s32 s4;
	_ =	sdelay $0x1  }
0xa1: {  	s23 =	simm.s32 $0x1B8B  }
0xa2: {  	_ =	swait.ge [sflag:s23], $0x1  }
0xa3: {  	[sflag:s23] =	ssyncset.done $0x0  }
0xa4: {  	s25 =	simm.s32 $0x1B8E;
	s24 =	sld [smem:$0x3FFE];
	[sflag:s23] =	ssyncadd.s32 $0xFFFFFFFF  }
0xa5: {  	s26 =	simm.s32 $execute0_lowered;
	[smem:$0x3FD2] =	sst s25  }
0xa6: {  	s5 =	sshll.u32 s26, $0x1;
	_ =	strace $0x80000046;
	[dreg:$0x1] =	wrdreg $0xFFFFFFFF  }
0xa7: {  	s28 =	simm.s32 $_size_execute0_lowered;
	s3 =	sadd.s32 s3, s5;
	[dreg:$0x0] =	wrdreg $0x0  }
0xa8: {  	s5 =	sshll.u32 s28, $0x1;
	[dreg:$0x2] =	wrdreg s3  }
0xa9: {  	[dreg:$0x3] =	wrdreg s5  }
0xaa: {  	[dreg:$0x4] =	wrdreg $0xC0  }
0xab: {  	_ =	task [dreg:s7], $0x5FFFF  }
0xac: {  	[dreg:$0x1] =	wrdreg $0xFFFFFFFF  }
0xad: {  	[dreg:$0x0] =	wrdreg $0x60  }
0xae: {  	[dreg:$0x2] =	wrdreg s24  }
0xaf: {  	[dreg:$0x3] =	wrdreg s2  }
0xb0: {  	[dreg:$0x4] =	wrdreg $0xA8000  }
0xb1: {  	[dreg:$0x5] =	wrdreg $0x9  }
0xb2: {  	_ =	task.clear_ibuf [dreg:s7], $0x6FFFF;
	_ =	strace $0x90000046  }
0xb3: {  	s29 =	simm.s32 $0x9;
	_ =	strace $0x80000048  }
0xb4: {  	_ =	swait.ge [sflag:s29], $0x1  }
0xb5: {  	[sflag:s29] =	ssyncadd.s32 $0xFFFFFFFF  }
0xb6: {  	_ =	strace $0x90000048  }
0xb7: {  	_ =	sfence  }
0xb8: {  	s30 =	sld [smem:$0x0];
	_ =	sdelay $0x2  }
0xb9: {  	s31 =	sshll.u32 s1, $0xD;
	s1 =	sshrl.u32 s1, $0x2  }
0xba: {  	s3 =	sand.u32 $0x4000, s31;
	s1 =	sadd.s32 s1, s30  }
0xbb: {  	s0 =	sor.u32 s3, s0;
	s1 =	sshll.u32 s1, $0x11  }
0xbc: {  	s0 =	sor.u32 s1, s0  }
0xbd: {  	s0 =	sadd.s32 $0x8F2B, s0  }
0xbe: {  	[sflag:s0] =	ssyncadd.remote.s32 $0x1  }
0xbf: {  	_ =	sfence.sel $0xFFFF  }
0xc0: {  	[dreg:$0x0] =	wrdreg $0xFFFFFFFF;
	(pc) =	sbr.abs _section_cstart, $3  }
0xc1: {  	[dreg:$0x1] =	wrdreg $0xFFFFFFFF  }
0xc2: {  	_ =	task.clear_ibuf [dreg:s7], $0x2FFFF;
	_ =	strace $0x9FFFFFFF  }
0xc3: {  	(tm) =	ssettm $0x7FFFFFFF  }
tec
execute0_lowered:
.L_overlay_start_1:
0x0: {  	(tag) =	ssettag $0x1  }
0x1: {  	s4 =	rddreg [dreg:$0x0]  }
0x2: {  	s10 =	rddreg [dreg:$0x1]  }
0x3: {  	s2 =	rddreg [dreg:$0x2]  }
0x4: {  	s0 =	rddreg [dreg:$0x3];
	s3 =	simm.s32 $0x0;
	s1 =	stileid.u32  }
0x5: {  	s6 =	srdreg.scid;
	s14 =	simm.s32 $0x6800;
	s5 =	smul.u32 $0x500, s1  }
0x6: {  	s15 =	simm.s32 $0x80;
	s18 =	simm.s32 $0x0;
	s7 =	smul.u32 $0x50000, s1  }
0x7: {  	[smem:$0x7FF] =	sst s3;
	s6 =	sand.u32 $0x1, s6;
	s9 =	smul.u32 $0x140, s1  }
0x8: {  	s16 =	sshll.u32 s1, $0x6;
	_ =	strace $0x80000047;
	s30 =	ssub.s32 $0x2, s6  }
0x9: {  	s8 =	smul.u32 $0x1400, s6;
	s16 =	sor.u32 $0x1C01, s16;
	s31 =	sshrl.u32 s30, $0x1  }
0xa: {  	s4 =	sadd.s32 s5, s4;
	s7 =	sshrl.u32 s7, $0x2;
	s11 =	ssub.s32 s30, s31  }
0xb: {  	s4 =	sadd.s32 $0x2C00, s4;
	s5 =	sadd.s32 s7, s2;
	s9 =	sadd.s32 s9, s8  }
0xc: {  	s6 =	sadd.s32 $0x4000, s5;
	s7 =	sadd.s32 $0x8000, s5;
	s8 =	sadd.s32 $0xC000, s5  }
0xd: {  	s12 =	sshll.u32 s9, $0x7;
	s13 =	sshll.u32 s9, $0x4;
	s9 =	sadd.s32 $0x10000, s5  }
0xe: {  	v0 =	vimm.f32 $0.0e+00;
	vm0 =	vcmask $0x300;
	s11 =	smax.u32 s11, $0x1;
	s17 =	sadd.s32 s12, s2;
	s10 =	sadd.s32 s10, s13  }
0xf: {  	v0 =	vsel vm0, $0x3F800000, v0;
	s12 =	simm.s32 $0x1;
	s13 =	simm.s32 $0x2800;
	s17 =	sshrl.u32 s17, $0x3  }
.LBB2_1:
0x10: {  	[tilespmem:s3], [sflag:$0x1] =	stream.linear.gather [hbm4b:s4+s3], $0x2800, $0x38;
	[tilespmem:$0xD000] =	vst v63  }
0x11: {  	_ =	swait.ge [sflag:s12], $0x2800  }
0x12: {  	[sflag:s12] =	ssyncset.done $0x0  }
0x13: {  	s19 =	simm.s32 $0x200;
	s20 =	simm.s32 $0x0;
	[sflag:s12] =	ssyncadd.s32 $0xFFFFD800  }
.LBB2_2:
0x14: {  	p0 =	sne.s32 s19, $0xFE00;
	[tilespmem:s20+$0x2800] =	vst v0;
	s20 =	smov.u32 s19;
	s19 =	sadd.s32 $0x200, s19  }
.Ltmp0:
0x15: {  	(pc) =	sbr.rel @p0 .LBB2_2-.Ltmp0, $2  }
0x16: {  	_ =	sdelay $0x2  }
0x17: {  	s20 =	sshra.s32 s20, $0x2  }
0x18: {  	[tilespmem:s20+$0x2800] =	vst v0  }
0x19: {  	[spmem:s5] =	stream.linear.scatter [tilespmem:s13], [sflag:$0x1], $0x4000, $0x38;
	[tilespmem:$0xD000] =	vst v63  }
0x1a: {  	_ =	swait.ge [sflag:s12], $0x4000  }
0x1b: {  	[sflag:s12] =	ssyncset.done $0x0  }
0x1c: {  	[sflag:s12] =	ssyncadd.s32 $0xFFFFC000  }
0x1d: {  	[spmem:s6] =	stream.linear.scatter [tilespmem:s13], [sflag:$0x1], $0x4000, $0x38;
	[tilespmem:$0xD000] =	vst v63  }
0x1e: {  	_ =	swait.ge [sflag:s12], $0x4000  }
0x1f: {  	[sflag:s12] =	ssyncset.done $0x0  }
0x20: {  	[sflag:s12] =	ssyncadd.s32 $0xFFFFC000  }
0x21: {  	[spmem:s7] =	stream.linear.scatter [tilespmem:s13], [sflag:$0x1], $0x4000, $0x38;
	[tilespmem:$0xD000] =	vst v63  }
0x22: {  	_ =	swait.ge [sflag:s12], $0x4000  }
0x23: {  	[sflag:s12] =	ssyncset.done $0x0  }
0x24: {  	[sflag:s12] =	ssyncadd.s32 $0xFFFFC000  }
0x25: {  	[spmem:s8] =	stream.linear.scatter [tilespmem:s13], [sflag:$0x1], $0x4000, $0x38;
	[tilespmem:$0xD000] =	vst v63  }
0x26: {  	_ =	swait.ge [sflag:s12], $0x4000  }
0x27: {  	[sflag:s12] =	ssyncset.done $0x0  }
0x28: {  	[sflag:s12] =	ssyncadd.s32 $0xFFFFC000  }
0x29: {  	[spmem:s9] =	stream.linear.scatter [tilespmem:s13], [sflag:$0x1], $0x4000, $0x38;
	[tilespmem:$0xD000] =	vst v63  }
0x2a: {  	_ =	swait.ge [sflag:s12], $0x4000  }
0x2b: {  	[sflag:s12] =	ssyncset.done $0x0  }
0x2c: {  	[sflag:s12] =	ssyncadd.s32 $0xFFFFC000  }
0x2d: {  	[tilespmem:s14], [sflag:$0x1] =	stream.linear.gather [spmem:s5], $0x4000, $0x38;
	[tilespmem:$0xD000] =	vst v63  }
0x2e: {  	_ =	swait.ge [sflag:s12], $0x4000  }
0x2f: {  	[sflag:s12] =	ssyncset.done $0x0  }
0x30: {  	[sflag:s12] =	ssyncadd.s32 $0xFFFFC000  }
0x31: {  	[tilespmem:s14], [sflag:$0x1] =	stream.linear.gather [spmem:s6], $0x4000, $0x38;
	[tilespmem:$0xD000] =	vst v63  }
0x32: {  	_ =	swait.ge [sflag:s12], $0x4000  }
0x33: {  	[sflag:s12] =	ssyncset.done $0x0  }
0x34: {  	[sflag:s12] =	ssyncadd.s32 $0xFFFFC000  }
0x35: {  	[tilespmem:s14], [sflag:$0x1] =	stream.linear.gather [spmem:s7], $0x4000, $0x38;
	[tilespmem:$0xD000] =	vst v63  }
0x36: {  	_ =	swait.ge [sflag:s12], $0x4000  }
0x37: {  	[sflag:s12] =	ssyncset.done $0x0  }
0x38: {  	[sflag:s12] =	ssyncadd.s32 $0xFFFFC000  }
0x39: {  	[tilespmem:s14], [sflag:$0x1] =	stream.linear.gather [spmem:s8], $0x4000, $0x38;
	[tilespmem:$0xD000] =	vst v63  }
0x3a: {  	_ =	swait.ge [sflag:s12], $0x4000  }
0x3b: {  	[sflag:s12] =	ssyncset.done $0x0  }
0x3c: {  	[sflag:s12] =	ssyncadd.s32 $0xFFFFC000  }
0x3d: {  	[tilespmem:s14], [sflag:$0x1] =	stream.linear.gather [spmem:s9], $0x4000, $0x38;
	[tilespmem:$0xD000] =	vst v63  }
0x3e: {  	_ =	swait.ge [sflag:s12], $0x4000  }
0x3f: {  	[sflag:s12] =	ssyncset.done $0x0  }
0x40: {  	[sflag:s12] =	ssyncadd.s32 $0xFFFFC000  }
0x41: {  	s19 =	simm.s32 $0x0;
	[bflag:$0x0] =	sbarrier.arrive $0xFFFF  }
0x42: {  	[spmem:s2] =	stream.indirect.scatter.add.f32 [tilespmem:s13], [sflag:$0x1], $0x10, s19, s15, $0xb8;
	[tilespmem:$0xD000] =	vst v63  }
0x43: {  	_ =	swait.ge [sflag:s12], $0x800  }
0x44: {  	s19 =	simm.s32 $0x200;
	[sflag:s12] =	ssyncset.done $0x0  }
.LBB2_4:
0x45: {  	s20 =	sshra.s32 s19, $0x2;
	[sflag:s12] =	ssyncadd.s32 $0xFFFFF800;
	p0 =	sne.s32 s19, $0x9E00  }
0x46: {  	[spmem:s2] =	stream.indirect.scatter.add.f32 [tilespmem:s13], [sflag:$0x1], $0x10, s20, s15, $0xb8;
	[tilespmem:$0xD000] =	vst v63  }
.Ltmp1:
0x47: {  	_ = 	snop;
	(pc) =	sbr.rel @p0 .LBB2_4-.Ltmp1, $4  }
0x48: {  	_ = 	snop  }
0x49: {  	s19 =	sadd.s32 $0x200, s19  }
0x4a: {  	_ =	swait.ge [sflag:s12], $0x800  }
0x4b: {  	[sflag:s12] =	ssyncset.done $0x0  }
0x4c: {  	s18 =	sadd.s32 $0x1, s18  }
0x4d: {  	[sflag:s12] =	ssyncadd.s32 $0xFFFFF800;
	p0 =	sne.s32 s18, s11  }
.Ltmp2:
0x4e: {  	[bflag:$0x0] =	sbarrier.arrive $0xFFFF;
	(pc) =	sbr.rel @p0 .LBB2_1-.Ltmp2, $4  }
0x4f: {  	[hbm:s10], [sflag:s16] =	dma.local [spmem:s17], $0x1400  }
0x50: {  	_ =	swait.ge [sflag:s12], $0x1400  }
0x51: {  	[sflag:s12] =	ssyncset.done $0x0  }
0x52: {  	[sflag:s12] =	ssyncadd.s32 $0xFFFFEC00  }
0x53: {  	_ =	sfence.sel $0x180000  }
0x54: {  	[bflag:$0x0] =	sbarrier.arrive $0xFFFF  }
0x55: {  	p0 =	sne.s32 s1, $0x0;
	_ =	strace $0x90000047  }
0x56: {  	s0 =	sadd.s32 @!p0 $0x100000, s0;
	[bflag:$0x2] =	sbarrier.arrive $0xFFFF  }
0x57: {  	[sflag:s0] =	ssyncadd.tile.s32 @!p0 $0x1;
	_ =	shalt  }
.Lfunc_end2:
_tile_overlayer_lowered:
.L_overlay_start_2:
0x58: {  	(tag) =	ssettag $0x2  }
0x59: {  	s0 =	rddreg [dreg:$0x0];
	s2 =	stileid.u32  }
0x5a: {  	s1 =	rddreg [dreg:$0x1];
	p0 =	sne.s32 s2, $0x0  }
0x5b: {  	s3 =	rddreg [dreg:$0x2];
	[bflag:$0x3] =	sbarrier.arrive $0xFFFF;
	s2 =	simm.s32 @!p0 $0x1C01  }
0x5c: {  	[timem:s3], [sflag:s2] =	dma.local @!p0 [hbm:s0], s1  }
0x5d: {  	s0 =	simm.s32 @!p0 $0x1  }
0x5e: {  	_ =	swait.ge @!p0 [sflag:s0], s1  }
0x5f: {  	s1 =	ssub.s32 @!p0 $0x0, s1;
	[sflag:s0] =	ssyncset.done @!p0 $0x0  }
0x60: {  	[sflag:s0] =	ssyncadd.s32 @!p0 s1  }
0x61: {  	[bflag:$0x3] =	sbarrier.arrive $0xFFFF  }
0x62: {  	_ =	shalt  }

// kernel: kernel.15.cloned.1.call-start
scs
__scs_entry_jumppad:
0x0: {  	(pc) =	sbr.rel $0x88, $3  }
0x1: {  	(tag) =	ssettag $0x0;
	lr =	simm.s32 $0x1  }
0x2: {  	[smem:$0x3F95] =	sst lr;
	_ =	strace $0xD0000000  }
0x3: {  	_ = 	snop  }
0x4: {  	_ = 	snop  }
0x5: {  	_ = 	snop  }
0x6: {  	_ = 	snop  }
0x7: {  	_ = 	snop  }
__scs_overlays_trampoline_lowered:
0x8: {  	[smem:$0x3FA4] =	sst s0  }
0x9: {  	[smem:$0x3FA5] =	sst s1  }
0xa: {  	[smem:$0x3FA6] =	sst s2  }
0xb: {  	[smem:$0x3FA7] =	sst s3  }
0xc: {  	[smem:$0x3FA8] =	sst s4  }
0xd: {  	[smem:$0x3FA9] =	sst s5  }
0xe: {  	[smem:$0x3FAA] =	sst s6  }
0xf: {  	[smem:$0x3FAB] =	sst s7  }
0x10: {  	[smem:$0x3FAC] =	sst s8  }
0x11: {  	[smem:$0x3FAD] =	sst s9;
	s0 =	simm.s32 @!p0 $0x0  }
0x12: {  	s1 =	sld [smem:$0x3F93];
	s0 =	simm.s32 @p0 $0x1  }
0x13: {  	[smem:$0x3FAE] =	sst s0;
	s0 =	simm.s32 @!p1 $0x0  }
0x14: {  	s2 =	sld [smem:$0x3F92];
	s0 =	simm.s32 @p1 $0x1  }
0x15: {  	[smem:$0x3FAF] =	sst s0;
	s0 =	simm.s32 @!p2 $0x0  }
0x16: {  	s3 =	sld [smem:$0x3FDB];
	s0 =	simm.s32 @p2 $0x1  }
0x17: {  	s4 =	simm.s32 $0x1BF5;
	[smem:$0x3FB1] =	sst s0  }
0x18: {  	s0 =	sld [smem:$0x3F94];
	_ =	swait.ge [sflag:s4], $0x0  }
0x19: {  	s7 =	sld [smem:$0x3F95]  }
0x1a: {  	s8 =	sadd.s32 $0xFFFFE003, lr  }
0x1b: {  	s9 =	sadd.s32 $0xFFFFFEF7, lr;
	s5 =	simm.s32 $0xFFFFFFFF;
	p2 =	slt.u32 s8, $0xFFFFF086  }
0x1c: {  	p1 =	slt.u32 s9, $0xF7A;
	s5 =	simm.s32 @!p2 $0x0  }
0x1d: {  	s5 =	simm.s32 @p1 $0x1;
	p0 =	seq.s32 s7, s2  }
0x1e: {  	s7 =	smul.u32 @!p0 $0xF7A, s2;
	p2 =	seq.s32 @!p0 s5, $0x0  }
0x1f: {  	s9 =	smul.u32 $0xF7A, s1;
	s8 =	simm.s32 @!p0 $0x1BF5;
	p2 =	por !p2, p0  }
0x20: {  	[sflag:s8] =	ssyncset.s32 @!p0 $0xFFFFF086;
	s6 =	sadd.s32 @!p0 s3, s7;
	s7 =	simm.s32 @!p0 $0x108  }
0x21: {  	s3 =	sadd.s32 s3, s9;
	s6 =	sadd.s32 @!p0 $0x88, s6;
	s7 =	simm.s32 @p2 $0x1082  }
0x22: {  	[simem:s7], [sflag:s8] =	dma.local @!p0 [hbm:s6], $0xF7A  }
0x23: {  	s9 =	sor.u32 $0xD0000000, s2;
	s6 =	simm.s32 $0x108;
	_ =	swait.ge @!p0 [sflag:s8], $0x0  }
0x24: {  	s3 =	sadd.s32 $0x88, s3;
	s6 =	simm.s32 @!p1 $0x1082;
	[sflag:s4] =	ssyncset.s32 $0xFFFFF086  }
0x25: {  	[simem:s6], [sflag:s4] =	dma.local [hbm:s3], $0xF7A  }
0x26: {  	[smem:$0x3F95] =	sst s1;
	(tag) =	ssettag s2;
	_ =	strace s9  }
0x27: {  	s1 =	sld [smem:$0x3FA5]  }
0x28: {  	s2 =	sld [smem:$0x3FA6]  }
0x29: {  	s4 =	sld [smem:$0x3FA8]  }
0x2a: {  	p0 =	seq.s32 s5, $0x0;
	s5 =	sld [smem:$0x3FA9]  }
0x2b: {  	s6 =	sld [smem:$0x3FAA]  }
0x2c: {  	s7 =	sld [smem:$0x3FAB]  }
0x2d: {  	s3 =	simm.s32 $0x108;
	s8 =	sld [smem:$0x3FAC]  }
0x2e: {  	s3 =	simm.s32 @!p0 $0x1082;
	s9 =	sld [smem:$0x3FAD]  }
0x2f: {  	lr =	sadd.s32 s0, s3;
	s0 =	sld [smem:$0x3FA4]  }
0x30: {  	s3 =	sld [smem:$0x3FA7]  }
0x31: {  	[smem:$0x3FB0] =	sst s10  }
0x32: {  	s10 =	sld [smem:$0x3FAE];
	_ =	sdelay $0x3  }
0x33: {  	p0 =	seq.s32 s10, $0x1;
	s10 =	sld [smem:$0x3FB0];
	_ =	sdelay $0x3  }
0x34: {  	[smem:$0x3FB0] =	sst s10  }
0x35: {  	s10 =	sld [smem:$0x3FAF];
	_ =	sdelay $0x3  }
0x36: {  	p1 =	seq.s32 s10, $0x1;
	s10 =	sld [smem:$0x3FB0];
	_ =	sdelay $0x3  }
0x37: {  	[smem:$0x3FB0] =	sst s10  }
0x38: {  	s10 =	sld [smem:$0x3FB1]  }
0x39: {  	_ = 	snop;
	(pc) =	sbr.ind lr, $3  }
0x3a: {  	_ = 	snop  }
0x3b: {  	_ = 	snop  }
0x3c: {  	p2 =	seq.s32 s10, $0x1;
	s10 =	sld [smem:$0x3FB0]  }
0x3d: {  	_ =	shalt  }
0x3e: {  	_ =	shalt  }
0x3f: {  	_ =	shalt  }
0x40: {  	_ =	shalt  }
0x41: {  	_ =	shalt  }
0x42: {  	_ =	shalt  }
0x43: {  	_ =	shalt  }
0x44: {  	_ =	shalt  }
0x45: {  	_ =	shalt  }
0x46: {  	_ =	shalt  }
0x47: {  	_ =	shalt  }
0x48: {  	_ =	shalt  }
0x49: {  	_ =	shalt  }
0x4a: {  	_ =	shalt  }
0x4b: {  	_ =	shalt  }
0x4c: {  	_ =	shalt  }
0x4d: {  	_ =	shalt  }
0x4e: {  	_ =	shalt  }
0x4f: {  	_ =	shalt  }
0x50: {  	_ =	shalt  }
0x51: {  	_ =	shalt  }
0x52: {  	_ =	shalt  }
0x53: {  	_ =	shalt  }
0x54: {  	_ =	shalt  }
0x55: {  	_ =	shalt  }
0x56: {  	_ =	shalt  }
0x57: {  	_ =	shalt  }
0x58: {  	_ =	shalt  }
0x59: {  	_ =	shalt  }
0x5a: {  	_ =	shalt  }
0x5b: {  	_ =	shalt  }
0x5c: {  	_ =	shalt  }
0x5d: {  	_ =	shalt  }
0x5e: {  	_ =	shalt  }
0x5f: {  	_ =	shalt  }
0x60: {  	_ =	shalt  }
0x61: {  	_ =	shalt  }
0x62: {  	_ =	shalt  }
0x63: {  	_ =	shalt  }
0x64: {  	_ =	shalt  }
0x65: {  	_ =	shalt  }
0x66: {  	_ =	shalt  }
0x67: {  	_ =	shalt  }
0x68: {  	_ =	shalt  }
0x69: {  	_ =	shalt  }
0x6a: {  	_ =	shalt  }
0x6b: {  	_ =	shalt  }
0x6c: {  	_ =	shalt  }
0x6d: {  	_ =	shalt  }
0x6e: {  	_ =	shalt  }
0x6f: {  	_ =	shalt  }
0x70: {  	_ =	shalt  }
0x71: {  	_ =	shalt  }
0x72: {  	_ =	shalt  }
0x73: {  	_ =	shalt  }
0x74: {  	_ =	shalt  }
0x75: {  	_ =	shalt  }
0x76: {  	_ =	shalt  }
0x77: {  	_ =	shalt  }
0x78: {  	_ =	shalt  }
0x79: {  	_ =	shalt  }
0x7a: {  	_ =	shalt  }
0x7b: {  	_ =	shalt  }
0x7c: {  	_ =	shalt  }
0x7d: {  	_ =	shalt  }
0x7e: {  	_ =	shalt  }
0x7f: {  	_ =	shalt  }
0x80: {  	_ =	shalt  }
0x81: {  	_ =	shalt  }
0x82: {  	_ =	shalt  }
0x83: {  	_ =	shalt  }
0x84: {  	_ =	shalt  }
0x85: {  	_ =	shalt  }
0x86: {  	_ =	shalt  }
0x87: {  	_ =	shalt  }
.Lfunc_end0:
.L_simem_size_0:
called_computation.1_lowered:
.L_overlay_start_0:
0x88: {  	s2 =	sld [smem:$0x3FD9]  }
0x89: {  	s3 =	sld [smem:$0x3FFE];
	_ =	sdelay $0x1  }
0x8a: {  	s1 =	srdreg.scid  }
0x8b: {  	s0 =	sand.u32 $0x1, s1  }
0x8c: {  	s17 =	sshll.u32 s0, $0xA;
	s2 =	sadd.s32 s3, s2  }
0x8d: {  	s2 =	sadd.s32 s2, s17  }
0x8e: {  	[smem:$0x3FBC] =	sst s2  }
0x8f: {  	_ = 	snop  }
0x90: {  	s2 =	sld [smem:$0x3FD0];
	(tm) =	ssettm $0x1  }
0x91: {  	s18 =	sld [smem:$0x3FFB];
	_ =	sdelay $0x3  }
0x92: {  	_ =	strace s18  }
0x93: {  	s3 =	sld [smem:$0x3FFC];
	_ =	sdelay $0x3  }
0x94: {  	_ =	strace s3  }
0x95: {  	s3 =	sld [smem:$0x3FFD];
	_ =	sdelay $0x3  }
0x96: {  	_ =	strace s3  }
0x97: {  	_ =	strace $0x8FFFFFFF  }
0x98: {  	s19 =	sld [smem:$0x3FDB];
	_ =	sdelay $0x1  }
0x99: {  	s4 =	simm.s32 $_scs_section_size  }
0x9a: {  	s5 =	simm.s32 $_size__tile_overlayer_lowered;
	s6 =	simm.s32 $_tile_overlayer_lowered  }
0x9b: {  	s22 =	simm.s32 $0x1BFF;
	s21 =	sshll.u32 s6, $0x1;
	s3 =	sadd.s32 s4, s19  }
0x9c: {  	s7 =	simm.s32 $0x0;
	s20 =	sshll.u32 s5, $0x1;
	s5 =	sadd.s32 s21, s3  }
0x9d: {  	[timem:s7], [sflag:s22] =	dma.local [hbm:s5], s20  }
0x9e: {  	_ =	swait.ge [sflag:s22], s20  }
0x9f: {  	s4 =	ssub.s32 $0x0, s20;
	[sflag:s22] =	ssyncset.done $0x0  }
0xa0: {  	[sflag:s22] =	ssyncadd.s32 s4;
	_ =	sdelay $0x1  }
0xa1: {  	s23 =	simm.s32 $0x1B8B  }
0xa2: {  	_ =	swait.ge [sflag:s23], $0x1  }
0xa3: {  	[sflag:s23] =	ssyncset.done $0x0  }
0xa4: {  	s25 =	simm.s32 $0x1B8E;
	s24 =	sld [smem:$0x3FFE];
	[sflag:s23] =	ssyncadd.s32 $0xFFFFFFFF  }
0xa5: {  	s26 =	simm.s32 $execute0_lowered;
	[smem:$0x3FD2] =	sst s25  }
0xa6: {  	s5 =	sshll.u32 s26, $0x1;
	_ =	strace $0x80000049;
	[dreg:$0x1] =	wrdreg $0xFFFFFFFF  }
0xa7: {  	s28 =	simm.s32 $_size_execute0_lowered;
	s3 =	sadd.s32 s3, s5;
	[dreg:$0x0] =	wrdreg $0x0  }
0xa8: {  	s5 =	sshll.u32 s28, $0x1;
	[dreg:$0x2] =	wrdreg s3  }
0xa9: {  	[dreg:$0x3] =	wrdreg s5  }
0xaa: {  	[dreg:$0x4] =	wrdreg $0xC0  }
0xab: {  	_ =	task [dreg:s7], $0x5FFFF  }
0xac: {  	[dreg:$0x1] =	wrdreg $0xFFFFFFFF  }
0xad: {  	[dreg:$0x0] =	wrdreg $0x60  }
0xae: {  	[dreg:$0x2] =	wrdreg s2  }
0xaf: {  	[dreg:$0x3] =	wrdreg s24  }
0xb0: {  	[dreg:$0x4] =	wrdreg $0x138000  }
0xb1: {  	[dreg:$0x5] =	wrdreg $0x9  }
0xb2: {  	_ =	task.clear_ibuf [dreg:s7], $0x6FFFF;
	_ =	strace $0x90000049  }
0xb3: {  	s29 =	simm.s32 $0x9;
	_ =	strace $0x8000004B  }
0xb4: {  	_ =	swait.ge [sflag:s29], $0x1  }
0xb5: {  	[sflag:s29] =	ssyncadd.s32 $0xFFFFFFFF  }
0xb6: {  	_ =	strace $0x9000004B  }
0xb7: {  	_ =	sfence  }
0xb8: {  	s30 =	sld [smem:$0x0];
	_ =	sdelay $0x2  }
0xb9: {  	s31 =	sshll.u32 s1, $0xD;
	s1 =	sshrl.u32 s1, $0x2  }
0xba: {  	s3 =	sand.u32 $0x4000, s31;
	s1 =	sadd.s32 s1, s30  }
0xbb: {  	s0 =	sor.u32 s3, s0;
	s1 =	sshll.u32 s1, $0x11  }
0xbc: {  	s0 =	sor.u32 s1, s0  }
0xbd: {  	s0 =	sadd.s32 $0x8F2B, s0  }
0xbe: {  	[sflag:s0] =	ssyncadd.remote.s32 $0x1  }
0xbf: {  	_ =	sfence.sel $0xFFFF  }
0xc0: {  	[dreg:$0x0] =	wrdreg $0xFFFFFFFF;
	(pc) =	sbr.abs _section_cstart, $3  }
0xc1: {  	[dreg:$0x1] =	wrdreg $0xFFFFFFFF  }
0xc2: {  	_ =	task.clear_ibuf [dreg:s7], $0x2FFFF;
	_ =	strace $0x9FFFFFFF  }
0xc3: {  	(tm) =	ssettm $0x7FFFFFFF  }
tec
execute0_lowered:
.L_overlay_start_1:
0x0: {  	(tag) =	ssettag $0x1  }
0x1: {  	s1 =	rddreg [dreg:$0x0]  }
0x2: {  	s5 =	rddreg [dreg:$0x1]  }
0x3: {  	s3 =	rddreg [dreg:$0x2]  }
0x4: {  	s6 =	srdreg.scid;
	s4 =	simm.s32 $0x0;
	s2 =	stileid.u32  }
0x5: {  	s16 =	simm.s32 $0x7800;
	s17 =	simm.s32 $0x6;
	s28 =	smul.u32 $0x500, s2  }
0x6: {  	s18 =	simm.s32 $0xB800;
	s19 =	simm.s32 $0x80;
	s10 =	smul.u32 $0x29000, s2  }
0x7: {  	s24 =	simm.s32 $0x0;
	s9 =	sand.u32 $0x1, s6;
	s12 =	smul.u32 $0x28000, s2  }
0x8: {  	[smem:$0x7FF] =	sst s4;
	s14 =	smul.u32 $0x140, s2;
	p0 =	seq.s32 s2, $0xF  }
0x9: {  	s20 =	sadd.s32 $0x96000, s3;
	s7 =	ssub.s32 $0x2, s9;
	s30 =	smul.u32 $0x138800, s9  }
0xa: {  	_ =	strace $0x8000004A;
	s22 =	smul.u32 $0x2710, s9;
	s20 =	sshrl.u32 s20, $0x3  }
0xb: {  	s8 =	sshrl.u32 s7, $0x1;
	s11 =	sadd.s32 s28, s5;
	s5 =	sadd.s32 $0xCC00, s5  }
0xc: {  	s29 =	sshrl.u32 s10, $0x2;
	s12 =	sshrl.u32 s12, $0x2;
	s13 =	ssub.s32 s7, s8  }
.Ltmp0:
0xd: {  	s6 =	sadd.s32 $0x7C00, s11;
	s7 =	sadd.s32 $0x2C00, s11;
	(pc) =	sbr.rel .LBB2_1-.Ltmp0, $4  }
0xe: {  	s8 =	sadd.s32 s29, s3;
	s11 =	sshrl.u32 s30, $0x3;
	s23 =	sadd.s32 s12, s3  }
0xf: {  	s9 =	sadd.s32 $0x4000, s8;
	s10 =	sadd.s32 $0x8000, s8;
	s31 =	sadd.s32 s5, s11  }
0x10: {  	s11 =	sadd.s32 s22, s14;
	s13 =	smax.u32 s13, $0x1;
	s14 =	simm.s32 $0x4  }
0x11: {  	v1 =	vimm.f32 $0.0e+00;
	v0 =	vmov s22;
	s22 =	sshrl.u32 s23, $0x3;
	s23 =	simm.s32 $0x5;
	s12 =	sadd.s32 $0x26C00, s31  }
.LBB2_11:
0x12: {  	s0 =	simm.s32 $0x1FC4  }
0x13: {  	[hbm:s12], [sflag:s0] =	dma.local [spmem:s20], $0x500  }
0x14: {  	_ =	swait.ge [sflag:s14], $0x500  }
0x15: {  	[sflag:s14] =	ssyncset.done $0x0  }
0x16: {  	[sflag:s14] =	ssyncadd.s32 $0xFFFFFB00  }
.LBB2_13:
0x17: {  	s24 =	sadd.s32 $0x1, s24  }
0x18: {  	p1 =	sne.s32 s24, s13  }
.Ltmp1:
0x19: {  	_ = 	snop;
	(pc) =	sbr.rel @!p1 .LBB2_14-.Ltmp1, $1  }
0x1a: {  	_ =	sdelay $0x3  }
.LBB2_1:
0x1b: {  	[tilespmem:s4], [sflag:$0x4] =	stream.linear.gather [hbm4b:s6+s4], $0x2800, $0x38;
	[tilespmem:$0x1DC00] =	vst v63  }
0x1c: {  	_ =	swait.ge [sflag:s14], $0x2800  }
0x1d: {  	[sflag:s14] =	ssyncset.done $0x0  }
0x1e: {  	s0 =	simm.s32 $0x2800;
	[sflag:s14] =	ssyncadd.s32 $0xFFFFD800  }
0x1f: {  	[tilespmem:s0], [sflag:$0x4] =	stream.linear.gather [hbm4b:s7+s4], $0x2800, $0x38;
	[tilespmem:$0x1DC00] =	vst v63  }
0x20: {  	_ =	swait.ge [sflag:s14], $0x2800  }
0x21: {  	[sflag:s14] =	ssyncset.done $0x0  }
0x22: {  	s25 =	simm.s32 $0x70;
	[sflag:s14] =	ssyncadd.s32 $0xFFFFD800  }
0x23: {  	v4 =	vld [tilespmem:s25+$0xFFFFFF90]  }
0x24: {  	v6 =	vld [tilespmem:s25+$0xFFFFFFA0]  }
0x25: {  	v5 =	vld [tilespmem:s25+$0xFFFFFFB0]  }
0x26: {  	v3 =	vld [tilespmem:s25+$0xFFFFFFC0]  }
0x27: {  	v2 =	vld [tilespmem:s25+$0xFFFFFFD0]  }
0x28: {  	s26 =	simm.s32 $0x3C0;
	v7 =	vadd.s32 v0, v4;
	v4 =	vld [tilespmem:s25+$0xFFFFFFE0]  }
.LBB2_2:
0x29: {  	p1 =	sne.s32 s26, $0x9FC0;
	[tilespmem:s25+$0xFFFFFF90] =	vst v7;
	v6 =	vadd.s32 v0, v6;
	v7 =	vld [tilespmem:s25+$0x0]  }
0x2a: {  	s28 =	sshra.s32 s26, $0x2;
	[tilespmem:s25+$0xFFFFFFA0] =	vst v6;
	v5 =	vadd.s32 v0, v5;
	v8 =	vld [tilespmem:s25+$0xFFFFFFF0]  }
0x2b: {  	v9 =	vld [tilespmem:s28+$0xFFFFFF90];
	[tilespmem:s25+$0xFFFFFFB0] =	vst v5;
	v3 =	vadd.s32 v0, v3  }
.Ltmp2:
0x2c: {  	v6 =	vld [tilespmem:s28+$0xFFFFFFA0];
	[tilespmem:s25+$0xFFFFFFC0] =	vst v3;
	v2 =	vadd.s32 v0, v2;
	(pc) =	sbr.rel @p1 .LBB2_2-.Ltmp2, $4  }
0x2d: {  	v5 =	vld [tilespmem:s28+$0xFFFFFFB0];
	[tilespmem:s25+$0xFFFFFFD0] =	vst v2;
	v2 =	vadd.s32 v0, v4  }
0x2e: {  	v3 =	vld [tilespmem:s28+$0xFFFFFFC0];
	[tilespmem:s25+$0xFFFFFFE0] =	vst v2;
	v4 =	vadd.s32 v0, v7  }
0x2f: {  	v2 =	vld [tilespmem:s28+$0xFFFFFFD0];
	v8 =	vadd.s32 v0, v8;
	[tilespmem:s25+$0x0] =	vst v4  }
0x30: {  	s26 =	sadd.s32 $0x200, s26;
	v7 =	vadd.s32 v0, v9;
	v4 =	vld [tilespmem:s28+$0xFFFFFFE0];
	[tilespmem:s25+$0xFFFFFFF0] =	vst v8;
	s25 =	smov.u32 s28  }
0x31: {  	[tilespmem:s25+$0xFFFFFF90] =	vst v7;
	v6 =	vadd.s32 v0, v6;
	v62 =	vld [tilespmem:s25+$0x0]  }
0x32: {  	v63 =	vld [tilespmem:s25+$0xFFFFFFF0];
	[tilespmem:s25+$0xFFFFFFA0] =	vst v6;
	v5 =	vadd.s32 v0, v5  }
0x33: {  	[tilespmem:s25+$0xFFFFFFB0] =	vst v5;
	v3 =	vadd.s32 v0, v3  }
0x34: {  	[tilespmem:s25+$0xFFFFFFC0] =	vst v3;
	v2 =	vadd.s32 v0, v2  }
0x35: {  	[tilespmem:s25+$0xFFFFFFD0] =	vst v2;
	v2 =	vadd.s32 v0, v4  }
0x36: {  	[tilespmem:s25+$0xFFFFFFE0] =	vst v2;
	v2 =	vadd.s32 v0, v62  }
0x37: {  	v3 =	vadd.s32 v0, v63;
	[tilespmem:s25+$0x0] =	vst v2  }
0x38: {  	p3 =	por $0x1, $0x1;
	p2 =	por $0x0, $0x0;
	[tilespmem:s25+$0xFFFFFFF0] =	vst v3;
	s25 =	simm.s32 $0x0  }
.LBB2_4:
0x39: {  	p1 =	por p3, p3  }
0x3a: {  	[bflag:$0x0] =	sbarrier.arrive $0xFFFF;
	s26 =	simm.s32 $0x0;
	s28 =	simm.s32 $0x200  }
.LBB2_5:
0x3b: {  	p3 =	sne.s32 s28, $0xFE00;
	[tilespmem:s26+$0x7870] =	vst v1  }
0x3c: {  	[tilespmem:s26+$0x7800] =	vst v1  }
0x3d: {  	[tilespmem:s26+$0x7810] =	vst v1  }
.Ltmp3:
0x3e: {  	[tilespmem:s26+$0x7820] =	vst v1;
	(pc) =	sbr.rel @p3 .LBB2_5-.Ltmp3, $4  }
0x3f: {  	[tilespmem:s26+$0x7830] =	vst v1  }
0x40: {  	[tilespmem:s26+$0x7840] =	vst v1  }
0x41: {  	[tilespmem:s26+$0x7850] =	vst v1  }
0x42: {  	[tilespmem:s26+$0x7860] =	vst v1;
	s26 =	sshra.s32 s28, $0x2;
	s28 =	sadd.s32 $0x200, s28  }
0x43: {  	[tilespmem:s26+$0x7870] =	vst v1  }
0x44: {  	[tilespmem:s26+$0x7800] =	vst v1  }
0x45: {  	[tilespmem:s26+$0x7810] =	vst v1  }
0x46: {  	[tilespmem:s26+$0x7820] =	vst v1  }
0x47: {  	[tilespmem:s26+$0x7830] =	vst v1  }
0x48: {  	[tilespmem:s26+$0x7840] =	vst v1  }
0x49: {  	[tilespmem:s26+$0x7850] =	vst v1  }
0x4a: {  	[tilespmem:s26+$0x7860] =	vst v1  }
0x4b: {  	[spmem:s8] =	stream.linear.scatter [tilespmem:s16], [sflag:$0x6], $0x4000, $0x38;
	[tilespmem:$0x1DC00] =	vst v63  }
0x4c: {  	_ =	swait.ge [sflag:s17], $0x4000  }
0x4d: {  	[sflag:s17] =	ssyncset.done $0x0  }
0x4e: {  	[sflag:s17] =	ssyncadd.s32 $0xFFFFC000  }
0x4f: {  	[spmem:s9] =	stream.linear.scatter [tilespmem:s16], [sflag:$0x6], $0x4000, $0x38;
	[tilespmem:$0x1DC00] =	vst v63  }
0x50: {  	_ =	swait.ge [sflag:s17], $0x4000  }
0x51: {  	[sflag:s17] =	ssyncset.done $0x0  }
0x52: {  	[sflag:s17] =	ssyncadd.s32 $0xFFFFC000  }
0x53: {  	[spmem:s10] =	stream.linear.scatter [tilespmem:s16], [sflag:$0x6], $0x2400, $0x38;
	[tilespmem:$0x1DC00] =	vst v63  }
0x54: {  	_ =	swait.ge [sflag:s17], $0x2400  }
0x55: {  	[sflag:s17] =	ssyncset.done $0x0  }
0x56: {  	[sflag:s17] =	ssyncadd.s32 $0xFFFFDC00  }
0x57: {  	[tilespmem:s18], [sflag:$0x6] =	stream.linear.gather [spmem:s8], $0x4000, $0x38;
	[tilespmem:$0x1DC00] =	vst v63  }
0x58: {  	_ =	swait.ge [sflag:s17], $0x4000  }
0x59: {  	[sflag:s17] =	ssyncset.done $0x0  }
0x5a: {  	[sflag:s17] =	ssyncadd.s32 $0xFFFFC000  }
0x5b: {  	[tilespmem:s18], [sflag:$0x6] =	stream.linear.gather [spmem:s9], $0x4000, $0x38;
	[tilespmem:$0x1DC00] =	vst v63  }
0x5c: {  	_ =	swait.ge [sflag:s17], $0x4000  }
0x5d: {  	[sflag:s17] =	ssyncset.done $0x0  }
0x5e: {  	[sflag:s17] =	ssyncadd.s32 $0xFFFFC000  }
0x5f: {  	[tilespmem:s18], [sflag:$0x6] =	stream.linear.gather [spmem:s10], $0x2400, $0x38;
	[tilespmem:$0x1DC00] =	vst v63  }
0x60: {  	_ =	swait.ge [sflag:s17], $0x2400  }
0x61: {  	[sflag:s17] =	ssyncset.done $0x0  }
0x62: {  	s26 =	simm.s32 $0x0;
	[sflag:s17] =	ssyncadd.s32 $0xFFFFDC00  }
0x63: {  	v10 =	vld [tilespmem:s26+$0x2870]  }
0x64: {  	v4 =	vld [tilespmem:s26+$0x2800]  }
0x65: {  	v5 =	vld [tilespmem:s26+$0x2810]  }
0x66: {  	s28 =	smul.u32 $0x1310, s25;
	v6 =	vld [tilespmem:s26+$0x2820]  }
0x67: {  	s25 =	smul.u32 $0x1400, s25;
	v7 =	vld [tilespmem:s26+$0x2830]  }
0x68: {  	s28 =	sadd.s32 $0x1400, s28;
	v8 =	vld [tilespmem:s26+$0x2840]  }
0x69: {  	v2 =	vmov s25;
	v3 =	vmov s28  }
0x6a: {  	vm0 =	vge.s32 v10, v2;
	vm1 =	vlt.s32 v10, v3  }
0x6b: {  	v9 =	vld [tilespmem:s26+$0x2850];
	vm2 =	vge.s32 v4, v2;
	v11 =	vsub.s32 v10, v2;
	vm3 =	vge.s32 v5, v2  }
0x6c: {  	v10 =	vld [tilespmem:s26+$0x2860];
	vm4 =	vge.s32 v6, v2;
	vm5 =	vlt.s32 v6, v3;
	vm6 =	vge.s32 v7, v2  }
0x6d: {  	vm7 =	vlt.s32 v7, v3;
	vm8 =	vge.s32 v8, v2;
	vm0 =	vmand vm0, vm1  }
0x6e: {  	vm9 =	vlt.s32 v8, v3;
	vm1 =	vlt.s32 v4, v3;
	v11 =	vnsel vm0, $0x1400, v11  }
0x6f: {  	vm0 =	vlt.s32 v5, v3;
	vm1 =	vmand vm2, vm1;
	vm2 =	vmand vm4, vm5  }
0x70: {  	vm4 =	vge.s32 v9, v2;
	vm5 =	vlt.s32 v9, v3;
	vm0 =	vmand vm3, vm0  }
0x71: {  	vm3 =	vmand vm6, vm7;
	vm7 =	vge.s32 v10, v2;
	vm10 =	vlt.s32 v10, v3  }
0x72: {  	s29 =	simm.s32 $0x400;
	s28 =	simm.s32 $0x80;
	[tilespmem:s26+$0x5070] =	vst v11;
	vm6 =	vmand vm8, vm9;
	vm4 =	vmand vm4, vm5;
	vm5 =	vmand vm7, vm10  }
.LBB2_7:
0x73: {  	p3 =	sne.s32 s29, $0x9E00;
	v11 =	vld [tilespmem:s28+$0x2870];
	v12 =	vsub.s32 v4, v2;
	v13 =	vsub.s32 v5, v2;
	v14 =	vsub.s32 v6, v2  }
0x74: {  	v7 =	vsub.s32 v7, v2;
	v8 =	vsub.s32 v8, v2;
	v9 =	vsub.s32 v9, v2;
	v4 =	vld [tilespmem:s28+$0x2800]  }
0x75: {  	v10 =	vsub.s32 v10, v2;
	v12 =	vnsel vm1, $0x1400, v12;
	v13 =	vnsel vm0, $0x1400, v13;
	v5 =	vld [tilespmem:s28+$0x2810]  }
0x76: {  	v15 =	vnsel vm6, $0x1400, v8;
	v6 =	vld [tilespmem:s28+$0x2820];
	[tilespmem:s26+$0x5000] =	vst v12;
	v12 =	vnsel vm2, $0x1400, v14;
	v14 =	vnsel vm3, $0x1400, v7  }
0x77: {  	v16 =	vnsel vm5, $0x1400, v10;
	v7 =	vld [tilespmem:s28+$0x2830];
	[tilespmem:s26+$0x5010] =	vst v13;
	v13 =	vnsel vm4, $0x1400, v9  }
0x78: {  	v8 =	vld [tilespmem:s28+$0x2840];
	vm0 =	vge.s32 v11, v2;
	vm1 =	vlt.s32 v11, v3;
	[tilespmem:s26+$0x5020] =	vst v12  }
0x79: {  	v11 =	vsub.s32 v11, v2;
	vm2 =	vge.s32 v4, v2;
	v9 =	vld [tilespmem:s28+$0x2850];
	vm0 =	vmand vm0, vm1;
	[tilespmem:s26+$0x5030] =	vst v14  }
0x7a: {  	vm1 =	vlt.s32 v4, v3;
	vm3 =	vge.s32 v5, v2;
	v10 =	vld [tilespmem:s28+$0x2860];
	v11 =	vnsel vm0, $0x1400, v11;
	[tilespmem:s26+$0x5040] =	vst v15  }
0x7b: {  	vm0 =	vlt.s32 v5, v3;
	vm4 =	vge.s32 v6, v2;
	vm5 =	vlt.s32 v6, v3;
	[tilespmem:s28+$0x5070] =	vst v11  }
.Ltmp4:
0x7c: {  	vm1 =	vmand vm2, vm1;
	vm6 =	vge.s32 v7, v2;
	vm7 =	vlt.s32 v7, v3;
	[tilespmem:s26+$0x5050] =	vst v13;
	(pc) =	sbr.rel @p3 .LBB2_7-.Ltmp4, $4  }
0x7d: {  	vm0 =	vmand vm3, vm0;
	vm8 =	vge.s32 v8, v2;
	vm9 =	vlt.s32 v8, v3;
	[tilespmem:s26+$0x5060] =	vst v16;
	s26 =	smov.u32 s28  }
0x7e: {  	vm2 =	vmand vm4, vm5;
	vm4 =	vge.s32 v9, v2;
	vm5 =	vlt.s32 v9, v3  }
0x7f: {  	vm3 =	vmand vm6, vm7;
	vm7 =	vge.s32 v10, v2;
	vm10 =	vlt.s32 v10, v3  }
0x80: {  	s28 =	sshra.s32 s29, $0x2;
	s29 =	sadd.s32 $0x200, s29;
	vm6 =	vmand vm8, vm9;
	vm4 =	vmand vm4, vm5;
	vm5 =	vmand vm7, vm10  }
0x81: {  	v11 =	vld [tilespmem:s28+$0x2870]  }
0x82: {  	v12 =	vld [tilespmem:s28+$0x2800];
	v4 =	vsub.s32 v4, v2;
	v5 =	vsub.s32 v5, v2  }
0x83: {  	v13 =	vld [tilespmem:s28+$0x2810];
	v6 =	vsub.s32 v6, v2;
	v7 =	vsub.s32 v7, v2;
	v50 =	vsub.s32 v8, v2  }
0x84: {  	v14 =	vld [tilespmem:s28+$0x2820];
	v51 =	vsub.s32 v9, v2;
	v10 =	vsub.s32 v10, v2;
	v4 =	vnsel vm1, $0x1400, v4  }
0x85: {  	v5 =	vnsel vm0, $0x1400, v5;
	v6 =	vnsel vm2, $0x1400, v6;
	v7 =	vnsel vm3, $0x1400, v7  }
0x86: {  	v53 =	vnsel vm4, $0x1400, v51;
	v54 =	vnsel vm5, $0x1400, v10;
	[tilespmem:s26+$0x5000] =	vst v4;
	v4 =	vnsel vm6, $0x1400, v50  }
0x87: {  	vm13 =	vge.s32 v11, v2;
	vm14 =	vlt.s32 v11, v3;
	vm15 =	vge.s32 v12, v2  }
0x88: {  	v52 =	vld [tilespmem:s28+$0x2830];
	[tilespmem:s26+$0x5010] =	vst v5;
	v11 =	vsub.s32 v11, v2;
	vm8 =	vlt.s32 v12, v3;
	vm9 =	vge.s32 v13, v2  }
0x89: {  	v55 =	vld [tilespmem:s28+$0x2840];
	[tilespmem:s26+$0x5020] =	vst v6;
	vm10 =	vlt.s32 v13, v3;
	vm11 =	vge.s32 v14, v2;
	vm12 =	vlt.s32 v14, v3  }
0x8a: {  	v6 =	vld [tilespmem:s28+$0x2850];
	[tilespmem:s26+$0x5030] =	vst v7;
	v58 =	vsub.s32 v12, v2;
	v59 =	vsub.s32 v13, v2;
	vm0 =	vmand vm13, vm14  }
0x8b: {  	v60 =	vsub.s32 v14, v2;
	v57 =	vld [tilespmem:s28+$0x2860];
	vm1 =	vmand vm15, vm8;
	[tilespmem:s26+$0x5040] =	vst v4;
	v56 =	vnsel vm0, $0x1400, v11  }
0x8c: {  	vm4 =	vmand vm11, vm12;
	vm0 =	vmand vm9, vm10;
	v4 =	vnsel vm1, $0x1400, v58;
	[tilespmem:s28+$0x5070] =	vst v56  }
0x8d: {  	s29 =	simm.s32 $0x0;
	v61 =	vnsel vm4, $0x1400, v60;
	vm13 =	vge.s32 v52, v2;
	vm14 =	vlt.s32 v52, v3;
	[tilespmem:s26+$0x5050] =	vst v53  }
0x8e: {  	s31 =	smul.u32 $0xAB, s29;
	v5 =	vnsel vm0, $0x1400, v59;
	vm15 =	vge.s32 v55, v2;
	vm7 =	vlt.s32 v55, v3;
	[tilespmem:s26+$0x5060] =	vst v54  }
0x8f: {  	vm2 =	vmand vm13, vm14;
	v62 =	vsub.s32 v55, v2;
	vm12 =	vge.s32 v6, v2;
	[tilespmem:s28+$0x5000] =	vst v4  }
0x90: {  	s26 =	sshrl.u32 s31, $0x9;
	vm8 =	vlt.s32 v6, v3;
	[tilespmem:s28+$0x5010] =	vst v5;
	vm3 =	vmand vm15, vm7;
	v63 =	vsub.s32 v6, v2  }
0x91: {  	[tilespmem:s28+$0x5020] =	vst v61;
	s26 =	sand.u32 $0x7F, s26;
	vm14 =	vlt.s32 v57, v3;
	v3 =	vsub.s32 v52, v2;
	v5 =	vnsel vm3, $0x1400, v62  }
0x92: {  	vm13 =	vge.s32 v57, v2;
	vm15 =	vmand vm12, vm8;
	s26 =	smul.u32 $0x3, s26;
	v3 =	vnsel vm2, $0x1400, v3;
	[tilespmem:s28+$0x5040] =	vst v5  }
0x93: {  	v2 =	vsub.s32 v57, v2;
	vm0 =	vmand vm13, vm14;
	[tilespmem:s28+$0x5030] =	vst v3;
	v3 =	vnsel vm15, $0x1400, v63  }
0x94: {  	v2 =	vnsel vm0, $0x1400, v2;
	s26 =	ssub.s32 $0x0, s26;
	[tilespmem:s28+$0x5050] =	vst v3  }
0x95: {  	[tilespmem:s28+$0x5060] =	vst v2;
	s26 =	sand.u32 $0xFF, s26  }
0x96: {  	s28 =	simm.s32 $0x1;
	[bflag:$0x0] =	sbarrier.arrive $0xFFFF;
	s30 =	sshll.u32 s26, $0xE  }
0x97: {  	s28 =	smul.u32 $0xAB, s28;
	s26 =	sadd.s32 $0x1, s26;
	s30 =	sadd.s32 $0x7800, s30  }
0x98: {  	[tilespmem:s30], [sflag:s26] =	stream.indirect.gather [hbm4b:s1+s19], $0x80, s29, s19, $0xb8;
	[tilespmem:$0x1DC00] =	vst v63  }
0x99: {  	s28 =	sshrl.u32 s28, $0x9;
	_ =	swait.ge [sflag:s26], $0x4000  }
0x9a: {  	s31 =	simm.s32 $0x5000;
	s28 =	sand.u32 $0x7F, s28;
	[sflag:s26] =	ssyncset.done $0x0  }
0x9b: {  	s29 =	simm.s32 $0x2;
	s28 =	smul.u32 $0x3, s28;
	[sflag:s26] =	ssyncadd.s32 $0xFFFFC000  }
0x9c: {  	[spmem:s3] =	stream.indirect.scatter.add.f32 [tilespmem:s30], [sflag:$0x6], $0x80, s31, s19, $0xb8;
	[tilespmem:$0x1DC00] =	vst v63  }
0x9d: {  	s26 =	simm.s32 $0x5080;
	s28 =	ssub.s32 $0x1, s28;
	_ =	swait.ge [sflag:s17], $0x4000  }
0x9e: {  	s30 =	sand.u32 $0xFF, s28;
	s28 =	simm.s32 $0x80;
	[sflag:s17] =	ssyncset.done $0x0  }
.LBB2_9:
0x9f: {  	s31 =	sshll.u32 s30, $0xE  }
0xa0: {  	[sflag:s17] =	ssyncadd.s32 $0xFFFFC000;
	s0 =	smov.u32 s29;
	s21 =	sadd.s32 $0x1, s29  }
0xa1: {  	s30 =	sadd.s32 $0x1, s30;
	s15 =	smul.u32 $0xAB, s0;
	s31 =	sadd.s32 $0x7800, s31  }
0xa2: {  	[tilespmem:s31], [sflag:s30] =	stream.indirect.gather [hbm4b:s1+s19], $0x80, s28, s19, $0xb8;
	[tilespmem:$0x1DC00] =	vst v63  }
0xa3: {  	p3 =	sne.s32 s29, $0x4F;
	s15 =	sshrl.u32 s15, $0x9;
	_ =	swait.ge [sflag:s30], $0x4000  }
.Ltmp5:
0xa4: {  	s15 =	sand.u32 $0x7F, s15;
	[sflag:s30] =	ssyncset.done $0x0;
	(pc) =	sbr.rel @p3 .LBB2_9-.Ltmp5, $4  }
0xa5: {  	s29 =	smov.u32 s21;
	s15 =	smul.u32 $0x3, s15;
	[sflag:s30] =	ssyncadd.s32 $0xFFFFC000  }
0xa6: {  	[spmem:s3] =	stream.indirect.scatter.add.f32 [tilespmem:s31], [sflag:$0x6], $0x80, s26, s19, $0xb8;
	[tilespmem:$0x1DC00] =	vst v63  }
0xa7: {  	s26 =	sadd.s32 $0x80, s26;
	s0 =	ssub.s32 s0, s15;
	_ =	swait.ge [sflag:s17], $0x4000  }
0xa8: {  	s28 =	sadd.s32 $0x80, s28;
	s30 =	sand.u32 $0xFF, s0;
	[sflag:s17] =	ssyncset.done $0x0  }
0xa9: {  	s0 =	sshll.u32 s30, $0xE  }
0xaa: {  	[sflag:s17] =	ssyncadd.s32 $0xFFFFC000;
	s15 =	sadd.s32 $0x1, s30;
	s0 =	sadd.s32 $0x7800, s0  }
0xab: {  	[tilespmem:s0], [sflag:s15] =	stream.indirect.gather [hbm4b:s1+s19], $0x80, s28, s19, $0xb8;
	[tilespmem:$0x1DC00] =	vst v63  }
0xac: {  	_ =	swait.ge [sflag:s15], $0x4000  }
0xad: {  	[sflag:s15] =	ssyncset.done $0x0  }
0xae: {  	[sflag:s15] =	ssyncadd.s32 $0xFFFFC000  }
0xaf: {  	[spmem:s3] =	stream.indirect.scatter.add.f32 [tilespmem:s0], [sflag:$0x6], $0x80, s26, s19, $0xb8;
	[tilespmem:$0x1DC00] =	vst v63  }
.Ltmp6:
0xb0: {  	_ =	swait.ge [sflag:s17], $0x4000;
	(pc) =	sbr.rel @p2 .LBB2_11-.Ltmp6, $3  }
0xb1: {  	[sflag:s17] =	ssyncset.done $0x0  }
0xb2: {  	[sflag:s17] =	ssyncadd.s32 $0xFFFFC000  }
0xb3: {  	[bflag:$0x0] =	sbarrier.arrive $0xFFFF;
	_ =	sdelay $0x1  }
0xb4: {  	s0 =	sadd.s32 s25, s11  }
0xb5: {  	s15 =	sshll.u32 s2, $0x6;
	s0 =	sshll.u32 s0, $0x4  }
0xb6: {  	s15 =	sor.u32 $0x1C05, s15;
	s0 =	sadd.s32 s5, s0  }
0xb7: {  	[hbm:s0], [sflag:s15] =	dma.local [spmem:s22], $0x1400  }
.Ltmp7:
0xb8: {  	_ = 	snop;
	(pc) =	sbr.rel @p1 .LBB2_4-.Ltmp7, $4  }
.Ltmp8:
0xb9: {  	_ = 	snop;
	(pc) =	sbr.rel @!p1 .LBB2_13-.Ltmp8, $4  }
0xba: {  	_ =	swait.ge [sflag:s23], $0x1400  }
0xbb: {  	s25 =	simm.s32 $0x1;
	[sflag:s23] =	ssyncset.done $0x0  }
0xbc: {  	p3 =	por $0x0, $0x0;
	p2 =	por p0, p0;
	[sflag:s23] =	ssyncadd.s32 $0xFFFFEC00  }
0xbd: {  	_ = 	snop  }
.LBB2_14:
0xbe: {  	_ =	sfence.sel $0x180000  }
0xbf: {  	[bflag:$0x0] =	sbarrier.arrive $0xFFFF  }
0xc0: {  	_ =	strace $0x9000004A  }
0xc1: {  	[bflag:$0x2] =	sbarrier.arrive $0xFFFF  }
0xc2: {  	p0 =	sne.s32 s2, $0x0;
	s0 =	rddreg [dreg:$0x3]  }
0xc3: {  	s0 =	sadd.s32 @!p0 $0x100000, s0  }
0xc4: {  	[sflag:s0] =	ssyncadd.tile.s32 @!p0 $0x1;
	_ =	shalt  }
.Lfunc_end2:
_tile_overlayer_lowered:
.L_overlay_start_2:
0xc5: {  	(tag) =	ssettag $0x2  }
0xc6: {  	s0 =	rddreg [dreg:$0x0];
	s2 =	stileid.u32  }
0xc7: {  	s1 =	rddreg [dreg:$0x1];
	p0 =	sne.s32 s2, $0x0  }
0xc8: {  	s3 =	rddreg [dreg:$0x2];
	[bflag:$0x3] =	sbarrier.arrive $0xFFFF;
	s2 =	simm.s32 @!p0 $0x1C04  }
0xc9: {  	[timem:s3], [sflag:s2] =	dma.local @!p0 [hbm:s0], s1  }
0xca: {  	s0 =	simm.s32 @!p0 $0x4  }
0xcb: {  	_ =	swait.ge @!p0 [sflag:s0], s1  }
0xcc: {  	s1 =	ssub.s32 @!p0 $0x0, s1;
	[sflag:s0] =	ssyncset.done @!p0 $0x0  }
0xcd: {  	[sflag:s0] =	ssyncadd.s32 @!p0 s1  }
0xce: {  	[bflag:$0x3] =	sbarrier.arrive $0xFFFF  }
0xcf: {  	_ =	shalt  }

// kernel: kernel.18.cloned.1.call-start
scs
__scs_entry_jumppad:
0x0: {  	(pc) =	sbr.rel $0x88, $3  }
0x1: {  	(tag) =	ssettag $0x0;
	lr =	simm.s32 $0x1  }
0x2: {  	[smem:$0x3F95] =	sst lr;
	_ =	strace $0xD0000000  }
0x3: {  	_ = 	snop  }
0x4: {  	_ = 	snop  }
0x5: {  	_ = 	snop  }
0x6: {  	_ = 	snop  }
0x7: {  	_ = 	snop  }
__scs_overlays_trampoline_lowered:
0x8: {  	[smem:$0x3FA4] =	sst s0  }
0x9: {  	[smem:$0x3FA5] =	sst s1  }
0xa: {  	[smem:$0x3FA6] =	sst s2  }
0xb: {  	[smem:$0x3FA7] =	sst s3  }
0xc: {  	[smem:$0x3FA8] =	sst s4  }
0xd: {  	[smem:$0x3FA9] =	sst s5  }
0xe: {  	[smem:$0x3FAA] =	sst s6  }
0xf: {  	[smem:$0x3FAB] =	sst s7  }
0x10: {  	[smem:$0x3FAC] =	sst s8  }
0x11: {  	[smem:$0x3FAD] =	sst s9;
	s0 =	simm.s32 @!p0 $0x0  }
0x12: {  	s1 =	sld [smem:$0x3F93];
	s0 =	simm.s32 @p0 $0x1  }
0x13: {  	[smem:$0x3FAE] =	sst s0;
	s0 =	simm.s32 @!p1 $0x0  }
0x14: {  	s2 =	sld [smem:$0x3F92];
	s0 =	simm.s32 @p1 $0x1  }
0x15: {  	[smem:$0x3FAF] =	sst s0;
	s0 =	simm.s32 @!p2 $0x0  }
0x16: {  	s3 =	sld [smem:$0x3FDB];
	s0 =	simm.s32 @p2 $0x1  }
0x17: {  	s4 =	simm.s32 $0x1BF5;
	[smem:$0x3FB1] =	sst s0  }
0x18: {  	s0 =	sld [smem:$0x3F94];
	_ =	swait.ge [sflag:s4], $0x0  }
0x19: {  	s7 =	sld [smem:$0x3F95]  }
0x1a: {  	s8 =	sadd.s32 $0xFFFFE003, lr  }
0x1b: {  	s9 =	sadd.s32 $0xFFFFFEF7, lr;
	s5 =	simm.s32 $0xFFFFFFFF;
	p2 =	slt.u32 s8, $0xFFFFF086  }
0x1c: {  	p1 =	slt.u32 s9, $0xF7A;
	s5 =	simm.s32 @!p2 $0x0  }
0x1d: {  	s5 =	simm.s32 @p1 $0x1;
	p0 =	seq.s32 s7, s2  }
0x1e: {  	s7 =	smul.u32 @!p0 $0xF7A, s2;
	p2 =	seq.s32 @!p0 s5, $0x0  }
0x1f: {  	s9 =	smul.u32 $0xF7A, s1;
	s8 =	simm.s32 @!p0 $0x1BF5;
	p2 =	por !p2, p0  }
0x20: {  	[sflag:s8] =	ssyncset.s32 @!p0 $0xFFFFF086;
	s6 =	sadd.s32 @!p0 s3, s7;
	s7 =	simm.s32 @!p0 $0x108  }
0x21: {  	s3 =	sadd.s32 s3, s9;
	s6 =	sadd.s32 @!p0 $0x88, s6;
	s7 =	simm.s32 @p2 $0x1082  }
0x22: {  	[simem:s7], [sflag:s8] =	dma.local @!p0 [hbm:s6], $0xF7A  }
0x23: {  	s9 =	sor.u32 $0xD0000000, s2;
	s6 =	simm.s32 $0x108;
	_ =	swait.ge @!p0 [sflag:s8], $0x0  }
0x24: {  	s3 =	sadd.s32 $0x88, s3;
	s6 =	simm.s32 @!p1 $0x1082;
	[sflag:s4] =	ssyncset.s32 $0xFFFFF086  }
0x25: {  	[simem:s6], [sflag:s4] =	dma.local [hbm:s3], $0xF7A  }
0x26: {  	[smem:$0x3F95] =	sst s1;
	(tag) =	ssettag s2;
	_ =	strace s9  }
0x27: {  	s1 =	sld [smem:$0x3FA5]  }
0x28: {  	s2 =	sld [smem:$0x3FA6]  }
0x29: {  	s4 =	sld [smem:$0x3FA8]  }
0x2a: {  	p0 =	seq.s32 s5, $0x0;
	s5 =	sld [smem:$0x3FA9]  }
0x2b: {  	s6 =	sld [smem:$0x3FAA]  }
0x2c: {  	s7 =	sld [smem:$0x3FAB]  }
0x2d: {  	s3 =	simm.s32 $0x108;
	s8 =	sld [smem:$0x3FAC]  }
0x2e: {  	s3 =	simm.s32 @!p0 $0x1082;
	s9 =	sld [smem:$0x3FAD]  }
0x2f: {  	lr =	sadd.s32 s0, s3;
	s0 =	sld [smem:$0x3FA4]  }
0x30: {  	s3 =	sld [smem:$0x3FA7]  }
0x31: {  	[smem:$0x3FB0] =	sst s10  }
0x32: {  	s10 =	sld [smem:$0x3FAE];
	_ =	sdelay $0x3  }
0x33: {  	p0 =	seq.s32 s10, $0x1;
	s10 =	sld [smem:$0x3FB0];
	_ =	sdelay $0x3  }
0x34: {  	[smem:$0x3FB0] =	sst s10  }
0x35: {  	s10 =	sld [smem:$0x3FAF];
	_ =	sdelay $0x3  }
0x36: {  	p1 =	seq.s32 s10, $0x1;
	s10 =	sld [smem:$0x3FB0];
	_ =	sdelay $0x3  }
0x37: {  	[smem:$0x3FB0] =	sst s10  }
0x38: {  	s10 =	sld [smem:$0x3FB1]  }
0x39: {  	_ = 	snop;
	(pc) =	sbr.ind lr, $3  }
0x3a: {  	_ = 	snop  }
0x3b: {  	_ = 	snop  }
0x3c: {  	p2 =	seq.s32 s10, $0x1;
	s10 =	sld [smem:$0x3FB0]  }
0x3d: {  	_ =	shalt  }
0x3e: {  	_ =	shalt  }
0x3f: {  	_ =	shalt  }
0x40: {  	_ =	shalt  }
0x41: {  	_ =	shalt  }
0x42: {  	_ =	shalt  }
0x43: {  	_ =	shalt  }
0x44: {  	_ =	shalt  }
0x45: {  	_ =	shalt  }
0x46: {  	_ =	shalt  }
0x47: {  	_ =	shalt  }
0x48: {  	_ =	shalt  }
0x49: {  	_ =	shalt  }
0x4a: {  	_ =	shalt  }
0x4b: {  	_ =	shalt  }
0x4c: {  	_ =	shalt  }
0x4d: {  	_ =	shalt  }
0x4e: {  	_ =	shalt  }
0x4f: {  	_ =	shalt  }
0x50: {  	_ =	shalt  }
0x51: {  	_ =	shalt  }
0x52: {  	_ =	shalt  }
0x53: {  	_ =	shalt  }
0x54: {  	_ =	shalt  }
0x55: {  	_ =	shalt  }
0x56: {  	_ =	shalt  }
0x57: {  	_ =	shalt  }
0x58: {  	_ =	shalt  }
0x59: {  	_ =	shalt  }
0x5a: {  	_ =	shalt  }
0x5b: {  	_ =	shalt  }
0x5c: {  	_ =	shalt  }
0x5d: {  	_ =	shalt  }
0x5e: {  	_ =	shalt  }
0x5f: {  	_ =	shalt  }
0x60: {  	_ =	shalt  }
0x61: {  	_ =	shalt  }
0x62: {  	_ =	shalt  }
0x63: {  	_ =	shalt  }
0x64: {  	_ =	shalt  }
0x65: {  	_ =	shalt  }
0x66: {  	_ =	shalt  }
0x67: {  	_ =	shalt  }
0x68: {  	_ =	shalt  }
0x69: {  	_ =	shalt  }
0x6a: {  	_ =	shalt  }
0x6b: {  	_ =	shalt  }
0x6c: {  	_ =	shalt  }
0x6d: {  	_ =	shalt  }
0x6e: {  	_ =	shalt  }
0x6f: {  	_ =	shalt  }
0x70: {  	_ =	shalt  }
0x71: {  	_ =	shalt  }
0x72: {  	_ =	shalt  }
0x73: {  	_ =	shalt  }
0x74: {  	_ =	shalt  }
0x75: {  	_ =	shalt  }
0x76: {  	_ =	shalt  }
0x77: {  	_ =	shalt  }
0x78: {  	_ =	shalt  }
0x79: {  	_ =	shalt  }
0x7a: {  	_ =	shalt  }
0x7b: {  	_ =	shalt  }
0x7c: {  	_ =	shalt  }
0x7d: {  	_ =	shalt  }
0x7e: {  	_ =	shalt  }
0x7f: {  	_ =	shalt  }
0x80: {  	_ =	shalt  }
0x81: {  	_ =	shalt  }
0x82: {  	_ =	shalt  }
0x83: {  	_ =	shalt  }
0x84: {  	_ =	shalt  }
0x85: {  	_ =	shalt  }
0x86: {  	_ =	shalt  }
0x87: {  	_ =	shalt  }
.Lfunc_end0:
.L_simem_size_0:
called_computation.2_lowered:
.L_overlay_start_0:
0x88: {  	s2 =	sld [smem:$0x3FD9]  }
0x89: {  	s3 =	sld [smem:$0x3FFE];
	_ =	sdelay $0x1  }
0x8a: {  	s1 =	srdreg.scid  }
0x8b: {  	s0 =	sand.u32 $0x1, s1  }
0x8c: {  	s17 =	sshll.u32 s0, $0xA;
	s2 =	sadd.s32 s3, s2  }
0x8d: {  	s2 =	sadd.s32 s2, s17  }
0x8e: {  	[smem:$0x3FBC] =	sst s2  }
0x8f: {  	_ = 	snop  }
0x90: {  	s2 =	sld [smem:$0x3FD0];
	(tm) =	ssettm $0x1  }
0x91: {  	s18 =	sld [smem:$0x3FFB];
	_ =	sdelay $0x3  }
0x92: {  	_ =	strace s18  }
0x93: {  	s3 =	sld [smem:$0x3FFC];
	_ =	sdelay $0x3  }
0x94: {  	_ =	strace s3  }
0x95: {  	s3 =	sld [smem:$0x3FFD];
	_ =	sdelay $0x3  }
0x96: {  	_ =	strace s3  }
0x97: {  	_ =	strace $0x8FFFFFFF  }
0x98: {  	s19 =	sld [smem:$0x3FDB];
	_ =	sdelay $0x1  }
0x99: {  	s4 =	simm.s32 $_scs_section_size  }
0x9a: {  	s5 =	simm.s32 $_size__tile_overlayer_lowered;
	s6 =	simm.s32 $_tile_overlayer_lowered  }
0x9b: {  	s22 =	simm.s32 $0x1BFF;
	s21 =	sshll.u32 s6, $0x1;
	s3 =	sadd.s32 s4, s19  }
0x9c: {  	s7 =	simm.s32 $0x0;
	s20 =	sshll.u32 s5, $0x1;
	s5 =	sadd.s32 s21, s3  }
0x9d: {  	[timem:s7], [sflag:s22] =	dma.local [hbm:s5], s20  }
0x9e: {  	_ =	swait.ge [sflag:s22], s20  }
0x9f: {  	s4 =	ssub.s32 $0x0, s20;
	[sflag:s22] =	ssyncset.done $0x0  }
0xa0: {  	[sflag:s22] =	ssyncadd.s32 s4;
	_ =	sdelay $0x1  }
0xa1: {  	s23 =	simm.s32 $0x1B8B  }
0xa2: {  	_ =	swait.ge [sflag:s23], $0x1  }
0xa3: {  	[sflag:s23] =	ssyncset.done $0x0  }
0xa4: {  	s25 =	simm.s32 $0x1B8E;
	s24 =	sld [smem:$0x3FFE];
	[sflag:s23] =	ssyncadd.s32 $0xFFFFFFFF  }
0xa5: {  	s26 =	simm.s32 $execute0_lowered;
	[smem:$0x3FD2] =	sst s25  }
0xa6: {  	s5 =	sshll.u32 s26, $0x1;
	_ =	strace $0x8000004C;
	[dreg:$0x1] =	wrdreg $0xFFFFFFFF  }
0xa7: {  	s28 =	simm.s32 $_size_execute0_lowered;
	s3 =	sadd.s32 s3, s5;
	[dreg:$0x0] =	wrdreg $0x0  }
0xa8: {  	s5 =	sshll.u32 s28, $0x1;
	[dreg:$0x2] =	wrdreg s3  }
0xa9: {  	[dreg:$0x3] =	wrdreg s5  }
0xaa: {  	[dreg:$0x4] =	wrdreg $0xC0  }
0xab: {  	_ =	task [dreg:s7], $0x5FFFF  }
0xac: {  	[dreg:$0x1] =	wrdreg $0xFFFFFFFF  }
0xad: {  	[dreg:$0x0] =	wrdreg $0x60  }
0xae: {  	[dreg:$0x2] =	wrdreg s2  }
0xaf: {  	[dreg:$0x3] =	wrdreg s24  }
0xb0: {  	[dreg:$0x4] =	wrdreg $0x138000  }
0xb1: {  	[dreg:$0x5] =	wrdreg $0x9  }
0xb2: {  	_ =	task.clear_ibuf [dreg:s7], $0x6FFFF;
	_ =	strace $0x9000004C  }
0xb3: {  	s29 =	simm.s32 $0x9;
	_ =	strace $0x8000004E  }
0xb4: {  	_ =	swait.ge [sflag:s29], $0x1  }
0xb5: {  	[sflag:s29] =	ssyncadd.s32 $0xFFFFFFFF  }
0xb6: {  	_ =	strace $0x9000004E  }
0xb7: {  	_ =	sfence  }
0xb8: {  	s30 =	sld [smem:$0x0];
	_ =	sdelay $0x2  }
0xb9: {  	s31 =	sshll.u32 s1, $0xD;
	s1 =	sshrl.u32 s1, $0x2  }
0xba: {  	s3 =	sand.u32 $0x4000, s31;
	s1 =	sadd.s32 s1, s30  }
0xbb: {  	s0 =	sor.u32 s3, s0;
	s1 =	sshll.u32 s1, $0x11  }
0xbc: {  	s0 =	sor.u32 s1, s0  }
0xbd: {  	s0 =	sadd.s32 $0x8F2B, s0  }
0xbe: {  	[sflag:s0] =	ssyncadd.remote.s32 $0x1  }
0xbf: {  	_ =	sfence.sel $0xFFFF  }
0xc0: {  	[dreg:$0x0] =	wrdreg $0xFFFFFFFF;
	(pc) =	sbr.abs _section_cstart, $3  }
0xc1: {  	[dreg:$0x1] =	wrdreg $0xFFFFFFFF  }
0xc2: {  	_ =	task.clear_ibuf [dreg:s7], $0x2FFFF;
	_ =	strace $0x9FFFFFFF  }
0xc3: {  	(tm) =	ssettm $0x7FFFFFFF  }
tec
execute0_lowered:
.L_overlay_start_1:
0x0: {  	(tag) =	ssettag $0x1  }
0x1: {  	s1 =	rddreg [dreg:$0x0]  }
0x2: {  	s5 =	rddreg [dreg:$0x1]  }
0x3: {  	s3 =	rddreg [dreg:$0x2]  }
0x4: {  	s6 =	srdreg.scid;
	s4 =	simm.s32 $0x0;
	s2 =	stileid.u32  }
0x5: {  	s16 =	simm.s32 $0x7800;
	s17 =	simm.s32 $0x6;
	s28 =	smul.u32 $0x500, s2  }
0x6: {  	s18 =	simm.s32 $0xB800;
	s19 =	simm.s32 $0x80;
	s10 =	smul.u32 $0x29000, s2  }
0x7: {  	s24 =	simm.s32 $0x0;
	s9 =	sand.u32 $0x1, s6;
	s12 =	smul.u32 $0x28000, s2  }
0x8: {  	[smem:$0x7FF] =	sst s4;
	s14 =	smul.u32 $0x140, s2;
	p0 =	seq.s32 s2, $0xF  }
0x9: {  	s20 =	sadd.s32 $0x96000, s3;
	s7 =	ssub.s32 $0x2, s9;
	s30 =	smul.u32 $0x138800, s9  }
0xa: {  	_ =	strace $0x8000004D;
	s22 =	smul.u32 $0x2710, s9;
	s20 =	sshrl.u32 s20, $0x3  }
0xb: {  	s8 =	sshrl.u32 s7, $0x1;
	s11 =	sadd.s32 s28, s5;
	s5 =	sadd.s32 $0xCC00, s5  }
0xc: {  	s29 =	sshrl.u32 s10, $0x2;
	s12 =	sshrl.u32 s12, $0x2;
	s13 =	ssub.s32 s7, s8  }
.Ltmp0:
0xd: {  	s6 =	sadd.s32 $0x7C00, s11;
	s7 =	sadd.s32 $0x2C00, s11;
	(pc) =	sbr.rel .LBB2_1-.Ltmp0, $4  }
0xe: {  	s8 =	sadd.s32 s29, s3;
	s11 =	sshrl.u32 s30, $0x3;
	s23 =	sadd.s32 s12, s3  }
0xf: {  	s9 =	sadd.s32 $0x4000, s8;
	s10 =	sadd.s32 $0x8000, s8;
	s31 =	sadd.s32 s5, s11  }
0x10: {  	s11 =	sadd.s32 s22, s14;
	s13 =	smax.u32 s13, $0x1;
	s14 =	simm.s32 $0x4  }
0x11: {  	v1 =	vimm.f32 $0.0e+00;
	v0 =	vmov s22;
	s22 =	sshrl.u32 s23, $0x3;
	s23 =	simm.s32 $0x5;
	s12 =	sadd.s32 $0x26C00, s31  }
.LBB2_11:
0x12: {  	s0 =	simm.s32 $0x1FC4  }
0x13: {  	[hbm:s12], [sflag:s0] =	dma.local [spmem:s20], $0x500  }
0x14: {  	_ =	swait.ge [sflag:s14], $0x500  }
0x15: {  	[sflag:s14] =	ssyncset.done $0x0  }
0x16: {  	[sflag:s14] =	ssyncadd.s32 $0xFFFFFB00  }
.LBB2_13:
0x17: {  	s24 =	sadd.s32 $0x1, s24  }
0x18: {  	p1 =	sne.s32 s24, s13  }
.Ltmp1:
0x19: {  	_ = 	snop;
	(pc) =	sbr.rel @!p1 .LBB2_14-.Ltmp1, $1  }
0x1a: {  	_ =	sdelay $0x3  }
.LBB2_1:
0x1b: {  	[tilespmem:s4], [sflag:$0x4] =	stream.linear.gather [hbm4b:s6+s4], $0x2800, $0x38;
	[tilespmem:$0x1DC00] =	vst v63  }
0x1c: {  	_ =	swait.ge [sflag:s14], $0x2800  }
0x1d: {  	[sflag:s14] =	ssyncset.done $0x0  }
0x1e: {  	s0 =	simm.s32 $0x2800;
	[sflag:s14] =	ssyncadd.s32 $0xFFFFD800  }
0x1f: {  	[tilespmem:s0], [sflag:$0x4] =	stream.linear.gather [hbm4b:s7+s4], $0x2800, $0x38;
	[tilespmem:$0x1DC00] =	vst v63  }
0x20: {  	_ =	swait.ge [sflag:s14], $0x2800  }
0x21: {  	[sflag:s14] =	ssyncset.done $0x0  }
0x22: {  	s25 =	simm.s32 $0x70;
	[sflag:s14] =	ssyncadd.s32 $0xFFFFD800  }
0x23: {  	v4 =	vld [tilespmem:s25+$0xFFFFFF90]  }
0x24: {  	v6 =	vld [tilespmem:s25+$0xFFFFFFA0]  }
0x25: {  	v5 =	vld [tilespmem:s25+$0xFFFFFFB0]  }
0x26: {  	v3 =	vld [tilespmem:s25+$0xFFFFFFC0]  }
0x27: {  	v2 =	vld [tilespmem:s25+$0xFFFFFFD0]  }
0x28: {  	s26 =	simm.s32 $0x3C0;
	v7 =	vadd.s32 v0, v4;
	v4 =	vld [tilespmem:s25+$0xFFFFFFE0]  }
.LBB2_2:
0x29: {  	p1 =	sne.s32 s26, $0x9FC0;
	[tilespmem:s25+$0xFFFFFF90] =	vst v7;
	v6 =	vadd.s32 v0, v6;
	v7 =	vld [tilespmem:s25+$0x0]  }
0x2a: {  	s28 =	sshra.s32 s26, $0x2;
	[tilespmem:s25+$0xFFFFFFA0] =	vst v6;
	v5 =	vadd.s32 v0, v5;
	v8 =	vld [tilespmem:s25+$0xFFFFFFF0]  }
0x2b: {  	v9 =	vld [tilespmem:s28+$0xFFFFFF90];
	[tilespmem:s25+$0xFFFFFFB0] =	vst v5;
	v3 =	vadd.s32 v0, v3  }
.Ltmp2:
0x2c: {  	v6 =	vld [tilespmem:s28+$0xFFFFFFA0];
	[tilespmem:s25+$0xFFFFFFC0] =	vst v3;
	v2 =	vadd.s32 v0, v2;
	(pc) =	sbr.rel @p1 .LBB2_2-.Ltmp2, $4  }
0x2d: {  	v5 =	vld [tilespmem:s28+$0xFFFFFFB0];
	[tilespmem:s25+$0xFFFFFFD0] =	vst v2;
	v2 =	vadd.s32 v0, v4  }
0x2e: {  	v3 =	vld [tilespmem:s28+$0xFFFFFFC0];
	[tilespmem:s25+$0xFFFFFFE0] =	vst v2;
	v4 =	vadd.s32 v0, v7  }
0x2f: {  	v2 =	vld [tilespmem:s28+$0xFFFFFFD0];
	v8 =	vadd.s32 v0, v8;
	[tilespmem:s25+$0x0] =	vst v4  }
0x30: {  	s26 =	sadd.s32 $0x200, s26;
	v7 =	vadd.s32 v0, v9;
	v4 =	vld [tilespmem:s28+$0xFFFFFFE0];
	[tilespmem:s25+$0xFFFFFFF0] =	vst v8;
	s25 =	smov.u32 s28  }
0x31: {  	[tilespmem:s25+$0xFFFFFF90] =	vst v7;
	v6 =	vadd.s32 v0, v6;
	v62 =	vld [tilespmem:s25+$0x0]  }
0x32: {  	v63 =	vld [tilespmem:s25+$0xFFFFFFF0];
	[tilespmem:s25+$0xFFFFFFA0] =	vst v6;
	v5 =	vadd.s32 v0, v5  }
0x33: {  	[tilespmem:s25+$0xFFFFFFB0] =	vst v5;
	v3 =	vadd.s32 v0, v3  }
0x34: {  	[tilespmem:s25+$0xFFFFFFC0] =	vst v3;
	v2 =	vadd.s32 v0, v2  }
0x35: {  	[tilespmem:s25+$0xFFFFFFD0] =	vst v2;
	v2 =	vadd.s32 v0, v4  }
0x36: {  	[tilespmem:s25+$0xFFFFFFE0] =	vst v2;
	v2 =	vadd.s32 v0, v62  }
0x37: {  	v3 =	vadd.s32 v0, v63;
	[tilespmem:s25+$0x0] =	vst v2  }
0x38: {  	p3 =	por $0x1, $0x1;
	p2 =	por $0x0, $0x0;
	[tilespmem:s25+$0xFFFFFFF0] =	vst v3;
	s25 =	simm.s32 $0x0  }
.LBB2_4:
0x39: {  	p1 =	por p3, p3  }
0x3a: {  	[bflag:$0x0] =	sbarrier.arrive $0xFFFF;
	s26 =	simm.s32 $0x0;
	s28 =	simm.s32 $0x200  }
.LBB2_5:
0x3b: {  	p3 =	sne.s32 s28, $0xFE00;
	[tilespmem:s26+$0x7870] =	vst v1  }
0x3c: {  	[tilespmem:s26+$0x7800] =	vst v1  }
0x3d: {  	[tilespmem:s26+$0x7810] =	vst v1  }
.Ltmp3:
0x3e: {  	[tilespmem:s26+$0x7820] =	vst v1;
	(pc) =	sbr.rel @p3 .LBB2_5-.Ltmp3, $4  }
0x3f: {  	[tilespmem:s26+$0x7830] =	vst v1  }
0x40: {  	[tilespmem:s26+$0x7840] =	vst v1  }
0x41: {  	[tilespmem:s26+$0x7850] =	vst v1  }
0x42: {  	[tilespmem:s26+$0x7860] =	vst v1;
	s26 =	sshra.s32 s28, $0x2;
	s28 =	sadd.s32 $0x200, s28  }
0x43: {  	[tilespmem:s26+$0x7870] =	vst v1  }
0x44: {  	[tilespmem:s26+$0x7800] =	vst v1  }
0x45: {  	[tilespmem:s26+$0x7810] =	vst v1  }
0x46: {  	[tilespmem:s26+$0x7820] =	vst v1  }
0x47: {  	[tilespmem:s26+$0x7830] =	vst v1  }
0x48: {  	[tilespmem:s26+$0x7840] =	vst v1  }
0x49: {  	[tilespmem:s26+$0x7850] =	vst v1  }
0x4a: {  	[tilespmem:s26+$0x7860] =	vst v1  }
0x4b: {  	[spmem:s8] =	stream.linear.scatter [tilespmem:s16], [sflag:$0x6], $0x4000, $0x38;
	[tilespmem:$0x1DC00] =	vst v63  }
0x4c: {  	_ =	swait.ge [sflag:s17], $0x4000  }
0x4d: {  	[sflag:s17] =	ssyncset.done $0x0  }
0x4e: {  	[sflag:s17] =	ssyncadd.s32 $0xFFFFC000  }
0x4f: {  	[spmem:s9] =	stream.linear.scatter [tilespmem:s16], [sflag:$0x6], $0x4000, $0x38;
	[tilespmem:$0x1DC00] =	vst v63  }
0x50: {  	_ =	swait.ge [sflag:s17], $0x4000  }
0x51: {  	[sflag:s17] =	ssyncset.done $0x0  }
0x52: {  	[sflag:s17] =	ssyncadd.s32 $0xFFFFC000  }
0x53: {  	[spmem:s10] =	stream.linear.scatter [tilespmem:s16], [sflag:$0x6], $0x2400, $0x38;
	[tilespmem:$0x1DC00] =	vst v63  }
0x54: {  	_ =	swait.ge [sflag:s17], $0x2400  }
0x55: {  	[sflag:s17] =	ssyncset.done $0x0  }
0x56: {  	[sflag:s17] =	ssyncadd.s32 $0xFFFFDC00  }
0x57: {  	[tilespmem:s18], [sflag:$0x6] =	stream.linear.gather [spmem:s8], $0x4000, $0x38;
	[tilespmem:$0x1DC00] =	vst v63  }
0x58: {  	_ =	swait.ge [sflag:s17], $0x4000  }
0x59: {  	[sflag:s17] =	ssyncset.done $0x0  }
0x5a: {  	[sflag:s17] =	ssyncadd.s32 $0xFFFFC000  }
0x5b: {  	[tilespmem:s18], [sflag:$0x6] =	stream.linear.gather [spmem:s9], $0x4000, $0x38;
	[tilespmem:$0x1DC00] =	vst v63  }
0x5c: {  	_ =	swait.ge [sflag:s17], $0x4000  }
0x5d: {  	[sflag:s17] =	ssyncset.done $0x0  }
0x5e: {  	[sflag:s17] =	ssyncadd.s32 $0xFFFFC000  }
0x5f: {  	[tilespmem:s18], [sflag:$0x6] =	stream.linear.gather [spmem:s10], $0x2400, $0x38;
	[tilespmem:$0x1DC00] =	vst v63  }
0x60: {  	_ =	swait.ge [sflag:s17], $0x2400  }
0x61: {  	[sflag:s17] =	ssyncset.done $0x0  }
0x62: {  	s26 =	simm.s32 $0x0;
	[sflag:s17] =	ssyncadd.s32 $0xFFFFDC00  }
0x63: {  	v10 =	vld [tilespmem:s26+$0x2870]  }
0x64: {  	v4 =	vld [tilespmem:s26+$0x2800]  }
0x65: {  	v5 =	vld [tilespmem:s26+$0x2810]  }
0x66: {  	s28 =	smul.u32 $0x1310, s25;
	v6 =	vld [tilespmem:s26+$0x2820]  }
0x67: {  	s25 =	smul.u32 $0x1400, s25;
	v7 =	vld [tilespmem:s26+$0x2830]  }
0x68: {  	s28 =	sadd.s32 $0x1400, s28;
	v8 =	vld [tilespmem:s26+$0x2840]  }
0x69: {  	v2 =	vmov s25;
	v3 =	vmov s28  }
0x6a: {  	vm0 =	vge.s32 v10, v2;
	vm1 =	vlt.s32 v10, v3  }
0x6b: {  	v9 =	vld [tilespmem:s26+$0x2850];
	vm2 =	vge.s32 v4, v2;
	v11 =	vsub.s32 v10, v2;
	vm3 =	vge.s32 v5, v2  }
0x6c: {  	v10 =	vld [tilespmem:s26+$0x2860];
	vm4 =	vge.s32 v6, v2;
	vm5 =	vlt.s32 v6, v3;
	vm6 =	vge.s32 v7, v2  }
0x6d: {  	vm7 =	vlt.s32 v7, v3;
	vm8 =	vge.s32 v8, v2;
	vm0 =	vmand vm0, vm1  }
0x6e: {  	vm9 =	vlt.s32 v8, v3;
	vm1 =	vlt.s32 v4, v3;
	v11 =	vnsel vm0, $0x1400, v11  }
0x6f: {  	vm0 =	vlt.s32 v5, v3;
	vm1 =	vmand vm2, vm1;
	vm2 =	vmand vm4, vm5  }
0x70: {  	vm4 =	vge.s32 v9, v2;
	vm5 =	vlt.s32 v9, v3;
	vm0 =	vmand vm3, vm0  }
0x71: {  	vm3 =	vmand vm6, vm7;
	vm7 =	vge.s32 v10, v2;
	vm10 =	vlt.s32 v10, v3  }
0x72: {  	s29 =	simm.s32 $0x400;
	s28 =	simm.s32 $0x80;
	[tilespmem:s26+$0x5070] =	vst v11;
	vm6 =	vmand vm8, vm9;
	vm4 =	vmand vm4, vm5;
	vm5 =	vmand vm7, vm10  }
.LBB2_7:
0x73: {  	p3 =	sne.s32 s29, $0x9E00;
	v11 =	vld [tilespmem:s28+$0x2870];
	v12 =	vsub.s32 v4, v2;
	v13 =	vsub.s32 v5, v2;
	v14 =	vsub.s32 v6, v2  }
0x74: {  	v7 =	vsub.s32 v7, v2;
	v8 =	vsub.s32 v8, v2;
	v9 =	vsub.s32 v9, v2;
	v4 =	vld [tilespmem:s28+$0x2800]  }
0x75: {  	v10 =	vsub.s32 v10, v2;
	v12 =	vnsel vm1, $0x1400, v12;
	v13 =	vnsel vm0, $0x1400, v13;
	v5 =	vld [tilespmem:s28+$0x2810]  }
0x76: {  	v15 =	vnsel vm6, $0x1400, v8;
	v6 =	vld [tilespmem:s28+$0x2820];
	[tilespmem:s26+$0x5000] =	vst v12;
	v12 =	vnsel vm2, $0x1400, v14;
	v14 =	vnsel vm3, $0x1400, v7  }
0x77: {  	v16 =	vnsel vm5, $0x1400, v10;
	v7 =	vld [tilespmem:s28+$0x2830];
	[tilespmem:s26+$0x5010] =	vst v13;
	v13 =	vnsel vm4, $0x1400, v9  }
0x78: {  	v8 =	vld [tilespmem:s28+$0x2840];
	vm0 =	vge.s32 v11, v2;
	vm1 =	vlt.s32 v11, v3;
	[tilespmem:s26+$0x5020] =	vst v12  }
0x79: {  	v11 =	vsub.s32 v11, v2;
	vm2 =	vge.s32 v4, v2;
	v9 =	vld [tilespmem:s28+$0x2850];
	vm0 =	vmand vm0, vm1;
	[tilespmem:s26+$0x5030] =	vst v14  }
0x7a: {  	vm1 =	vlt.s32 v4, v3;
	vm3 =	vge.s32 v5, v2;
	v10 =	vld [tilespmem:s28+$0x2860];
	v11 =	vnsel vm0, $0x1400, v11;
	[tilespmem:s26+$0x5040] =	vst v15  }
0x7b: {  	vm0 =	vlt.s32 v5, v3;
	vm4 =	vge.s32 v6, v2;
	vm5 =	vlt.s32 v6, v3;
	[tilespmem:s28+$0x5070] =	vst v11  }
.Ltmp4:
0x7c: {  	vm1 =	vmand vm2, vm1;
	vm6 =	vge.s32 v7, v2;
	vm7 =	vlt.s32 v7, v3;
	[tilespmem:s26+$0x5050] =	vst v13;
	(pc) =	sbr.rel @p3 .LBB2_7-.Ltmp4, $4  }
0x7d: {  	vm0 =	vmand vm3, vm0;
	vm8 =	vge.s32 v8, v2;
	vm9 =	vlt.s32 v8, v3;
	[tilespmem:s26+$0x5060] =	vst v16;
	s26 =	smov.u32 s28  }
0x7e: {  	vm2 =	vmand vm4, vm5;
	vm4 =	vge.s32 v9, v2;
	vm5 =	vlt.s32 v9, v3  }
0x7f: {  	vm3 =	vmand vm6, vm7;
	vm7 =	vge.s32 v10, v2;
	vm10 =	vlt.s32 v10, v3  }
0x80: {  	s28 =	sshra.s32 s29, $0x2;
	s29 =	sadd.s32 $0x200, s29;
	vm6 =	vmand vm8, vm9;
	vm4 =	vmand vm4, vm5;
	vm5 =	vmand vm7, vm10  }
0x81: {  	v11 =	vld [tilespmem:s28+$0x2870]  }
0x82: {  	v12 =	vld [tilespmem:s28+$0x2800];
	v4 =	vsub.s32 v4, v2;
	v5 =	vsub.s32 v5, v2  }
0x83: {  	v13 =	vld [tilespmem:s28+$0x2810];
	v6 =	vsub.s32 v6, v2;
	v7 =	vsub.s32 v7, v2;
	v50 =	vsub.s32 v8, v2  }
0x84: {  	v14 =	vld [tilespmem:s28+$0x2820];
	v51 =	vsub.s32 v9, v2;
	v10 =	vsub.s32 v10, v2;
	v4 =	vnsel vm1, $0x1400, v4  }
0x85: {  	v5 =	vnsel vm0, $0x1400, v5;
	v6 =	vnsel vm2, $0x1400, v6;
	v7 =	vnsel vm3, $0x1400, v7  }
0x86: {  	v53 =	vnsel vm4, $0x1400, v51;
	v54 =	vnsel vm5, $0x1400, v10;
	[tilespmem:s26+$0x5000] =	vst v4;
	v4 =	vnsel vm6, $0x1400, v50  }
0x87: {  	vm13 =	vge.s32 v11, v2;
	vm14 =	vlt.s32 v11, v3;
	vm15 =	vge.s32 v12, v2  }
0x88: {  	v52 =	vld [tilespmem:s28+$0x2830];
	[tilespmem:s26+$0x5010] =	vst v5;
	v11 =	vsub.s32 v11, v2;
	vm8 =	vlt.s32 v12, v3;
	vm9 =	vge.s32 v13, v2  }
0x89: {  	v55 =	vld [tilespmem:s28+$0x2840];
	[tilespmem:s26+$0x5020] =	vst v6;
	vm10 =	vlt.s32 v13, v3;
	vm11 =	vge.s32 v14, v2;
	vm12 =	vlt.s32 v14, v3  }
0x8a: {  	v6 =	vld [tilespmem:s28+$0x2850];
	[tilespmem:s26+$0x5030] =	vst v7;
	v58 =	vsub.s32 v12, v2;
	v59 =	vsub.s32 v13, v2;
	vm0 =	vmand vm13, vm14  }
0x8b: {  	v60 =	vsub.s32 v14, v2;
	v57 =	vld [tilespmem:s28+$0x2860];
	vm1 =	vmand vm15, vm8;
	[tilespmem:s26+$0x5040] =	vst v4;
	v56 =	vnsel vm0, $0x1400, v11  }
0x8c: {  	vm4 =	vmand vm11, vm12;
	vm0 =	vmand vm9, vm10;
	v4 =	vnsel vm1, $0x1400, v58;
	[tilespmem:s28+$0x5070] =	vst v56  }
0x8d: {  	s29 =	simm.s32 $0x0;
	v61 =	vnsel vm4, $0x1400, v60;
	vm13 =	vge.s32 v52, v2;
	vm14 =	vlt.s32 v52, v3;
	[tilespmem:s26+$0x5050] =	vst v53  }
0x8e: {  	s31 =	smul.u32 $0xAB, s29;
	v5 =	vnsel vm0, $0x1400, v59;
	vm15 =	vge.s32 v55, v2;
	vm7 =	vlt.s32 v55, v3;
	[tilespmem:s26+$0x5060] =	vst v54  }
0x8f: {  	vm2 =	vmand vm13, vm14;
	v62 =	vsub.s32 v55, v2;
	vm12 =	vge.s32 v6, v2;
	[tilespmem:s28+$0x5000] =	vst v4  }
0x90: {  	s26 =	sshrl.u32 s31, $0x9;
	vm8 =	vlt.s32 v6, v3;
	[tilespmem:s28+$0x5010] =	vst v5;
	vm3 =	vmand vm15, vm7;
	v63 =	vsub.s32 v6, v2  }
0x91: {  	[tilespmem:s28+$0x5020] =	vst v61;
	s26 =	sand.u32 $0x7F, s26;
	vm14 =	vlt.s32 v57, v3;
	v3 =	vsub.s32 v52, v2;
	v5 =	vnsel vm3, $0x1400, v62  }
0x92: {  	vm13 =	vge.s32 v57, v2;
	vm15 =	vmand vm12, vm8;
	s26 =	smul.u32 $0x3, s26;
	v3 =	vnsel vm2, $0x1400, v3;
	[tilespmem:s28+$0x5040] =	vst v5  }
0x93: {  	v2 =	vsub.s32 v57, v2;
	vm0 =	vmand vm13, vm14;
	[tilespmem:s28+$0x5030] =	vst v3;
	v3 =	vnsel vm15, $0x1400, v63  }
0x94: {  	v2 =	vnsel vm0, $0x1400, v2;
	s26 =	ssub.s32 $0x0, s26;
	[tilespmem:s28+$0x5050] =	vst v3  }
0x95: {  	[tilespmem:s28+$0x5060] =	vst v2;
	s26 =	sand.u32 $0xFF, s26  }
0x96: {  	s28 =	simm.s32 $0x1;
	[bflag:$0x0] =	sbarrier.arrive $0xFFFF;
	s30 =	sshll.u32 s26, $0xE  }
0x97: {  	s28 =	smul.u32 $0xAB, s28;
	s26 =	sadd.s32 $0x1, s26;
	s30 =	sadd.s32 $0x7800, s30  }
0x98: {  	[tilespmem:s30], [sflag:s26] =	stream.indirect.gather [hbm4b:s1+s19], $0x80, s29, s19, $0xb8;
	[tilespmem:$0x1DC00] =	vst v63  }
0x99: {  	s28 =	sshrl.u32 s28, $0x9;
	_ =	swait.ge [sflag:s26], $0x4000  }
0x9a: {  	s31 =	simm.s32 $0x5000;
	s28 =	sand.u32 $0x7F, s28;
	[sflag:s26] =	ssyncset.done $0x0  }
0x9b: {  	s29 =	simm.s32 $0x2;
	s28 =	smul.u32 $0x3, s28;
	[sflag:s26] =	ssyncadd.s32 $0xFFFFC000  }
0x9c: {  	[spmem:s3] =	stream.indirect.scatter.add.f32 [tilespmem:s30], [sflag:$0x6], $0x80, s31, s19, $0xb8;
	[tilespmem:$0x1DC00] =	vst v63  }
0x9d: {  	s26 =	simm.s32 $0x5080;
	s28 =	ssub.s32 $0x1, s28;
	_ =	swait.ge [sflag:s17], $0x4000  }
0x9e: {  	s30 =	sand.u32 $0xFF, s28;
	s28 =	simm.s32 $0x80;
	[sflag:s17] =	ssyncset.done $0x0  }
.LBB2_9:
0x9f: {  	s31 =	sshll.u32 s30, $0xE  }
0xa0: {  	[sflag:s17] =	ssyncadd.s32 $0xFFFFC000;
	s0 =	smov.u32 s29;
	s21 =	sadd.s32 $0x1, s29  }
0xa1: {  	s30 =	sadd.s32 $0x1, s30;
	s15 =	smul.u32 $0xAB, s0;
	s31 =	sadd.s32 $0x7800, s31  }
0xa2: {  	[tilespmem:s31], [sflag:s30] =	stream.indirect.gather [hbm4b:s1+s19], $0x80, s28, s19, $0xb8;
	[tilespmem:$0x1DC00] =	vst v63  }
0xa3: {  	p3 =	sne.s32 s29, $0x4F;
	s15 =	sshrl.u32 s15, $0x9;
	_ =	swait.ge [sflag:s30], $0x4000  }
.Ltmp5:
0xa4: {  	s15 =	sand.u32 $0x7F, s15;
	[sflag:s30] =	ssyncset.done $0x0;
	(pc) =	sbr.rel @p3 .LBB2_9-.Ltmp5, $4  }
0xa5: {  	s29 =	smov.u32 s21;
	s15 =	smul.u32 $0x3, s15;
	[sflag:s30] =	ssyncadd.s32 $0xFFFFC000  }
0xa6: {  	[spmem:s3] =	stream.indirect.scatter.add.f32 [tilespmem:s31], [sflag:$0x6], $0x80, s26, s19, $0xb8;
	[tilespmem:$0x1DC00] =	vst v63  }
0xa7: {  	s26 =	sadd.s32 $0x80, s26;
	s0 =	ssub.s32 s0, s15;
	_ =	swait.ge [sflag:s17], $0x4000  }
0xa8: {  	s28 =	sadd.s32 $0x80, s28;
	s30 =	sand.u32 $0xFF, s0;
	[sflag:s17] =	ssyncset.done $0x0  }
0xa9: {  	s0 =	sshll.u32 s30, $0xE  }
0xaa: {  	[sflag:s17] =	ssyncadd.s32 $0xFFFFC000;
	s15 =	sadd.s32 $0x1, s30;
	s0 =	sadd.s32 $0x7800, s0  }
0xab: {  	[tilespmem:s0], [sflag:s15] =	stream.indirect.gather [hbm4b:s1+s19], $0x80, s28, s19, $0xb8;
	[tilespmem:$0x1DC00] =	vst v63  }
0xac: {  	_ =	swait.ge [sflag:s15], $0x4000  }
0xad: {  	[sflag:s15] =	ssyncset.done $0x0  }
0xae: {  	[sflag:s15] =	ssyncadd.s32 $0xFFFFC000  }
0xaf: {  	[spmem:s3] =	stream.indirect.scatter.add.f32 [tilespmem:s0], [sflag:$0x6], $0x80, s26, s19, $0xb8;
	[tilespmem:$0x1DC00] =	vst v63  }
.Ltmp6:
0xb0: {  	_ =	swait.ge [sflag:s17], $0x4000;
	(pc) =	sbr.rel @p2 .LBB2_11-.Ltmp6, $3  }
0xb1: {  	[sflag:s17] =	ssyncset.done $0x0  }
0xb2: {  	[sflag:s17] =	ssyncadd.s32 $0xFFFFC000  }
0xb3: {  	[bflag:$0x0] =	sbarrier.arrive $0xFFFF;
	_ =	sdelay $0x1  }
0xb4: {  	s0 =	sadd.s32 s25, s11  }
0xb5: {  	s15 =	sshll.u32 s2, $0x6;
	s0 =	sshll.u32 s0, $0x4  }
0xb6: {  	s15 =	sor.u32 $0x1C05, s15;
	s0 =	sadd.s32 s5, s0  }
0xb7: {  	[hbm:s0], [sflag:s15] =	dma.local [spmem:s22], $0x1400  }
.Ltmp7:
0xb8: {  	_ = 	snop;
	(pc) =	sbr.rel @p1 .LBB2_4-.Ltmp7, $4  }
.Ltmp8:
0xb9: {  	_ = 	snop;
	(pc) =	sbr.rel @!p1 .LBB2_13-.Ltmp8, $4  }
0xba: {  	_ =	swait.ge [sflag:s23], $0x1400  }
0xbb: {  	s25 =	simm.s32 $0x1;
	[sflag:s23] =	ssyncset.done $0x0  }
0xbc: {  	p3 =	por $0x0, $0x0;
	p2 =	por p0, p0;
	[sflag:s23] =	ssyncadd.s32 $0xFFFFEC00  }
0xbd: {  	_ = 	snop  }
.LBB2_14:
0xbe: {  	_ =	sfence.sel $0x180000  }
0xbf: {  	[bflag:$0x0] =	sbarrier.arrive $0xFFFF  }
0xc0: {  	_ =	strace $0x9000004D  }
0xc1: {  	[bflag:$0x2] =	sbarrier.arrive $0xFFFF  }
0xc2: {  	p0 =	sne.s32 s2, $0x0;
	s0 =	rddreg [dreg:$0x3]  }
0xc3: {  	s0 =	sadd.s32 @!p0 $0x100000, s0  }
0xc4: {  	[sflag:s0] =	ssyncadd.tile.s32 @!p0 $0x1;
	_ =	shalt  }
.Lfunc_end2:
_tile_overlayer_lowered:
.L_overlay_start_2:
0xc5: {  	(tag) =	ssettag $0x2  }
0xc6: {  	s0 =	rddreg [dreg:$0x0];
	s2 =	stileid.u32  }
0xc7: {  	s1 =	rddreg [dreg:$0x1];
	p0 =	sne.s32 s2, $0x0  }
0xc8: {  	s3 =	rddreg [dreg:$0x2];
	[bflag:$0x3] =	sbarrier.arrive $0xFFFF;
	s2 =	simm.s32 @!p0 $0x1C04  }
0xc9: {  	[timem:s3], [sflag:s2] =	dma.local @!p0 [hbm:s0], s1  }
0xca: {  	s0 =	simm.s32 @!p0 $0x4  }
0xcb: {  	_ =	swait.ge @!p0 [sflag:s0], s1  }
0xcc: {  	s1 =	ssub.s32 @!p0 $0x0, s1;
	[sflag:s0] =	ssyncset.done @!p0 $0x0  }
0xcd: {  	[sflag:s0] =	ssyncadd.s32 @!p0 s1  }
0xce: {  	[bflag:$0x3] =	sbarrier.arrive $0xFFFF  }
0xcf: {  	_ =	shalt  }

// kernel: kernel.21.cloned.1.call-start
scs
__scs_entry_jumppad:
0x0: {  	(pc) =	sbr.rel $0x88, $3  }
0x1: {  	(tag) =	ssettag $0x0;
	lr =	simm.s32 $0x1  }
0x2: {  	[smem:$0x3F95] =	sst lr;
	_ =	strace $0xD0000000  }
0x3: {  	_ = 	snop  }
0x4: {  	_ = 	snop  }
0x5: {  	_ = 	snop  }
0x6: {  	_ = 	snop  }
0x7: {  	_ = 	snop  }
__scs_overlays_trampoline_lowered:
0x8: {  	[smem:$0x3FA4] =	sst s0  }
0x9: {  	[smem:$0x3FA5] =	sst s1  }
0xa: {  	[smem:$0x3FA6] =	sst s2  }
0xb: {  	[smem:$0x3FA7] =	sst s3  }
0xc: {  	[smem:$0x3FA8] =	sst s4  }
0xd: {  	[smem:$0x3FA9] =	sst s5  }
0xe: {  	[smem:$0x3FAA] =	sst s6  }
0xf: {  	[smem:$0x3FAB] =	sst s7  }
0x10: {  	[smem:$0x3FAC] =	sst s8  }
0x11: {  	[smem:$0x3FAD] =	sst s9;
	s0 =	simm.s32 @!p0 $0x0  }
0x12: {  	s1 =	sld [smem:$0x3F93];
	s0 =	simm.s32 @p0 $0x1  }
0x13: {  	[smem:$0x3FAE] =	sst s0;
	s0 =	simm.s32 @!p1 $0x0  }
0x14: {  	s2 =	sld [smem:$0x3F92];
	s0 =	simm.s32 @p1 $0x1  }
0x15: {  	[smem:$0x3FAF] =	sst s0;
	s0 =	simm.s32 @!p2 $0x0  }
0x16: {  	s3 =	sld [smem:$0x3FDB];
	s0 =	simm.s32 @p2 $0x1  }
0x17: {  	s4 =	simm.s32 $0x1BF5;
	[smem:$0x3FB1] =	sst s0  }
0x18: {  	s0 =	sld [smem:$0x3F94];
	_ =	swait.ge [sflag:s4], $0x0  }
0x19: {  	s7 =	sld [smem:$0x3F95]  }
0x1a: {  	s8 =	sadd.s32 $0xFFFFE003, lr  }
0x1b: {  	s9 =	sadd.s32 $0xFFFFFEF7, lr;
	s5 =	simm.s32 $0xFFFFFFFF;
	p2 =	slt.u32 s8, $0xFFFFF086  }
0x1c: {  	p1 =	slt.u32 s9, $0xF7A;
	s5 =	simm.s32 @!p2 $0x0  }
0x1d: {  	s5 =	simm.s32 @p1 $0x1;
	p0 =	seq.s32 s7, s2  }
0x1e: {  	s7 =	smul.u32 @!p0 $0xF7A, s2;
	p2 =	seq.s32 @!p0 s5, $0x0  }
0x1f: {  	s9 =	smul.u32 $0xF7A, s1;
	s8 =	simm.s32 @!p0 $0x1BF5;
	p2 =	por !p2, p0  }
0x20: {  	[sflag:s8] =	ssyncset.s32 @!p0 $0xFFFFF086;
	s6 =	sadd.s32 @!p0 s3, s7;
	s7 =	simm.s32 @!p0 $0x108  }
0x21: {  	s3 =	sadd.s32 s3, s9;
	s6 =	sadd.s32 @!p0 $0x88, s6;
	s7 =	simm.s32 @p2 $0x1082  }
0x22: {  	[simem:s7], [sflag:s8] =	dma.local @!p0 [hbm:s6], $0xF7A  }
0x23: {  	s9 =	sor.u32 $0xD0000000, s2;
	s6 =	simm.s32 $0x108;
	_ =	swait.ge @!p0 [sflag:s8], $0x0  }
0x24: {  	s3 =	sadd.s32 $0x88, s3;
	s6 =	simm.s32 @!p1 $0x1082;
	[sflag:s4] =	ssyncset.s32 $0xFFFFF086  }
0x25: {  	[simem:s6], [sflag:s4] =	dma.local [hbm:s3], $0xF7A  }
0x26: {  	[smem:$0x3F95] =	sst s1;
	(tag) =	ssettag s2;
	_ =	strace s9  }
0x27: {  	s1 =	sld [smem:$0x3FA5]  }
0x28: {  	s2 =	sld [smem:$0x3FA6]  }
0x29: {  	s4 =	sld [smem:$0x3FA8]  }
0x2a: {  	p0 =	seq.s32 s5, $0x0;
	s5 =	sld [smem:$0x3FA9]  }
0x2b: {  	s6 =	sld [smem:$0x3FAA]  }
0x2c: {  	s7 =	sld [smem:$0x3FAB]  }
0x2d: {  	s3 =	simm.s32 $0x108;
	s8 =	sld [smem:$0x3FAC]  }
0x2e: {  	s3 =	simm.s32 @!p0 $0x1082;
	s9 =	sld [smem:$0x3FAD]  }
0x2f: {  	lr =	sadd.s32 s0, s3;
	s0 =	sld [smem:$0x3FA4]  }
0x30: {  	s3 =	sld [smem:$0x3FA7]  }
0x31: {  	[smem:$0x3FB0] =	sst s10  }
0x32: {  	s10 =	sld [smem:$0x3FAE];
	_ =	sdelay $0x3  }
0x33: {  	p0 =	seq.s32 s10, $0x1;
	s10 =	sld [smem:$0x3FB0];
	_ =	sdelay $0x3  }
0x34: {  	[smem:$0x3FB0] =	sst s10  }
0x35: {  	s10 =	sld [smem:$0x3FAF];
	_ =	sdelay $0x3  }
0x36: {  	p1 =	seq.s32 s10, $0x1;
	s10 =	sld [smem:$0x3FB0];
	_ =	sdelay $0x3  }
0x37: {  	[smem:$0x3FB0] =	sst s10  }
0x38: {  	s10 =	sld [smem:$0x3FB1]  }
0x39: {  	_ = 	snop;
	(pc) =	sbr.ind lr, $3  }
0x3a: {  	_ = 	snop  }
0x3b: {  	_ = 	snop  }
0x3c: {  	p2 =	seq.s32 s10, $0x1;
	s10 =	sld [smem:$0x3FB0]  }
0x3d: {  	_ =	shalt  }
0x3e: {  	_ =	shalt  }
0x3f: {  	_ =	shalt  }
0x40: {  	_ =	shalt  }
0x41: {  	_ =	shalt  }
0x42: {  	_ =	shalt  }
0x43: {  	_ =	shalt  }
0x44: {  	_ =	shalt  }
0x45: {  	_ =	shalt  }
0x46: {  	_ =	shalt  }
0x47: {  	_ =	shalt  }
0x48: {  	_ =	shalt  }
0x49: {  	_ =	shalt  }
0x4a: {  	_ =	shalt  }
0x4b: {  	_ =	shalt  }
0x4c: {  	_ =	shalt  }
0x4d: {  	_ =	shalt  }
0x4e: {  	_ =	shalt  }
0x4f: {  	_ =	shalt  }
0x50: {  	_ =	shalt  }
0x51: {  	_ =	shalt  }
0x52: {  	_ =	shalt  }
0x53: {  	_ =	shalt  }
0x54: {  	_ =	shalt  }
0x55: {  	_ =	shalt  }
0x56: {  	_ =	shalt  }
0x57: {  	_ =	shalt  }
0x58: {  	_ =	shalt  }
0x59: {  	_ =	shalt  }
0x5a: {  	_ =	shalt  }
0x5b: {  	_ =	shalt  }
0x5c: {  	_ =	shalt  }
0x5d: {  	_ =	shalt  }
0x5e: {  	_ =	shalt  }
0x5f: {  	_ =	shalt  }
0x60: {  	_ =	shalt  }
0x61: {  	_ =	shalt  }
0x62: {  	_ =	shalt  }
0x63: {  	_ =	shalt  }
0x64: {  	_ =	shalt  }
0x65: {  	_ =	shalt  }
0x66: {  	_ =	shalt  }
0x67: {  	_ =	shalt  }
0x68: {  	_ =	shalt  }
0x69: {  	_ =	shalt  }
0x6a: {  	_ =	shalt  }
0x6b: {  	_ =	shalt  }
0x6c: {  	_ =	shalt  }
0x6d: {  	_ =	shalt  }
0x6e: {  	_ =	shalt  }
0x6f: {  	_ =	shalt  }
0x70: {  	_ =	shalt  }
0x71: {  	_ =	shalt  }
0x72: {  	_ =	shalt  }
0x73: {  	_ =	shalt  }
0x74: {  	_ =	shalt  }
0x75: {  	_ =	shalt  }
0x76: {  	_ =	shalt  }
0x77: {  	_ =	shalt  }
0x78: {  	_ =	shalt  }
0x79: {  	_ =	shalt  }
0x7a: {  	_ =	shalt  }
0x7b: {  	_ =	shalt  }
0x7c: {  	_ =	shalt  }
0x7d: {  	_ =	shalt  }
0x7e: {  	_ =	shalt  }
0x7f: {  	_ =	shalt  }
0x80: {  	_ =	shalt  }
0x81: {  	_ =	shalt  }
0x82: {  	_ =	shalt  }
0x83: {  	_ =	shalt  }
0x84: {  	_ =	shalt  }
0x85: {  	_ =	shalt  }
0x86: {  	_ =	shalt  }
0x87: {  	_ =	shalt  }
.Lfunc_end0:
.L_simem_size_0:
called_computation.3_lowered:
.L_overlay_start_0:
0x88: {  	s2 =	sld [smem:$0x3FD9]  }
0x89: {  	s3 =	sld [smem:$0x3FFE];
	_ =	sdelay $0x1  }
0x8a: {  	s1 =	srdreg.scid  }
0x8b: {  	s0 =	sand.u32 $0x1, s1  }
0x8c: {  	s17 =	sshll.u32 s0, $0xA;
	s2 =	sadd.s32 s3, s2  }
0x8d: {  	s2 =	sadd.s32 s2, s17  }
0x8e: {  	[smem:$0x3FBC] =	sst s2  }
0x8f: {  	_ = 	snop  }
0x90: {  	s2 =	sld [smem:$0x3FD0];
	(tm) =	ssettm $0x1  }
0x91: {  	s18 =	sld [smem:$0x3FFB];
	_ =	sdelay $0x3  }
0x92: {  	_ =	strace s18  }
0x93: {  	s3 =	sld [smem:$0x3FFC];
	_ =	sdelay $0x3  }
0x94: {  	_ =	strace s3  }
0x95: {  	s3 =	sld [smem:$0x3FFD];
	_ =	sdelay $0x3  }
0x96: {  	_ =	strace s3  }
0x97: {  	_ =	strace $0x8FFFFFFF  }
0x98: {  	s19 =	sld [smem:$0x3FDB];
	_ =	sdelay $0x1  }
0x99: {  	s4 =	simm.s32 $_scs_section_size  }
0x9a: {  	s5 =	simm.s32 $_size__tile_overlayer_lowered;
	s6 =	simm.s32 $_tile_overlayer_lowered  }
0x9b: {  	s22 =	simm.s32 $0x1BFF;
	s21 =	sshll.u32 s6, $0x1;
	s3 =	sadd.s32 s4, s19  }
0x9c: {  	s7 =	simm.s32 $0x0;
	s20 =	sshll.u32 s5, $0x1;
	s5 =	sadd.s32 s21, s3  }
0x9d: {  	[timem:s7], [sflag:s22] =	dma.local [hbm:s5], s20  }
0x9e: {  	_ =	swait.ge [sflag:s22], s20  }
0x9f: {  	s4 =	ssub.s32 $0x0, s20;
	[sflag:s22] =	ssyncset.done $0x0  }
0xa0: {  	[sflag:s22] =	ssyncadd.s32 s4;
	_ =	sdelay $0x1  }
0xa1: {  	s23 =	simm.s32 $0x1B8B  }
0xa2: {  	_ =	swait.ge [sflag:s23], $0x1  }
0xa3: {  	[sflag:s23] =	ssyncset.done $0x0  }
0xa4: {  	s25 =	simm.s32 $0x1B8E;
	s24 =	sld [smem:$0x3FFE];
	[sflag:s23] =	ssyncadd.s32 $0xFFFFFFFF  }
0xa5: {  	s26 =	simm.s32 $execute0_lowered;
	[smem:$0x3FD2] =	sst s25  }
0xa6: {  	s5 =	sshll.u32 s26, $0x1;
	_ =	strace $0x8000004F;
	[dreg:$0x1] =	wrdreg $0xFFFFFFFF  }
0xa7: {  	s28 =	simm.s32 $_size_execute0_lowered;
	s3 =	sadd.s32 s3, s5;
	[dreg:$0x0] =	wrdreg $0x0  }
0xa8: {  	s5 =	sshll.u32 s28, $0x1;
	[dreg:$0x2] =	wrdreg s3  }
0xa9: {  	[dreg:$0x3] =	wrdreg s5  }
0xaa: {  	[dreg:$0x4] =	wrdreg $0xC0  }
0xab: {  	_ =	task [dreg:s7], $0x5FFFF  }
0xac: {  	[dreg:$0x1] =	wrdreg $0xFFFFFFFF  }
0xad: {  	[dreg:$0x0] =	wrdreg $0x60  }
0xae: {  	[dreg:$0x2] =	wrdreg s24  }
0xaf: {  	[dreg:$0x3] =	wrdreg s2  }
0xb0: {  	[dreg:$0x4] =	wrdreg $0x138000  }
0xb1: {  	[dreg:$0x5] =	wrdreg $0x9  }
0xb2: {  	_ =	task.clear_ibuf [dreg:s7], $0x6FFFF;
	_ =	strace $0x9000004F  }
0xb3: {  	s29 =	simm.s32 $0x9;
	_ =	strace $0x80000051  }
0xb4: {  	_ =	swait.ge [sflag:s29], $0x1  }
0xb5: {  	[sflag:s29] =	ssyncadd.s32 $0xFFFFFFFF  }
0xb6: {  	_ =	strace $0x90000051  }
0xb7: {  	_ =	sfence  }
0xb8: {  	s30 =	sld [smem:$0x0];
	_ =	sdelay $0x2  }
0xb9: {  	s31 =	sshll.u32 s1, $0xD;
	s1 =	sshrl.u32 s1, $0x2  }
0xba: {  	s3 =	sand.u32 $0x4000, s31;
	s1 =	sadd.s32 s1, s30  }
0xbb: {  	s0 =	sor.u32 s3, s0;
	s1 =	sshll.u32 s1, $0x11  }
0xbc: {  	s0 =	sor.u32 s1, s0  }
0xbd: {  	s0 =	sadd.s32 $0x8F2B, s0  }
0xbe: {  	[sflag:s0] =	ssyncadd.remote.s32 $0x1  }
0xbf: {  	_ =	sfence.sel $0xFFFF  }
0xc0: {  	[dreg:$0x0] =	wrdreg $0xFFFFFFFF;
	(pc) =	sbr.abs _section_cstart, $3  }
0xc1: {  	[dreg:$0x1] =	wrdreg $0xFFFFFFFF  }
0xc2: {  	_ =	task.clear_ibuf [dreg:s7], $0x2FFFF;
	_ =	strace $0x9FFFFFFF  }
0xc3: {  	(tm) =	ssettm $0x7FFFFFFF  }
tec
execute0_lowered:
.L_overlay_start_1:
0x0: {  	(tag) =	ssettag $0x1  }
0x1: {  	s6 =	rddreg [dreg:$0x0]  }
0x2: {  	s1 =	rddreg [dreg:$0x1]  }
0x3: {  	s3 =	rddreg [dreg:$0x2]  }
0x4: {  	s5 =	srdreg.scid;
	s4 =	simm.s32 $0x0;
	s2 =	stileid.u32  }
0x5: {  	s16 =	simm.s32 $0x7800;
	s17 =	simm.s32 $0x6;
	s7 =	smul.u32 $0x500, s2  }
0x6: {  	s18 =	simm.s32 $0xB800;
	s19 =	simm.s32 $0x80;
	s11 =	smul.u32 $0x29000, s2  }
0x7: {  	s24 =	simm.s32 $0x0;
	s9 =	sand.u32 $0x1, s5;
	s31 =	smul.u32 $0x28000, s2  }
0x8: {  	[smem:$0x7FF] =	sst s4;
	s5 =	sadd.s32 $0xCC00, s6;
	s14 =	smul.u32 $0x140, s2  }
0x9: {  	p0 =	seq.s32 s2, $0xF;
	s20 =	sadd.s32 $0x96000, s3;
	s12 =	smul.u32 $0x138800, s9  }
0xa: {  	s8 =	ssub.s32 $0x2, s9;
	_ =	strace $0x80000050;
	s22 =	smul.u32 $0x2710, s9  }
0xb: {  	s20 =	sshrl.u32 s20, $0x3;
	s10 =	sshrl.u32 s8, $0x1;
	s7 =	sadd.s32 s7, s6  }
0xc: {  	s30 =	sshrl.u32 s11, $0x2;
	s11 =	sshrl.u32 s31, $0x2;
	s13 =	ssub.s32 s8, s10  }
.Ltmp0:
0xd: {  	s6 =	sadd.s32 $0x7C00, s7;
	s7 =	sadd.s32 $0x2C00, s7;
	(pc) =	sbr.rel .LBB2_1-.Ltmp0, $4  }
0xe: {  	s8 =	sadd.s32 s30, s3;
	s12 =	sshrl.u32 s12, $0x3;
	s23 =	sadd.s32 s11, s3  }
0xf: {  	s11 =	sadd.s32 s22, s14;
	s14 =	simm.s32 $0x4;
	s9 =	sadd.s32 $0x4000, s8  }
0x10: {  	s10 =	sadd.s32 $0x8000, s8;
	s12 =	sadd.s32 s1, s12;
	s13 =	smax.u32 s13, $0x1  }
0x11: {  	v1 =	vimm.f32 $0.0e+00;
	v0 =	vmov s22;
	s22 =	sshrl.u32 s23, $0x3;
	s23 =	simm.s32 $0x5;
	s12 =	sadd.s32 $0x26C00, s12  }
.LBB2_11:
0x12: {  	s0 =	simm.s32 $0x1FC4  }
0x13: {  	[hbm:s12], [sflag:s0] =	dma.local [spmem:s20], $0x500  }
0x14: {  	_ =	swait.ge [sflag:s14], $0x500  }
0x15: {  	[sflag:s14] =	ssyncset.done $0x0  }
0x16: {  	[sflag:s14] =	ssyncadd.s32 $0xFFFFFB00  }
.LBB2_13:
0x17: {  	s24 =	sadd.s32 $0x1, s24  }
0x18: {  	p1 =	sne.s32 s24, s13  }
.Ltmp1:
0x19: {  	_ = 	snop;
	(pc) =	sbr.rel @!p1 .LBB2_14-.Ltmp1, $1  }
0x1a: {  	_ =	sdelay $0x3  }
.LBB2_1:
0x1b: {  	[tilespmem:s4], [sflag:$0x4] =	stream.linear.gather [hbm4b:s6+s4], $0x2800, $0x38;
	[tilespmem:$0x1DC00] =	vst v63  }
0x1c: {  	_ =	swait.ge [sflag:s14], $0x2800  }
0x1d: {  	[sflag:s14] =	ssyncset.done $0x0  }
0x1e: {  	s0 =	simm.s32 $0x2800;
	[sflag:s14] =	ssyncadd.s32 $0xFFFFD800  }
0x1f: {  	[tilespmem:s0], [sflag:$0x4] =	stream.linear.gather [hbm4b:s7+s4], $0x2800, $0x38;
	[tilespmem:$0x1DC00] =	vst v63  }
0x20: {  	_ =	swait.ge [sflag:s14], $0x2800  }
0x21: {  	[sflag:s14] =	ssyncset.done $0x0  }
0x22: {  	s25 =	simm.s32 $0x70;
	[sflag:s14] =	ssyncadd.s32 $0xFFFFD800  }
0x23: {  	v4 =	vld [tilespmem:s25+$0xFFFFFF90]  }
0x24: {  	v6 =	vld [tilespmem:s25+$0xFFFFFFA0]  }
0x25: {  	v5 =	vld [tilespmem:s25+$0xFFFFFFB0]  }
0x26: {  	v3 =	vld [tilespmem:s25+$0xFFFFFFC0]  }
0x27: {  	v2 =	vld [tilespmem:s25+$0xFFFFFFD0]  }
0x28: {  	s26 =	simm.s32 $0x3C0;
	v7 =	vadd.s32 v0, v4;
	v4 =	vld [tilespmem:s25+$0xFFFFFFE0]  }
.LBB2_2:
0x29: {  	p1 =	sne.s32 s26, $0x9FC0;
	[tilespmem:s25+$0xFFFFFF90] =	vst v7;
	v6 =	vadd.s32 v0, v6;
	v7 =	vld [tilespmem:s25+$0x0]  }
0x2a: {  	s28 =	sshra.s32 s26, $0x2;
	[tilespmem:s25+$0xFFFFFFA0] =	vst v6;
	v5 =	vadd.s32 v0, v5;
	v8 =	vld [tilespmem:s25+$0xFFFFFFF0]  }
0x2b: {  	v9 =	vld [tilespmem:s28+$0xFFFFFF90];
	[tilespmem:s25+$0xFFFFFFB0] =	vst v5;
	v3 =	vadd.s32 v0, v3  }
.Ltmp2:
0x2c: {  	v6 =	vld [tilespmem:s28+$0xFFFFFFA0];
	[tilespmem:s25+$0xFFFFFFC0] =	vst v3;
	v2 =	vadd.s32 v0, v2;
	(pc) =	sbr.rel @p1 .LBB2_2-.Ltmp2, $4  }
0x2d: {  	v5 =	vld [tilespmem:s28+$0xFFFFFFB0];
	[tilespmem:s25+$0xFFFFFFD0] =	vst v2;
	v2 =	vadd.s32 v0, v4  }
0x2e: {  	v3 =	vld [tilespmem:s28+$0xFFFFFFC0];
	[tilespmem:s25+$0xFFFFFFE0] =	vst v2;
	v4 =	vadd.s32 v0, v7  }
0x2f: {  	v2 =	vld [tilespmem:s28+$0xFFFFFFD0];
	v8 =	vadd.s32 v0, v8;
	[tilespmem:s25+$0x0] =	vst v4  }
0x30: {  	s26 =	sadd.s32 $0x200, s26;
	v7 =	vadd.s32 v0, v9;
	v4 =	vld [tilespmem:s28+$0xFFFFFFE0];
	[tilespmem:s25+$0xFFFFFFF0] =	vst v8;
	s25 =	smov.u32 s28  }
0x31: {  	[tilespmem:s25+$0xFFFFFF90] =	vst v7;
	v6 =	vadd.s32 v0, v6;
	v62 =	vld [tilespmem:s25+$0x0]  }
0x32: {  	v63 =	vld [tilespmem:s25+$0xFFFFFFF0];
	[tilespmem:s25+$0xFFFFFFA0] =	vst v6;
	v5 =	vadd.s32 v0, v5  }
0x33: {  	[tilespmem:s25+$0xFFFFFFB0] =	vst v5;
	v3 =	vadd.s32 v0, v3  }
0x34: {  	[tilespmem:s25+$0xFFFFFFC0] =	vst v3;
	v2 =	vadd.s32 v0, v2  }
0x35: {  	[tilespmem:s25+$0xFFFFFFD0] =	vst v2;
	v2 =	vadd.s32 v0, v4  }
0x36: {  	[tilespmem:s25+$0xFFFFFFE0] =	vst v2;
	v2 =	vadd.s32 v0, v62  }
0x37: {  	v3 =	vadd.s32 v0, v63;
	[tilespmem:s25+$0x0] =	vst v2  }
0x38: {  	p3 =	por $0x1, $0x1;
	p2 =	por $0x0, $0x0;
	[tilespmem:s25+$0xFFFFFFF0] =	vst v3;
	s25 =	simm.s32 $0x0  }
.LBB2_4:
0x39: {  	p1 =	por p3, p3  }
0x3a: {  	[bflag:$0x0] =	sbarrier.arrive $0xFFFF;
	s26 =	simm.s32 $0x0;
	s28 =	simm.s32 $0x200  }
.LBB2_5:
0x3b: {  	p3 =	sne.s32 s28, $0xFE00;
	[tilespmem:s26+$0x7870] =	vst v1  }
0x3c: {  	[tilespmem:s26+$0x7800] =	vst v1  }
0x3d: {  	[tilespmem:s26+$0x7810] =	vst v1  }
.Ltmp3:
0x3e: {  	[tilespmem:s26+$0x7820] =	vst v1;
	(pc) =	sbr.rel @p3 .LBB2_5-.Ltmp3, $4  }
0x3f: {  	[tilespmem:s26+$0x7830] =	vst v1  }
0x40: {  	[tilespmem:s26+$0x7840] =	vst v1  }
0x41: {  	[tilespmem:s26+$0x7850] =	vst v1  }
0x42: {  	[tilespmem:s26+$0x7860] =	vst v1;
	s26 =	sshra.s32 s28, $0x2;
	s28 =	sadd.s32 $0x200, s28  }
0x43: {  	[tilespmem:s26+$0x7870] =	vst v1  }
0x44: {  	[tilespmem:s26+$0x7800] =	vst v1  }
0x45: {  	[tilespmem:s26+$0x7810] =	vst v1  }
0x46: {  	[tilespmem:s26+$0x7820] =	vst v1  }
0x47: {  	[tilespmem:s26+$0x7830] =	vst v1  }
0x48: {  	[tilespmem:s26+$0x7840] =	vst v1  }
0x49: {  	[tilespmem:s26+$0x7850] =	vst v1  }
0x4a: {  	[tilespmem:s26+$0x7860] =	vst v1  }
0x4b: {  	[spmem:s8] =	stream.linear.scatter [tilespmem:s16], [sflag:$0x6], $0x4000, $0x38;
	[tilespmem:$0x1DC00] =	vst v63  }
0x4c: {  	_ =	swait.ge [sflag:s17], $0x4000  }
0x4d: {  	[sflag:s17] =	ssyncset.done $0x0  }
0x4e: {  	[sflag:s17] =	ssyncadd.s32 $0xFFFFC000  }
0x4f: {  	[spmem:s9] =	stream.linear.scatter [tilespmem:s16], [sflag:$0x6], $0x4000, $0x38;
	[tilespmem:$0x1DC00] =	vst v63  }
0x50: {  	_ =	swait.ge [sflag:s17], $0x4000  }
0x51: {  	[sflag:s17] =	ssyncset.done $0x0  }
0x52: {  	[sflag:s17] =	ssyncadd.s32 $0xFFFFC000  }
0x53: {  	[spmem:s10] =	stream.linear.scatter [tilespmem:s16], [sflag:$0x6], $0x2400, $0x38;
	[tilespmem:$0x1DC00] =	vst v63  }
0x54: {  	_ =	swait.ge [sflag:s17], $0x2400  }
0x55: {  	[sflag:s17] =	ssyncset.done $0x0  }
0x56: {  	[sflag:s17] =	ssyncadd.s32 $0xFFFFDC00  }
0x57: {  	[tilespmem:s18], [sflag:$0x6] =	stream.linear.gather [spmem:s8], $0x4000, $0x38;
	[tilespmem:$0x1DC00] =	vst v63  }
0x58: {  	_ =	swait.ge [sflag:s17], $0x4000  }
0x59: {  	[sflag:s17] =	ssyncset.done $0x0  }
0x5a: {  	[sflag:s17] =	ssyncadd.s32 $0xFFFFC000  }
0x5b: {  	[tilespmem:s18], [sflag:$0x6] =	stream.linear.gather [spmem:s9], $0x4000, $0x38;
	[tilespmem:$0x1DC00] =	vst v63  }
0x5c: {  	_ =	swait.ge [sflag:s17], $0x4000  }
0x5d: {  	[sflag:s17] =	ssyncset.done $0x0  }
0x5e: {  	[sflag:s17] =	ssyncadd.s32 $0xFFFFC000  }
0x5f: {  	[tilespmem:s18], [sflag:$0x6] =	stream.linear.gather [spmem:s10], $0x2400, $0x38;
	[tilespmem:$0x1DC00] =	vst v63  }
0x60: {  	_ =	swait.ge [sflag:s17], $0x2400  }
0x61: {  	[sflag:s17] =	ssyncset.done $0x0  }
0x62: {  	s26 =	simm.s32 $0x0;
	[sflag:s17] =	ssyncadd.s32 $0xFFFFDC00  }
0x63: {  	v10 =	vld [tilespmem:s26+$0x2870]  }
0x64: {  	v4 =	vld [tilespmem:s26+$0x2800]  }
0x65: {  	v5 =	vld [tilespmem:s26+$0x2810]  }
0x66: {  	s28 =	smul.u32 $0x1310, s25;
	v6 =	vld [tilespmem:s26+$0x2820]  }
0x67: {  	s25 =	smul.u32 $0x1400, s25;
	v7 =	vld [tilespmem:s26+$0x2830]  }
0x68: {  	s28 =	sadd.s32 $0x1400, s28;
	v8 =	vld [tilespmem:s26+$0x2840]  }
0x69: {  	v2 =	vmov s25;
	v3 =	vmov s28  }
0x6a: {  	vm0 =	vge.s32 v10, v2;
	vm1 =	vlt.s32 v10, v3  }
0x6b: {  	v9 =	vld [tilespmem:s26+$0x2850];
	vm2 =	vge.s32 v4, v2;
	v11 =	vsub.s32 v10, v2;
	vm3 =	vge.s32 v5, v2  }
0x6c: {  	v10 =	vld [tilespmem:s26+$0x2860];
	vm4 =	vge.s32 v6, v2;
	vm5 =	vlt.s32 v6, v3;
	vm6 =	vge.s32 v7, v2  }
0x6d: {  	vm7 =	vlt.s32 v7, v3;
	vm8 =	vge.s32 v8, v2;
	vm0 =	vmand vm0, vm1  }
0x6e: {  	vm9 =	vlt.s32 v8, v3;
	vm1 =	vlt.s32 v4, v3;
	v11 =	vnsel vm0, $0x1400, v11  }
0x6f: {  	vm0 =	vlt.s32 v5, v3;
	vm1 =	vmand vm2, vm1;
	vm2 =	vmand vm4, vm5  }
0x70: {  	vm4 =	vge.s32 v9, v2;
	vm5 =	vlt.s32 v9, v3;
	vm0 =	vmand vm3, vm0  }
0x71: {  	vm3 =	vmand vm6, vm7;
	vm7 =	vge.s32 v10, v2;
	vm10 =	vlt.s32 v10, v3  }
0x72: {  	s29 =	simm.s32 $0x400;
	s28 =	simm.s32 $0x80;
	[tilespmem:s26+$0x5070] =	vst v11;
	vm6 =	vmand vm8, vm9;
	vm4 =	vmand vm4, vm5;
	vm5 =	vmand vm7, vm10  }
.LBB2_7:
0x73: {  	p3 =	sne.s32 s29, $0x9E00;
	v11 =	vld [tilespmem:s28+$0x2870];
	v12 =	vsub.s32 v4, v2;
	v13 =	vsub.s32 v5, v2;
	v14 =	vsub.s32 v6, v2  }
0x74: {  	v7 =	vsub.s32 v7, v2;
	v8 =	vsub.s32 v8, v2;
	v9 =	vsub.s32 v9, v2;
	v4 =	vld [tilespmem:s28+$0x2800]  }
0x75: {  	v10 =	vsub.s32 v10, v2;
	v12 =	vnsel vm1, $0x1400, v12;
	v13 =	vnsel vm0, $0x1400, v13;
	v5 =	vld [tilespmem:s28+$0x2810]  }
0x76: {  	v15 =	vnsel vm6, $0x1400, v8;
	v6 =	vld [tilespmem:s28+$0x2820];
	[tilespmem:s26+$0x5000] =	vst v12;
	v12 =	vnsel vm2, $0x1400, v14;
	v14 =	vnsel vm3, $0x1400, v7  }
0x77: {  	v16 =	vnsel vm5, $0x1400, v10;
	v7 =	vld [tilespmem:s28+$0x2830];
	[tilespmem:s26+$0x5010] =	vst v13;
	v13 =	vnsel vm4, $0x1400, v9  }
0x78: {  	v8 =	vld [tilespmem:s28+$0x2840];
	vm0 =	vge.s32 v11, v2;
	vm1 =	vlt.s32 v11, v3;
	[tilespmem:s26+$0x5020] =	vst v12  }
0x79: {  	v11 =	vsub.s32 v11, v2;
	vm2 =	vge.s32 v4, v2;
	v9 =	vld [tilespmem:s28+$0x2850];
	vm0 =	vmand vm0, vm1;
	[tilespmem:s26+$0x5030] =	vst v14  }
0x7a: {  	vm1 =	vlt.s32 v4, v3;
	vm3 =	vge.s32 v5, v2;
	v10 =	vld [tilespmem:s28+$0x2860];
	v11 =	vnsel vm0, $0x1400, v11;
	[tilespmem:s26+$0x5040] =	vst v15  }
0x7b: {  	vm0 =	vlt.s32 v5, v3;
	vm4 =	vge.s32 v6, v2;
	vm5 =	vlt.s32 v6, v3;
	[tilespmem:s28+$0x5070] =	vst v11  }
.Ltmp4:
0x7c: {  	vm1 =	vmand vm2, vm1;
	vm6 =	vge.s32 v7, v2;
	vm7 =	vlt.s32 v7, v3;
	[tilespmem:s26+$0x5050] =	vst v13;
	(pc) =	sbr.rel @p3 .LBB2_7-.Ltmp4, $4  }
0x7d: {  	vm0 =	vmand vm3, vm0;
	vm8 =	vge.s32 v8, v2;
	vm9 =	vlt.s32 v8, v3;
	[tilespmem:s26+$0x5060] =	vst v16;
	s26 =	smov.u32 s28  }
0x7e: {  	vm2 =	vmand vm4, vm5;
	vm4 =	vge.s32 v9, v2;
	vm5 =	vlt.s32 v9, v3  }
0x7f: {  	vm3 =	vmand vm6, vm7;
	vm7 =	vge.s32 v10, v2;
	vm10 =	vlt.s32 v10, v3  }
0x80: {  	s28 =	sshra.s32 s29, $0x2;
	s29 =	sadd.s32 $0x200, s29;
	vm6 =	vmand vm8, vm9;
	vm4 =	vmand vm4, vm5;
	vm5 =	vmand vm7, vm10  }
0x81: {  	v11 =	vld [tilespmem:s28+$0x2870]  }
0x82: {  	v12 =	vld [tilespmem:s28+$0x2800];
	v4 =	vsub.s32 v4, v2;
	v5 =	vsub.s32 v5, v2  }
0x83: {  	v13 =	vld [tilespmem:s28+$0x2810];
	v6 =	vsub.s32 v6, v2;
	v7 =	vsub.s32 v7, v2;
	v50 =	vsub.s32 v8, v2  }
0x84: {  	v14 =	vld [tilespmem:s28+$0x2820];
	v51 =	vsub.s32 v9, v2;
	v10 =	vsub.s32 v10, v2;
	v4 =	vnsel vm1, $0x1400, v4  }
0x85: {  	v5 =	vnsel vm0, $0x1400, v5;
	v6 =	vnsel vm2, $0x1400, v6;
	v7 =	vnsel vm3, $0x1400, v7  }
0x86: {  	v53 =	vnsel vm4, $0x1400, v51;
	v54 =	vnsel vm5, $0x1400, v10;
	[tilespmem:s26+$0x5000] =	vst v4;
	v4 =	vnsel vm6, $0x1400, v50  }
0x87: {  	vm13 =	vge.s32 v11, v2;
	vm14 =	vlt.s32 v11, v3;
	vm15 =	vge.s32 v12, v2  }
0x88: {  	v52 =	vld [tilespmem:s28+$0x2830];
	[tilespmem:s26+$0x5010] =	vst v5;
	v11 =	vsub.s32 v11, v2;
	vm8 =	vlt.s32 v12, v3;
	vm9 =	vge.s32 v13, v2  }
0x89: {  	v55 =	vld [tilespmem:s28+$0x2840];
	[tilespmem:s26+$0x5020] =	vst v6;
	vm10 =	vlt.s32 v13, v3;
	vm11 =	vge.s32 v14, v2;
	vm12 =	vlt.s32 v14, v3  }
0x8a: {  	v6 =	vld [tilespmem:s28+$0x2850];
	[tilespmem:s26+$0x5030] =	vst v7;
	v58 =	vsub.s32 v12, v2;
	v59 =	vsub.s32 v13, v2;
	vm0 =	vmand vm13, vm14  }
0x8b: {  	v60 =	vsub.s32 v14, v2;
	v57 =	vld [tilespmem:s28+$0x2860];
	vm1 =	vmand vm15, vm8;
	[tilespmem:s26+$0x5040] =	vst v4;
	v56 =	vnsel vm0, $0x1400, v11  }
0x8c: {  	vm4 =	vmand vm11, vm12;
	vm0 =	vmand vm9, vm10;
	v4 =	vnsel vm1, $0x1400, v58;
	[tilespmem:s28+$0x5070] =	vst v56  }
0x8d: {  	s29 =	simm.s32 $0x0;
	v61 =	vnsel vm4, $0x1400, v60;
	vm13 =	vge.s32 v52, v2;
	vm14 =	vlt.s32 v52, v3;
	[tilespmem:s26+$0x5050] =	vst v53  }
0x8e: {  	s31 =	smul.u32 $0xAB, s29;
	v5 =	vnsel vm0, $0x1400, v59;
	vm15 =	vge.s32 v55, v2;
	vm7 =	vlt.s32 v55, v3;
	[tilespmem:s26+$0x5060] =	vst v54  }
0x8f: {  	vm2 =	vmand vm13, vm14;
	v62 =	vsub.s32 v55, v2;
	vm12 =	vge.s32 v6, v2;
	[tilespmem:s28+$0x5000] =	vst v4  }
0x90: {  	s26 =	sshrl.u32 s31, $0x9;
	vm8 =	vlt.s32 v6, v3;
	[tilespmem:s28+$0x5010] =	vst v5;
	vm3 =	vmand vm15, vm7;
	v63 =	vsub.s32 v6, v2  }
0x91: {  	[tilespmem:s28+$0x5020] =	vst v61;
	s26 =	sand.u32 $0x7F, s26;
	vm14 =	vlt.s32 v57, v3;
	v3 =	vsub.s32 v52, v2;
	v5 =	vnsel vm3, $0x1400, v62  }
0x92: {  	vm13 =	vge.s32 v57, v2;
	vm15 =	vmand vm12, vm8;
	s26 =	smul.u32 $0x3, s26;
	v3 =	vnsel vm2, $0x1400, v3;
	[tilespmem:s28+$0x5040] =	vst v5  }
0x93: {  	v2 =	vsub.s32 v57, v2;
	vm0 =	vmand vm13, vm14;
	[tilespmem:s28+$0x5030] =	vst v3;
	v3 =	vnsel vm15, $0x1400, v63  }
0x94: {  	v2 =	vnsel vm0, $0x1400, v2;
	s26 =	ssub.s32 $0x0, s26;
	[tilespmem:s28+$0x5050] =	vst v3  }
0x95: {  	[tilespmem:s28+$0x5060] =	vst v2;
	s26 =	sand.u32 $0xFF, s26  }
0x96: {  	s28 =	simm.s32 $0x1;
	[bflag:$0x0] =	sbarrier.arrive $0xFFFF;
	s30 =	sshll.u32 s26, $0xE  }
0x97: {  	s28 =	smul.u32 $0xAB, s28;
	s26 =	sadd.s32 $0x1, s26;
	s30 =	sadd.s32 $0x7800, s30  }
0x98: {  	[tilespmem:s30], [sflag:s26] =	stream.indirect.gather [hbm4b:s5+s19], $0x80, s29, s19, $0xb8;
	[tilespmem:$0x1DC00] =	vst v63  }
0x99: {  	s28 =	sshrl.u32 s28, $0x9;
	_ =	swait.ge [sflag:s26], $0x4000  }
0x9a: {  	s31 =	simm.s32 $0x5000;
	s28 =	sand.u32 $0x7F, s28;
	[sflag:s26] =	ssyncset.done $0x0  }
0x9b: {  	s29 =	simm.s32 $0x2;
	s28 =	smul.u32 $0x3, s28;
	[sflag:s26] =	ssyncadd.s32 $0xFFFFC000  }
0x9c: {  	[spmem:s3] =	stream.indirect.scatter.add.f32 [tilespmem:s30], [sflag:$0x6], $0x80, s31, s19, $0xb8;
	[tilespmem:$0x1DC00] =	vst v63  }
0x9d: {  	s26 =	simm.s32 $0x5080;
	s28 =	ssub.s32 $0x1, s28;
	_ =	swait.ge [sflag:s17], $0x4000  }
0x9e: {  	s30 =	sand.u32 $0xFF, s28;
	s28 =	simm.s32 $0x80;
	[sflag:s17] =	ssyncset.done $0x0  }
.LBB2_9:
0x9f: {  	s31 =	sshll.u32 s30, $0xE  }
0xa0: {  	[sflag:s17] =	ssyncadd.s32 $0xFFFFC000;
	s0 =	smov.u32 s29;
	s21 =	sadd.s32 $0x1, s29  }
0xa1: {  	s30 =	sadd.s32 $0x1, s30;
	s15 =	smul.u32 $0xAB, s0;
	s31 =	sadd.s32 $0x7800, s31  }
0xa2: {  	[tilespmem:s31], [sflag:s30] =	stream.indirect.gather [hbm4b:s5+s19], $0x80, s28, s19, $0xb8;
	[tilespmem:$0x1DC00] =	vst v63  }
0xa3: {  	p3 =	sne.s32 s29, $0x4F;
	s15 =	sshrl.u32 s15, $0x9;
	_ =	swait.ge [sflag:s30], $0x4000  }
.Ltmp5:
0xa4: {  	s15 =	sand.u32 $0x7F, s15;
	[sflag:s30] =	ssyncset.done $0x0;
	(pc) =	sbr.rel @p3 .LBB2_9-.Ltmp5, $4  }
0xa5: {  	s29 =	smov.u32 s21;
	s15 =	smul.u32 $0x3, s15;
	[sflag:s30] =	ssyncadd.s32 $0xFFFFC000  }
0xa6: {  	[spmem:s3] =	stream.indirect.scatter.add.f32 [tilespmem:s31], [sflag:$0x6], $0x80, s26, s19, $0xb8;
	[tilespmem:$0x1DC00] =	vst v63  }
0xa7: {  	s26 =	sadd.s32 $0x80, s26;
	s0 =	ssub.s32 s0, s15;
	_ =	swait.ge [sflag:s17], $0x4000  }
0xa8: {  	s28 =	sadd.s32 $0x80, s28;
	s30 =	sand.u32 $0xFF, s0;
	[sflag:s17] =	ssyncset.done $0x0  }
0xa9: {  	s0 =	sshll.u32 s30, $0xE  }
0xaa: {  	[sflag:s17] =	ssyncadd.s32 $0xFFFFC000;
	s15 =	sadd.s32 $0x1, s30;
	s0 =	sadd.s32 $0x7800, s0  }
0xab: {  	[tilespmem:s0], [sflag:s15] =	stream.indirect.gather [hbm4b:s5+s19], $0x80, s28, s19, $0xb8;
	[tilespmem:$0x1DC00] =	vst v63  }
0xac: {  	_ =	swait.ge [sflag:s15], $0x4000  }
0xad: {  	[sflag:s15] =	ssyncset.done $0x0  }
0xae: {  	[sflag:s15] =	ssyncadd.s32 $0xFFFFC000  }
0xaf: {  	[spmem:s3] =	stream.indirect.scatter.add.f32 [tilespmem:s0], [sflag:$0x6], $0x80, s26, s19, $0xb8;
	[tilespmem:$0x1DC00] =	vst v63  }
.Ltmp6:
0xb0: {  	_ =	swait.ge [sflag:s17], $0x4000;
	(pc) =	sbr.rel @p2 .LBB2_11-.Ltmp6, $3  }
0xb1: {  	[sflag:s17] =	ssyncset.done $0x0  }
0xb2: {  	[sflag:s17] =	ssyncadd.s32 $0xFFFFC000  }
0xb3: {  	[bflag:$0x0] =	sbarrier.arrive $0xFFFF;
	_ =	sdelay $0x1  }
0xb4: {  	s0 =	sadd.s32 s25, s11  }
0xb5: {  	s15 =	sshll.u32 s2, $0x6;
	s0 =	sshll.u32 s0, $0x4  }
0xb6: {  	s15 =	sor.u32 $0x1C05, s15;
	s0 =	sadd.s32 s1, s0  }
0xb7: {  	[hbm:s0], [sflag:s15] =	dma.local [spmem:s22], $0x1400  }
.Ltmp7:
0xb8: {  	_ = 	snop;
	(pc) =	sbr.rel @p1 .LBB2_4-.Ltmp7, $4  }
.Ltmp8:
0xb9: {  	_ = 	snop;
	(pc) =	sbr.rel @!p1 .LBB2_13-.Ltmp8, $4  }
0xba: {  	_ =	swait.ge [sflag:s23], $0x1400  }
0xbb: {  	s25 =	simm.s32 $0x1;
	[sflag:s23] =	ssyncset.done $0x0  }
0xbc: {  	p3 =	por $0x0, $0x0;
	p2 =	por p0, p0;
	[sflag:s23] =	ssyncadd.s32 $0xFFFFEC00  }
0xbd: {  	_ = 	snop  }
.LBB2_14:
0xbe: {  	_ =	sfence.sel $0x180000  }
0xbf: {  	[bflag:$0x0] =	sbarrier.arrive $0xFFFF  }
0xc0: {  	_ =	strace $0x90000050  }
0xc1: {  	[bflag:$0x2] =	sbarrier.arrive $0xFFFF  }
0xc2: {  	p0 =	sne.s32 s2, $0x0;
	s0 =	rddreg [dreg:$0x3]  }
0xc3: {  	s0 =	sadd.s32 @!p0 $0x100000, s0  }
0xc4: {  	[sflag:s0] =	ssyncadd.tile.s32 @!p0 $0x1;
	_ =	shalt  }
.Lfunc_end2:
_tile_overlayer_lowered:
.L_overlay_start_2:
0xc5: {  	(tag) =	ssettag $0x2  }
0xc6: {  	s0 =	rddreg [dreg:$0x0];
	s2 =	stileid.u32  }
0xc7: {  	s1 =	rddreg [dreg:$0x1];
	p0 =	sne.s32 s2, $0x0  }
0xc8: {  	s3 =	rddreg [dreg:$0x2];
	[bflag:$0x3] =	sbarrier.arrive $0xFFFF;
	s2 =	simm.s32 @!p0 $0x1C04  }
0xc9: {  	[timem:s3], [sflag:s2] =	dma.local @!p0 [hbm:s0], s1  }
0xca: {  	s0 =	simm.s32 @!p0 $0x4  }
0xcb: {  	_ =	swait.ge @!p0 [sflag:s0], s1  }
0xcc: {  	s1 =	ssub.s32 @!p0 $0x0, s1;
	[sflag:s0] =	ssyncset.done @!p0 $0x0  }
0xcd: {  	[sflag:s0] =	ssyncadd.s32 @!p0 s1  }
0xce: {  	[bflag:$0x3] =	sbarrier.arrive $0xFFFF  }
0xcf: {  	_ =	shalt  }

</sc_bundles>
